<compile_context>
chip_gen: v7x
topology: tpu7x:2x2x1
jax: 0.10.2.dev20260603
libtpu: 0.0.44.dev20260713+nightly
codegen_flags: <defaults>
</compile_context>

<pallas_src>
import jax
import jax.numpy as jnp
from jax import lax
from jax.experimental import pallas as pl
from jax.experimental.pallas import tpu as pltpu
from jax.experimental.pallas import tpu_sc as plsc

N_NODES = 10000
D_IN = 128
H = 128
D_OUT = 64
N_EDGES = 320000

NC = 2
NS = 16
EPT = N_EDGES // NS
B = 80
NCHUNK = EPT // B
DEG_CHUNKS = NCHUNK // NC
NBUF = 5
NOUTER = NCHUNK // NBUF

RCHUNK = 80
N_RCHUNKS = N_NODES // RCHUNK
RCHUNKS_PER_TILE = -(-N_RCHUNKS // NS)


def _sc_aggregate(wh, with_deg):
  mesh = plsc.VectorSubcoreMesh(core_axis_name="c", subcore_axis_name="s")
  out_type = [jax.ShapeDtypeStruct((NC, N_NODES, wh), jnp.float32)]
  scratch = [
      pltpu.VMEM((NCHUNK, B), jnp.int32),
      pltpu.VMEM((NCHUNK, B), jnp.int32),
      pltpu.VMEM((NBUF, B, wh), jnp.float32),
      pltpu.VMEM((RCHUNK, wh), jnp.float32),
      pltpu.VMEM_SHARED((N_NODES, wh), jnp.float32),
      pltpu.SemaphoreType.DMA((NBUF,)),
      pltpu.SemaphoreType.DMA((NBUF,)),
  ]
  if with_deg:
    out_type.append(jax.ShapeDtypeStruct((NC, N_NODES, 16), jnp.float32))
    scratch += [
        pltpu.VMEM((B, 16), jnp.float32),
        pltpu.VMEM((RCHUNK, 16), jnp.float32),
        pltpu.VMEM_SHARED((N_NODES, 16), jnp.float32),
        pltpu.SemaphoreType.DMA,
    ]

  def body(*refs):
    if with_deg:
      (feats, src3, dst3, z_w, z16, ones16, acc_out, deg_out,
       src_v, dst_v, rows_v, zbuf, acc_sh, gsem, ssem,
       ones_v, dzbuf, deg_sh, dsem) = refs
    else:
      (feats, src3, dst3, z_w, acc_out,
       src_v, dst_v, rows_v, zbuf, acc_sh, gsem, ssem) = refs

    cid = lax.axis_index("c")
    sid = lax.axis_index("s")

    def row_chunk_offsets():
      for j in range(RCHUNKS_PER_TILE):
        c = j * NS + sid
        off = pl.multiple_of(c * RCHUNK, RCHUNK)
        yield c, off

    pltpu.sync_copy(src3.at[sid], src_v)

    offset = cid.astype(jnp.int32)

    def add_off(k, carry):
      for j in range(B // 16):
        sl = pl.ds(j * 16, 16)
        src_v[k, sl] = src_v[k, sl] * 2 + offset
      return carry

    lax.fori_loop(0, NCHUNK, add_off, 0)

    for b in range(NBUF):
      pltpu.async_copy(feats.at[src_v.at[b]], rows_v.at[b], gsem.at[b])

    pltpu.sync_copy(dst3.at[sid], dst_v)
    pltpu.sync_copy(z_w, zbuf)
    if with_deg:
      pltpu.sync_copy(ones16, ones_v)
      pltpu.sync_copy(z16, dzbuf)

    for c, off in row_chunk_offsets():
      @pl.when(c < N_RCHUNKS)
      def _():
        pltpu.sync_copy(zbuf, acc_sh.at[pl.ds(off, RCHUNK)])
        if with_deg:
          pltpu.sync_copy(dzbuf, deg_sh.at[pl.ds(off, RCHUNK)])
    plsc.subcore_barrier()

    deg_lo = cid * DEG_CHUNKS
    deg_hi = deg_lo + DEG_CHUNKS

    def outer(g, carry):
      for b in range(NBUF):
        kk = g * NBUF + b
        pltpu.make_async_copy(feats.at[pl.ds(0, B)], rows_v.at[b],
                              gsem.at[b]).wait()
        pltpu.async_copy(rows_v.at[b], acc_sh.at[dst_v.at[kk]], ssem.at[b],
                         add=True)
        if with_deg:
          @pl.when(jnp.logical_and(kk >= deg_lo, kk < deg_hi))
          def _():
            @pl.when(kk > deg_lo)
            def _():
              pltpu.make_async_copy(ones16, ones_v, dsem).wait()
            pltpu.async_copy(ones_v, deg_sh.at[dst_v.at[kk]], dsem, add=True)

      @pl.when(g < NOUTER - 1)
      def _():
        for b in range(NBUF):
          kk = g * NBUF + b
          pltpu.make_async_copy(feats.at[pl.ds(0, B)], rows_v.at[b],
                                ssem.at[b]).wait()
          pltpu.async_copy(feats.at[src_v.at[kk + NBUF]], rows_v.at[b],
                           gsem.at[b])
      return carry

    lax.fori_loop(0, NOUTER, outer, 0)
    for b in range(NBUF):
      pltpu.make_async_copy(feats.at[pl.ds(0, B)], rows_v.at[b],
                            ssem.at[b]).wait()
    if with_deg:
      pltpu.make_async_copy(ones16, ones_v, dsem).wait()
    plsc.subcore_barrier()

    for c, off in row_chunk_offsets():
      @pl.when(c < N_RCHUNKS)
      def _():
        pltpu.sync_copy(acc_sh.at[pl.ds(off, RCHUNK)], zbuf)
        pltpu.sync_copy(zbuf, acc_out.at[cid, pl.ds(off, RCHUNK)])
        if with_deg:
          pltpu.sync_copy(deg_sh.at[pl.ds(off, RCHUNK)], dzbuf)
          pltpu.sync_copy(dzbuf, deg_out.at[cid, pl.ds(off, RCHUNK)])

  return pl.kernel(
      body, out_type=out_type, mesh=mesh, scratch_types=scratch,
      compiler_params=pltpu.CompilerParams(use_tc_tiling_on_sc=False))


def _tc_layer1(acc, deg, x, w1l, w1r, b1, w2l, w2r, b2):

  def body(acc_ref, deg_ref, x_ref, w1l_ref, w1r_ref, b1_ref,
           w2l_ref, w2r_ref, b2_ref, p2_ref, r2_ref):
    a = jnp.concatenate([acc_ref[0], acc_ref[1]], axis=-1)
    d = deg_ref[0, :, 0:1] + deg_ref[1, :, 0:1]
    mean = a / jnp.maximum(d, 1.0)
    h = mean @ w1l_ref[...] + x_ref[...] @ w1r_ref[...] + b1_ref[...][None, :]
    h = jnp.maximum(h, 0.0)
    p2_ref[...] = h @ w2l_ref[...]
    r2_ref[...] = h @ w2r_ref[...] + b2_ref[...][None, :]

  return pl.pallas_call(
      body,
      out_shape=[
          jax.ShapeDtypeStruct((N_NODES, D_OUT), jnp.float32),
          jax.ShapeDtypeStruct((N_NODES, D_OUT), jnp.float32),
      ],
  )(acc, deg, x, w1l, w1r, b1, w2l, w2r, b2)


def _tc_layer2(acc2, deg, r2):

  def body(acc_ref, deg_ref, r2_ref, out_ref):
    a = jnp.concatenate([acc_ref[0], acc_ref[1]], axis=-1)
    d = deg_ref[0, :, 0:1] + deg_ref[1, :, 0:1]
    out_ref[...] = a / jnp.maximum(d, 1.0) + r2_ref[...]

  return pl.pallas_call(
      body,
      out_shape=jax.ShapeDtypeStruct((N_NODES, D_OUT), jnp.float32),
  )(acc2, deg, r2)


@jax.jit
def kernel(x, edge_index, W1l, W1r, b1, W2l, W2r, b2):
  ei = edge_index.astype(jnp.int32)
  src3 = ei[0].reshape(NS, NCHUNK, B)
  dst3 = ei[1].reshape(NS, NCHUNK, B)
  z64 = jnp.zeros((RCHUNK, H // 2), jnp.float32)
  z32 = jnp.zeros((RCHUNK, D_OUT // 2), jnp.float32)
  z16 = jnp.zeros((RCHUNK, 16), jnp.float32)
  ones16 = jnp.ones((B, 16), jnp.float32)

  agg1 = _sc_aggregate(H // 2, True)
  acc1, deg = agg1(x.reshape(2 * N_NODES, H // 2), src3, dst3, z64, z16,
                   ones16)
  p2, r2 = _tc_layer1(acc1, deg, x, W1l, W1r, b1, W2l, W2r, b2)
  agg2 = _sc_aggregate(D_OUT // 2, False)
  (acc2,) = agg2(p2.reshape(2 * N_NODES, D_OUT // 2), src3, dst3, z32)
  return _tc_layer2(acc2, deg, r2)

# --- scband reference (transcript-rebuilt; emitter-appended) ---
"""Pipeline reference for scband-graph-sage-39556648796479 (READ-ONLY COPY).

The authoritative reference and input builder live on the scoring server;
editing this copy changes nothing except your own understanding.
"""

import jax, jax.numpy as jnp
import numpy as np

N_NODES = 10000
D_IN = 128
H = 128
D_OUT = 64
N_EDGES = 320000


def _glorot(key, shape):
    fan_in, fan_out = shape[0], shape[1]
    lim = jnp.sqrt(6.0 / (fan_in + fan_out))
    return jax.random.uniform(key, shape, dtype=jnp.float32, minval=-lim, maxval=lim)


def setup_inputs(seed: int = 0) -> dict:
    key = jax.random.key(seed)
    ks = jax.random.split(key, 8)
    x = jax.random.normal(ks[0], (N_NODES, D_IN), dtype=jnp.float32)
    edge_index = jax.random.randint(ks[1], (2, N_EDGES), 0, N_NODES, dtype=jnp.int64)
    # SAGEConv 1b: in=D_IN -> out=H (lin_l acts on aggregated neighbors, lin_r on root; bias in lin_l)
    W1l = _glorot(ks[2], (D_IN, H))
    W1r = _glorot(ks[3], (D_IN, H))
    b1 = jnp.zeros((H,), dtype=jnp.float32)
    # SAGEConv 2b: in=H -> out=D_OUT
    W2l = _glorot(ks[4], (H, D_OUT))
    W2r = _glorot(ks[5], (H, D_OUT))
    b2 = jnp.zeros((D_OUT,), dtype=jnp.float32)
    return {"x": x, "edge_index": edge_index, "W1l": W1l, "W1r": W1r, "b1": b1,
            "W2l": W2l, "W2r": W2r, "b2": b2}


def _sage_conv(x, src, dst, W_l, W_r, b):
    # mean aggregation over incoming neighbors (messages flow src -> dst)
    msgs = jnp.take(x, src, axis=0)
    agg = jax.ops.segment_sum(msgs, dst, num_segments=N_NODES)
    deg = jax.ops.segment_sum(jnp.ones((src.shape[0],), dtype=x.dtype), dst, num_segments=N_NODES)
    mean = agg / jnp.clip(deg, 1.0, None)[:, None]
    return mean @ W_l + x @ W_r + b


def reference(x, edge_index, W1l, W1r, b1, W2l, W2r, b2):
    src = edge_index[0]
    dst = edge_index[1]
    h = _sage_conv(x, src, dst, W1l, W1r, b1)
    h = jax.nn.relu(h)
    out = _sage_conv(h, src, dst, W2l, W2r, b2)
    return out

if __name__ == "__main__":
    import jax
    _d = setup_inputs()
    print(jax.jit(kernel)(*tuple(_d.values())))

</pallas_src>

<mosaic_0001>
#map = affine_map<(d0, d1) -> (0, 0)>
#map1 = affine_map<(d0, d1) -> (0, 0, 0)>
module attributes {stable_mosaic.version = 14 : i64} {
  func.func @body(%arg0: i32, %arg1: i32, %arg2: memref<20000x32xf32, #tpu.memory_space<hbm>>, %arg3: memref<16x250x80xi32, #tpu.memory_space<hbm>>, %arg4: memref<16x250x80xi32, #tpu.memory_space<hbm>>, %arg5: memref<80x32xf32, #tpu.memory_space<hbm>>, %arg6: memref<2x10000x32xf32, #tpu.memory_space<hbm>>, %arg7: memref<250x80xi32, #tpu.memory_space<vmem>>, %arg8: memref<250x80xi32, #tpu.memory_space<vmem>>, %arg9: memref<5x80x32xf32, #tpu.memory_space<vmem>>, %arg10: memref<80x32xf32, #tpu.memory_space<vmem>>, %arg11: memref<10000x32xf32, #tpu.memory_space<vmem_shared>>, %arg12: memref<5x!tpu.dma_semaphore, #tpu.memory_space<semaphore_mem>>, %arg13: memref<5x!tpu.dma_semaphore, #tpu.memory_space<semaphore_mem>>) attributes {dimension_semantics = [#tpu.dimension_semantics<core_parallel>, #tpu.dimension_semantics<subcore_parallel>], iteration_bounds = array<i64: 2, 16>, scalar_prefetch = 0 : i64, scratch_operands = 7 : i64, tpu.core_type = #tpu.core_type<sc_vector_subcore>, window_params = [{transform_indices = #map}, {transform_indices = #map1}, {transform_indices = #map1}, {transform_indices = #map}, {transform_indices = #map1}]} {
    "tpu.region"() ({
      %run_scoped3A = tpu.sem_alloc : memref<!tpu.dma_semaphore, #tpu.memory_space<semaphore_mem>>
      %dma_start3A_333 = arith.constant 0 : i32
      %dma_start3A_334 = arith.constant 0 : i32
      %dma_start3A_335 = tpu.memref_slice %arg3[%arg1, %dma_start3A_333, %dma_start3A_334] : memref<16x250x80xi32, #tpu.memory_space<hbm>> -> memref<1x250x80xi32, #tpu.memory_space<hbm>>
      %dma_start3A_336 = tpu.memref_squeeze %dma_start3A_335 : memref<1x250x80xi32, #tpu.memory_space<hbm>> -> memref<250x80xi32, #tpu.memory_space<hbm>>
      %dma_start3A_337 = arith.constant 0 : i32
      %dma_start3A_338 = arith.constant 0 : i32
      %dma_start3A_339 = tpu.memref_slice %arg3[%arg1, %dma_start3A_337, %dma_start3A_338] : memref<16x250x80xi32, #tpu.memory_space<hbm>> -> memref<1x250x80xi32, #tpu.memory_space<hbm>>
      %dma_start3A_340 = tpu.memref_squeeze %dma_start3A_339 : memref<1x250x80xi32, #tpu.memory_space<hbm>> -> memref<250x80xi32, #tpu.memory_space<hbm>>
      tpu.enqueue_dma source(%dma_start3A_340 : memref<250x80xi32, #tpu.memory_space<hbm>>) target(%arg7 : memref<250x80xi32, #tpu.memory_space<vmem>>) target_semaphore(%run_scoped3A : memref<!tpu.dma_semaphore, #tpu.memory_space<semaphore_mem>>)
      %dma_wait3A_341 = arith.constant 0 : i32
      %dma_wait3A_342 = arith.constant 0 : i32
      %dma_wait3A_343 = tpu.memref_slice %arg3[%arg1, %dma_wait3A_341, %dma_wait3A_342] : memref<16x250x80xi32, #tpu.memory_space<hbm>> -> memref<1x250x80xi32, #tpu.memory_space<hbm>>
      %dma_wait3A_344 = tpu.memref_squeeze %dma_wait3A_343 : memref<1x250x80xi32, #tpu.memory_space<hbm>> -> memref<250x80xi32, #tpu.memory_space<hbm>>
      %dma_wait3A_345 = arith.constant 0 : i32
      %dma_wait3A_346 = arith.constant 0 : i32
      %dma_wait3A_347 = tpu.memref_slice %arg3[%arg1, %dma_wait3A_345, %dma_wait3A_346] : memref<16x250x80xi32, #tpu.memory_space<hbm>> -> memref<1x250x80xi32, #tpu.memory_space<hbm>>
      %dma_wait3A_348 = tpu.memref_squeeze %dma_wait3A_347 : memref<1x250x80xi32, #tpu.memory_space<hbm>> -> memref<250x80xi32, #tpu.memory_space<hbm>>
      tpu.wait_dma2 semaphore(%run_scoped3A : memref<!tpu.dma_semaphore, #tpu.memory_space<semaphore_mem>>) src(%dma_wait3A_348 : memref<250x80xi32, #tpu.memory_space<hbm>>) dst(%arg7 : memref<250x80xi32, #tpu.memory_space<vmem>>)
      tpu.yield
    }) : () -> ()
    %scan3A = arith.constant 0 : i32
    %scan3A_0 = arith.constant 0 : i32
    %scan3A_1 = arith.constant 250 : i32
    %scan3A_2 = arith.addi %scan3A_0, %scan3A_1 : i32
    %scan3A_3 = arith.constant 1 : i32
    scf.for %scan3A_333 = %scan3A_0 to %scan3A_2 step %scan3A_3  : i32 {
      %get3A = arith.index_cast %scan3A_333 : i32 to index
      %get3A_334 = arith.constant 0 : index
      %get3A_335 = tpu.vector_load %arg7[%get3A, %get3A_334] {strides = array<i32>} : memref<250x80xi32, #tpu.memory_space<vmem>>, vector<1x16xi32>,
      %get3A_336 = vector.shape_cast %get3A_335 : vector<1x16xi32> to vector<16xi32>
      %mul3A_337 = arith.constant 2 : i32
      %mul3A_338 = vector.broadcast %mul3A_337 : i32 to vector<16xi32>
      %mul3A_339 = arith.muli %get3A_336, %mul3A_338 : vector<16xi32>
      %add3A_340 = vector.broadcast %arg0 : i32 to vector<16xi32>
      %add3A_341 = arith.addi %mul3A_339, %add3A_340 : vector<16xi32>
      %swap3A = arith.index_cast %scan3A_333 : i32 to index
      %swap3A_342 = arith.constant 0 : index
      %swap3A_343 = tpu.vector_load %arg7[%swap3A, %swap3A_342] {strides = array<i32>} : memref<250x80xi32, #tpu.memory_space<vmem>>, vector<1x16xi32>,
      %swap3A_344 = vector.shape_cast %swap3A_343 : vector<1x16xi32> to vector<16xi32>
      %swap3A_345 = vector.shape_cast %add3A_341 : vector<16xi32> to vector<1x16xi32>
      tpu.vector_store %arg7[%swap3A, %swap3A_342], %swap3A_345 {strides = array<i32>} : memref<250x80xi32, #tpu.memory_space<vmem>>, vector<1x16xi32>,
      %get3A_346 = arith.index_cast %scan3A_333 : i32 to index
      %get3A_347 = arith.constant 16 : index
      %get3A_348 = tpu.vector_load %arg7[%get3A_346, %get3A_347] {strides = array<i32>} : memref<250x80xi32, #tpu.memory_space<vmem>>, vector<1x16xi32>,
      %get3A_349 = vector.shape_cast %get3A_348 : vector<1x16xi32> to vector<16xi32>
      %mul3A_350 = arith.constant 2 : i32
      %mul3A_351 = vector.broadcast %mul3A_350 : i32 to vector<16xi32>
      %mul3A_352 = arith.muli %get3A_349, %mul3A_351 : vector<16xi32>
      %add3A_353 = vector.broadcast %arg0 : i32 to vector<16xi32>
      %add3A_354 = arith.addi %mul3A_352, %add3A_353 : vector<16xi32>
      %swap3A_355 = arith.index_cast %scan3A_333 : i32 to index
      %swap3A_356 = arith.constant 16 : index
      %swap3A_357 = tpu.vector_load %arg7[%swap3A_355, %swap3A_356] {strides = array<i32>} : memref<250x80xi32, #tpu.memory_space<vmem>>, vector<1x16xi32>,
      %swap3A_358 = vector.shape_cast %swap3A_357 : vector<1x16xi32> to vector<16xi32>
      %swap3A_359 = vector.shape_cast %add3A_354 : vector<16xi32> to vector<1x16xi32>
      tpu.vector_store %arg7[%swap3A_355, %swap3A_356], %swap3A_359 {strides = array<i32>} : memref<250x80xi32, #tpu.memory_space<vmem>>, vector<1x16xi32>,
      %get3A_360 = arith.index_cast %scan3A_333 : i32 to index
      %get3A_361 = arith.constant 32 : index
      %get3A_362 = tpu.vector_load %arg7[%get3A_360, %get3A_361] {strides = array<i32>} : memref<250x80xi32, #tpu.memory_space<vmem>>, vector<1x16xi32>,
      %get3A_363 = vector.shape_cast %get3A_362 : vector<1x16xi32> to vector<16xi32>
      %mul3A_364 = arith.constant 2 : i32
      %mul3A_365 = vector.broadcast %mul3A_364 : i32 to vector<16xi32>
      %mul3A_366 = arith.muli %get3A_363, %mul3A_365 : vector<16xi32>
      %add3A_367 = vector.broadcast %arg0 : i32 to vector<16xi32>
      %add3A_368 = arith.addi %mul3A_366, %add3A_367 : vector<16xi32>
      %swap3A_369 = arith.index_cast %scan3A_333 : i32 to index
      %swap3A_370 = arith.constant 32 : index
      %swap3A_371 = tpu.vector_load %arg7[%swap3A_369, %swap3A_370] {strides = array<i32>} : memref<250x80xi32, #tpu.memory_space<vmem>>, vector<1x16xi32>,
      %swap3A_372 = vector.shape_cast %swap3A_371 : vector<1x16xi32> to vector<16xi32>
      %swap3A_373 = vector.shape_cast %add3A_368 : vector<16xi32> to vector<1x16xi32>
      tpu.vector_store %arg7[%swap3A_369, %swap3A_370], %swap3A_373 {strides = array<i32>} : memref<250x80xi32, #tpu.memory_space<vmem>>, vector<1x16xi32>,
      %get3A_374 = arith.index_cast %scan3A_333 : i32 to index
      %get3A_375 = arith.constant 48 : index
      %get3A_376 = tpu.vector_load %arg7[%get3A_374, %get3A_375] {strides = array<i32>} : memref<250x80xi32, #tpu.memory_space<vmem>>, vector<1x16xi32>,
      %get3A_377 = vector.shape_cast %get3A_376 : vector<1x16xi32> to vector<16xi32>
      %mul3A_378 = arith.constant 2 : i32
      %mul3A_379 = vector.broadcast %mul3A_378 : i32 to vector<16xi32>
      %mul3A_380 = arith.muli %get3A_377, %mul3A_379 : vector<16xi32>
      %add3A_381 = vector.broadcast %arg0 : i32 to vector<16xi32>
      %add3A_382 = arith.addi %mul3A_380, %add3A_381 : vector<16xi32>
      %swap3A_383 = arith.index_cast %scan3A_333 : i32 to index
      %swap3A_384 = arith.constant 48 : index
      %swap3A_385 = tpu.vector_load %arg7[%swap3A_383, %swap3A_384] {strides = array<i32>} : memref<250x80xi32, #tpu.memory_space<vmem>>, vector<1x16xi32>,
      %swap3A_386 = vector.shape_cast %swap3A_385 : vector<1x16xi32> to vector<16xi32>
      %swap3A_387 = vector.shape_cast %add3A_382 : vector<16xi32> to vector<1x16xi32>
      tpu.vector_store %arg7[%swap3A_383, %swap3A_384], %swap3A_387 {strides = array<i32>} : memref<250x80xi32, #tpu.memory_space<vmem>>, vector<1x16xi32>,
      %get3A_388 = arith.index_cast %scan3A_333 : i32 to index
      %get3A_389 = arith.constant 64 : index
      %get3A_390 = tpu.vector_load %arg7[%get3A_388, %get3A_389] {strides = array<i32>} : memref<250x80xi32, #tpu.memory_space<vmem>>, vector<1x16xi32>,
      %get3A_391 = vector.shape_cast %get3A_390 : vector<1x16xi32> to vector<16xi32>
      %mul3A_392 = arith.constant 2 : i32
      %mul3A_393 = vector.broadcast %mul3A_392 : i32 to vector<16xi32>
      %mul3A_394 = arith.muli %get3A_391, %mul3A_393 : vector<16xi32>
      %add3A_395 = vector.broadcast %arg0 : i32 to vector<16xi32>
      %add3A_396 = arith.addi %mul3A_394, %add3A_395 : vector<16xi32>
      %swap3A_397 = arith.index_cast %scan3A_333 : i32 to index
      %swap3A_398 = arith.constant 64 : index
      %swap3A_399 = tpu.vector_load %arg7[%swap3A_397, %swap3A_398] {strides = array<i32>} : memref<250x80xi32, #tpu.memory_space<vmem>>, vector<1x16xi32>,
      %swap3A_400 = vector.shape_cast %swap3A_399 : vector<1x16xi32> to vector<16xi32>
      %swap3A_401 = vector.shape_cast %add3A_396 : vector<16xi32> to vector<1x16xi32>
      tpu.vector_store %arg7[%swap3A_397, %swap3A_398], %swap3A_401 {strides = array<i32>} : memref<250x80xi32, #tpu.memory_space<vmem>>, vector<1x16xi32>,
    }
    %scan3A_4 = arith.constant 250 : i32
    %dma_start3A = arith.constant 0 : i32
    %dma_start3A_5 = arith.constant 0 : i32
    %dma_start3A_6 = arith.constant 0 : i32
    %dma_start3A_7 = arith.constant 0 : i32
    %dma_start3A_8 = arith.constant 0 : i32
    %dma_start3A_9 = tpu.memref_slice %arg9[%dma_start3A_5, %dma_start3A_7, %dma_start3A_8] : memref<5x80x32xf32, #tpu.memory_space<vmem>> -> memref<1x80x32xf32, #tpu.memory_space<vmem>>
    %dma_start3A_10 = tpu.memref_squeeze %dma_start3A_9 : memref<1x80x32xf32, #tpu.memory_space<vmem>> -> memref<80x32xf32, #tpu.memory_space<vmem>>
    %dma_start3A_11 = arith.constant 0 : i32
    %dma_start3A_12 = tpu.memref_slice %arg7[%dma_start3A, %dma_start3A_11] : memref<250x80xi32, #tpu.memory_space<vmem>> -> memref<1x80xi32, #tpu.memory_space<vmem>>
    %dma_start3A_13 = tpu.memref_squeeze %dma_start3A_12 : memref<1x80xi32, #tpu.memory_space<vmem>> -> memref<80xi32, #tpu.memory_space<vmem>>
    %dma_start3A_14 = arith.constant 0 : i32
    %dma_start3A_15 = arith.constant 0 : i32
    %dma_start3A_16 = tpu.memref_slice %arg2[%dma_start3A_14, %dma_start3A_15] : memref<20000x32xf32, #tpu.memory_space<hbm>> -> memref<20000x32xf32, #tpu.memory_space<hbm>>
    %dma_start3A_17 = tpu.memref_slice %arg12[%dma_start3A_6] : memref<5x!tpu.dma_semaphore, #tpu.memory_space<semaphore_mem>> -> memref<1x!tpu.dma_semaphore, #tpu.memory_space<semaphore_mem>>
    %dma_start3A_18 = tpu.memref_squeeze %dma_start3A_17 : memref<1x!tpu.dma_semaphore, #tpu.memory_space<semaphore_mem>> -> memref<!tpu.dma_semaphore, #tpu.memory_space<semaphore_mem>>
    tpu.enqueue_indirect_dma source(%dma_start3A_16 : memref<20000x32xf32, #tpu.memory_space<hbm>>) target(%dma_start3A_10 : memref<80x32xf32, #tpu.memory_space<vmem>>) offsets(%dma_start3A_13 : memref<80xi32, #tpu.memory_space<vmem>>) semaphore(%dma_start3A_18 : memref<!tpu.dma_semaphore, #tpu.memory_space<semaphore_mem>>)
    %dma_start3A_19 = arith.constant 1 : i32
    %dma_start3A_20 = arith.constant 1 : i32
    %dma_start3A_21 = arith.constant 1 : i32
    %dma_start3A_22 = arith.constant 0 : i32
    %dma_start3A_23 = arith.constant 0 : i32
    %dma_start3A_24 = tpu.memref_slice %arg9[%dma_start3A_20, %dma_start3A_22, %dma_start3A_23] : memref<5x80x32xf32, #tpu.memory_space<vmem>> -> memref<1x80x32xf32, #tpu.memory_space<vmem>>
    %dma_start3A_25 = tpu.memref_squeeze %dma_start3A_24 : memref<1x80x32xf32, #tpu.memory_space<vmem>> -> memref<80x32xf32, #tpu.memory_space<vmem>>
    %dma_start3A_26 = arith.constant 0 : i32
    %dma_start3A_27 = tpu.memref_slice %arg7[%dma_start3A_19, %dma_start3A_26] : memref<250x80xi32, #tpu.memory_space<vmem>> -> memref<1x80xi32, #tpu.memory_space<vmem>>
    %dma_start3A_28 = tpu.memref_squeeze %dma_start3A_27 : memref<1x80xi32, #tpu.memory_space<vmem>> -> memref<80xi32, #tpu.memory_space<vmem>>
    %dma_start3A_29 = arith.constant 0 : i32
    %dma_start3A_30 = arith.constant 0 : i32
    %dma_start3A_31 = tpu.memref_slice %arg2[%dma_start3A_29, %dma_start3A_30] : memref<20000x32xf32, #tpu.memory_space<hbm>> -> memref<20000x32xf32, #tpu.memory_space<hbm>>
    %dma_start3A_32 = tpu.memref_slice %arg12[%dma_start3A_21] : memref<5x!tpu.dma_semaphore, #tpu.memory_space<semaphore_mem>> -> memref<1x!tpu.dma_semaphore, #tpu.memory_space<semaphore_mem>>
    %dma_start3A_33 = tpu.memref_squeeze %dma_start3A_32 : memref<1x!tpu.dma_semaphore, #tpu.memory_space<semaphore_mem>> -> memref<!tpu.dma_semaphore, #tpu.memory_space<semaphore_mem>>
    tpu.enqueue_indirect_dma source(%dma_start3A_31 : memref<20000x32xf32, #tpu.memory_space<hbm>>) target(%dma_start3A_25 : memref<80x32xf32, #tpu.memory_space<vmem>>) offsets(%dma_start3A_28 : memref<80xi32, #tpu.memory_space<vmem>>) semaphore(%dma_start3A_33 : memref<!tpu.dma_semaphore, #tpu.memory_space<semaphore_mem>>)
    %dma_start3A_34 = arith.constant 2 : i32
    %dma_start3A_35 = arith.constant 2 : i32
    %dma_start3A_36 = arith.constant 2 : i32
    %dma_start3A_37 = arith.constant 0 : i32
    %dma_start3A_38 = arith.constant 0 : i32
    %dma_start3A_39 = tpu.memref_slice %arg9[%dma_start3A_35, %dma_start3A_37, %dma_start3A_38] : memref<5x80x32xf32, #tpu.memory_space<vmem>> -> memref<1x80x32xf32, #tpu.memory_space<vmem>>
    %dma_start3A_40 = tpu.memref_squeeze %dma_start3A_39 : memref<1x80x32xf32, #tpu.memory_space<vmem>> -> memref<80x32xf32, #tpu.memory_space<vmem>>
    %dma_start3A_41 = arith.constant 0 : i32
    %dma_start3A_42 = tpu.memref_slice %arg7[%dma_start3A_34, %dma_start3A_41] : memref<250x80xi32, #tpu.memory_space<vmem>> -> memref<1x80xi32, #tpu.memory_space<vmem>>
    %dma_start3A_43 = tpu.memref_squeeze %dma_start3A_42 : memref<1x80xi32, #tpu.memory_space<vmem>> -> memref<80xi32, #tpu.memory_space<vmem>>
    %dma_start3A_44 = arith.constant 0 : i32
    %dma_start3A_45 = arith.constant 0 : i32
    %dma_start3A_46 = tpu.memref_slice %arg2[%dma_start3A_44, %dma_start3A_45] : memref<20000x32xf32, #tpu.memory_space<hbm>> -> memref<20000x32xf32, #tpu.memory_space<hbm>>
    %dma_start3A_47 = tpu.memref_slice %arg12[%dma_start3A_36] : memref<5x!tpu.dma_semaphore, #tpu.memory_space<semaphore_mem>> -> memref<1x!tpu.dma_semaphore, #tpu.memory_space<semaphore_mem>>
    %dma_start3A_48 = tpu.memref_squeeze %dma_start3A_47 : memref<1x!tpu.dma_semaphore, #tpu.memory_space<semaphore_mem>> -> memref<!tpu.dma_semaphore, #tpu.memory_space<semaphore_mem>>
    tpu.enqueue_indirect_dma source(%dma_start3A_46 : memref<20000x32xf32, #tpu.memory_space<hbm>>) target(%dma_start3A_40 : memref<80x32xf32, #tpu.memory_space<vmem>>) offsets(%dma_start3A_43 : memref<80xi32, #tpu.memory_space<vmem>>) semaphore(%dma_start3A_48 : memref<!tpu.dma_semaphore, #tpu.memory_space<semaphore_mem>>)
    %dma_start3A_49 = arith.constant 3 : i32
    %dma_start3A_50 = arith.constant 3 : i32
    %dma_start3A_51 = arith.constant 3 : i32
    %dma_start3A_52 = arith.constant 0 : i32
    %dma_start3A_53 = arith.constant 0 : i32
    %dma_start3A_54 = tpu.memref_slice %arg9[%dma_start3A_50, %dma_start3A_52, %dma_start3A_53] : memref<5x80x32xf32, #tpu.memory_space<vmem>> -> memref<1x80x32xf32, #tpu.memory_space<vmem>>
    %dma_start3A_55 = tpu.memref_squeeze %dma_start3A_54 : memref<1x80x32xf32, #tpu.memory_space<vmem>> -> memref<80x32xf32, #tpu.memory_space<vmem>>
    %dma_start3A_56 = arith.constant 0 : i32
    %dma_start3A_57 = tpu.memref_slice %arg7[%dma_start3A_49, %dma_start3A_56] : memref<250x80xi32, #tpu.memory_space<vmem>> -> memref<1x80xi32, #tpu.memory_space<vmem>>
    %dma_start3A_58 = tpu.memref_squeeze %dma_start3A_57 : memref<1x80xi32, #tpu.memory_space<vmem>> -> memref<80xi32, #tpu.memory_space<vmem>>
    %dma_start3A_59 = arith.constant 0 : i32
    %dma_start3A_60 = arith.constant 0 : i32
    %dma_start3A_61 = tpu.memref_slice %arg2[%dma_start3A_59, %dma_start3A_60] : memref<20000x32xf32, #tpu.memory_space<hbm>> -> memref<20000x32xf32, #tpu.memory_space<hbm>>
    %dma_start3A_62 = tpu.memref_slice %arg12[%dma_start3A_51] : memref<5x!tpu.dma_semaphore, #tpu.memory_space<semaphore_mem>> -> memref<1x!tpu.dma_semaphore, #tpu.memory_space<semaphore_mem>>
    %dma_start3A_63 = tpu.memref_squeeze %dma_start3A_62 : memref<1x!tpu.dma_semaphore, #tpu.memory_space<semaphore_mem>> -> memref<!tpu.dma_semaphore, #tpu.memory_space<semaphore_mem>>
    tpu.enqueue_indirect_dma source(%dma_start3A_61 : memref<20000x32xf32, #tpu.memory_space<hbm>>) target(%dma_start3A_55 : memref<80x32xf32, #tpu.memory_space<vmem>>) offsets(%dma_start3A_58 : memref<80xi32, #tpu.memory_space<vmem>>) semaphore(%dma_start3A_63 : memref<!tpu.dma_semaphore, #tpu.memory_space<semaphore_mem>>)
    %dma_start3A_64 = arith.constant 4 : i32
    %dma_start3A_65 = arith.constant 4 : i32
    %dma_start3A_66 = arith.constant 4 : i32
    %dma_start3A_67 = arith.constant 0 : i32
    %dma_start3A_68 = arith.constant 0 : i32
    %dma_start3A_69 = tpu.memref_slice %arg9[%dma_start3A_65, %dma_start3A_67, %dma_start3A_68] : memref<5x80x32xf32, #tpu.memory_space<vmem>> -> memref<1x80x32xf32, #tpu.memory_space<vmem>>
    %dma_start3A_70 = tpu.memref_squeeze %dma_start3A_69 : memref<1x80x32xf32, #tpu.memory_space<vmem>> -> memref<80x32xf32, #tpu.memory_space<vmem>>
    %dma_start3A_71 = arith.constant 0 : i32
    %dma_start3A_72 = tpu.memref_slice %arg7[%dma_start3A_64, %dma_start3A_71] : memref<250x80xi32, #tpu.memory_space<vmem>> -> memref<1x80xi32, #tpu.memory_space<vmem>>
    %dma_start3A_73 = tpu.memref_squeeze %dma_start3A_72 : memref<1x80xi32, #tpu.memory_space<vmem>> -> memref<80xi32, #tpu.memory_space<vmem>>
    %dma_start3A_74 = arith.constant 0 : i32
    %dma_start3A_75 = arith.constant 0 : i32
    %dma_start3A_76 = tpu.memref_slice %arg2[%dma_start3A_74, %dma_start3A_75] : memref<20000x32xf32, #tpu.memory_space<hbm>> -> memref<20000x32xf32, #tpu.memory_space<hbm>>
    %dma_start3A_77 = tpu.memref_slice %arg12[%dma_start3A_66] : memref<5x!tpu.dma_semaphore, #tpu.memory_space<semaphore_mem>> -> memref<1x!tpu.dma_semaphore, #tpu.memory_space<semaphore_mem>>
    %dma_start3A_78 = tpu.memref_squeeze %dma_start3A_77 : memref<1x!tpu.dma_semaphore, #tpu.memory_space<semaphore_mem>> -> memref<!tpu.dma_semaphore, #tpu.memory_space<semaphore_mem>>
    tpu.enqueue_indirect_dma source(%dma_start3A_76 : memref<20000x32xf32, #tpu.memory_space<hbm>>) target(%dma_start3A_70 : memref<80x32xf32, #tpu.memory_space<vmem>>) offsets(%dma_start3A_73 : memref<80xi32, #tpu.memory_space<vmem>>) semaphore(%dma_start3A_78 : memref<!tpu.dma_semaphore, #tpu.memory_space<semaphore_mem>>)
    "tpu.region"() ({
      %run_scoped3A = tpu.sem_alloc : memref<!tpu.dma_semaphore, #tpu.memory_space<semaphore_mem>>
      %dma_start3A_333 = arith.constant 0 : i32
      %dma_start3A_334 = arith.constant 0 : i32
      %dma_start3A_335 = tpu.memref_slice %arg4[%arg1, %dma_start3A_333, %dma_start3A_334] : memref<16x250x80xi32, #tpu.memory_space<hbm>> -> memref<1x250x80xi32, #tpu.memory_space<hbm>>
      %dma_start3A_336 = tpu.memref_squeeze %dma_start3A_335 : memref<1x250x80xi32, #tpu.memory_space<hbm>> -> memref<250x80xi32, #tpu.memory_space<hbm>>
      %dma_start3A_337 = arith.constant 0 : i32
      %dma_start3A_338 = arith.constant 0 : i32
      %dma_start3A_339 = tpu.memref_slice %arg4[%arg1, %dma_start3A_337, %dma_start3A_338] : memref<16x250x80xi32, #tpu.memory_space<hbm>> -> memref<1x250x80xi32, #tpu.memory_space<hbm>>
      %dma_start3A_340 = tpu.memref_squeeze %dma_start3A_339 : memref<1x250x80xi32, #tpu.memory_space<hbm>> -> memref<250x80xi32, #tpu.memory_space<hbm>>
      tpu.enqueue_dma source(%dma_start3A_340 : memref<250x80xi32, #tpu.memory_space<hbm>>) target(%arg8 : memref<250x80xi32, #tpu.memory_space<vmem>>) target_semaphore(%run_scoped3A : memref<!tpu.dma_semaphore, #tpu.memory_space<semaphore_mem>>)
      %dma_wait3A_341 = arith.constant 0 : i32
      %dma_wait3A_342 = arith.constant 0 : i32
      %dma_wait3A_343 = tpu.memref_slice %arg4[%arg1, %dma_wait3A_341, %dma_wait3A_342] : memref<16x250x80xi32, #tpu.memory_space<hbm>> -> memref<1x250x80xi32, #tpu.memory_space<hbm>>
      %dma_wait3A_344 = tpu.memref_squeeze %dma_wait3A_343 : memref<1x250x80xi32, #tpu.memory_space<hbm>> -> memref<250x80xi32, #tpu.memory_space<hbm>>
      %dma_wait3A_345 = arith.constant 0 : i32
      %dma_wait3A_346 = arith.constant 0 : i32
      %dma_wait3A_347 = tpu.memref_slice %arg4[%arg1, %dma_wait3A_345, %dma_wait3A_346] : memref<16x250x80xi32, #tpu.memory_space<hbm>> -> memref<1x250x80xi32, #tpu.memory_space<hbm>>
      %dma_wait3A_348 = tpu.memref_squeeze %dma_wait3A_347 : memref<1x250x80xi32, #tpu.memory_space<hbm>> -> memref<250x80xi32, #tpu.memory_space<hbm>>
      tpu.wait_dma2 semaphore(%run_scoped3A : memref<!tpu.dma_semaphore, #tpu.memory_space<semaphore_mem>>) src(%dma_wait3A_348 : memref<250x80xi32, #tpu.memory_space<hbm>>) dst(%arg8 : memref<250x80xi32, #tpu.memory_space<vmem>>)
      tpu.yield
    }) : () -> ()
    "tpu.region"() ({
      %run_scoped3A = tpu.sem_alloc : memref<!tpu.dma_semaphore, #tpu.memory_space<semaphore_mem>>
      tpu.enqueue_dma source(%arg5 : memref<80x32xf32, #tpu.memory_space<hbm>>) target(%arg10 : memref<80x32xf32, #tpu.memory_space<vmem>>) target_semaphore(%run_scoped3A : memref<!tpu.dma_semaphore, #tpu.memory_space<semaphore_mem>>)
      tpu.wait_dma2 semaphore(%run_scoped3A : memref<!tpu.dma_semaphore, #tpu.memory_space<semaphore_mem>>) src(%arg5 : memref<80x32xf32, #tpu.memory_space<hbm>>) dst(%arg10 : memref<80x32xf32, #tpu.memory_space<vmem>>)
      tpu.yield
    }) : () -> ()
    %add3A = arith.constant 0 : i32
    %add3A_79 = arith.addi %add3A, %arg1 : i32
    %mul3A = arith.constant 80 : i32
    %mul3A_80 = arith.muli %add3A_79, %mul3A : i32
    %multiple_of3A = tpu.assume_multiple %mul3A_80, 80 : i32
    %lt3A = arith.constant 125 : i32
    %lt3A_81 = arith.cmpi slt, %add3A_79, %lt3A : i32
    %convert_element_type3A = arith.extui %lt3A_81 : i1 to i32
    %cond3A = arith.constant 0 : i32
    %cond3A_82 = arith.cmpi ne, %convert_element_type3A, %cond3A : i32
    scf.if %cond3A_82 {
      "tpu.region"() ({
        %run_scoped3A = tpu.sem_alloc : memref<!tpu.dma_semaphore, #tpu.memory_space<semaphore_mem>>
        %dma_start3A_333 = arith.constant 0 : i32
        %dma_start3A_334 = tpu.memref_slice %arg11[%multiple_of3A, %dma_start3A_333] : memref<10000x32xf32, #tpu.memory_space<vmem_shared>> -> memref<80x32xf32, #tpu.memory_space<vmem_shared>>
        %dma_start3A_335 = arith.constant 0 : i32
        %dma_start3A_336 = tpu.memref_slice %arg11[%multiple_of3A, %dma_start3A_335] : memref<10000x32xf32, #tpu.memory_space<vmem_shared>> -> memref<80x32xf32, #tpu.memory_space<vmem_shared>>
        tpu.enqueue_dma source(%arg10 : memref<80x32xf32, #tpu.memory_space<vmem>>) target(%dma_start3A_336 : memref<80x32xf32, #tpu.memory_space<vmem_shared>>) target_semaphore(%run_scoped3A : memref<!tpu.dma_semaphore, #tpu.memory_space<semaphore_mem>>)
        %dma_wait3A_337 = arith.constant 0 : i32
        %dma_wait3A_338 = tpu.memref_slice %arg11[%multiple_of3A, %dma_wait3A_337] : memref<10000x32xf32, #tpu.memory_space<vmem_shared>> -> memref<80x32xf32, #tpu.memory_space<vmem_shared>>
        %dma_wait3A_339 = arith.constant 0 : i32
        %dma_wait3A_340 = tpu.memref_slice %arg11[%multiple_of3A, %dma_wait3A_339] : memref<10000x32xf32, #tpu.memory_space<vmem_shared>> -> memref<80x32xf32, #tpu.memory_space<vmem_shared>>
        tpu.wait_dma2 semaphore(%run_scoped3A : memref<!tpu.dma_semaphore, #tpu.memory_space<semaphore_mem>>) src(%arg10 : memref<80x32xf32, #tpu.memory_space<vmem>>) dst(%dma_wait3A_340 : memref<80x32xf32, #tpu.memory_space<vmem_shared>>)
        tpu.yield
      }) : () -> ()
    } else {
    }
    %add3A_83 = arith.constant 16 : i32
    %add3A_84 = arith.addi %add3A_83, %arg1 : i32
    %mul3A_85 = arith.constant 80 : i32
    %mul3A_86 = arith.muli %add3A_84, %mul3A_85 : i32
    %multiple_of3A_87 = tpu.assume_multiple %mul3A_86, 80 : i32
    %lt3A_88 = arith.constant 125 : i32
    %lt3A_89 = arith.cmpi slt, %add3A_84, %lt3A_88 : i32
    %convert_element_type3A_90 = arith.extui %lt3A_89 : i1 to i32
    %cond3A_91 = arith.constant 0 : i32
    %cond3A_92 = arith.cmpi ne, %convert_element_type3A_90, %cond3A_91 : i32
    scf.if %cond3A_92 {
      "tpu.region"() ({
        %run_scoped3A = tpu.sem_alloc : memref<!tpu.dma_semaphore, #tpu.memory_space<semaphore_mem>>
        %dma_start3A_333 = arith.constant 0 : i32
        %dma_start3A_334 = tpu.memref_slice %arg11[%multiple_of3A_87, %dma_start3A_333] : memref<10000x32xf32, #tpu.memory_space<vmem_shared>> -> memref<80x32xf32, #tpu.memory_space<vmem_shared>>
        %dma_start3A_335 = arith.constant 0 : i32
        %dma_start3A_336 = tpu.memref_slice %arg11[%multiple_of3A_87, %dma_start3A_335] : memref<10000x32xf32, #tpu.memory_space<vmem_shared>> -> memref<80x32xf32, #tpu.memory_space<vmem_shared>>
        tpu.enqueue_dma source(%arg10 : memref<80x32xf32, #tpu.memory_space<vmem>>) target(%dma_start3A_336 : memref<80x32xf32, #tpu.memory_space<vmem_shared>>) target_semaphore(%run_scoped3A : memref<!tpu.dma_semaphore, #tpu.memory_space<semaphore_mem>>)
        %dma_wait3A_337 = arith.constant 0 : i32
        %dma_wait3A_338 = tpu.memref_slice %arg11[%multiple_of3A_87, %dma_wait3A_337] : memref<10000x32xf32, #tpu.memory_space<vmem_shared>> -> memref<80x32xf32, #tpu.memory_space<vmem_shared>>
        %dma_wait3A_339 = arith.constant 0 : i32
        %dma_wait3A_340 = tpu.memref_slice %arg11[%multiple_of3A_87, %dma_wait3A_339] : memref<10000x32xf32, #tpu.memory_space<vmem_shared>> -> memref<80x32xf32, #tpu.memory_space<vmem_shared>>
        tpu.wait_dma2 semaphore(%run_scoped3A : memref<!tpu.dma_semaphore, #tpu.memory_space<semaphore_mem>>) src(%arg10 : memref<80x32xf32, #tpu.memory_space<vmem>>) dst(%dma_wait3A_340 : memref<80x32xf32, #tpu.memory_space<vmem_shared>>)
        tpu.yield
      }) : () -> ()
    } else {
    }
    %add3A_93 = arith.constant 32 : i32
    %add3A_94 = arith.addi %add3A_93, %arg1 : i32
    %mul3A_95 = arith.constant 80 : i32
    %mul3A_96 = arith.muli %add3A_94, %mul3A_95 : i32
    %multiple_of3A_97 = tpu.assume_multiple %mul3A_96, 80 : i32
    %lt3A_98 = arith.constant 125 : i32
    %lt3A_99 = arith.cmpi slt, %add3A_94, %lt3A_98 : i32
    %convert_element_type3A_100 = arith.extui %lt3A_99 : i1 to i32
    %cond3A_101 = arith.constant 0 : i32
    %cond3A_102 = arith.cmpi ne, %convert_element_type3A_100, %cond3A_101 : i32
    scf.if %cond3A_102 {
      "tpu.region"() ({
        %run_scoped3A = tpu.sem_alloc : memref<!tpu.dma_semaphore, #tpu.memory_space<semaphore_mem>>
        %dma_start3A_333 = arith.constant 0 : i32
        %dma_start3A_334 = tpu.memref_slice %arg11[%multiple_of3A_97, %dma_start3A_333] : memref<10000x32xf32, #tpu.memory_space<vmem_shared>> -> memref<80x32xf32, #tpu.memory_space<vmem_shared>>
        %dma_start3A_335 = arith.constant 0 : i32
        %dma_start3A_336 = tpu.memref_slice %arg11[%multiple_of3A_97, %dma_start3A_335] : memref<10000x32xf32, #tpu.memory_space<vmem_shared>> -> memref<80x32xf32, #tpu.memory_space<vmem_shared>>
        tpu.enqueue_dma source(%arg10 : memref<80x32xf32, #tpu.memory_space<vmem>>) target(%dma_start3A_336 : memref<80x32xf32, #tpu.memory_space<vmem_shared>>) target_semaphore(%run_scoped3A : memref<!tpu.dma_semaphore, #tpu.memory_space<semaphore_mem>>)
        %dma_wait3A_337 = arith.constant 0 : i32
        %dma_wait3A_338 = tpu.memref_slice %arg11[%multiple_of3A_97, %dma_wait3A_337] : memref<10000x32xf32, #tpu.memory_space<vmem_shared>> -> memref<80x32xf32, #tpu.memory_space<vmem_shared>>
        %dma_wait3A_339 = arith.constant 0 : i32
        %dma_wait3A_340 = tpu.memref_slice %arg11[%multiple_of3A_97, %dma_wait3A_339] : memref<10000x32xf32, #tpu.memory_space<vmem_shared>> -> memref<80x32xf32, #tpu.memory_space<vmem_shared>>
        tpu.wait_dma2 semaphore(%run_scoped3A : memref<!tpu.dma_semaphore, #tpu.memory_space<semaphore_mem>>) src(%arg10 : memref<80x32xf32, #tpu.memory_space<vmem>>) dst(%dma_wait3A_340 : memref<80x32xf32, #tpu.memory_space<vmem_shared>>)
        tpu.yield
      }) : () -> ()
    } else {
    }
    %add3A_103 = arith.constant 48 : i32
    %add3A_104 = arith.addi %add3A_103, %arg1 : i32
    %mul3A_105 = arith.constant 80 : i32
    %mul3A_106 = arith.muli %add3A_104, %mul3A_105 : i32
    %multiple_of3A_107 = tpu.assume_multiple %mul3A_106, 80 : i32
    %lt3A_108 = arith.constant 125 : i32
    %lt3A_109 = arith.cmpi slt, %add3A_104, %lt3A_108 : i32
    %convert_element_type3A_110 = arith.extui %lt3A_109 : i1 to i32
    %cond3A_111 = arith.constant 0 : i32
    %cond3A_112 = arith.cmpi ne, %convert_element_type3A_110, %cond3A_111 : i32
    scf.if %cond3A_112 {
      "tpu.region"() ({
        %run_scoped3A = tpu.sem_alloc : memref<!tpu.dma_semaphore, #tpu.memory_space<semaphore_mem>>
        %dma_start3A_333 = arith.constant 0 : i32
        %dma_start3A_334 = tpu.memref_slice %arg11[%multiple_of3A_107, %dma_start3A_333] : memref<10000x32xf32, #tpu.memory_space<vmem_shared>> -> memref<80x32xf32, #tpu.memory_space<vmem_shared>>
        %dma_start3A_335 = arith.constant 0 : i32
        %dma_start3A_336 = tpu.memref_slice %arg11[%multiple_of3A_107, %dma_start3A_335] : memref<10000x32xf32, #tpu.memory_space<vmem_shared>> -> memref<80x32xf32, #tpu.memory_space<vmem_shared>>
        tpu.enqueue_dma source(%arg10 : memref<80x32xf32, #tpu.memory_space<vmem>>) target(%dma_start3A_336 : memref<80x32xf32, #tpu.memory_space<vmem_shared>>) target_semaphore(%run_scoped3A : memref<!tpu.dma_semaphore, #tpu.memory_space<semaphore_mem>>)
        %dma_wait3A_337 = arith.constant 0 : i32
        %dma_wait3A_338 = tpu.memref_slice %arg11[%multiple_of3A_107, %dma_wait3A_337] : memref<10000x32xf32, #tpu.memory_space<vmem_shared>> -> memref<80x32xf32, #tpu.memory_space<vmem_shared>>
        %dma_wait3A_339 = arith.constant 0 : i32
        %dma_wait3A_340 = tpu.memref_slice %arg11[%multiple_of3A_107, %dma_wait3A_339] : memref<10000x32xf32, #tpu.memory_space<vmem_shared>> -> memref<80x32xf32, #tpu.memory_space<vmem_shared>>
        tpu.wait_dma2 semaphore(%run_scoped3A : memref<!tpu.dma_semaphore, #tpu.memory_space<semaphore_mem>>) src(%arg10 : memref<80x32xf32, #tpu.memory_space<vmem>>) dst(%dma_wait3A_340 : memref<80x32xf32, #tpu.memory_space<vmem_shared>>)
        tpu.yield
      }) : () -> ()
    } else {
    }
    %add3A_113 = arith.constant 64 : i32
    %add3A_114 = arith.addi %add3A_113, %arg1 : i32
    %mul3A_115 = arith.constant 80 : i32
    %mul3A_116 = arith.muli %add3A_114, %mul3A_115 : i32
    %multiple_of3A_117 = tpu.assume_multiple %mul3A_116, 80 : i32
    %lt3A_118 = arith.constant 125 : i32
    %lt3A_119 = arith.cmpi slt, %add3A_114, %lt3A_118 : i32
    %convert_element_type3A_120 = arith.extui %lt3A_119 : i1 to i32
    %cond3A_121 = arith.constant 0 : i32
    %cond3A_122 = arith.cmpi ne, %convert_element_type3A_120, %cond3A_121 : i32
    scf.if %cond3A_122 {
      "tpu.region"() ({
        %run_scoped3A = tpu.sem_alloc : memref<!tpu.dma_semaphore, #tpu.memory_space<semaphore_mem>>
        %dma_start3A_333 = arith.constant 0 : i32
        %dma_start3A_334 = tpu.memref_slice %arg11[%multiple_of3A_117, %dma_start3A_333] : memref<10000x32xf32, #tpu.memory_space<vmem_shared>> -> memref<80x32xf32, #tpu.memory_space<vmem_shared>>
        %dma_start3A_335 = arith.constant 0 : i32
        %dma_start3A_336 = tpu.memref_slice %arg11[%multiple_of3A_117, %dma_start3A_335] : memref<10000x32xf32, #tpu.memory_space<vmem_shared>> -> memref<80x32xf32, #tpu.memory_space<vmem_shared>>
        tpu.enqueue_dma source(%arg10 : memref<80x32xf32, #tpu.memory_space<vmem>>) target(%dma_start3A_336 : memref<80x32xf32, #tpu.memory_space<vmem_shared>>) target_semaphore(%run_scoped3A : memref<!tpu.dma_semaphore, #tpu.memory_space<semaphore_mem>>)
        %dma_wait3A_337 = arith.constant 0 : i32
        %dma_wait3A_338 = tpu.memref_slice %arg11[%multiple_of3A_117, %dma_wait3A_337] : memref<10000x32xf32, #tpu.memory_space<vmem_shared>> -> memref<80x32xf32, #tpu.memory_space<vmem_shared>>
        %dma_wait3A_339 = arith.constant 0 : i32
        %dma_wait3A_340 = tpu.memref_slice %arg11[%multiple_of3A_117, %dma_wait3A_339] : memref<10000x32xf32, #tpu.memory_space<vmem_shared>> -> memref<80x32xf32, #tpu.memory_space<vmem_shared>>
        tpu.wait_dma2 semaphore(%run_scoped3A : memref<!tpu.dma_semaphore, #tpu.memory_space<semaphore_mem>>) src(%arg10 : memref<80x32xf32, #tpu.memory_space<vmem>>) dst(%dma_wait3A_340 : memref<80x32xf32, #tpu.memory_space<vmem_shared>>)
        tpu.yield
      }) : () -> ()
    } else {
    }
    %add3A_123 = arith.constant 80 : i32
    %add3A_124 = arith.addi %add3A_123, %arg1 : i32
    %mul3A_125 = arith.constant 80 : i32
    %mul3A_126 = arith.muli %add3A_124, %mul3A_125 : i32
    %multiple_of3A_127 = tpu.assume_multiple %mul3A_126, 80 : i32
    %lt3A_128 = arith.constant 125 : i32
    %lt3A_129 = arith.cmpi slt, %add3A_124, %lt3A_128 : i32
    %convert_element_type3A_130 = arith.extui %lt3A_129 : i1 to i32
    %cond3A_131 = arith.constant 0 : i32
    %cond3A_132 = arith.cmpi ne, %convert_element_type3A_130, %cond3A_131 : i32
    scf.if %cond3A_132 {
      "tpu.region"() ({
        %run_scoped3A = tpu.sem_alloc : memref<!tpu.dma_semaphore, #tpu.memory_space<semaphore_mem>>
        %dma_start3A_333 = arith.constant 0 : i32
        %dma_start3A_334 = tpu.memref_slice %arg11[%multiple_of3A_127, %dma_start3A_333] : memref<10000x32xf32, #tpu.memory_space<vmem_shared>> -> memref<80x32xf32, #tpu.memory_space<vmem_shared>>
        %dma_start3A_335 = arith.constant 0 : i32
        %dma_start3A_336 = tpu.memref_slice %arg11[%multiple_of3A_127, %dma_start3A_335] : memref<10000x32xf32, #tpu.memory_space<vmem_shared>> -> memref<80x32xf32, #tpu.memory_space<vmem_shared>>
        tpu.enqueue_dma source(%arg10 : memref<80x32xf32, #tpu.memory_space<vmem>>) target(%dma_start3A_336 : memref<80x32xf32, #tpu.memory_space<vmem_shared>>) target_semaphore(%run_scoped3A : memref<!tpu.dma_semaphore, #tpu.memory_space<semaphore_mem>>)
        %dma_wait3A_337 = arith.constant 0 : i32
        %dma_wait3A_338 = tpu.memref_slice %arg11[%multiple_of3A_127, %dma_wait3A_337] : memref<10000x32xf32, #tpu.memory_space<vmem_shared>> -> memref<80x32xf32, #tpu.memory_space<vmem_shared>>
        %dma_wait3A_339 = arith.constant 0 : i32
        %dma_wait3A_340 = tpu.memref_slice %arg11[%multiple_of3A_127, %dma_wait3A_339] : memref<10000x32xf32, #tpu.memory_space<vmem_shared>> -> memref<80x32xf32, #tpu.memory_space<vmem_shared>>
        tpu.wait_dma2 semaphore(%run_scoped3A : memref<!tpu.dma_semaphore, #tpu.memory_space<semaphore_mem>>) src(%arg10 : memref<80x32xf32, #tpu.memory_space<vmem>>) dst(%dma_wait3A_340 : memref<80x32xf32, #tpu.memory_space<vmem_shared>>)
        tpu.yield
      }) : () -> ()
    } else {
    }
    %add3A_133 = arith.constant 96 : i32
    %add3A_134 = arith.addi %add3A_133, %arg1 : i32
    %mul3A_135 = arith.constant 80 : i32
    %mul3A_136 = arith.muli %add3A_134, %mul3A_135 : i32
    %multiple_of3A_137 = tpu.assume_multiple %mul3A_136, 80 : i32
    %lt3A_138 = arith.constant 125 : i32
    %lt3A_139 = arith.cmpi slt, %add3A_134, %lt3A_138 : i32
    %convert_element_type3A_140 = arith.extui %lt3A_139 : i1 to i32
    %cond3A_141 = arith.constant 0 : i32
    %cond3A_142 = arith.cmpi ne, %convert_element_type3A_140, %cond3A_141 : i32
    scf.if %cond3A_142 {
      "tpu.region"() ({
        %run_scoped3A = tpu.sem_alloc : memref<!tpu.dma_semaphore, #tpu.memory_space<semaphore_mem>>
        %dma_start3A_333 = arith.constant 0 : i32
        %dma_start3A_334 = tpu.memref_slice %arg11[%multiple_of3A_137, %dma_start3A_333] : memref<10000x32xf32, #tpu.memory_space<vmem_shared>> -> memref<80x32xf32, #tpu.memory_space<vmem_shared>>
        %dma_start3A_335 = arith.constant 0 : i32
        %dma_start3A_336 = tpu.memref_slice %arg11[%multiple_of3A_137, %dma_start3A_335] : memref<10000x32xf32, #tpu.memory_space<vmem_shared>> -> memref<80x32xf32, #tpu.memory_space<vmem_shared>>
        tpu.enqueue_dma source(%arg10 : memref<80x32xf32, #tpu.memory_space<vmem>>) target(%dma_start3A_336 : memref<80x32xf32, #tpu.memory_space<vmem_shared>>) target_semaphore(%run_scoped3A : memref<!tpu.dma_semaphore, #tpu.memory_space<semaphore_mem>>)
        %dma_wait3A_337 = arith.constant 0 : i32
        %dma_wait3A_338 = tpu.memref_slice %arg11[%multiple_of3A_137, %dma_wait3A_337] : memref<10000x32xf32, #tpu.memory_space<vmem_shared>> -> memref<80x32xf32, #tpu.memory_space<vmem_shared>>
        %dma_wait3A_339 = arith.constant 0 : i32
        %dma_wait3A_340 = tpu.memref_slice %arg11[%multiple_of3A_137, %dma_wait3A_339] : memref<10000x32xf32, #tpu.memory_space<vmem_shared>> -> memref<80x32xf32, #tpu.memory_space<vmem_shared>>
        tpu.wait_dma2 semaphore(%run_scoped3A : memref<!tpu.dma_semaphore, #tpu.memory_space<semaphore_mem>>) src(%arg10 : memref<80x32xf32, #tpu.memory_space<vmem>>) dst(%dma_wait3A_340 : memref<80x32xf32, #tpu.memory_space<vmem_shared>>)
        tpu.yield
      }) : () -> ()
    } else {
    }
    %add3A_143 = arith.constant 112 : i32
    %add3A_144 = arith.addi %add3A_143, %arg1 : i32
    %mul3A_145 = arith.constant 80 : i32
    %mul3A_146 = arith.muli %add3A_144, %mul3A_145 : i32
    %multiple_of3A_147 = tpu.assume_multiple %mul3A_146, 80 : i32
    %lt3A_148 = arith.constant 125 : i32
    %lt3A_149 = arith.cmpi slt, %add3A_144, %lt3A_148 : i32
    %convert_element_type3A_150 = arith.extui %lt3A_149 : i1 to i32
    %cond3A_151 = arith.constant 0 : i32
    %cond3A_152 = arith.cmpi ne, %convert_element_type3A_150, %cond3A_151 : i32
    scf.if %cond3A_152 {
      "tpu.region"() ({
        %run_scoped3A = tpu.sem_alloc : memref<!tpu.dma_semaphore, #tpu.memory_space<semaphore_mem>>
        %dma_start3A_333 = arith.constant 0 : i32
        %dma_start3A_334 = tpu.memref_slice %arg11[%multiple_of3A_147, %dma_start3A_333] : memref<10000x32xf32, #tpu.memory_space<vmem_shared>> -> memref<80x32xf32, #tpu.memory_space<vmem_shared>>
        %dma_start3A_335 = arith.constant 0 : i32
        %dma_start3A_336 = tpu.memref_slice %arg11[%multiple_of3A_147, %dma_start3A_335] : memref<10000x32xf32, #tpu.memory_space<vmem_shared>> -> memref<80x32xf32, #tpu.memory_space<vmem_shared>>
        tpu.enqueue_dma source(%arg10 : memref<80x32xf32, #tpu.memory_space<vmem>>) target(%dma_start3A_336 : memref<80x32xf32, #tpu.memory_space<vmem_shared>>) target_semaphore(%run_scoped3A : memref<!tpu.dma_semaphore, #tpu.memory_space<semaphore_mem>>)
        %dma_wait3A_337 = arith.constant 0 : i32
        %dma_wait3A_338 = tpu.memref_slice %arg11[%multiple_of3A_147, %dma_wait3A_337] : memref<10000x32xf32, #tpu.memory_space<vmem_shared>> -> memref<80x32xf32, #tpu.memory_space<vmem_shared>>
        %dma_wait3A_339 = arith.constant 0 : i32
        %dma_wait3A_340 = tpu.memref_slice %arg11[%multiple_of3A_147, %dma_wait3A_339] : memref<10000x32xf32, #tpu.memory_space<vmem_shared>> -> memref<80x32xf32, #tpu.memory_space<vmem_shared>>
        tpu.wait_dma2 semaphore(%run_scoped3A : memref<!tpu.dma_semaphore, #tpu.memory_space<semaphore_mem>>) src(%arg10 : memref<80x32xf32, #tpu.memory_space<vmem>>) dst(%dma_wait3A_340 : memref<80x32xf32, #tpu.memory_space<vmem_shared>>)
        tpu.yield
      }) : () -> ()
    } else {
    }
    %barrier3A = arith.constant 0 : index
    tpu.barrier barrier_id(%barrier3A)
    %mul3A_153 = arith.constant 125 : i32
    %mul3A_154 = arith.muli %arg0, %mul3A_153 : i32
    %add3A_155 = arith.constant 125 : i32
    %add3A_156 = arith.addi %mul3A_154, %add3A_155 : i32
    %scan3A_157 = arith.constant 0 : i32
    %scan3A_158 = arith.constant 0 : i32
    %scan3A_159 = arith.constant 50 : i32
    %scan3A_160 = arith.addi %scan3A_158, %scan3A_159 : i32
    %scan3A_161 = arith.constant 1 : i32
    scf.for %scan3A_333 = %scan3A_158 to %scan3A_160 step %scan3A_161  : i32 {
      %mul3A_334 = arith.constant 5 : i32
      %mul3A_335 = arith.muli %scan3A_333, %mul3A_334 : i32
      %add3A_336 = arith.constant 0 : i32
      %add3A_337 = arith.addi %mul3A_335, %add3A_336 : i32
      %dma_wait3A_338 = arith.constant 0 : i32
      %dma_wait3A_339 = arith.constant 0 : i32
      %dma_wait3A_340 = arith.constant 0 : i32
      %dma_wait3A_341 = arith.constant 0 : i32
      %dma_wait3A_342 = tpu.memref_slice %arg9[%dma_wait3A_338, %dma_wait3A_340, %dma_wait3A_341] : memref<5x80x32xf32, #tpu.memory_space<vmem>> -> memref<1x80x32xf32, #tpu.memory_space<vmem>>
      %dma_wait3A_343 = tpu.memref_squeeze %dma_wait3A_342 : memref<1x80x32xf32, #tpu.memory_space<vmem>> -> memref<80x32xf32, #tpu.memory_space<vmem>>
      %dma_wait3A_344 = arith.constant 0 : i32
      %dma_wait3A_345 = arith.constant 0 : i32
      %dma_wait3A_346 = tpu.memref_slice %arg2[%dma_wait3A_344, %dma_wait3A_345] : memref<20000x32xf32, #tpu.memory_space<hbm>> -> memref<80x32xf32, #tpu.memory_space<hbm>>
      %dma_wait3A_347 = tpu.memref_slice %arg12[%dma_wait3A_339] : memref<5x!tpu.dma_semaphore, #tpu.memory_space<semaphore_mem>> -> memref<1x!tpu.dma_semaphore, #tpu.memory_space<semaphore_mem>>
      %dma_wait3A_348 = tpu.memref_squeeze %dma_wait3A_347 : memref<1x!tpu.dma_semaphore, #tpu.memory_space<semaphore_mem>> -> memref<!tpu.dma_semaphore, #tpu.memory_space<semaphore_mem>>
      %dma_wait3A_349 = arith.constant 0 : i32
      %dma_wait3A_350 = arith.constant 0 : i32
      %dma_wait3A_351 = tpu.memref_slice %arg9[%dma_wait3A_338, %dma_wait3A_349, %dma_wait3A_350] : memref<5x80x32xf32, #tpu.memory_space<vmem>> -> memref<1x80x32xf32, #tpu.memory_space<vmem>>
      %dma_wait3A_352 = tpu.memref_squeeze %dma_wait3A_351 : memref<1x80x32xf32, #tpu.memory_space<vmem>> -> memref<80x32xf32, #tpu.memory_space<vmem>>
      %dma_wait3A_353 = arith.constant 0 : i32
      %dma_wait3A_354 = arith.constant 0 : i32
      %dma_wait3A_355 = tpu.memref_slice %arg2[%dma_wait3A_353, %dma_wait3A_354] : memref<20000x32xf32, #tpu.memory_space<hbm>> -> memref<80x32xf32, #tpu.memory_space<hbm>>
      tpu.wait_dma2 semaphore(%dma_wait3A_348 : memref<!tpu.dma_semaphore, #tpu.memory_space<semaphore_mem>>) src(%dma_wait3A_355 : memref<80x32xf32, #tpu.memory_space<hbm>>) dst(%dma_wait3A_352 : memref<80x32xf32, #tpu.memory_space<vmem>>)
      %dma_start3A_356 = arith.constant 0 : i32
      %dma_start3A_357 = arith.constant 0 : i32
      %dma_start3A_358 = arith.constant 0 : i32
      %dma_start3A_359 = arith.constant 0 : i32
      %dma_start3A_360 = tpu.memref_slice %arg9[%dma_start3A_356, %dma_start3A_358, %dma_start3A_359] : memref<5x80x32xf32, #tpu.memory_space<vmem>> -> memref<1x80x32xf32, #tpu.memory_space<vmem>>
      %dma_start3A_361 = tpu.memref_squeeze %dma_start3A_360 : memref<1x80x32xf32, #tpu.memory_space<vmem>> -> memref<80x32xf32, #tpu.memory_space<vmem>>
      %dma_start3A_362 = arith.constant 0 : i32
      %dma_start3A_363 = tpu.memref_slice %arg8[%add3A_337, %dma_start3A_362] : memref<250x80xi32, #tpu.memory_space<vmem>> -> memref<1x80xi32, #tpu.memory_space<vmem>>
      %dma_start3A_364 = tpu.memref_squeeze %dma_start3A_363 : memref<1x80xi32, #tpu.memory_space<vmem>> -> memref<80xi32, #tpu.memory_space<vmem>>
      %dma_start3A_365 = arith.constant 0 : i32
      %dma_start3A_366 = arith.constant 0 : i32
      %dma_start3A_367 = tpu.memref_slice %arg11[%dma_start3A_365, %dma_start3A_366] : memref<10000x32xf32, #tpu.memory_space<vmem_shared>> -> memref<10000x32xf32, #tpu.memory_space<vmem_shared>>
      %dma_start3A_368 = tpu.memref_slice %arg13[%dma_start3A_357] : memref<5x!tpu.dma_semaphore, #tpu.memory_space<semaphore_mem>> -> memref<1x!tpu.dma_semaphore, #tpu.memory_space<semaphore_mem>>
      %dma_start3A_369 = tpu.memref_squeeze %dma_start3A_368 : memref<1x!tpu.dma_semaphore, #tpu.memory_space<semaphore_mem>> -> memref<!tpu.dma_semaphore, #tpu.memory_space<semaphore_mem>>
      tpu.enqueue_indirect_dma source(%dma_start3A_361 : memref<80x32xf32, #tpu.memory_space<vmem>>) target(%dma_start3A_367 : memref<10000x32xf32, #tpu.memory_space<vmem_shared>>) offsets(%dma_start3A_364 : memref<80xi32, #tpu.memory_space<vmem>>) semaphore(%dma_start3A_369 : memref<!tpu.dma_semaphore, #tpu.memory_space<semaphore_mem>>) {add = true}
      %mul3A_370 = arith.constant 5 : i32
      %mul3A_371 = arith.muli %scan3A_333, %mul3A_370 : i32
      %add3A_372 = arith.constant 1 : i32
      %add3A_373 = arith.addi %mul3A_371, %add3A_372 : i32
      %dma_wait3A_374 = arith.constant 1 : i32
      %dma_wait3A_375 = arith.constant 1 : i32
      %dma_wait3A_376 = arith.constant 0 : i32
      %dma_wait3A_377 = arith.constant 0 : i32
      %dma_wait3A_378 = tpu.memref_slice %arg9[%dma_wait3A_374, %dma_wait3A_376, %dma_wait3A_377] : memref<5x80x32xf32, #tpu.memory_space<vmem>> -> memref<1x80x32xf32, #tpu.memory_space<vmem>>
      %dma_wait3A_379 = tpu.memref_squeeze %dma_wait3A_378 : memref<1x80x32xf32, #tpu.memory_space<vmem>> -> memref<80x32xf32, #tpu.memory_space<vmem>>
      %dma_wait3A_380 = arith.constant 0 : i32
      %dma_wait3A_381 = arith.constant 0 : i32
      %dma_wait3A_382 = tpu.memref_slice %arg2[%dma_wait3A_380, %dma_wait3A_381] : memref<20000x32xf32, #tpu.memory_space<hbm>> -> memref<80x32xf32, #tpu.memory_space<hbm>>
      %dma_wait3A_383 = tpu.memref_slice %arg12[%dma_wait3A_375] : memref<5x!tpu.dma_semaphore, #tpu.memory_space<semaphore_mem>> -> memref<1x!tpu.dma_semaphore, #tpu.memory_space<semaphore_mem>>
      %dma_wait3A_384 = tpu.memref_squeeze %dma_wait3A_383 : memref<1x!tpu.dma_semaphore, #tpu.memory_space<semaphore_mem>> -> memref<!tpu.dma_semaphore, #tpu.memory_space<semaphore_mem>>
      %dma_wait3A_385 = arith.constant 0 : i32
      %dma_wait3A_386 = arith.constant 0 : i32
      %dma_wait3A_387 = tpu.memref_slice %arg9[%dma_wait3A_374, %dma_wait3A_385, %dma_wait3A_386] : memref<5x80x32xf32, #tpu.memory_space<vmem>> -> memref<1x80x32xf32, #tpu.memory_space<vmem>>
      %dma_wait3A_388 = tpu.memref_squeeze %dma_wait3A_387 : memref<1x80x32xf32, #tpu.memory_space<vmem>> -> memref<80x32xf32, #tpu.memory_space<vmem>>
      %dma_wait3A_389 = arith.constant 0 : i32
      %dma_wait3A_390 = arith.constant 0 : i32
      %dma_wait3A_391 = tpu.memref_slice %arg2[%dma_wait3A_389, %dma_wait3A_390] : memref<20000x32xf32, #tpu.memory_space<hbm>> -> memref<80x32xf32, #tpu.memory_space<hbm>>
      tpu.wait_dma2 semaphore(%dma_wait3A_384 : memref<!tpu.dma_semaphore, #tpu.memory_space<semaphore_mem>>) src(%dma_wait3A_391 : memref<80x32xf32, #tpu.memory_space<hbm>>) dst(%dma_wait3A_388 : memref<80x32xf32, #tpu.memory_space<vmem>>)
      %dma_start3A_392 = arith.constant 1 : i32
      %dma_start3A_393 = arith.constant 1 : i32
      %dma_start3A_394 = arith.constant 0 : i32
      %dma_start3A_395 = arith.constant 0 : i32
      %dma_start3A_396 = tpu.memref_slice %arg9[%dma_start3A_392, %dma_start3A_394, %dma_start3A_395] : memref<5x80x32xf32, #tpu.memory_space<vmem>> -> memref<1x80x32xf32, #tpu.memory_space<vmem>>
      %dma_start3A_397 = tpu.memref_squeeze %dma_start3A_396 : memref<1x80x32xf32, #tpu.memory_space<vmem>> -> memref<80x32xf32, #tpu.memory_space<vmem>>
      %dma_start3A_398 = arith.constant 0 : i32
      %dma_start3A_399 = tpu.memref_slice %arg8[%add3A_373, %dma_start3A_398] : memref<250x80xi32, #tpu.memory_space<vmem>> -> memref<1x80xi32, #tpu.memory_space<vmem>>
      %dma_start3A_400 = tpu.memref_squeeze %dma_start3A_399 : memref<1x80xi32, #tpu.memory_space<vmem>> -> memref<80xi32, #tpu.memory_space<vmem>>
      %dma_start3A_401 = arith.constant 0 : i32
      %dma_start3A_402 = arith.constant 0 : i32
      %dma_start3A_403 = tpu.memref_slice %arg11[%dma_start3A_401, %dma_start3A_402] : memref<10000x32xf32, #tpu.memory_space<vmem_shared>> -> memref<10000x32xf32, #tpu.memory_space<vmem_shared>>
      %dma_start3A_404 = tpu.memref_slice %arg13[%dma_start3A_393] : memref<5x!tpu.dma_semaphore, #tpu.memory_space<semaphore_mem>> -> memref<1x!tpu.dma_semaphore, #tpu.memory_space<semaphore_mem>>
      %dma_start3A_405 = tpu.memref_squeeze %dma_start3A_404 : memref<1x!tpu.dma_semaphore, #tpu.memory_space<semaphore_mem>> -> memref<!tpu.dma_semaphore, #tpu.memory_space<semaphore_mem>>
      tpu.enqueue_indirect_dma source(%dma_start3A_397 : memref<80x32xf32, #tpu.memory_space<vmem>>) target(%dma_start3A_403 : memref<10000x32xf32, #tpu.memory_space<vmem_shared>>) offsets(%dma_start3A_400 : memref<80xi32, #tpu.memory_space<vmem>>) semaphore(%dma_start3A_405 : memref<!tpu.dma_semaphore, #tpu.memory_space<semaphore_mem>>) {add = true}
      %mul3A_406 = arith.constant 5 : i32
      %mul3A_407 = arith.muli %scan3A_333, %mul3A_406 : i32
      %add3A_408 = arith.constant 2 : i32
      %add3A_409 = arith.addi %mul3A_407, %add3A_408 : i32
      %dma_wait3A_410 = arith.constant 2 : i32
      %dma_wait3A_411 = arith.constant 2 : i32
      %dma_wait3A_412 = arith.constant 0 : i32
      %dma_wait3A_413 = arith.constant 0 : i32
      %dma_wait3A_414 = tpu.memref_slice %arg9[%dma_wait3A_410, %dma_wait3A_412, %dma_wait3A_413] : memref<5x80x32xf32, #tpu.memory_space<vmem>> -> memref<1x80x32xf32, #tpu.memory_space<vmem>>
      %dma_wait3A_415 = tpu.memref_squeeze %dma_wait3A_414 : memref<1x80x32xf32, #tpu.memory_space<vmem>> -> memref<80x32xf32, #tpu.memory_space<vmem>>
      %dma_wait3A_416 = arith.constant 0 : i32
      %dma_wait3A_417 = arith.constant 0 : i32
      %dma_wait3A_418 = tpu.memref_slice %arg2[%dma_wait3A_416, %dma_wait3A_417] : memref<20000x32xf32, #tpu.memory_space<hbm>> -> memref<80x32xf32, #tpu.memory_space<hbm>>
      %dma_wait3A_419 = tpu.memref_slice %arg12[%dma_wait3A_411] : memref<5x!tpu.dma_semaphore, #tpu.memory_space<semaphore_mem>> -> memref<1x!tpu.dma_semaphore, #tpu.memory_space<semaphore_mem>>
      %dma_wait3A_420 = tpu.memref_squeeze %dma_wait3A_419 : memref<1x!tpu.dma_semaphore, #tpu.memory_space<semaphore_mem>> -> memref<!tpu.dma_semaphore, #tpu.memory_space<semaphore_mem>>
      %dma_wait3A_421 = arith.constant 0 : i32
      %dma_wait3A_422 = arith.constant 0 : i32
      %dma_wait3A_423 = tpu.memref_slice %arg9[%dma_wait3A_410, %dma_wait3A_421, %dma_wait3A_422] : memref<5x80x32xf32, #tpu.memory_space<vmem>> -> memref<1x80x32xf32, #tpu.memory_space<vmem>>
      %dma_wait3A_424 = tpu.memref_squeeze %dma_wait3A_423 : memref<1x80x32xf32, #tpu.memory_space<vmem>> -> memref<80x32xf32, #tpu.memory_space<vmem>>
      %dma_wait3A_425 = arith.constant 0 : i32
      %dma_wait3A_426 = arith.constant 0 : i32
      %dma_wait3A_427 = tpu.memref_slice %arg2[%dma_wait3A_425, %dma_wait3A_426] : memref<20000x32xf32, #tpu.memory_space<hbm>> -> memref<80x32xf32, #tpu.memory_space<hbm>>
      tpu.wait_dma2 semaphore(%dma_wait3A_420 : memref<!tpu.dma_semaphore, #tpu.memory_space<semaphore_mem>>) src(%dma_wait3A_427 : memref<80x32xf32, #tpu.memory_space<hbm>>) dst(%dma_wait3A_424 : memref<80x32xf32, #tpu.memory_space<vmem>>)
      %dma_start3A_428 = arith.constant 2 : i32
      %dma_start3A_429 = arith.constant 2 : i32
      %dma_start3A_430 = arith.constant 0 : i32
      %dma_start3A_431 = arith.constant 0 : i32
      %dma_start3A_432 = tpu.memref_slice %arg9[%dma_start3A_428, %dma_start3A_430, %dma_start3A_431] : memref<5x80x32xf32, #tpu.memory_space<vmem>> -> memref<1x80x32xf32, #tpu.memory_space<vmem>>
      %dma_start3A_433 = tpu.memref_squeeze %dma_start3A_432 : memref<1x80x32xf32, #tpu.memory_space<vmem>> -> memref<80x32xf32, #tpu.memory_space<vmem>>
      %dma_start3A_434 = arith.constant 0 : i32
      %dma_start3A_435 = tpu.memref_slice %arg8[%add3A_409, %dma_start3A_434] : memref<250x80xi32, #tpu.memory_space<vmem>> -> memref<1x80xi32, #tpu.memory_space<vmem>>
      %dma_start3A_436 = tpu.memref_squeeze %dma_start3A_435 : memref<1x80xi32, #tpu.memory_space<vmem>> -> memref<80xi32, #tpu.memory_space<vmem>>
      %dma_start3A_437 = arith.constant 0 : i32
      %dma_start3A_438 = arith.constant 0 : i32
      %dma_start3A_439 = tpu.memref_slice %arg11[%dma_start3A_437, %dma_start3A_438] : memref<10000x32xf32, #tpu.memory_space<vmem_shared>> -> memref<10000x32xf32, #tpu.memory_space<vmem_shared>>
      %dma_start3A_440 = tpu.memref_slice %arg13[%dma_start3A_429] : memref<5x!tpu.dma_semaphore, #tpu.memory_space<semaphore_mem>> -> memref<1x!tpu.dma_semaphore, #tpu.memory_space<semaphore_mem>>
      %dma_start3A_441 = tpu.memref_squeeze %dma_start3A_440 : memref<1x!tpu.dma_semaphore, #tpu.memory_space<semaphore_mem>> -> memref<!tpu.dma_semaphore, #tpu.memory_space<semaphore_mem>>
      tpu.enqueue_indirect_dma source(%dma_start3A_433 : memref<80x32xf32, #tpu.memory_space<vmem>>) target(%dma_start3A_439 : memref<10000x32xf32, #tpu.memory_space<vmem_shared>>) offsets(%dma_start3A_436 : memref<80xi32, #tpu.memory_space<vmem>>) semaphore(%dma_start3A_441 : memref<!tpu.dma_semaphore, #tpu.memory_space<semaphore_mem>>) {add = true}
      %mul3A_442 = arith.constant 5 : i32
      %mul3A_443 = arith.muli %scan3A_333, %mul3A_442 : i32
      %add3A_444 = arith.constant 3 : i32
      %add3A_445 = arith.addi %mul3A_443, %add3A_444 : i32
      %dma_wait3A_446 = arith.constant 3 : i32
      %dma_wait3A_447 = arith.constant 3 : i32
      %dma_wait3A_448 = arith.constant 0 : i32
      %dma_wait3A_449 = arith.constant 0 : i32
      %dma_wait3A_450 = tpu.memref_slice %arg9[%dma_wait3A_446, %dma_wait3A_448, %dma_wait3A_449] : memref<5x80x32xf32, #tpu.memory_space<vmem>> -> memref<1x80x32xf32, #tpu.memory_space<vmem>>
      %dma_wait3A_451 = tpu.memref_squeeze %dma_wait3A_450 : memref<1x80x32xf32, #tpu.memory_space<vmem>> -> memref<80x32xf32, #tpu.memory_space<vmem>>
      %dma_wait3A_452 = arith.constant 0 : i32
      %dma_wait3A_453 = arith.constant 0 : i32
      %dma_wait3A_454 = tpu.memref_slice %arg2[%dma_wait3A_452, %dma_wait3A_453] : memref<20000x32xf32, #tpu.memory_space<hbm>> -> memref<80x32xf32, #tpu.memory_space<hbm>>
      %dma_wait3A_455 = tpu.memref_slice %arg12[%dma_wait3A_447] : memref<5x!tpu.dma_semaphore, #tpu.memory_space<semaphore_mem>> -> memref<1x!tpu.dma_semaphore, #tpu.memory_space<semaphore_mem>>
      %dma_wait3A_456 = tpu.memref_squeeze %dma_wait3A_455 : memref<1x!tpu.dma_semaphore, #tpu.memory_space<semaphore_mem>> -> memref<!tpu.dma_semaphore, #tpu.memory_space<semaphore_mem>>
      %dma_wait3A_457 = arith.constant 0 : i32
      %dma_wait3A_458 = arith.constant 0 : i32
      %dma_wait3A_459 = tpu.memref_slice %arg9[%dma_wait3A_446, %dma_wait3A_457, %dma_wait3A_458] : memref<5x80x32xf32, #tpu.memory_space<vmem>> -> memref<1x80x32xf32, #tpu.memory_space<vmem>>
      %dma_wait3A_460 = tpu.memref_squeeze %dma_wait3A_459 : memref<1x80x32xf32, #tpu.memory_space<vmem>> -> memref<80x32xf32, #tpu.memory_space<vmem>>
      %dma_wait3A_461 = arith.constant 0 : i32
      %dma_wait3A_462 = arith.constant 0 : i32
      %dma_wait3A_463 = tpu.memref_slice %arg2[%dma_wait3A_461, %dma_wait3A_462] : memref<20000x32xf32, #tpu.memory_space<hbm>> -> memref<80x32xf32, #tpu.memory_space<hbm>>
      tpu.wait_dma2 semaphore(%dma_wait3A_456 : memref<!tpu.dma_semaphore, #tpu.memory_space<semaphore_mem>>) src(%dma_wait3A_463 : memref<80x32xf32, #tpu.memory_space<hbm>>) dst(%dma_wait3A_460 : memref<80x32xf32, #tpu.memory_space<vmem>>)
      %dma_start3A_464 = arith.constant 3 : i32
      %dma_start3A_465 = arith.constant 3 : i32
      %dma_start3A_466 = arith.constant 0 : i32
      %dma_start3A_467 = arith.constant 0 : i32
      %dma_start3A_468 = tpu.memref_slice %arg9[%dma_start3A_464, %dma_start3A_466, %dma_start3A_467] : memref<5x80x32xf32, #tpu.memory_space<vmem>> -> memref<1x80x32xf32, #tpu.memory_space<vmem>>
      %dma_start3A_469 = tpu.memref_squeeze %dma_start3A_468 : memref<1x80x32xf32, #tpu.memory_space<vmem>> -> memref<80x32xf32, #tpu.memory_space<vmem>>
      %dma_start3A_470 = arith.constant 0 : i32
      %dma_start3A_471 = tpu.memref_slice %arg8[%add3A_445, %dma_start3A_470] : memref<250x80xi32, #tpu.memory_space<vmem>> -> memref<1x80xi32, #tpu.memory_space<vmem>>
      %dma_start3A_472 = tpu.memref_squeeze %dma_start3A_471 : memref<1x80xi32, #tpu.memory_space<vmem>> -> memref<80xi32, #tpu.memory_space<vmem>>
      %dma_start3A_473 = arith.constant 0 : i32
      %dma_start3A_474 = arith.constant 0 : i32
      %dma_start3A_475 = tpu.memref_slice %arg11[%dma_start3A_473, %dma_start3A_474] : memref<10000x32xf32, #tpu.memory_space<vmem_shared>> -> memref<10000x32xf32, #tpu.memory_space<vmem_shared>>
      %dma_start3A_476 = tpu.memref_slice %arg13[%dma_start3A_465] : memref<5x!tpu.dma_semaphore, #tpu.memory_space<semaphore_mem>> -> memref<1x!tpu.dma_semaphore, #tpu.memory_space<semaphore_mem>>
      %dma_start3A_477 = tpu.memref_squeeze %dma_start3A_476 : memref<1x!tpu.dma_semaphore, #tpu.memory_space<semaphore_mem>> -> memref<!tpu.dma_semaphore, #tpu.memory_space<semaphore_mem>>
      tpu.enqueue_indirect_dma source(%dma_start3A_469 : memref<80x32xf32, #tpu.memory_space<vmem>>) target(%dma_start3A_475 : memref<10000x32xf32, #tpu.memory_space<vmem_shared>>) offsets(%dma_start3A_472 : memref<80xi32, #tpu.memory_space<vmem>>) semaphore(%dma_start3A_477 : memref<!tpu.dma_semaphore, #tpu.memory_space<semaphore_mem>>) {add = true}
      %mul3A_478 = arith.constant 5 : i32
      %mul3A_479 = arith.muli %scan3A_333, %mul3A_478 : i32
      %add3A_480 = arith.constant 4 : i32
      %add3A_481 = arith.addi %mul3A_479, %add3A_480 : i32
      %dma_wait3A_482 = arith.constant 4 : i32
      %dma_wait3A_483 = arith.constant 4 : i32
      %dma_wait3A_484 = arith.constant 0 : i32
      %dma_wait3A_485 = arith.constant 0 : i32
      %dma_wait3A_486 = tpu.memref_slice %arg9[%dma_wait3A_482, %dma_wait3A_484, %dma_wait3A_485] : memref<5x80x32xf32, #tpu.memory_space<vmem>> -> memref<1x80x32xf32, #tpu.memory_space<vmem>>
      %dma_wait3A_487 = tpu.memref_squeeze %dma_wait3A_486 : memref<1x80x32xf32, #tpu.memory_space<vmem>> -> memref<80x32xf32, #tpu.memory_space<vmem>>
      %dma_wait3A_488 = arith.constant 0 : i32
      %dma_wait3A_489 = arith.constant 0 : i32
      %dma_wait3A_490 = tpu.memref_slice %arg2[%dma_wait3A_488, %dma_wait3A_489] : memref<20000x32xf32, #tpu.memory_space<hbm>> -> memref<80x32xf32, #tpu.memory_space<hbm>>
      %dma_wait3A_491 = tpu.memref_slice %arg12[%dma_wait3A_483] : memref<5x!tpu.dma_semaphore, #tpu.memory_space<semaphore_mem>> -> memref<1x!tpu.dma_semaphore, #tpu.memory_space<semaphore_mem>>
      %dma_wait3A_492 = tpu.memref_squeeze %dma_wait3A_491 : memref<1x!tpu.dma_semaphore, #tpu.memory_space<semaphore_mem>> -> memref<!tpu.dma_semaphore, #tpu.memory_space<semaphore_mem>>
      %dma_wait3A_493 = arith.constant 0 : i32
      %dma_wait3A_494 = arith.constant 0 : i32
      %dma_wait3A_495 = tpu.memref_slice %arg9[%dma_wait3A_482, %dma_wait3A_493, %dma_wait3A_494] : memref<5x80x32xf32, #tpu.memory_space<vmem>> -> memref<1x80x32xf32, #tpu.memory_space<vmem>>
      %dma_wait3A_496 = tpu.memref_squeeze %dma_wait3A_495 : memref<1x80x32xf32, #tpu.memory_space<vmem>> -> memref<80x32xf32, #tpu.memory_space<vmem>>
      %dma_wait3A_497 = arith.constant 0 : i32
      %dma_wait3A_498 = arith.constant 0 : i32
      %dma_wait3A_499 = tpu.memref_slice %arg2[%dma_wait3A_497, %dma_wait3A_498] : memref<20000x32xf32, #tpu.memory_space<hbm>> -> memref<80x32xf32, #tpu.memory_space<hbm>>
      tpu.wait_dma2 semaphore(%dma_wait3A_492 : memref<!tpu.dma_semaphore, #tpu.memory_space<semaphore_mem>>) src(%dma_wait3A_499 : memref<80x32xf32, #tpu.memory_space<hbm>>) dst(%dma_wait3A_496 : memref<80x32xf32, #tpu.memory_space<vmem>>)
      %dma_start3A_500 = arith.constant 4 : i32
      %dma_start3A_501 = arith.constant 4 : i32
      %dma_start3A_502 = arith.constant 0 : i32
      %dma_start3A_503 = arith.constant 0 : i32
      %dma_start3A_504 = tpu.memref_slice %arg9[%dma_start3A_500, %dma_start3A_502, %dma_start3A_503] : memref<5x80x32xf32, #tpu.memory_space<vmem>> -> memref<1x80x32xf32, #tpu.memory_space<vmem>>
      %dma_start3A_505 = tpu.memref_squeeze %dma_start3A_504 : memref<1x80x32xf32, #tpu.memory_space<vmem>> -> memref<80x32xf32, #tpu.memory_space<vmem>>
      %dma_start3A_506 = arith.constant 0 : i32
      %dma_start3A_507 = tpu.memref_slice %arg8[%add3A_481, %dma_start3A_506] : memref<250x80xi32, #tpu.memory_space<vmem>> -> memref<1x80xi32, #tpu.memory_space<vmem>>
      %dma_start3A_508 = tpu.memref_squeeze %dma_start3A_507 : memref<1x80xi32, #tpu.memory_space<vmem>> -> memref<80xi32, #tpu.memory_space<vmem>>
      %dma_start3A_509 = arith.constant 0 : i32
      %dma_start3A_510 = arith.constant 0 : i32
      %dma_start3A_511 = tpu.memref_slice %arg11[%dma_start3A_509, %dma_start3A_510] : memref<10000x32xf32, #tpu.memory_space<vmem_shared>> -> memref<10000x32xf32, #tpu.memory_space<vmem_shared>>
      %dma_start3A_512 = tpu.memref_slice %arg13[%dma_start3A_501] : memref<5x!tpu.dma_semaphore, #tpu.memory_space<semaphore_mem>> -> memref<1x!tpu.dma_semaphore, #tpu.memory_space<semaphore_mem>>
      %dma_start3A_513 = tpu.memref_squeeze %dma_start3A_512 : memref<1x!tpu.dma_semaphore, #tpu.memory_space<semaphore_mem>> -> memref<!tpu.dma_semaphore, #tpu.memory_space<semaphore_mem>>
      tpu.enqueue_indirect_dma source(%dma_start3A_505 : memref<80x32xf32, #tpu.memory_space<vmem>>) target(%dma_start3A_511 : memref<10000x32xf32, #tpu.memory_space<vmem_shared>>) offsets(%dma_start3A_508 : memref<80xi32, #tpu.memory_space<vmem>>) semaphore(%dma_start3A_513 : memref<!tpu.dma_semaphore, #tpu.memory_space<semaphore_mem>>) {add = true}
      %lt3A_514 = arith.constant 49 : i32
      %lt3A_515 = arith.cmpi slt, %scan3A_333, %lt3A_514 : i32
      %convert_element_type3A_516 = arith.extui %lt3A_515 : i1 to i32
      %cond3A_517 = arith.constant 0 : i32
      %cond3A_518 = arith.cmpi ne, %convert_element_type3A_516, %cond3A_517 : i32
      scf.if %cond3A_518 {
        %mul3A_519 = arith.constant 5 : i32
        %mul3A_520 = arith.muli %scan3A_333, %mul3A_519 : i32
        %add3A_521 = arith.constant 0 : i32
        %add3A_522 = arith.addi %mul3A_520, %add3A_521 : i32
        %dma_wait3A_523 = arith.constant 0 : i32
        %dma_wait3A_524 = arith.constant 0 : i32
        %dma_wait3A_525 = arith.constant 0 : i32
        %dma_wait3A_526 = arith.constant 0 : i32
        %dma_wait3A_527 = tpu.memref_slice %arg9[%dma_wait3A_523, %dma_wait3A_525, %dma_wait3A_526] : memref<5x80x32xf32, #tpu.memory_space<vmem>> -> memref<1x80x32xf32, #tpu.memory_space<vmem>>
        %dma_wait3A_528 = tpu.memref_squeeze %dma_wait3A_527 : memref<1x80x32xf32, #tpu.memory_space<vmem>> -> memref<80x32xf32, #tpu.memory_space<vmem>>
        %dma_wait3A_529 = arith.constant 0 : i32
        %dma_wait3A_530 = arith.constant 0 : i32
        %dma_wait3A_531 = tpu.memref_slice %arg2[%dma_wait3A_529, %dma_wait3A_530] : memref<20000x32xf32, #tpu.memory_space<hbm>> -> memref<80x32xf32, #tpu.memory_space<hbm>>
        %dma_wait3A_532 = tpu.memref_slice %arg13[%dma_wait3A_524] : memref<5x!tpu.dma_semaphore, #tpu.memory_space<semaphore_mem>> -> memref<1x!tpu.dma_semaphore, #tpu.memory_space<semaphore_mem>>
        %dma_wait3A_533 = tpu.memref_squeeze %dma_wait3A_532 : memref<1x!tpu.dma_semaphore, #tpu.memory_space<semaphore_mem>> -> memref<!tpu.dma_semaphore, #tpu.memory_space<semaphore_mem>>
        %dma_wait3A_534 = arith.constant 0 : i32
        %dma_wait3A_535 = arith.constant 0 : i32
        %dma_wait3A_536 = tpu.memref_slice %arg9[%dma_wait3A_523, %dma_wait3A_534, %dma_wait3A_535] : memref<5x80x32xf32, #tpu.memory_space<vmem>> -> memref<1x80x32xf32, #tpu.memory_space<vmem>>
        %dma_wait3A_537 = tpu.memref_squeeze %dma_wait3A_536 : memref<1x80x32xf32, #tpu.memory_space<vmem>> -> memref<80x32xf32, #tpu.memory_space<vmem>>
        %dma_wait3A_538 = arith.constant 0 : i32
        %dma_wait3A_539 = arith.constant 0 : i32
        %dma_wait3A_540 = tpu.memref_slice %arg2[%dma_wait3A_538, %dma_wait3A_539] : memref<20000x32xf32, #tpu.memory_space<hbm>> -> memref<80x32xf32, #tpu.memory_space<hbm>>
        tpu.wait_dma2 semaphore(%dma_wait3A_533 : memref<!tpu.dma_semaphore, #tpu.memory_space<semaphore_mem>>) src(%dma_wait3A_540 : memref<80x32xf32, #tpu.memory_space<hbm>>) dst(%dma_wait3A_537 : memref<80x32xf32, #tpu.memory_space<vmem>>)
        %add3A_541 = arith.constant 5 : i32
        %add3A_542 = arith.addi %add3A_522, %add3A_541 : i32
        %dma_start3A_543 = arith.constant 0 : i32
        %dma_start3A_544 = arith.constant 0 : i32
        %dma_start3A_545 = arith.constant 0 : i32
        %dma_start3A_546 = arith.constant 0 : i32
        %dma_start3A_547 = tpu.memref_slice %arg9[%dma_start3A_543, %dma_start3A_545, %dma_start3A_546] : memref<5x80x32xf32, #tpu.memory_space<vmem>> -> memref<1x80x32xf32, #tpu.memory_space<vmem>>
        %dma_start3A_548 = tpu.memref_squeeze %dma_start3A_547 : memref<1x80x32xf32, #tpu.memory_space<vmem>> -> memref<80x32xf32, #tpu.memory_space<vmem>>
        %dma_start3A_549 = arith.constant 0 : i32
        %dma_start3A_550 = tpu.memref_slice %arg7[%add3A_542, %dma_start3A_549] : memref<250x80xi32, #tpu.memory_space<vmem>> -> memref<1x80xi32, #tpu.memory_space<vmem>>
        %dma_start3A_551 = tpu.memref_squeeze %dma_start3A_550 : memref<1x80xi32, #tpu.memory_space<vmem>> -> memref<80xi32, #tpu.memory_space<vmem>>
        %dma_start3A_552 = arith.constant 0 : i32
        %dma_start3A_553 = arith.constant 0 : i32
        %dma_start3A_554 = tpu.memref_slice %arg2[%dma_start3A_552, %dma_start3A_553] : memref<20000x32xf32, #tpu.memory_space<hbm>> -> memref<20000x32xf32, #tpu.memory_space<hbm>>
        %dma_start3A_555 = tpu.memref_slice %arg12[%dma_start3A_544] : memref<5x!tpu.dma_semaphore, #tpu.memory_space<semaphore_mem>> -> memref<1x!tpu.dma_semaphore, #tpu.memory_space<semaphore_mem>>
        %dma_start3A_556 = tpu.memref_squeeze %dma_start3A_555 : memref<1x!tpu.dma_semaphore, #tpu.memory_space<semaphore_mem>> -> memref<!tpu.dma_semaphore, #tpu.memory_space<semaphore_mem>>
        tpu.enqueue_indirect_dma source(%dma_start3A_554 : memref<20000x32xf32, #tpu.memory_space<hbm>>) target(%dma_start3A_548 : memref<80x32xf32, #tpu.memory_space<vmem>>) offsets(%dma_start3A_551 : memref<80xi32, #tpu.memory_space<vmem>>) semaphore(%dma_start3A_556 : memref<!tpu.dma_semaphore, #tpu.memory_space<semaphore_mem>>)
        %mul3A_557 = arith.constant 5 : i32
        %mul3A_558 = arith.muli %scan3A_333, %mul3A_557 : i32
        %add3A_559 = arith.constant 1 : i32
        %add3A_560 = arith.addi %mul3A_558, %add3A_559 : i32
        %dma_wait3A_561 = arith.constant 1 : i32
        %dma_wait3A_562 = arith.constant 1 : i32
        %dma_wait3A_563 = arith.constant 0 : i32
        %dma_wait3A_564 = arith.constant 0 : i32
        %dma_wait3A_565 = tpu.memref_slice %arg9[%dma_wait3A_561, %dma_wait3A_563, %dma_wait3A_564] : memref<5x80x32xf32, #tpu.memory_space<vmem>> -> memref<1x80x32xf32, #tpu.memory_space<vmem>>
        %dma_wait3A_566 = tpu.memref_squeeze %dma_wait3A_565 : memref<1x80x32xf32, #tpu.memory_space<vmem>> -> memref<80x32xf32, #tpu.memory_space<vmem>>
        %dma_wait3A_567 = arith.constant 0 : i32
        %dma_wait3A_568 = arith.constant 0 : i32
        %dma_wait3A_569 = tpu.memref_slice %arg2[%dma_wait3A_567, %dma_wait3A_568] : memref<20000x32xf32, #tpu.memory_space<hbm>> -> memref<80x32xf32, #tpu.memory_space<hbm>>
        %dma_wait3A_570 = tpu.memref_slice %arg13[%dma_wait3A_562] : memref<5x!tpu.dma_semaphore, #tpu.memory_space<semaphore_mem>> -> memref<1x!tpu.dma_semaphore, #tpu.memory_space<semaphore_mem>>
        %dma_wait3A_571 = tpu.memref_squeeze %dma_wait3A_570 : memref<1x!tpu.dma_semaphore, #tpu.memory_space<semaphore_mem>> -> memref<!tpu.dma_semaphore, #tpu.memory_space<semaphore_mem>>
        %dma_wait3A_572 = arith.constant 0 : i32
        %dma_wait3A_573 = arith.constant 0 : i32
        %dma_wait3A_574 = tpu.memref_slice %arg9[%dma_wait3A_561, %dma_wait3A_572, %dma_wait3A_573] : memref<5x80x32xf32, #tpu.memory_space<vmem>> -> memref<1x80x32xf32, #tpu.memory_space<vmem>>
        %dma_wait3A_575 = tpu.memref_squeeze %dma_wait3A_574 : memref<1x80x32xf32, #tpu.memory_space<vmem>> -> memref<80x32xf32, #tpu.memory_space<vmem>>
        %dma_wait3A_576 = arith.constant 0 : i32
        %dma_wait3A_577 = arith.constant 0 : i32
        %dma_wait3A_578 = tpu.memref_slice %arg2[%dma_wait3A_576, %dma_wait3A_577] : memref<20000x32xf32, #tpu.memory_space<hbm>> -> memref<80x32xf32, #tpu.memory_space<hbm>>
        tpu.wait_dma2 semaphore(%dma_wait3A_571 : memref<!tpu.dma_semaphore, #tpu.memory_space<semaphore_mem>>) src(%dma_wait3A_578 : memref<80x32xf32, #tpu.memory_space<hbm>>) dst(%dma_wait3A_575 : memref<80x32xf32, #tpu.memory_space<vmem>>)
        %add3A_579 = arith.constant 5 : i32
        %add3A_580 = arith.addi %add3A_560, %add3A_579 : i32
        %dma_start3A_581 = arith.constant 1 : i32
        %dma_start3A_582 = arith.constant 1 : i32
        %dma_start3A_583 = arith.constant 0 : i32
        %dma_start3A_584 = arith.constant 0 : i32
        %dma_start3A_585 = tpu.memref_slice %arg9[%dma_start3A_581, %dma_start3A_583, %dma_start3A_584] : memref<5x80x32xf32, #tpu.memory_space<vmem>> -> memref<1x80x32xf32, #tpu.memory_space<vmem>>
        %dma_start3A_586 = tpu.memref_squeeze %dma_start3A_585 : memref<1x80x32xf32, #tpu.memory_space<vmem>> -> memref<80x32xf32, #tpu.memory_space<vmem>>
        %dma_start3A_587 = arith.constant 0 : i32
        %dma_start3A_588 = tpu.memref_slice %arg7[%add3A_580, %dma_start3A_587] : memref<250x80xi32, #tpu.memory_space<vmem>> -> memref<1x80xi32, #tpu.memory_space<vmem>>
        %dma_start3A_589 = tpu.memref_squeeze %dma_start3A_588 : memref<1x80xi32, #tpu.memory_space<vmem>> -> memref<80xi32, #tpu.memory_space<vmem>>
        %dma_start3A_590 = arith.constant 0 : i32
        %dma_start3A_591 = arith.constant 0 : i32
        %dma_start3A_592 = tpu.memref_slice %arg2[%dma_start3A_590, %dma_start3A_591] : memref<20000x32xf32, #tpu.memory_space<hbm>> -> memref<20000x32xf32, #tpu.memory_space<hbm>>
        %dma_start3A_593 = tpu.memref_slice %arg12[%dma_start3A_582] : memref<5x!tpu.dma_semaphore, #tpu.memory_space<semaphore_mem>> -> memref<1x!tpu.dma_semaphore, #tpu.memory_space<semaphore_mem>>
        %dma_start3A_594 = tpu.memref_squeeze %dma_start3A_593 : memref<1x!tpu.dma_semaphore, #tpu.memory_space<semaphore_mem>> -> memref<!tpu.dma_semaphore, #tpu.memory_space<semaphore_mem>>
        tpu.enqueue_indirect_dma source(%dma_start3A_592 : memref<20000x32xf32, #tpu.memory_space<hbm>>) target(%dma_start3A_586 : memref<80x32xf32, #tpu.memory_space<vmem>>) offsets(%dma_start3A_589 : memref<80xi32, #tpu.memory_space<vmem>>) semaphore(%dma_start3A_594 : memref<!tpu.dma_semaphore, #tpu.memory_space<semaphore_mem>>)
        %mul3A_595 = arith.constant 5 : i32
        %mul3A_596 = arith.muli %scan3A_333, %mul3A_595 : i32
        %add3A_597 = arith.constant 2 : i32
        %add3A_598 = arith.addi %mul3A_596, %add3A_597 : i32
        %dma_wait3A_599 = arith.constant 2 : i32
        %dma_wait3A_600 = arith.constant 2 : i32
        %dma_wait3A_601 = arith.constant 0 : i32
        %dma_wait3A_602 = arith.constant 0 : i32
        %dma_wait3A_603 = tpu.memref_slice %arg9[%dma_wait3A_599, %dma_wait3A_601, %dma_wait3A_602] : memref<5x80x32xf32, #tpu.memory_space<vmem>> -> memref<1x80x32xf32, #tpu.memory_space<vmem>>
        %dma_wait3A_604 = tpu.memref_squeeze %dma_wait3A_603 : memref<1x80x32xf32, #tpu.memory_space<vmem>> -> memref<80x32xf32, #tpu.memory_space<vmem>>
        %dma_wait3A_605 = arith.constant 0 : i32
        %dma_wait3A_606 = arith.constant 0 : i32
        %dma_wait3A_607 = tpu.memref_slice %arg2[%dma_wait3A_605, %dma_wait3A_606] : memref<20000x32xf32, #tpu.memory_space<hbm>> -> memref<80x32xf32, #tpu.memory_space<hbm>>
        %dma_wait3A_608 = tpu.memref_slice %arg13[%dma_wait3A_600] : memref<5x!tpu.dma_semaphore, #tpu.memory_space<semaphore_mem>> -> memref<1x!tpu.dma_semaphore, #tpu.memory_space<semaphore_mem>>
        %dma_wait3A_609 = tpu.memref_squeeze %dma_wait3A_608 : memref<1x!tpu.dma_semaphore, #tpu.memory_space<semaphore_mem>> -> memref<!tpu.dma_semaphore, #tpu.memory_space<semaphore_mem>>
        %dma_wait3A_610 = arith.constant 0 : i32
        %dma_wait3A_611 = arith.constant 0 : i32
        %dma_wait3A_612 = tpu.memref_slice %arg9[%dma_wait3A_599, %dma_wait3A_610, %dma_wait3A_611] : memref<5x80x32xf32, #tpu.memory_space<vmem>> -> memref<1x80x32xf32, #tpu.memory_space<vmem>>
        %dma_wait3A_613 = tpu.memref_squeeze %dma_wait3A_612 : memref<1x80x32xf32, #tpu.memory_space<vmem>> -> memref<80x32xf32, #tpu.memory_space<vmem>>
        %dma_wait3A_614 = arith.constant 0 : i32
        %dma_wait3A_615 = arith.constant 0 : i32
        %dma_wait3A_616 = tpu.memref_slice %arg2[%dma_wait3A_614, %dma_wait3A_615] : memref<20000x32xf32, #tpu.memory_space<hbm>> -> memref<80x32xf32, #tpu.memory_space<hbm>>
        tpu.wait_dma2 semaphore(%dma_wait3A_609 : memref<!tpu.dma_semaphore, #tpu.memory_space<semaphore_mem>>) src(%dma_wait3A_616 : memref<80x32xf32, #tpu.memory_space<hbm>>) dst(%dma_wait3A_613 : memref<80x32xf32, #tpu.memory_space<vmem>>)
        %add3A_617 = arith.constant 5 : i32
        %add3A_618 = arith.addi %add3A_598, %add3A_617 : i32
        %dma_start3A_619 = arith.constant 2 : i32
        %dma_start3A_620 = arith.constant 2 : i32
        %dma_start3A_621 = arith.constant 0 : i32
        %dma_start3A_622 = arith.constant 0 : i32
        %dma_start3A_623 = tpu.memref_slice %arg9[%dma_start3A_619, %dma_start3A_621, %dma_start3A_622] : memref<5x80x32xf32, #tpu.memory_space<vmem>> -> memref<1x80x32xf32, #tpu.memory_space<vmem>>
        %dma_start3A_624 = tpu.memref_squeeze %dma_start3A_623 : memref<1x80x32xf32, #tpu.memory_space<vmem>> -> memref<80x32xf32, #tpu.memory_space<vmem>>
        %dma_start3A_625 = arith.constant 0 : i32
        %dma_start3A_626 = tpu.memref_slice %arg7[%add3A_618, %dma_start3A_625] : memref<250x80xi32, #tpu.memory_space<vmem>> -> memref<1x80xi32, #tpu.memory_space<vmem>>
        %dma_start3A_627 = tpu.memref_squeeze %dma_start3A_626 : memref<1x80xi32, #tpu.memory_space<vmem>> -> memref<80xi32, #tpu.memory_space<vmem>>
        %dma_start3A_628 = arith.constant 0 : i32
        %dma_start3A_629 = arith.constant 0 : i32
        %dma_start3A_630 = tpu.memref_slice %arg2[%dma_start3A_628, %dma_start3A_629] : memref<20000x32xf32, #tpu.memory_space<hbm>> -> memref<20000x32xf32, #tpu.memory_space<hbm>>
        %dma_start3A_631 = tpu.memref_slice %arg12[%dma_start3A_620] : memref<5x!tpu.dma_semaphore, #tpu.memory_space<semaphore_mem>> -> memref<1x!tpu.dma_semaphore, #tpu.memory_space<semaphore_mem>>
        %dma_start3A_632 = tpu.memref_squeeze %dma_start3A_631 : memref<1x!tpu.dma_semaphore, #tpu.memory_space<semaphore_mem>> -> memref<!tpu.dma_semaphore, #tpu.memory_space<semaphore_mem>>
        tpu.enqueue_indirect_dma source(%dma_start3A_630 : memref<20000x32xf32, #tpu.memory_space<hbm>>) target(%dma_start3A_624 : memref<80x32xf32, #tpu.memory_space<vmem>>) offsets(%dma_start3A_627 : memref<80xi32, #tpu.memory_space<vmem>>) semaphore(%dma_start3A_632 : memref<!tpu.dma_semaphore, #tpu.memory_space<semaphore_mem>>)
        %mul3A_633 = arith.constant 5 : i32
        %mul3A_634 = arith.muli %scan3A_333, %mul3A_633 : i32
        %add3A_635 = arith.constant 3 : i32
        %add3A_636 = arith.addi %mul3A_634, %add3A_635 : i32
        %dma_wait3A_637 = arith.constant 3 : i32
        %dma_wait3A_638 = arith.constant 3 : i32
        %dma_wait3A_639 = arith.constant 0 : i32
        %dma_wait3A_640 = arith.constant 0 : i32
        %dma_wait3A_641 = tpu.memref_slice %arg9[%dma_wait3A_637, %dma_wait3A_639, %dma_wait3A_640] : memref<5x80x32xf32, #tpu.memory_space<vmem>> -> memref<1x80x32xf32, #tpu.memory_space<vmem>>
        %dma_wait3A_642 = tpu.memref_squeeze %dma_wait3A_641 : memref<1x80x32xf32, #tpu.memory_space<vmem>> -> memref<80x32xf32, #tpu.memory_space<vmem>>
        %dma_wait3A_643 = arith.constant 0 : i32
        %dma_wait3A_644 = arith.constant 0 : i32
        %dma_wait3A_645 = tpu.memref_slice %arg2[%dma_wait3A_643, %dma_wait3A_644] : memref<20000x32xf32, #tpu.memory_space<hbm>> -> memref<80x32xf32, #tpu.memory_space<hbm>>
        %dma_wait3A_646 = tpu.memref_slice %arg13[%dma_wait3A_638] : memref<5x!tpu.dma_semaphore, #tpu.memory_space<semaphore_mem>> -> memref<1x!tpu.dma_semaphore, #tpu.memory_space<semaphore_mem>>
        %dma_wait3A_647 = tpu.memref_squeeze %dma_wait3A_646 : memref<1x!tpu.dma_semaphore, #tpu.memory_space<semaphore_mem>> -> memref<!tpu.dma_semaphore, #tpu.memory_space<semaphore_mem>>
        %dma_wait3A_648 = arith.constant 0 : i32
        %dma_wait3A_649 = arith.constant 0 : i32
        %dma_wait3A_650 = tpu.memref_slice %arg9[%dma_wait3A_637, %dma_wait3A_648, %dma_wait3A_649] : memref<5x80x32xf32, #tpu.memory_space<vmem>> -> memref<1x80x32xf32, #tpu.memory_space<vmem>>
        %dma_wait3A_651 = tpu.memref_squeeze %dma_wait3A_650 : memref<1x80x32xf32, #tpu.memory_space<vmem>> -> memref<80x32xf32, #tpu.memory_space<vmem>>
        %dma_wait3A_652 = arith.constant 0 : i32
        %dma_wait3A_653 = arith.constant 0 : i32
        %dma_wait3A_654 = tpu.memref_slice %arg2[%dma_wait3A_652, %dma_wait3A_653] : memref<20000x32xf32, #tpu.memory_space<hbm>> -> memref<80x32xf32, #tpu.memory_space<hbm>>
        tpu.wait_dma2 semaphore(%dma_wait3A_647 : memref<!tpu.dma_semaphore, #tpu.memory_space<semaphore_mem>>) src(%dma_wait3A_654 : memref<80x32xf32, #tpu.memory_space<hbm>>) dst(%dma_wait3A_651 : memref<80x32xf32, #tpu.memory_space<vmem>>)
        %add3A_655 = arith.constant 5 : i32
        %add3A_656 = arith.addi %add3A_636, %add3A_655 : i32
        %dma_start3A_657 = arith.constant 3 : i32
        %dma_start3A_658 = arith.constant 3 : i32
        %dma_start3A_659 = arith.constant 0 : i32
        %dma_start3A_660 = arith.constant 0 : i32
        %dma_start3A_661 = tpu.memref_slice %arg9[%dma_start3A_657, %dma_start3A_659, %dma_start3A_660] : memref<5x80x32xf32, #tpu.memory_space<vmem>> -> memref<1x80x32xf32, #tpu.memory_space<vmem>>
        %dma_start3A_662 = tpu.memref_squeeze %dma_start3A_661 : memref<1x80x32xf32, #tpu.memory_space<vmem>> -> memref<80x32xf32, #tpu.memory_space<vmem>>
        %dma_start3A_663 = arith.constant 0 : i32
        %dma_start3A_664 = tpu.memref_slice %arg7[%add3A_656, %dma_start3A_663] : memref<250x80xi32, #tpu.memory_space<vmem>> -> memref<1x80xi32, #tpu.memory_space<vmem>>
        %dma_start3A_665 = tpu.memref_squeeze %dma_start3A_664 : memref<1x80xi32, #tpu.memory_space<vmem>> -> memref<80xi32, #tpu.memory_space<vmem>>
        %dma_start3A_666 = arith.constant 0 : i32
        %dma_start3A_667 = arith.constant 0 : i32
        %dma_start3A_668 = tpu.memref_slice %arg2[%dma_start3A_666, %dma_start3A_667] : memref<20000x32xf32, #tpu.memory_space<hbm>> -> memref<20000x32xf32, #tpu.memory_space<hbm>>
        %dma_start3A_669 = tpu.memref_slice %arg12[%dma_start3A_658] : memref<5x!tpu.dma_semaphore, #tpu.memory_space<semaphore_mem>> -> memref<1x!tpu.dma_semaphore, #tpu.memory_space<semaphore_mem>>
        %dma_start3A_670 = tpu.memref_squeeze %dma_start3A_669 : memref<1x!tpu.dma_semaphore, #tpu.memory_space<semaphore_mem>> -> memref<!tpu.dma_semaphore, #tpu.memory_space<semaphore_mem>>
        tpu.enqueue_indirect_dma source(%dma_start3A_668 : memref<20000x32xf32, #tpu.memory_space<hbm>>) target(%dma_start3A_662 : memref<80x32xf32, #tpu.memory_space<vmem>>) offsets(%dma_start3A_665 : memref<80xi32, #tpu.memory_space<vmem>>) semaphore(%dma_start3A_670 : memref<!tpu.dma_semaphore, #tpu.memory_space<semaphore_mem>>)
        %mul3A_671 = arith.constant 5 : i32
        %mul3A_672 = arith.muli %scan3A_333, %mul3A_671 : i32
        %add3A_673 = arith.constant 4 : i32
        %add3A_674 = arith.addi %mul3A_672, %add3A_673 : i32
        %dma_wait3A_675 = arith.constant 4 : i32
        %dma_wait3A_676 = arith.constant 4 : i32
        %dma_wait3A_677 = arith.constant 0 : i32
        %dma_wait3A_678 = arith.constant 0 : i32
        %dma_wait3A_679 = tpu.memref_slice %arg9[%dma_wait3A_675, %dma_wait3A_677, %dma_wait3A_678] : memref<5x80x32xf32, #tpu.memory_space<vmem>> -> memref<1x80x32xf32, #tpu.memory_space<vmem>>
        %dma_wait3A_680 = tpu.memref_squeeze %dma_wait3A_679 : memref<1x80x32xf32, #tpu.memory_space<vmem>> -> memref<80x32xf32, #tpu.memory_space<vmem>>
        %dma_wait3A_681 = arith.constant 0 : i32
        %dma_wait3A_682 = arith.constant 0 : i32
        %dma_wait3A_683 = tpu.memref_slice %arg2[%dma_wait3A_681, %dma_wait3A_682] : memref<20000x32xf32, #tpu.memory_space<hbm>> -> memref<80x32xf32, #tpu.memory_space<hbm>>
        %dma_wait3A_684 = tpu.memref_slice %arg13[%dma_wait3A_676] : memref<5x!tpu.dma_semaphore, #tpu.memory_space<semaphore_mem>> -> memref<1x!tpu.dma_semaphore, #tpu.memory_space<semaphore_mem>>
        %dma_wait3A_685 = tpu.memref_squeeze %dma_wait3A_684 : memref<1x!tpu.dma_semaphore, #tpu.memory_space<semaphore_mem>> -> memref<!tpu.dma_semaphore, #tpu.memory_space<semaphore_mem>>
        %dma_wait3A_686 = arith.constant 0 : i32
        %dma_wait3A_687 = arith.constant 0 : i32
        %dma_wait3A_688 = tpu.memref_slice %arg9[%dma_wait3A_675, %dma_wait3A_686, %dma_wait3A_687] : memref<5x80x32xf32, #tpu.memory_space<vmem>> -> memref<1x80x32xf32, #tpu.memory_space<vmem>>
        %dma_wait3A_689 = tpu.memref_squeeze %dma_wait3A_688 : memref<1x80x32xf32, #tpu.memory_space<vmem>> -> memref<80x32xf32, #tpu.memory_space<vmem>>
        %dma_wait3A_690 = arith.constant 0 : i32
        %dma_wait3A_691 = arith.constant 0 : i32
        %dma_wait3A_692 = tpu.memref_slice %arg2[%dma_wait3A_690, %dma_wait3A_691] : memref<20000x32xf32, #tpu.memory_space<hbm>> -> memref<80x32xf32, #tpu.memory_space<hbm>>
        tpu.wait_dma2 semaphore(%dma_wait3A_685 : memref<!tpu.dma_semaphore, #tpu.memory_space<semaphore_mem>>) src(%dma_wait3A_692 : memref<80x32xf32, #tpu.memory_space<hbm>>) dst(%dma_wait3A_689 : memref<80x32xf32, #tpu.memory_space<vmem>>)
        %add3A_693 = arith.constant 5 : i32
        %add3A_694 = arith.addi %add3A_674, %add3A_693 : i32
        %dma_start3A_695 = arith.constant 4 : i32
        %dma_start3A_696 = arith.constant 4 : i32
        %dma_start3A_697 = arith.constant 0 : i32
        %dma_start3A_698 = arith.constant 0 : i32
        %dma_start3A_699 = tpu.memref_slice %arg9[%dma_start3A_695, %dma_start3A_697, %dma_start3A_698] : memref<5x80x32xf32, #tpu.memory_space<vmem>> -> memref<1x80x32xf32, #tpu.memory_space<vmem>>
        %dma_start3A_700 = tpu.memref_squeeze %dma_start3A_699 : memref<1x80x32xf32, #tpu.memory_space<vmem>> -> memref<80x32xf32, #tpu.memory_space<vmem>>
        %dma_start3A_701 = arith.constant 0 : i32
        %dma_start3A_702 = tpu.memref_slice %arg7[%add3A_694, %dma_start3A_701] : memref<250x80xi32, #tpu.memory_space<vmem>> -> memref<1x80xi32, #tpu.memory_space<vmem>>
        %dma_start3A_703 = tpu.memref_squeeze %dma_start3A_702 : memref<1x80xi32, #tpu.memory_space<vmem>> -> memref<80xi32, #tpu.memory_space<vmem>>
        %dma_start3A_704 = arith.constant 0 : i32
        %dma_start3A_705 = arith.constant 0 : i32
        %dma_start3A_706 = tpu.memref_slice %arg2[%dma_start3A_704, %dma_start3A_705] : memref<20000x32xf32, #tpu.memory_space<hbm>> -> memref<20000x32xf32, #tpu.memory_space<hbm>>
        %dma_start3A_707 = tpu.memref_slice %arg12[%dma_start3A_696] : memref<5x!tpu.dma_semaphore, #tpu.memory_space<semaphore_mem>> -> memref<1x!tpu.dma_semaphore, #tpu.memory_space<semaphore_mem>>
        %dma_start3A_708 = tpu.memref_squeeze %dma_start3A_707 : memref<1x!tpu.dma_semaphore, #tpu.memory_space<semaphore_mem>> -> memref<!tpu.dma_semaphore, #tpu.memory_space<semaphore_mem>>
        tpu.enqueue_indirect_dma source(%dma_start3A_706 : memref<20000x32xf32, #tpu.memory_space<hbm>>) target(%dma_start3A_700 : memref<80x32xf32, #tpu.memory_space<vmem>>) offsets(%dma_start3A_703 : memref<80xi32, #tpu.memory_space<vmem>>) semaphore(%dma_start3A_708 : memref<!tpu.dma_semaphore, #tpu.memory_space<semaphore_mem>>)
      } else {
      }
    }
    %scan3A_162 = arith.constant 50 : i32
    %dma_wait3A = arith.constant 0 : i32
    %dma_wait3A_163 = arith.constant 0 : i32
    %dma_wait3A_164 = arith.constant 0 : i32
    %dma_wait3A_165 = arith.constant 0 : i32
    %dma_wait3A_166 = tpu.memref_slice %arg9[%dma_wait3A, %dma_wait3A_164, %dma_wait3A_165] : memref<5x80x32xf32, #tpu.memory_space<vmem>> -> memref<1x80x32xf32, #tpu.memory_space<vmem>>
    %dma_wait3A_167 = tpu.memref_squeeze %dma_wait3A_166 : memref<1x80x32xf32, #tpu.memory_space<vmem>> -> memref<80x32xf32, #tpu.memory_space<vmem>>
    %dma_wait3A_168 = arith.constant 0 : i32
    %dma_wait3A_169 = arith.constant 0 : i32
    %dma_wait3A_170 = tpu.memref_slice %arg2[%dma_wait3A_168, %dma_wait3A_169] : memref<20000x32xf32, #tpu.memory_space<hbm>> -> memref<80x32xf32, #tpu.memory_space<hbm>>
    %dma_wait3A_171 = tpu.memref_slice %arg13[%dma_wait3A_163] : memref<5x!tpu.dma_semaphore, #tpu.memory_space<semaphore_mem>> -> memref<1x!tpu.dma_semaphore, #tpu.memory_space<semaphore_mem>>
    %dma_wait3A_172 = tpu.memref_squeeze %dma_wait3A_171 : memref<1x!tpu.dma_semaphore, #tpu.memory_space<semaphore_mem>> -> memref<!tpu.dma_semaphore, #tpu.memory_space<semaphore_mem>>
    %dma_wait3A_173 = arith.constant 0 : i32
    %dma_wait3A_174 = arith.constant 0 : i32
    %dma_wait3A_175 = tpu.memref_slice %arg9[%dma_wait3A, %dma_wait3A_173, %dma_wait3A_174] : memref<5x80x32xf32, #tpu.memory_space<vmem>> -> memref<1x80x32xf32, #tpu.memory_space<vmem>>
    %dma_wait3A_176 = tpu.memref_squeeze %dma_wait3A_175 : memref<1x80x32xf32, #tpu.memory_space<vmem>> -> memref<80x32xf32, #tpu.memory_space<vmem>>
    %dma_wait3A_177 = arith.constant 0 : i32
    %dma_wait3A_178 = arith.constant 0 : i32
    %dma_wait3A_179 = tpu.memref_slice %arg2[%dma_wait3A_177, %dma_wait3A_178] : memref<20000x32xf32, #tpu.memory_space<hbm>> -> memref<80x32xf32, #tpu.memory_space<hbm>>
    tpu.wait_dma2 semaphore(%dma_wait3A_172 : memref<!tpu.dma_semaphore, #tpu.memory_space<semaphore_mem>>) src(%dma_wait3A_179 : memref<80x32xf32, #tpu.memory_space<hbm>>) dst(%dma_wait3A_176 : memref<80x32xf32, #tpu.memory_space<vmem>>)
    %dma_wait3A_180 = arith.constant 1 : i32
    %dma_wait3A_181 = arith.constant 1 : i32
    %dma_wait3A_182 = arith.constant 0 : i32
    %dma_wait3A_183 = arith.constant 0 : i32
    %dma_wait3A_184 = tpu.memref_slice %arg9[%dma_wait3A_180, %dma_wait3A_182, %dma_wait3A_183] : memref<5x80x32xf32, #tpu.memory_space<vmem>> -> memref<1x80x32xf32, #tpu.memory_space<vmem>>
    %dma_wait3A_185 = tpu.memref_squeeze %dma_wait3A_184 : memref<1x80x32xf32, #tpu.memory_space<vmem>> -> memref<80x32xf32, #tpu.memory_space<vmem>>
    %dma_wait3A_186 = arith.constant 0 : i32
    %dma_wait3A_187 = arith.constant 0 : i32
    %dma_wait3A_188 = tpu.memref_slice %arg2[%dma_wait3A_186, %dma_wait3A_187] : memref<20000x32xf32, #tpu.memory_space<hbm>> -> memref<80x32xf32, #tpu.memory_space<hbm>>
    %dma_wait3A_189 = tpu.memref_slice %arg13[%dma_wait3A_181] : memref<5x!tpu.dma_semaphore, #tpu.memory_space<semaphore_mem>> -> memref<1x!tpu.dma_semaphore, #tpu.memory_space<semaphore_mem>>
    %dma_wait3A_190 = tpu.memref_squeeze %dma_wait3A_189 : memref<1x!tpu.dma_semaphore, #tpu.memory_space<semaphore_mem>> -> memref<!tpu.dma_semaphore, #tpu.memory_space<semaphore_mem>>
    %dma_wait3A_191 = arith.constant 0 : i32
    %dma_wait3A_192 = arith.constant 0 : i32
    %dma_wait3A_193 = tpu.memref_slice %arg9[%dma_wait3A_180, %dma_wait3A_191, %dma_wait3A_192] : memref<5x80x32xf32, #tpu.memory_space<vmem>> -> memref<1x80x32xf32, #tpu.memory_space<vmem>>
    %dma_wait3A_194 = tpu.memref_squeeze %dma_wait3A_193 : memref<1x80x32xf32, #tpu.memory_space<vmem>> -> memref<80x32xf32, #tpu.memory_space<vmem>>
    %dma_wait3A_195 = arith.constant 0 : i32
    %dma_wait3A_196 = arith.constant 0 : i32
    %dma_wait3A_197 = tpu.memref_slice %arg2[%dma_wait3A_195, %dma_wait3A_196] : memref<20000x32xf32, #tpu.memory_space<hbm>> -> memref<80x32xf32, #tpu.memory_space<hbm>>
    tpu.wait_dma2 semaphore(%dma_wait3A_190 : memref<!tpu.dma_semaphore, #tpu.memory_space<semaphore_mem>>) src(%dma_wait3A_197 : memref<80x32xf32, #tpu.memory_space<hbm>>) dst(%dma_wait3A_194 : memref<80x32xf32, #tpu.memory_space<vmem>>)
    %dma_wait3A_198 = arith.constant 2 : i32
    %dma_wait3A_199 = arith.constant 2 : i32
    %dma_wait3A_200 = arith.constant 0 : i32
    %dma_wait3A_201 = arith.constant 0 : i32
    %dma_wait3A_202 = tpu.memref_slice %arg9[%dma_wait3A_198, %dma_wait3A_200, %dma_wait3A_201] : memref<5x80x32xf32, #tpu.memory_space<vmem>> -> memref<1x80x32xf32, #tpu.memory_space<vmem>>
    %dma_wait3A_203 = tpu.memref_squeeze %dma_wait3A_202 : memref<1x80x32xf32, #tpu.memory_space<vmem>> -> memref<80x32xf32, #tpu.memory_space<vmem>>
    %dma_wait3A_204 = arith.constant 0 : i32
    %dma_wait3A_205 = arith.constant 0 : i32
    %dma_wait3A_206 = tpu.memref_slice %arg2[%dma_wait3A_204, %dma_wait3A_205] : memref<20000x32xf32, #tpu.memory_space<hbm>> -> memref<80x32xf32, #tpu.memory_space<hbm>>
    %dma_wait3A_207 = tpu.memref_slice %arg13[%dma_wait3A_199] : memref<5x!tpu.dma_semaphore, #tpu.memory_space<semaphore_mem>> -> memref<1x!tpu.dma_semaphore, #tpu.memory_space<semaphore_mem>>
    %dma_wait3A_208 = tpu.memref_squeeze %dma_wait3A_207 : memref<1x!tpu.dma_semaphore, #tpu.memory_space<semaphore_mem>> -> memref<!tpu.dma_semaphore, #tpu.memory_space<semaphore_mem>>
    %dma_wait3A_209 = arith.constant 0 : i32
    %dma_wait3A_210 = arith.constant 0 : i32
    %dma_wait3A_211 = tpu.memref_slice %arg9[%dma_wait3A_198, %dma_wait3A_209, %dma_wait3A_210] : memref<5x80x32xf32, #tpu.memory_space<vmem>> -> memref<1x80x32xf32, #tpu.memory_space<vmem>>
    %dma_wait3A_212 = tpu.memref_squeeze %dma_wait3A_211 : memref<1x80x32xf32, #tpu.memory_space<vmem>> -> memref<80x32xf32, #tpu.memory_space<vmem>>
    %dma_wait3A_213 = arith.constant 0 : i32
    %dma_wait3A_214 = arith.constant 0 : i32
    %dma_wait3A_215 = tpu.memref_slice %arg2[%dma_wait3A_213, %dma_wait3A_214] : memref<20000x32xf32, #tpu.memory_space<hbm>> -> memref<80x32xf32, #tpu.memory_space<hbm>>
    tpu.wait_dma2 semaphore(%dma_wait3A_208 : memref<!tpu.dma_semaphore, #tpu.memory_space<semaphore_mem>>) src(%dma_wait3A_215 : memref<80x32xf32, #tpu.memory_space<hbm>>) dst(%dma_wait3A_212 : memref<80x32xf32, #tpu.memory_space<vmem>>)
    %dma_wait3A_216 = arith.constant 3 : i32
    %dma_wait3A_217 = arith.constant 3 : i32
    %dma_wait3A_218 = arith.constant 0 : i32
    %dma_wait3A_219 = arith.constant 0 : i32
    %dma_wait3A_220 = tpu.memref_slice %arg9[%dma_wait3A_216, %dma_wait3A_218, %dma_wait3A_219] : memref<5x80x32xf32, #tpu.memory_space<vmem>> -> memref<1x80x32xf32, #tpu.memory_space<vmem>>
    %dma_wait3A_221 = tpu.memref_squeeze %dma_wait3A_220 : memref<1x80x32xf32, #tpu.memory_space<vmem>> -> memref<80x32xf32, #tpu.memory_space<vmem>>
    %dma_wait3A_222 = arith.constant 0 : i32
    %dma_wait3A_223 = arith.constant 0 : i32
    %dma_wait3A_224 = tpu.memref_slice %arg2[%dma_wait3A_222, %dma_wait3A_223] : memref<20000x32xf32, #tpu.memory_space<hbm>> -> memref<80x32xf32, #tpu.memory_space<hbm>>
    %dma_wait3A_225 = tpu.memref_slice %arg13[%dma_wait3A_217] : memref<5x!tpu.dma_semaphore, #tpu.memory_space<semaphore_mem>> -> memref<1x!tpu.dma_semaphore, #tpu.memory_space<semaphore_mem>>
    %dma_wait3A_226 = tpu.memref_squeeze %dma_wait3A_225 : memref<1x!tpu.dma_semaphore, #tpu.memory_space<semaphore_mem>> -> memref<!tpu.dma_semaphore, #tpu.memory_space<semaphore_mem>>
    %dma_wait3A_227 = arith.constant 0 : i32
    %dma_wait3A_228 = arith.constant 0 : i32
    %dma_wait3A_229 = tpu.memref_slice %arg9[%dma_wait3A_216, %dma_wait3A_227, %dma_wait3A_228] : memref<5x80x32xf32, #tpu.memory_space<vmem>> -> memref<1x80x32xf32, #tpu.memory_space<vmem>>
    %dma_wait3A_230 = tpu.memref_squeeze %dma_wait3A_229 : memref<1x80x32xf32, #tpu.memory_space<vmem>> -> memref<80x32xf32, #tpu.memory_space<vmem>>
    %dma_wait3A_231 = arith.constant 0 : i32
    %dma_wait3A_232 = arith.constant 0 : i32
    %dma_wait3A_233 = tpu.memref_slice %arg2[%dma_wait3A_231, %dma_wait3A_232] : memref<20000x32xf32, #tpu.memory_space<hbm>> -> memref<80x32xf32, #tpu.memory_space<hbm>>
    tpu.wait_dma2 semaphore(%dma_wait3A_226 : memref<!tpu.dma_semaphore, #tpu.memory_space<semaphore_mem>>) src(%dma_wait3A_233 : memref<80x32xf32, #tpu.memory_space<hbm>>) dst(%dma_wait3A_230 : memref<80x32xf32, #tpu.memory_space<vmem>>)
    %dma_wait3A_234 = arith.constant 4 : i32
    %dma_wait3A_235 = arith.constant 4 : i32
    %dma_wait3A_236 = arith.constant 0 : i32
    %dma_wait3A_237 = arith.constant 0 : i32
    %dma_wait3A_238 = tpu.memref_slice %arg9[%dma_wait3A_234, %dma_wait3A_236, %dma_wait3A_237] : memref<5x80x32xf32, #tpu.memory_space<vmem>> -> memref<1x80x32xf32, #tpu.memory_space<vmem>>
    %dma_wait3A_239 = tpu.memref_squeeze %dma_wait3A_238 : memref<1x80x32xf32, #tpu.memory_space<vmem>> -> memref<80x32xf32, #tpu.memory_space<vmem>>
    %dma_wait3A_240 = arith.constant 0 : i32
    %dma_wait3A_241 = arith.constant 0 : i32
    %dma_wait3A_242 = tpu.memref_slice %arg2[%dma_wait3A_240, %dma_wait3A_241] : memref<20000x32xf32, #tpu.memory_space<hbm>> -> memref<80x32xf32, #tpu.memory_space<hbm>>
    %dma_wait3A_243 = tpu.memref_slice %arg13[%dma_wait3A_235] : memref<5x!tpu.dma_semaphore, #tpu.memory_space<semaphore_mem>> -> memref<1x!tpu.dma_semaphore, #tpu.memory_space<semaphore_mem>>
    %dma_wait3A_244 = tpu.memref_squeeze %dma_wait3A_243 : memref<1x!tpu.dma_semaphore, #tpu.memory_space<semaphore_mem>> -> memref<!tpu.dma_semaphore, #tpu.memory_space<semaphore_mem>>
    %dma_wait3A_245 = arith.constant 0 : i32
    %dma_wait3A_246 = arith.constant 0 : i32
    %dma_wait3A_247 = tpu.memref_slice %arg9[%dma_wait3A_234, %dma_wait3A_245, %dma_wait3A_246] : memref<5x80x32xf32, #tpu.memory_space<vmem>> -> memref<1x80x32xf32, #tpu.memory_space<vmem>>
    %dma_wait3A_248 = tpu.memref_squeeze %dma_wait3A_247 : memref<1x80x32xf32, #tpu.memory_space<vmem>> -> memref<80x32xf32, #tpu.memory_space<vmem>>
    %dma_wait3A_249 = arith.constant 0 : i32
    %dma_wait3A_250 = arith.constant 0 : i32
    %dma_wait3A_251 = tpu.memref_slice %arg2[%dma_wait3A_249, %dma_wait3A_250] : memref<20000x32xf32, #tpu.memory_space<hbm>> -> memref<80x32xf32, #tpu.memory_space<hbm>>
    tpu.wait_dma2 semaphore(%dma_wait3A_244 : memref<!tpu.dma_semaphore, #tpu.memory_space<semaphore_mem>>) src(%dma_wait3A_251 : memref<80x32xf32, #tpu.memory_space<hbm>>) dst(%dma_wait3A_248 : memref<80x32xf32, #tpu.memory_space<vmem>>)
    %barrier3A_252 = arith.constant 0 : index
    tpu.barrier barrier_id(%barrier3A_252)
    %add3A_253 = arith.constant 0 : i32
    %add3A_254 = arith.addi %add3A_253, %arg1 : i32
    %mul3A_255 = arith.constant 80 : i32
    %mul3A_256 = arith.muli %add3A_254, %mul3A_255 : i32
    %multiple_of3A_257 = tpu.assume_multiple %mul3A_256, 80 : i32
    %lt3A_258 = arith.constant 125 : i32
    %lt3A_259 = arith.cmpi slt, %add3A_254, %lt3A_258 : i32
    %convert_element_type3A_260 = arith.extui %lt3A_259 : i1 to i32
    %cond3A_261 = arith.constant 0 : i32
    %cond3A_262 = arith.cmpi ne, %convert_element_type3A_260, %cond3A_261 : i32
    scf.if %cond3A_262 {
      "tpu.region"() ({
        %run_scoped3A = tpu.sem_alloc : memref<!tpu.dma_semaphore, #tpu.memory_space<semaphore_mem>>
        %dma_start3A_333 = arith.constant 0 : i32
        %dma_start3A_334 = tpu.memref_slice %arg11[%multiple_of3A_257, %dma_start3A_333] : memref<10000x32xf32, #tpu.memory_space<vmem_shared>> -> memref<80x32xf32, #tpu.memory_space<vmem_shared>>
        %dma_start3A_335 = arith.constant 0 : i32
        %dma_start3A_336 = tpu.memref_slice %arg11[%multiple_of3A_257, %dma_start3A_335] : memref<10000x32xf32, #tpu.memory_space<vmem_shared>> -> memref<80x32xf32, #tpu.memory_space<vmem_shared>>
        tpu.enqueue_dma source(%dma_start3A_336 : memref<80x32xf32, #tpu.memory_space<vmem_shared>>) target(%arg10 : memref<80x32xf32, #tpu.memory_space<vmem>>) target_semaphore(%run_scoped3A : memref<!tpu.dma_semaphore, #tpu.memory_space<semaphore_mem>>)
        %dma_wait3A_337 = arith.constant 0 : i32
        %dma_wait3A_338 = tpu.memref_slice %arg11[%multiple_of3A_257, %dma_wait3A_337] : memref<10000x32xf32, #tpu.memory_space<vmem_shared>> -> memref<80x32xf32, #tpu.memory_space<vmem_shared>>
        %dma_wait3A_339 = arith.constant 0 : i32
        %dma_wait3A_340 = tpu.memref_slice %arg11[%multiple_of3A_257, %dma_wait3A_339] : memref<10000x32xf32, #tpu.memory_space<vmem_shared>> -> memref<80x32xf32, #tpu.memory_space<vmem_shared>>
        tpu.wait_dma2 semaphore(%run_scoped3A : memref<!tpu.dma_semaphore, #tpu.memory_space<semaphore_mem>>) src(%dma_wait3A_340 : memref<80x32xf32, #tpu.memory_space<vmem_shared>>) dst(%arg10 : memref<80x32xf32, #tpu.memory_space<vmem>>)
        tpu.yield
      }) : () -> ()
      "tpu.region"() ({
        %run_scoped3A = tpu.sem_alloc : memref<!tpu.dma_semaphore, #tpu.memory_space<semaphore_mem>>
        %dma_start3A_333 = arith.constant 0 : i32
        %dma_start3A_334 = tpu.memref_slice %arg6[%arg0, %multiple_of3A_257, %dma_start3A_333] : memref<2x10000x32xf32, #tpu.memory_space<hbm>> -> memref<1x80x32xf32, #tpu.memory_space<hbm>>
        %dma_start3A_335 = tpu.memref_squeeze %dma_start3A_334 : memref<1x80x32xf32, #tpu.memory_space<hbm>> -> memref<80x32xf32, #tpu.memory_space<hbm>>
        %dma_start3A_336 = arith.constant 0 : i32
        %dma_start3A_337 = tpu.memref_slice %arg6[%arg0, %multiple_of3A_257, %dma_start3A_336] : memref<2x10000x32xf32, #tpu.memory_space<hbm>> -> memref<1x80x32xf32, #tpu.memory_space<hbm>>
        %dma_start3A_338 = tpu.memref_squeeze %dma_start3A_337 : memref<1x80x32xf32, #tpu.memory_space<hbm>> -> memref<80x32xf32, #tpu.memory_space<hbm>>
        tpu.enqueue_dma source(%arg10 : memref<80x32xf32, #tpu.memory_space<vmem>>) target(%dma_start3A_338 : memref<80x32xf32, #tpu.memory_space<hbm>>) target_semaphore(%run_scoped3A : memref<!tpu.dma_semaphore, #tpu.memory_space<semaphore_mem>>)
        %dma_wait3A_339 = arith.constant 0 : i32
        %dma_wait3A_340 = tpu.memref_slice %arg6[%arg0, %multiple_of3A_257, %dma_wait3A_339] : memref<2x10000x32xf32, #tpu.memory_space<hbm>> -> memref<1x80x32xf32, #tpu.memory_space<hbm>>
        %dma_wait3A_341 = tpu.memref_squeeze %dma_wait3A_340 : memref<1x80x32xf32, #tpu.memory_space<hbm>> -> memref<80x32xf32, #tpu.memory_space<hbm>>
        %dma_wait3A_342 = arith.constant 0 : i32
        %dma_wait3A_343 = tpu.memref_slice %arg6[%arg0, %multiple_of3A_257, %dma_wait3A_342] : memref<2x10000x32xf32, #tpu.memory_space<hbm>> -> memref<1x80x32xf32, #tpu.memory_space<hbm>>
        %dma_wait3A_344 = tpu.memref_squeeze %dma_wait3A_343 : memref<1x80x32xf32, #tpu.memory_space<hbm>> -> memref<80x32xf32, #tpu.memory_space<hbm>>
        tpu.wait_dma2 semaphore(%run_scoped3A : memref<!tpu.dma_semaphore, #tpu.memory_space<semaphore_mem>>) src(%arg10 : memref<80x32xf32, #tpu.memory_space<vmem>>) dst(%dma_wait3A_344 : memref<80x32xf32, #tpu.memory_space<hbm>>)
        tpu.yield
      }) : () -> ()
    } else {
    }
    %add3A_263 = arith.constant 16 : i32
    %add3A_264 = arith.addi %add3A_263, %arg1 : i32
    %mul3A_265 = arith.constant 80 : i32
    %mul3A_266 = arith.muli %add3A_264, %mul3A_265 : i32
    %multiple_of3A_267 = tpu.assume_multiple %mul3A_266, 80 : i32
    %lt3A_268 = arith.constant 125 : i32
    %lt3A_269 = arith.cmpi slt, %add3A_264, %lt3A_268 : i32
    %convert_element_type3A_270 = arith.extui %lt3A_269 : i1 to i32
    %cond3A_271 = arith.constant 0 : i32
    %cond3A_272 = arith.cmpi ne, %convert_element_type3A_270, %cond3A_271 : i32
    scf.if %cond3A_272 {
      "tpu.region"() ({
        %run_scoped3A = tpu.sem_alloc : memref<!tpu.dma_semaphore, #tpu.memory_space<semaphore_mem>>
        %dma_start3A_333 = arith.constant 0 : i32
        %dma_start3A_334 = tpu.memref_slice %arg11[%multiple_of3A_267, %dma_start3A_333] : memref<10000x32xf32, #tpu.memory_space<vmem_shared>> -> memref<80x32xf32, #tpu.memory_space<vmem_shared>>
        %dma_start3A_335 = arith.constant 0 : i32
        %dma_start3A_336 = tpu.memref_slice %arg11[%multiple_of3A_267, %dma_start3A_335] : memref<10000x32xf32, #tpu.memory_space<vmem_shared>> -> memref<80x32xf32, #tpu.memory_space<vmem_shared>>
        tpu.enqueue_dma source(%dma_start3A_336 : memref<80x32xf32, #tpu.memory_space<vmem_shared>>) target(%arg10 : memref<80x32xf32, #tpu.memory_space<vmem>>) target_semaphore(%run_scoped3A : memref<!tpu.dma_semaphore, #tpu.memory_space<semaphore_mem>>)
        %dma_wait3A_337 = arith.constant 0 : i32
        %dma_wait3A_338 = tpu.memref_slice %arg11[%multiple_of3A_267, %dma_wait3A_337] : memref<10000x32xf32, #tpu.memory_space<vmem_shared>> -> memref<80x32xf32, #tpu.memory_space<vmem_shared>>
        %dma_wait3A_339 = arith.constant 0 : i32
        %dma_wait3A_340 = tpu.memref_slice %arg11[%multiple_of3A_267, %dma_wait3A_339] : memref<10000x32xf32, #tpu.memory_space<vmem_shared>> -> memref<80x32xf32, #tpu.memory_space<vmem_shared>>
        tpu.wait_dma2 semaphore(%run_scoped3A : memref<!tpu.dma_semaphore, #tpu.memory_space<semaphore_mem>>) src(%dma_wait3A_340 : memref<80x32xf32, #tpu.memory_space<vmem_shared>>) dst(%arg10 : memref<80x32xf32, #tpu.memory_space<vmem>>)
        tpu.yield
      }) : () -> ()
      "tpu.region"() ({
        %run_scoped3A = tpu.sem_alloc : memref<!tpu.dma_semaphore, #tpu.memory_space<semaphore_mem>>
        %dma_start3A_333 = arith.constant 0 : i32
        %dma_start3A_334 = tpu.memref_slice %arg6[%arg0, %multiple_of3A_267, %dma_start3A_333] : memref<2x10000x32xf32, #tpu.memory_space<hbm>> -> memref<1x80x32xf32, #tpu.memory_space<hbm>>
        %dma_start3A_335 = tpu.memref_squeeze %dma_start3A_334 : memref<1x80x32xf32, #tpu.memory_space<hbm>> -> memref<80x32xf32, #tpu.memory_space<hbm>>
        %dma_start3A_336 = arith.constant 0 : i32
        %dma_start3A_337 = tpu.memref_slice %arg6[%arg0, %multiple_of3A_267, %dma_start3A_336] : memref<2x10000x32xf32, #tpu.memory_space<hbm>> -> memref<1x80x32xf32, #tpu.memory_space<hbm>>
        %dma_start3A_338 = tpu.memref_squeeze %dma_start3A_337 : memref<1x80x32xf32, #tpu.memory_space<hbm>> -> memref<80x32xf32, #tpu.memory_space<hbm>>
        tpu.enqueue_dma source(%arg10 : memref<80x32xf32, #tpu.memory_space<vmem>>) target(%dma_start3A_338 : memref<80x32xf32, #tpu.memory_space<hbm>>) target_semaphore(%run_scoped3A : memref<!tpu.dma_semaphore, #tpu.memory_space<semaphore_mem>>)
        %dma_wait3A_339 = arith.constant 0 : i32
        %dma_wait3A_340 = tpu.memref_slice %arg6[%arg0, %multiple_of3A_267, %dma_wait3A_339] : memref<2x10000x32xf32, #tpu.memory_space<hbm>> -> memref<1x80x32xf32, #tpu.memory_space<hbm>>
        %dma_wait3A_341 = tpu.memref_squeeze %dma_wait3A_340 : memref<1x80x32xf32, #tpu.memory_space<hbm>> -> memref<80x32xf32, #tpu.memory_space<hbm>>
        %dma_wait3A_342 = arith.constant 0 : i32
        %dma_wait3A_343 = tpu.memref_slice %arg6[%arg0, %multiple_of3A_267, %dma_wait3A_342] : memref<2x10000x32xf32, #tpu.memory_space<hbm>> -> memref<1x80x32xf32, #tpu.memory_space<hbm>>
        %dma_wait3A_344 = tpu.memref_squeeze %dma_wait3A_343 : memref<1x80x32xf32, #tpu.memory_space<hbm>> -> memref<80x32xf32, #tpu.memory_space<hbm>>
        tpu.wait_dma2 semaphore(%run_scoped3A : memref<!tpu.dma_semaphore, #tpu.memory_space<semaphore_mem>>) src(%arg10 : memref<80x32xf32, #tpu.memory_space<vmem>>) dst(%dma_wait3A_344 : memref<80x32xf32, #tpu.memory_space<hbm>>)
        tpu.yield
      }) : () -> ()
    } else {
    }
    %add3A_273 = arith.constant 32 : i32
    %add3A_274 = arith.addi %add3A_273, %arg1 : i32
    %mul3A_275 = arith.constant 80 : i32
    %mul3A_276 = arith.muli %add3A_274, %mul3A_275 : i32
    %multiple_of3A_277 = tpu.assume_multiple %mul3A_276, 80 : i32
    %lt3A_278 = arith.constant 125 : i32
    %lt3A_279 = arith.cmpi slt, %add3A_274, %lt3A_278 : i32
    %convert_element_type3A_280 = arith.extui %lt3A_279 : i1 to i32
    %cond3A_281 = arith.constant 0 : i32
    %cond3A_282 = arith.cmpi ne, %convert_element_type3A_280, %cond3A_281 : i32
    scf.if %cond3A_282 {
      "tpu.region"() ({
        %run_scoped3A = tpu.sem_alloc : memref<!tpu.dma_semaphore, #tpu.memory_space<semaphore_mem>>
        %dma_start3A_333 = arith.constant 0 : i32
        %dma_start3A_334 = tpu.memref_slice %arg11[%multiple_of3A_277, %dma_start3A_333] : memref<10000x32xf32, #tpu.memory_space<vmem_shared>> -> memref<80x32xf32, #tpu.memory_space<vmem_shared>>
        %dma_start3A_335 = arith.constant 0 : i32
        %dma_start3A_336 = tpu.memref_slice %arg11[%multiple_of3A_277, %dma_start3A_335] : memref<10000x32xf32, #tpu.memory_space<vmem_shared>> -> memref<80x32xf32, #tpu.memory_space<vmem_shared>>
        tpu.enqueue_dma source(%dma_start3A_336 : memref<80x32xf32, #tpu.memory_space<vmem_shared>>) target(%arg10 : memref<80x32xf32, #tpu.memory_space<vmem>>) target_semaphore(%run_scoped3A : memref<!tpu.dma_semaphore, #tpu.memory_space<semaphore_mem>>)
        %dma_wait3A_337 = arith.constant 0 : i32
        %dma_wait3A_338 = tpu.memref_slice %arg11[%multiple_of3A_277, %dma_wait3A_337] : memref<10000x32xf32, #tpu.memory_space<vmem_shared>> -> memref<80x32xf32, #tpu.memory_space<vmem_shared>>
        %dma_wait3A_339 = arith.constant 0 : i32
        %dma_wait3A_340 = tpu.memref_slice %arg11[%multiple_of3A_277, %dma_wait3A_339] : memref<10000x32xf32, #tpu.memory_space<vmem_shared>> -> memref<80x32xf32, #tpu.memory_space<vmem_shared>>
        tpu.wait_dma2 semaphore(%run_scoped3A : memref<!tpu.dma_semaphore, #tpu.memory_space<semaphore_mem>>) src(%dma_wait3A_340 : memref<80x32xf32, #tpu.memory_space<vmem_shared>>) dst(%arg10 : memref<80x32xf32, #tpu.memory_space<vmem>>)
        tpu.yield
      }) : () -> ()
      "tpu.region"() ({
        %run_scoped3A = tpu.sem_alloc : memref<!tpu.dma_semaphore, #tpu.memory_space<semaphore_mem>>
        %dma_start3A_333 = arith.constant 0 : i32
        %dma_start3A_334 = tpu.memref_slice %arg6[%arg0, %multiple_of3A_277, %dma_start3A_333] : memref<2x10000x32xf32, #tpu.memory_space<hbm>> -> memref<1x80x32xf32, #tpu.memory_space<hbm>>
        %dma_start3A_335 = tpu.memref_squeeze %dma_start3A_334 : memref<1x80x32xf32, #tpu.memory_space<hbm>> -> memref<80x32xf32, #tpu.memory_space<hbm>>
        %dma_start3A_336 = arith.constant 0 : i32
        %dma_start3A_337 = tpu.memref_slice %arg6[%arg0, %multiple_of3A_277, %dma_start3A_336] : memref<2x10000x32xf32, #tpu.memory_space<hbm>> -> memref<1x80x32xf32, #tpu.memory_space<hbm>>
        %dma_start3A_338 = tpu.memref_squeeze %dma_start3A_337 : memref<1x80x32xf32, #tpu.memory_space<hbm>> -> memref<80x32xf32, #tpu.memory_space<hbm>>
        tpu.enqueue_dma source(%arg10 : memref<80x32xf32, #tpu.memory_space<vmem>>) target(%dma_start3A_338 : memref<80x32xf32, #tpu.memory_space<hbm>>) target_semaphore(%run_scoped3A : memref<!tpu.dma_semaphore, #tpu.memory_space<semaphore_mem>>)
        %dma_wait3A_339 = arith.constant 0 : i32
        %dma_wait3A_340 = tpu.memref_slice %arg6[%arg0, %multiple_of3A_277, %dma_wait3A_339] : memref<2x10000x32xf32, #tpu.memory_space<hbm>> -> memref<1x80x32xf32, #tpu.memory_space<hbm>>
        %dma_wait3A_341 = tpu.memref_squeeze %dma_wait3A_340 : memref<1x80x32xf32, #tpu.memory_space<hbm>> -> memref<80x32xf32, #tpu.memory_space<hbm>>
        %dma_wait3A_342 = arith.constant 0 : i32
        %dma_wait3A_343 = tpu.memref_slice %arg6[%arg0, %multiple_of3A_277, %dma_wait3A_342] : memref<2x10000x32xf32, #tpu.memory_space<hbm>> -> memref<1x80x32xf32, #tpu.memory_space<hbm>>
        %dma_wait3A_344 = tpu.memref_squeeze %dma_wait3A_343 : memref<1x80x32xf32, #tpu.memory_space<hbm>> -> memref<80x32xf32, #tpu.memory_space<hbm>>
        tpu.wait_dma2 semaphore(%run_scoped3A : memref<!tpu.dma_semaphore, #tpu.memory_space<semaphore_mem>>) src(%arg10 : memref<80x32xf32, #tpu.memory_space<vmem>>) dst(%dma_wait3A_344 : memref<80x32xf32, #tpu.memory_space<hbm>>)
        tpu.yield
      }) : () -> ()
    } else {
    }
    %add3A_283 = arith.constant 48 : i32
    %add3A_284 = arith.addi %add3A_283, %arg1 : i32
    %mul3A_285 = arith.constant 80 : i32
    %mul3A_286 = arith.muli %add3A_284, %mul3A_285 : i32
    %multiple_of3A_287 = tpu.assume_multiple %mul3A_286, 80 : i32
    %lt3A_288 = arith.constant 125 : i32
    %lt3A_289 = arith.cmpi slt, %add3A_284, %lt3A_288 : i32
    %convert_element_type3A_290 = arith.extui %lt3A_289 : i1 to i32
    %cond3A_291 = arith.constant 0 : i32
    %cond3A_292 = arith.cmpi ne, %convert_element_type3A_290, %cond3A_291 : i32
    scf.if %cond3A_292 {
      "tpu.region"() ({
        %run_scoped3A = tpu.sem_alloc : memref<!tpu.dma_semaphore, #tpu.memory_space<semaphore_mem>>
        %dma_start3A_333 = arith.constant 0 : i32
        %dma_start3A_334 = tpu.memref_slice %arg11[%multiple_of3A_287, %dma_start3A_333] : memref<10000x32xf32, #tpu.memory_space<vmem_shared>> -> memref<80x32xf32, #tpu.memory_space<vmem_shared>>
        %dma_start3A_335 = arith.constant 0 : i32
        %dma_start3A_336 = tpu.memref_slice %arg11[%multiple_of3A_287, %dma_start3A_335] : memref<10000x32xf32, #tpu.memory_space<vmem_shared>> -> memref<80x32xf32, #tpu.memory_space<vmem_shared>>
        tpu.enqueue_dma source(%dma_start3A_336 : memref<80x32xf32, #tpu.memory_space<vmem_shared>>) target(%arg10 : memref<80x32xf32, #tpu.memory_space<vmem>>) target_semaphore(%run_scoped3A : memref<!tpu.dma_semaphore, #tpu.memory_space<semaphore_mem>>)
        %dma_wait3A_337 = arith.constant 0 : i32
        %dma_wait3A_338 = tpu.memref_slice %arg11[%multiple_of3A_287, %dma_wait3A_337] : memref<10000x32xf32, #tpu.memory_space<vmem_shared>> -> memref<80x32xf32, #tpu.memory_space<vmem_shared>>
        %dma_wait3A_339 = arith.constant 0 : i32
        %dma_wait3A_340 = tpu.memref_slice %arg11[%multiple_of3A_287, %dma_wait3A_339] : memref<10000x32xf32, #tpu.memory_space<vmem_shared>> -> memref<80x32xf32, #tpu.memory_space<vmem_shared>>
        tpu.wait_dma2 semaphore(%run_scoped3A : memref<!tpu.dma_semaphore, #tpu.memory_space<semaphore_mem>>) src(%dma_wait3A_340 : memref<80x32xf32, #tpu.memory_space<vmem_shared>>) dst(%arg10 : memref<80x32xf32, #tpu.memory_space<vmem>>)
        tpu.yield
      }) : () -> ()
      "tpu.region"() ({
        %run_scoped3A = tpu.sem_alloc : memref<!tpu.dma_semaphore, #tpu.memory_space<semaphore_mem>>
        %dma_start3A_333 = arith.constant 0 : i32
        %dma_start3A_334 = tpu.memref_slice %arg6[%arg0, %multiple_of3A_287, %dma_start3A_333] : memref<2x10000x32xf32, #tpu.memory_space<hbm>> -> memref<1x80x32xf32, #tpu.memory_space<hbm>>
        %dma_start3A_335 = tpu.memref_squeeze %dma_start3A_334 : memref<1x80x32xf32, #tpu.memory_space<hbm>> -> memref<80x32xf32, #tpu.memory_space<hbm>>
        %dma_start3A_336 = arith.constant 0 : i32
        %dma_start3A_337 = tpu.memref_slice %arg6[%arg0, %multiple_of3A_287, %dma_start3A_336] : memref<2x10000x32xf32, #tpu.memory_space<hbm>> -> memref<1x80x32xf32, #tpu.memory_space<hbm>>
        %dma_start3A_338 = tpu.memref_squeeze %dma_start3A_337 : memref<1x80x32xf32, #tpu.memory_space<hbm>> -> memref<80x32xf32, #tpu.memory_space<hbm>>
        tpu.enqueue_dma source(%arg10 : memref<80x32xf32, #tpu.memory_space<vmem>>) target(%dma_start3A_338 : memref<80x32xf32, #tpu.memory_space<hbm>>) target_semaphore(%run_scoped3A : memref<!tpu.dma_semaphore, #tpu.memory_space<semaphore_mem>>)
        %dma_wait3A_339 = arith.constant 0 : i32
        %dma_wait3A_340 = tpu.memref_slice %arg6[%arg0, %multiple_of3A_287, %dma_wait3A_339] : memref<2x10000x32xf32, #tpu.memory_space<hbm>> -> memref<1x80x32xf32, #tpu.memory_space<hbm>>
        %dma_wait3A_341 = tpu.memref_squeeze %dma_wait3A_340 : memref<1x80x32xf32, #tpu.memory_space<hbm>> -> memref<80x32xf32, #tpu.memory_space<hbm>>
        %dma_wait3A_342 = arith.constant 0 : i32
        %dma_wait3A_343 = tpu.memref_slice %arg6[%arg0, %multiple_of3A_287, %dma_wait3A_342] : memref<2x10000x32xf32, #tpu.memory_space<hbm>> -> memref<1x80x32xf32, #tpu.memory_space<hbm>>
        %dma_wait3A_344 = tpu.memref_squeeze %dma_wait3A_343 : memref<1x80x32xf32, #tpu.memory_space<hbm>> -> memref<80x32xf32, #tpu.memory_space<hbm>>
        tpu.wait_dma2 semaphore(%run_scoped3A : memref<!tpu.dma_semaphore, #tpu.memory_space<semaphore_mem>>) src(%arg10 : memref<80x32xf32, #tpu.memory_space<vmem>>) dst(%dma_wait3A_344 : memref<80x32xf32, #tpu.memory_space<hbm>>)
        tpu.yield
      }) : () -> ()
    } else {
    }
    %add3A_293 = arith.constant 64 : i32
    %add3A_294 = arith.addi %add3A_293, %arg1 : i32
    %mul3A_295 = arith.constant 80 : i32
    %mul3A_296 = arith.muli %add3A_294, %mul3A_295 : i32
    %multiple_of3A_297 = tpu.assume_multiple %mul3A_296, 80 : i32
    %lt3A_298 = arith.constant 125 : i32
    %lt3A_299 = arith.cmpi slt, %add3A_294, %lt3A_298 : i32
    %convert_element_type3A_300 = arith.extui %lt3A_299 : i1 to i32
    %cond3A_301 = arith.constant 0 : i32
    %cond3A_302 = arith.cmpi ne, %convert_element_type3A_300, %cond3A_301 : i32
    scf.if %cond3A_302 {
      "tpu.region"() ({
        %run_scoped3A = tpu.sem_alloc : memref<!tpu.dma_semaphore, #tpu.memory_space<semaphore_mem>>
        %dma_start3A_333 = arith.constant 0 : i32
        %dma_start3A_334 = tpu.memref_slice %arg11[%multiple_of3A_297, %dma_start3A_333] : memref<10000x32xf32, #tpu.memory_space<vmem_shared>> -> memref<80x32xf32, #tpu.memory_space<vmem_shared>>
        %dma_start3A_335 = arith.constant 0 : i32
        %dma_start3A_336 = tpu.memref_slice %arg11[%multiple_of3A_297, %dma_start3A_335] : memref<10000x32xf32, #tpu.memory_space<vmem_shared>> -> memref<80x32xf32, #tpu.memory_space<vmem_shared>>
        tpu.enqueue_dma source(%dma_start3A_336 : memref<80x32xf32, #tpu.memory_space<vmem_shared>>) target(%arg10 : memref<80x32xf32, #tpu.memory_space<vmem>>) target_semaphore(%run_scoped3A : memref<!tpu.dma_semaphore, #tpu.memory_space<semaphore_mem>>)
        %dma_wait3A_337 = arith.constant 0 : i32
        %dma_wait3A_338 = tpu.memref_slice %arg11[%multiple_of3A_297, %dma_wait3A_337] : memref<10000x32xf32, #tpu.memory_space<vmem_shared>> -> memref<80x32xf32, #tpu.memory_space<vmem_shared>>
        %dma_wait3A_339 = arith.constant 0 : i32
        %dma_wait3A_340 = tpu.memref_slice %arg11[%multiple_of3A_297, %dma_wait3A_339] : memref<10000x32xf32, #tpu.memory_space<vmem_shared>> -> memref<80x32xf32, #tpu.memory_space<vmem_shared>>
        tpu.wait_dma2 semaphore(%run_scoped3A : memref<!tpu.dma_semaphore, #tpu.memory_space<semaphore_mem>>) src(%dma_wait3A_340 : memref<80x32xf32, #tpu.memory_space<vmem_shared>>) dst(%arg10 : memref<80x32xf32, #tpu.memory_space<vmem>>)
        tpu.yield
      }) : () -> ()
      "tpu.region"() ({
        %run_scoped3A = tpu.sem_alloc : memref<!tpu.dma_semaphore, #tpu.memory_space<semaphore_mem>>
        %dma_start3A_333 = arith.constant 0 : i32
        %dma_start3A_334 = tpu.memref_slice %arg6[%arg0, %multiple_of3A_297, %dma_start3A_333] : memref<2x10000x32xf32, #tpu.memory_space<hbm>> -> memref<1x80x32xf32, #tpu.memory_space<hbm>>
        %dma_start3A_335 = tpu.memref_squeeze %dma_start3A_334 : memref<1x80x32xf32, #tpu.memory_space<hbm>> -> memref<80x32xf32, #tpu.memory_space<hbm>>
        %dma_start3A_336 = arith.constant 0 : i32
        %dma_start3A_337 = tpu.memref_slice %arg6[%arg0, %multiple_of3A_297, %dma_start3A_336] : memref<2x10000x32xf32, #tpu.memory_space<hbm>> -> memref<1x80x32xf32, #tpu.memory_space<hbm>>
        %dma_start3A_338 = tpu.memref_squeeze %dma_start3A_337 : memref<1x80x32xf32, #tpu.memory_space<hbm>> -> memref<80x32xf32, #tpu.memory_space<hbm>>
        tpu.enqueue_dma source(%arg10 : memref<80x32xf32, #tpu.memory_space<vmem>>) target(%dma_start3A_338 : memref<80x32xf32, #tpu.memory_space<hbm>>) target_semaphore(%run_scoped3A : memref<!tpu.dma_semaphore, #tpu.memory_space<semaphore_mem>>)
        %dma_wait3A_339 = arith.constant 0 : i32
        %dma_wait3A_340 = tpu.memref_slice %arg6[%arg0, %multiple_of3A_297, %dma_wait3A_339] : memref<2x10000x32xf32, #tpu.memory_space<hbm>> -> memref<1x80x32xf32, #tpu.memory_space<hbm>>
        %dma_wait3A_341 = tpu.memref_squeeze %dma_wait3A_340 : memref<1x80x32xf32, #tpu.memory_space<hbm>> -> memref<80x32xf32, #tpu.memory_space<hbm>>
        %dma_wait3A_342 = arith.constant 0 : i32
        %dma_wait3A_343 = tpu.memref_slice %arg6[%arg0, %multiple_of3A_297, %dma_wait3A_342] : memref<2x10000x32xf32, #tpu.memory_space<hbm>> -> memref<1x80x32xf32, #tpu.memory_space<hbm>>
        %dma_wait3A_344 = tpu.memref_squeeze %dma_wait3A_343 : memref<1x80x32xf32, #tpu.memory_space<hbm>> -> memref<80x32xf32, #tpu.memory_space<hbm>>
        tpu.wait_dma2 semaphore(%run_scoped3A : memref<!tpu.dma_semaphore, #tpu.memory_space<semaphore_mem>>) src(%arg10 : memref<80x32xf32, #tpu.memory_space<vmem>>) dst(%dma_wait3A_344 : memref<80x32xf32, #tpu.memory_space<hbm>>)
        tpu.yield
      }) : () -> ()
    } else {
    }
    %add3A_303 = arith.constant 80 : i32
    %add3A_304 = arith.addi %add3A_303, %arg1 : i32
    %mul3A_305 = arith.constant 80 : i32
    %mul3A_306 = arith.muli %add3A_304, %mul3A_305 : i32
    %multiple_of3A_307 = tpu.assume_multiple %mul3A_306, 80 : i32
    %lt3A_308 = arith.constant 125 : i32
    %lt3A_309 = arith.cmpi slt, %add3A_304, %lt3A_308 : i32
    %convert_element_type3A_310 = arith.extui %lt3A_309 : i1 to i32
    %cond3A_311 = arith.constant 0 : i32
    %cond3A_312 = arith.cmpi ne, %convert_element_type3A_310, %cond3A_311 : i32
    scf.if %cond3A_312 {
      "tpu.region"() ({
        %run_scoped3A = tpu.sem_alloc : memref<!tpu.dma_semaphore, #tpu.memory_space<semaphore_mem>>
        %dma_start3A_333 = arith.constant 0 : i32
        %dma_start3A_334 = tpu.memref_slice %arg11[%multiple_of3A_307, %dma_start3A_333] : memref<10000x32xf32, #tpu.memory_space<vmem_shared>> -> memref<80x32xf32, #tpu.memory_space<vmem_shared>>
        %dma_start3A_335 = arith.constant 0 : i32
        %dma_start3A_336 = tpu.memref_slice %arg11[%multiple_of3A_307, %dma_start3A_335] : memref<10000x32xf32, #tpu.memory_space<vmem_shared>> -> memref<80x32xf32, #tpu.memory_space<vmem_shared>>
        tpu.enqueue_dma source(%dma_start3A_336 : memref<80x32xf32, #tpu.memory_space<vmem_shared>>) target(%arg10 : memref<80x32xf32, #tpu.memory_space<vmem>>) target_semaphore(%run_scoped3A : memref<!tpu.dma_semaphore, #tpu.memory_space<semaphore_mem>>)
        %dma_wait3A_337 = arith.constant 0 : i32
        %dma_wait3A_338 = tpu.memref_slice %arg11[%multiple_of3A_307, %dma_wait3A_337] : memref<10000x32xf32, #tpu.memory_space<vmem_shared>> -> memref<80x32xf32, #tpu.memory_space<vmem_shared>>
        %dma_wait3A_339 = arith.constant 0 : i32
        %dma_wait3A_340 = tpu.memref_slice %arg11[%multiple_of3A_307, %dma_wait3A_339] : memref<10000x32xf32, #tpu.memory_space<vmem_shared>> -> memref<80x32xf32, #tpu.memory_space<vmem_shared>>
        tpu.wait_dma2 semaphore(%run_scoped3A : memref<!tpu.dma_semaphore, #tpu.memory_space<semaphore_mem>>) src(%dma_wait3A_340 : memref<80x32xf32, #tpu.memory_space<vmem_shared>>) dst(%arg10 : memref<80x32xf32, #tpu.memory_space<vmem>>)
        tpu.yield
      }) : () -> ()
      "tpu.region"() ({
        %run_scoped3A = tpu.sem_alloc : memref<!tpu.dma_semaphore, #tpu.memory_space<semaphore_mem>>
        %dma_start3A_333 = arith.constant 0 : i32
        %dma_start3A_334 = tpu.memref_slice %arg6[%arg0, %multiple_of3A_307, %dma_start3A_333] : memref<2x10000x32xf32, #tpu.memory_space<hbm>> -> memref<1x80x32xf32, #tpu.memory_space<hbm>>
        %dma_start3A_335 = tpu.memref_squeeze %dma_start3A_334 : memref<1x80x32xf32, #tpu.memory_space<hbm>> -> memref<80x32xf32, #tpu.memory_space<hbm>>
        %dma_start3A_336 = arith.constant 0 : i32
        %dma_start3A_337 = tpu.memref_slice %arg6[%arg0, %multiple_of3A_307, %dma_start3A_336] : memref<2x10000x32xf32, #tpu.memory_space<hbm>> -> memref<1x80x32xf32, #tpu.memory_space<hbm>>
        %dma_start3A_338 = tpu.memref_squeeze %dma_start3A_337 : memref<1x80x32xf32, #tpu.memory_space<hbm>> -> memref<80x32xf32, #tpu.memory_space<hbm>>
        tpu.enqueue_dma source(%arg10 : memref<80x32xf32, #tpu.memory_space<vmem>>) target(%dma_start3A_338 : memref<80x32xf32, #tpu.memory_space<hbm>>) target_semaphore(%run_scoped3A : memref<!tpu.dma_semaphore, #tpu.memory_space<semaphore_mem>>)
        %dma_wait3A_339 = arith.constant 0 : i32
        %dma_wait3A_340 = tpu.memref_slice %arg6[%arg0, %multiple_of3A_307, %dma_wait3A_339] : memref<2x10000x32xf32, #tpu.memory_space<hbm>> -> memref<1x80x32xf32, #tpu.memory_space<hbm>>
        %dma_wait3A_341 = tpu.memref_squeeze %dma_wait3A_340 : memref<1x80x32xf32, #tpu.memory_space<hbm>> -> memref<80x32xf32, #tpu.memory_space<hbm>>
        %dma_wait3A_342 = arith.constant 0 : i32
        %dma_wait3A_343 = tpu.memref_slice %arg6[%arg0, %multiple_of3A_307, %dma_wait3A_342] : memref<2x10000x32xf32, #tpu.memory_space<hbm>> -> memref<1x80x32xf32, #tpu.memory_space<hbm>>
        %dma_wait3A_344 = tpu.memref_squeeze %dma_wait3A_343 : memref<1x80x32xf32, #tpu.memory_space<hbm>> -> memref<80x32xf32, #tpu.memory_space<hbm>>
        tpu.wait_dma2 semaphore(%run_scoped3A : memref<!tpu.dma_semaphore, #tpu.memory_space<semaphore_mem>>) src(%arg10 : memref<80x32xf32, #tpu.memory_space<vmem>>) dst(%dma_wait3A_344 : memref<80x32xf32, #tpu.memory_space<hbm>>)
        tpu.yield
      }) : () -> ()
    } else {
    }
    %add3A_313 = arith.constant 96 : i32
    %add3A_314 = arith.addi %add3A_313, %arg1 : i32
    %mul3A_315 = arith.constant 80 : i32
    %mul3A_316 = arith.muli %add3A_314, %mul3A_315 : i32
    %multiple_of3A_317 = tpu.assume_multiple %mul3A_316, 80 : i32
    %lt3A_318 = arith.constant 125 : i32
    %lt3A_319 = arith.cmpi slt, %add3A_314, %lt3A_318 : i32
    %convert_element_type3A_320 = arith.extui %lt3A_319 : i1 to i32
    %cond3A_321 = arith.constant 0 : i32
    %cond3A_322 = arith.cmpi ne, %convert_element_type3A_320, %cond3A_321 : i32
    scf.if %cond3A_322 {
      "tpu.region"() ({
        %run_scoped3A = tpu.sem_alloc : memref<!tpu.dma_semaphore, #tpu.memory_space<semaphore_mem>>
        %dma_start3A_333 = arith.constant 0 : i32
        %dma_start3A_334 = tpu.memref_slice %arg11[%multiple_of3A_317, %dma_start3A_333] : memref<10000x32xf32, #tpu.memory_space<vmem_shared>> -> memref<80x32xf32, #tpu.memory_space<vmem_shared>>
        %dma_start3A_335 = arith.constant 0 : i32
        %dma_start3A_336 = tpu.memref_slice %arg11[%multiple_of3A_317, %dma_start3A_335] : memref<10000x32xf32, #tpu.memory_space<vmem_shared>> -> memref<80x32xf32, #tpu.memory_space<vmem_shared>>
        tpu.enqueue_dma source(%dma_start3A_336 : memref<80x32xf32, #tpu.memory_space<vmem_shared>>) target(%arg10 : memref<80x32xf32, #tpu.memory_space<vmem>>) target_semaphore(%run_scoped3A : memref<!tpu.dma_semaphore, #tpu.memory_space<semaphore_mem>>)
        %dma_wait3A_337 = arith.constant 0 : i32
        %dma_wait3A_338 = tpu.memref_slice %arg11[%multiple_of3A_317, %dma_wait3A_337] : memref<10000x32xf32, #tpu.memory_space<vmem_shared>> -> memref<80x32xf32, #tpu.memory_space<vmem_shared>>
        %dma_wait3A_339 = arith.constant 0 : i32
        %dma_wait3A_340 = tpu.memref_slice %arg11[%multiple_of3A_317, %dma_wait3A_339] : memref<10000x32xf32, #tpu.memory_space<vmem_shared>> -> memref<80x32xf32, #tpu.memory_space<vmem_shared>>
        tpu.wait_dma2 semaphore(%run_scoped3A : memref<!tpu.dma_semaphore, #tpu.memory_space<semaphore_mem>>) src(%dma_wait3A_340 : memref<80x32xf32, #tpu.memory_space<vmem_shared>>) dst(%arg10 : memref<80x32xf32, #tpu.memory_space<vmem>>)
        tpu.yield
      }) : () -> ()
      "tpu.region"() ({
        %run_scoped3A = tpu.sem_alloc : memref<!tpu.dma_semaphore, #tpu.memory_space<semaphore_mem>>
        %dma_start3A_333 = arith.constant 0 : i32
        %dma_start3A_334 = tpu.memref_slice %arg6[%arg0, %multiple_of3A_317, %dma_start3A_333] : memref<2x10000x32xf32, #tpu.memory_space<hbm>> -> memref<1x80x32xf32, #tpu.memory_space<hbm>>
        %dma_start3A_335 = tpu.memref_squeeze %dma_start3A_334 : memref<1x80x32xf32, #tpu.memory_space<hbm>> -> memref<80x32xf32, #tpu.memory_space<hbm>>
        %dma_start3A_336 = arith.constant 0 : i32
        %dma_start3A_337 = tpu.memref_slice %arg6[%arg0, %multiple_of3A_317, %dma_start3A_336] : memref<2x10000x32xf32, #tpu.memory_space<hbm>> -> memref<1x80x32xf32, #tpu.memory_space<hbm>>
        %dma_start3A_338 = tpu.memref_squeeze %dma_start3A_337 : memref<1x80x32xf32, #tpu.memory_space<hbm>> -> memref<80x32xf32, #tpu.memory_space<hbm>>
        tpu.enqueue_dma source(%arg10 : memref<80x32xf32, #tpu.memory_space<vmem>>) target(%dma_start3A_338 : memref<80x32xf32, #tpu.memory_space<hbm>>) target_semaphore(%run_scoped3A : memref<!tpu.dma_semaphore, #tpu.memory_space<semaphore_mem>>)
        %dma_wait3A_339 = arith.constant 0 : i32
        %dma_wait3A_340 = tpu.memref_slice %arg6[%arg0, %multiple_of3A_317, %dma_wait3A_339] : memref<2x10000x32xf32, #tpu.memory_space<hbm>> -> memref<1x80x32xf32, #tpu.memory_space<hbm>>
        %dma_wait3A_341 = tpu.memref_squeeze %dma_wait3A_340 : memref<1x80x32xf32, #tpu.memory_space<hbm>> -> memref<80x32xf32, #tpu.memory_space<hbm>>
        %dma_wait3A_342 = arith.constant 0 : i32
        %dma_wait3A_343 = tpu.memref_slice %arg6[%arg0, %multiple_of3A_317, %dma_wait3A_342] : memref<2x10000x32xf32, #tpu.memory_space<hbm>> -> memref<1x80x32xf32, #tpu.memory_space<hbm>>
        %dma_wait3A_344 = tpu.memref_squeeze %dma_wait3A_343 : memref<1x80x32xf32, #tpu.memory_space<hbm>> -> memref<80x32xf32, #tpu.memory_space<hbm>>
        tpu.wait_dma2 semaphore(%run_scoped3A : memref<!tpu.dma_semaphore, #tpu.memory_space<semaphore_mem>>) src(%arg10 : memref<80x32xf32, #tpu.memory_space<vmem>>) dst(%dma_wait3A_344 : memref<80x32xf32, #tpu.memory_space<hbm>>)
        tpu.yield
      }) : () -> ()
    } else {
    }
    %add3A_323 = arith.constant 112 : i32
    %add3A_324 = arith.addi %add3A_323, %arg1 : i32
    %mul3A_325 = arith.constant 80 : i32
    %mul3A_326 = arith.muli %add3A_324, %mul3A_325 : i32
    %multiple_of3A_327 = tpu.assume_multiple %mul3A_326, 80 : i32
    %lt3A_328 = arith.constant 125 : i32
    %lt3A_329 = arith.cmpi slt, %add3A_324, %lt3A_328 : i32
    %convert_element_type3A_330 = arith.extui %lt3A_329 : i1 to i32
    %cond3A_331 = arith.constant 0 : i32
    %cond3A_332 = arith.cmpi ne, %convert_element_type3A_330, %cond3A_331 : i32
    scf.if %cond3A_332 {
      "tpu.region"() ({
        %run_scoped3A = tpu.sem_alloc : memref<!tpu.dma_semaphore, #tpu.memory_space<semaphore_mem>>
        %dma_start3A_333 = arith.constant 0 : i32
        %dma_start3A_334 = tpu.memref_slice %arg11[%multiple_of3A_327, %dma_start3A_333] : memref<10000x32xf32, #tpu.memory_space<vmem_shared>> -> memref<80x32xf32, #tpu.memory_space<vmem_shared>>
        %dma_start3A_335 = arith.constant 0 : i32
        %dma_start3A_336 = tpu.memref_slice %arg11[%multiple_of3A_327, %dma_start3A_335] : memref<10000x32xf32, #tpu.memory_space<vmem_shared>> -> memref<80x32xf32, #tpu.memory_space<vmem_shared>>
        tpu.enqueue_dma source(%dma_start3A_336 : memref<80x32xf32, #tpu.memory_space<vmem_shared>>) target(%arg10 : memref<80x32xf32, #tpu.memory_space<vmem>>) target_semaphore(%run_scoped3A : memref<!tpu.dma_semaphore, #tpu.memory_space<semaphore_mem>>)
        %dma_wait3A_337 = arith.constant 0 : i32
        %dma_wait3A_338 = tpu.memref_slice %arg11[%multiple_of3A_327, %dma_wait3A_337] : memref<10000x32xf32, #tpu.memory_space<vmem_shared>> -> memref<80x32xf32, #tpu.memory_space<vmem_shared>>
        %dma_wait3A_339 = arith.constant 0 : i32
        %dma_wait3A_340 = tpu.memref_slice %arg11[%multiple_of3A_327, %dma_wait3A_339] : memref<10000x32xf32, #tpu.memory_space<vmem_shared>> -> memref<80x32xf32, #tpu.memory_space<vmem_shared>>
        tpu.wait_dma2 semaphore(%run_scoped3A : memref<!tpu.dma_semaphore, #tpu.memory_space<semaphore_mem>>) src(%dma_wait3A_340 : memref<80x32xf32, #tpu.memory_space<vmem_shared>>) dst(%arg10 : memref<80x32xf32, #tpu.memory_space<vmem>>)
        tpu.yield
      }) : () -> ()
      "tpu.region"() ({
        %run_scoped3A = tpu.sem_alloc : memref<!tpu.dma_semaphore, #tpu.memory_space<semaphore_mem>>
        %dma_start3A_333 = arith.constant 0 : i32
        %dma_start3A_334 = tpu.memref_slice %arg6[%arg0, %multiple_of3A_327, %dma_start3A_333] : memref<2x10000x32xf32, #tpu.memory_space<hbm>> -> memref<1x80x32xf32, #tpu.memory_space<hbm>>
        %dma_start3A_335 = tpu.memref_squeeze %dma_start3A_334 : memref<1x80x32xf32, #tpu.memory_space<hbm>> -> memref<80x32xf32, #tpu.memory_space<hbm>>
        %dma_start3A_336 = arith.constant 0 : i32
        %dma_start3A_337 = tpu.memref_slice %arg6[%arg0, %multiple_of3A_327, %dma_start3A_336] : memref<2x10000x32xf32, #tpu.memory_space<hbm>> -> memref<1x80x32xf32, #tpu.memory_space<hbm>>
        %dma_start3A_338 = tpu.memref_squeeze %dma_start3A_337 : memref<1x80x32xf32, #tpu.memory_space<hbm>> -> memref<80x32xf32, #tpu.memory_space<hbm>>
        tpu.enqueue_dma source(%arg10 : memref<80x32xf32, #tpu.memory_space<vmem>>) target(%dma_start3A_338 : memref<80x32xf32, #tpu.memory_space<hbm>>) target_semaphore(%run_scoped3A : memref<!tpu.dma_semaphore, #tpu.memory_space<semaphore_mem>>)
        %dma_wait3A_339 = arith.constant 0 : i32
        %dma_wait3A_340 = tpu.memref_slice %arg6[%arg0, %multiple_of3A_327, %dma_wait3A_339] : memref<2x10000x32xf32, #tpu.memory_space<hbm>> -> memref<1x80x32xf32, #tpu.memory_space<hbm>>
        %dma_wait3A_341 = tpu.memref_squeeze %dma_wait3A_340 : memref<1x80x32xf32, #tpu.memory_space<hbm>> -> memref<80x32xf32, #tpu.memory_space<hbm>>
        %dma_wait3A_342 = arith.constant 0 : i32
        %dma_wait3A_343 = tpu.memref_slice %arg6[%arg0, %multiple_of3A_327, %dma_wait3A_342] : memref<2x10000x32xf32, #tpu.memory_space<hbm>> -> memref<1x80x32xf32, #tpu.memory_space<hbm>>
        %dma_wait3A_344 = tpu.memref_squeeze %dma_wait3A_343 : memref<1x80x32xf32, #tpu.memory_space<hbm>> -> memref<80x32xf32, #tpu.memory_space<hbm>>
        tpu.wait_dma2 semaphore(%run_scoped3A : memref<!tpu.dma_semaphore, #tpu.memory_space<semaphore_mem>>) src(%arg10 : memref<80x32xf32, #tpu.memory_space<vmem>>) dst(%dma_wait3A_344 : memref<80x32xf32, #tpu.memory_space<hbm>>)
        tpu.yield
      }) : () -> ()
    } else {
    }
    return
  }
}

#map = affine_map<(d0, d1) -> (0, 0)>
#map1 = affine_map<(d0, d1) -> (0, 0, 0)>
module attributes {stable_mosaic.version = 14 : i64} {
  func.func @body(%arg0: i32, %arg1: i32, %arg2: memref<20000x64xf32, #tpu.memory_space<hbm>>, %arg3: memref<16x250x80xi32, #tpu.memory_space<hbm>>, %arg4: memref<16x250x80xi32, #tpu.memory_space<hbm>>, %arg5: memref<80x64xf32, #tpu.memory_space<hbm>>, %arg6: memref<80x16xf32, #tpu.memory_space<hbm>>, %arg7: memref<80x16xf32, #tpu.memory_space<hbm>>, %arg8: memref<2x10000x64xf32, #tpu.memory_space<hbm>>, %arg9: memref<2x10000x16xf32, #tpu.memory_space<hbm>>, %arg10: memref<250x80xi32, #tpu.memory_space<vmem>>, %arg11: memref<250x80xi32, #tpu.memory_space<vmem>>, %arg12: memref<5x80x64xf32, #tpu.memory_space<vmem>>, %arg13: memref<80x64xf32, #tpu.memory_space<vmem>>, %arg14: memref<10000x64xf32, #tpu.memory_space<vmem_shared>>, %arg15: memref<5x!tpu.dma_semaphore, #tpu.memory_space<semaphore_mem>>, %arg16: memref<5x!tpu.dma_semaphore, #tpu.memory_space<semaphore_mem>>, %arg17: memref<80x16xf32, #tpu.memory_space<vmem>>, %arg18: memref<80x16xf32, #tpu.memory_space<vmem>>, %arg19: memref<10000x16xf32, #tpu.memory_space<vmem_shared>>, %arg20: memref<!tpu.dma_semaphore, #tpu.memory_space<semaphore_mem>>) attributes {dimension_semantics = [#tpu.dimension_semantics<core_parallel>, #tpu.dimension_semantics<subcore_parallel>], iteration_bounds = array<i64: 2, 16>, scalar_prefetch = 0 : i64, scratch_operands = 11 : i64, tpu.core_type = #tpu.core_type<sc_vector_subcore>, window_params = [{transform_indices = #map}, {transform_indices = #map1}, {transform_indices = #map1}, {transform_indices = #map}, {transform_indices = #map}, {transform_indices = #map}, {transform_indices = #map1}, {transform_indices = #map1}]} {
    "tpu.region"() ({
      %run_scoped3A = tpu.sem_alloc : memref<!tpu.dma_semaphore, #tpu.memory_space<semaphore_mem>>
      %dma_start3A_333 = arith.constant 0 : i32
      %dma_start3A_334 = arith.constant 0 : i32
      %dma_start3A_335 = tpu.memref_slice %arg3[%arg1, %dma_start3A_333, %dma_start3A_334] : memref<16x250x80xi32, #tpu.memory_space<hbm>> -> memref<1x250x80xi32, #tpu.memory_space<hbm>>
      %dma_start3A_336 = tpu.memref_squeeze %dma_start3A_335 : memref<1x250x80xi32, #tpu.memory_space<hbm>> -> memref<250x80xi32, #tpu.memory_space<hbm>>
      %dma_start3A_337 = arith.constant 0 : i32
      %dma_start3A_338 = arith.constant 0 : i32
      %dma_start3A_339 = tpu.memref_slice %arg3[%arg1, %dma_start3A_337, %dma_start3A_338] : memref<16x250x80xi32, #tpu.memory_space<hbm>> -> memref<1x250x80xi32, #tpu.memory_space<hbm>>
      %dma_start3A_340 = tpu.memref_squeeze %dma_start3A_339 : memref<1x250x80xi32, #tpu.memory_space<hbm>> -> memref<250x80xi32, #tpu.memory_space<hbm>>
      tpu.enqueue_dma source(%dma_start3A_340 : memref<250x80xi32, #tpu.memory_space<hbm>>) target(%arg10 : memref<250x80xi32, #tpu.memory_space<vmem>>) target_semaphore(%run_scoped3A : memref<!tpu.dma_semaphore, #tpu.memory_space<semaphore_mem>>)
      %dma_wait3A_341 = arith.constant 0 : i32
      %dma_wait3A_342 = arith.constant 0 : i32
      %dma_wait3A_343 = tpu.memref_slice %arg3[%arg1, %dma_wait3A_341, %dma_wait3A_342] : memref<16x250x80xi32, #tpu.memory_space<hbm>> -> memref<1x250x80xi32, #tpu.memory_space<hbm>>
      %dma_wait3A_344 = tpu.memref_squeeze %dma_wait3A_343 : memref<1x250x80xi32, #tpu.memory_space<hbm>> -> memref<250x80xi32, #tpu.memory_space<hbm>>
      %dma_wait3A_345 = arith.constant 0 : i32
      %dma_wait3A_346 = arith.constant 0 : i32
      %dma_wait3A_347 = tpu.memref_slice %arg3[%arg1, %dma_wait3A_345, %dma_wait3A_346] : memref<16x250x80xi32, #tpu.memory_space<hbm>> -> memref<1x250x80xi32, #tpu.memory_space<hbm>>
      %dma_wait3A_348 = tpu.memref_squeeze %dma_wait3A_347 : memref<1x250x80xi32, #tpu.memory_space<hbm>> -> memref<250x80xi32, #tpu.memory_space<hbm>>
      tpu.wait_dma2 semaphore(%run_scoped3A : memref<!tpu.dma_semaphore, #tpu.memory_space<semaphore_mem>>) src(%dma_wait3A_348 : memref<250x80xi32, #tpu.memory_space<hbm>>) dst(%arg10 : memref<250x80xi32, #tpu.memory_space<vmem>>)
      tpu.yield
    }) : () -> ()
    %scan3A = arith.constant 0 : i32
    %scan3A_0 = arith.constant 0 : i32
    %scan3A_1 = arith.constant 250 : i32
    %scan3A_2 = arith.addi %scan3A_0, %scan3A_1 : i32
    %scan3A_3 = arith.constant 1 : i32
    scf.for %scan3A_333 = %scan3A_0 to %scan3A_2 step %scan3A_3  : i32 {
      %get3A = arith.index_cast %scan3A_333 : i32 to index
      %get3A_334 = arith.constant 0 : index
      %get3A_335 = tpu.vector_load %arg10[%get3A, %get3A_334] {strides = array<i32>} : memref<250x80xi32, #tpu.memory_space<vmem>>, vector<1x16xi32>,
      %get3A_336 = vector.shape_cast %get3A_335 : vector<1x16xi32> to vector<16xi32>
      %mul3A_337 = arith.constant 2 : i32
      %mul3A_338 = vector.broadcast %mul3A_337 : i32 to vector<16xi32>
      %mul3A_339 = arith.muli %get3A_336, %mul3A_338 : vector<16xi32>
      %add3A_340 = vector.broadcast %arg0 : i32 to vector<16xi32>
      %add3A_341 = arith.addi %mul3A_339, %add3A_340 : vector<16xi32>
      %swap3A = arith.index_cast %scan3A_333 : i32 to index
      %swap3A_342 = arith.constant 0 : index
      %swap3A_343 = tpu.vector_load %arg10[%swap3A, %swap3A_342] {strides = array<i32>} : memref<250x80xi32, #tpu.memory_space<vmem>>, vector<1x16xi32>,
      %swap3A_344 = vector.shape_cast %swap3A_343 : vector<1x16xi32> to vector<16xi32>
      %swap3A_345 = vector.shape_cast %add3A_341 : vector<16xi32> to vector<1x16xi32>
      tpu.vector_store %arg10[%swap3A, %swap3A_342], %swap3A_345 {strides = array<i32>} : memref<250x80xi32, #tpu.memory_space<vmem>>, vector<1x16xi32>,
      %get3A_346 = arith.index_cast %scan3A_333 : i32 to index
      %get3A_347 = arith.constant 16 : index
      %get3A_348 = tpu.vector_load %arg10[%get3A_346, %get3A_347] {strides = array<i32>} : memref<250x80xi32, #tpu.memory_space<vmem>>, vector<1x16xi32>,
      %get3A_349 = vector.shape_cast %get3A_348 : vector<1x16xi32> to vector<16xi32>
      %mul3A_350 = arith.constant 2 : i32
      %mul3A_351 = vector.broadcast %mul3A_350 : i32 to vector<16xi32>
      %mul3A_352 = arith.muli %get3A_349, %mul3A_351 : vector<16xi32>
      %add3A_353 = vector.broadcast %arg0 : i32 to vector<16xi32>
      %add3A_354 = arith.addi %mul3A_352, %add3A_353 : vector<16xi32>
      %swap3A_355 = arith.index_cast %scan3A_333 : i32 to index
      %swap3A_356 = arith.constant 16 : index
      %swap3A_357 = tpu.vector_load %arg10[%swap3A_355, %swap3A_356] {strides = array<i32>} : memref<250x80xi32, #tpu.memory_space<vmem>>, vector<1x16xi32>,
      %swap3A_358 = vector.shape_cast %swap3A_357 : vector<1x16xi32> to vector<16xi32>
      %swap3A_359 = vector.shape_cast %add3A_354 : vector<16xi32> to vector<1x16xi32>
      tpu.vector_store %arg10[%swap3A_355, %swap3A_356], %swap3A_359 {strides = array<i32>} : memref<250x80xi32, #tpu.memory_space<vmem>>, vector<1x16xi32>,
      %get3A_360 = arith.index_cast %scan3A_333 : i32 to index
      %get3A_361 = arith.constant 32 : index
      %get3A_362 = tpu.vector_load %arg10[%get3A_360, %get3A_361] {strides = array<i32>} : memref<250x80xi32, #tpu.memory_space<vmem>>, vector<1x16xi32>,
      %get3A_363 = vector.shape_cast %get3A_362 : vector<1x16xi32> to vector<16xi32>
      %mul3A_364 = arith.constant 2 : i32
      %mul3A_365 = vector.broadcast %mul3A_364 : i32 to vector<16xi32>
      %mul3A_366 = arith.muli %get3A_363, %mul3A_365 : vector<16xi32>
      %add3A_367 = vector.broadcast %arg0 : i32 to vector<16xi32>
      %add3A_368 = arith.addi %mul3A_366, %add3A_367 : vector<16xi32>
      %swap3A_369 = arith.index_cast %scan3A_333 : i32 to index
      %swap3A_370 = arith.constant 32 : index
      %swap3A_371 = tpu.vector_load %arg10[%swap3A_369, %swap3A_370] {strides = array<i32>} : memref<250x80xi32, #tpu.memory_space<vmem>>, vector<1x16xi32>,
      %swap3A_372 = vector.shape_cast %swap3A_371 : vector<1x16xi32> to vector<16xi32>
      %swap3A_373 = vector.shape_cast %add3A_368 : vector<16xi32> to vector<1x16xi32>
      tpu.vector_store %arg10[%swap3A_369, %swap3A_370], %swap3A_373 {strides = array<i32>} : memref<250x80xi32, #tpu.memory_space<vmem>>, vector<1x16xi32>,
      %get3A_374 = arith.index_cast %scan3A_333 : i32 to index
      %get3A_375 = arith.constant 48 : index
      %get3A_376 = tpu.vector_load %arg10[%get3A_374, %get3A_375] {strides = array<i32>} : memref<250x80xi32, #tpu.memory_space<vmem>>, vector<1x16xi32>,
      %get3A_377 = vector.shape_cast %get3A_376 : vector<1x16xi32> to vector<16xi32>
      %mul3A_378 = arith.constant 2 : i32
      %mul3A_379 = vector.broadcast %mul3A_378 : i32 to vector<16xi32>
      %mul3A_380 = arith.muli %get3A_377, %mul3A_379 : vector<16xi32>
      %add3A_381 = vector.broadcast %arg0 : i32 to vector<16xi32>
      %add3A_382 = arith.addi %mul3A_380, %add3A_381 : vector<16xi32>
      %swap3A_383 = arith.index_cast %scan3A_333 : i32 to index
      %swap3A_384 = arith.constant 48 : index
      %swap3A_385 = tpu.vector_load %arg10[%swap3A_383, %swap3A_384] {strides = array<i32>} : memref<250x80xi32, #tpu.memory_space<vmem>>, vector<1x16xi32>,
      %swap3A_386 = vector.shape_cast %swap3A_385 : vector<1x16xi32> to vector<16xi32>
      %swap3A_387 = vector.shape_cast %add3A_382 : vector<16xi32> to vector<1x16xi32>
      tpu.vector_store %arg10[%swap3A_383, %swap3A_384], %swap3A_387 {strides = array<i32>} : memref<250x80xi32, #tpu.memory_space<vmem>>, vector<1x16xi32>,
      %get3A_388 = arith.index_cast %scan3A_333 : i32 to index
      %get3A_389 = arith.constant 64 : index
      %get3A_390 = tpu.vector_load %arg10[%get3A_388, %get3A_389] {strides = array<i32>} : memref<250x80xi32, #tpu.memory_space<vmem>>, vector<1x16xi32>,
      %get3A_391 = vector.shape_cast %get3A_390 : vector<1x16xi32> to vector<16xi32>
      %mul3A_392 = arith.constant 2 : i32
      %mul3A_393 = vector.broadcast %mul3A_392 : i32 to vector<16xi32>
      %mul3A_394 = arith.muli %get3A_391, %mul3A_393 : vector<16xi32>
      %add3A_395 = vector.broadcast %arg0 : i32 to vector<16xi32>
      %add3A_396 = arith.addi %mul3A_394, %add3A_395 : vector<16xi32>
      %swap3A_397 = arith.index_cast %scan3A_333 : i32 to index
      %swap3A_398 = arith.constant 64 : index
      %swap3A_399 = tpu.vector_load %arg10[%swap3A_397, %swap3A_398] {strides = array<i32>} : memref<250x80xi32, #tpu.memory_space<vmem>>, vector<1x16xi32>,
      %swap3A_400 = vector.shape_cast %swap3A_399 : vector<1x16xi32> to vector<16xi32>
      %swap3A_401 = vector.shape_cast %add3A_396 : vector<16xi32> to vector<1x16xi32>
      tpu.vector_store %arg10[%swap3A_397, %swap3A_398], %swap3A_401 {strides = array<i32>} : memref<250x80xi32, #tpu.memory_space<vmem>>, vector<1x16xi32>,
    }
    %scan3A_4 = arith.constant 250 : i32
    %dma_start3A = arith.constant 0 : i32
    %dma_start3A_5 = arith.constant 0 : i32
    %dma_start3A_6 = arith.constant 0 : i32
    %dma_start3A_7 = arith.constant 0 : i32
    %dma_start3A_8 = arith.constant 0 : i32
    %dma_start3A_9 = tpu.memref_slice %arg12[%dma_start3A_5, %dma_start3A_7, %dma_start3A_8] : memref<5x80x64xf32, #tpu.memory_space<vmem>> -> memref<1x80x64xf32, #tpu.memory_space<vmem>>
    %dma_start3A_10 = tpu.memref_squeeze %dma_start3A_9 : memref<1x80x64xf32, #tpu.memory_space<vmem>> -> memref<80x64xf32, #tpu.memory_space<vmem>>
    %dma_start3A_11 = arith.constant 0 : i32
    %dma_start3A_12 = tpu.memref_slice %arg10[%dma_start3A, %dma_start3A_11] : memref<250x80xi32, #tpu.memory_space<vmem>> -> memref<1x80xi32, #tpu.memory_space<vmem>>
    %dma_start3A_13 = tpu.memref_squeeze %dma_start3A_12 : memref<1x80xi32, #tpu.memory_space<vmem>> -> memref<80xi32, #tpu.memory_space<vmem>>
    %dma_start3A_14 = arith.constant 0 : i32
    %dma_start3A_15 = arith.constant 0 : i32
    %dma_start3A_16 = tpu.memref_slice %arg2[%dma_start3A_14, %dma_start3A_15] : memref<20000x64xf32, #tpu.memory_space<hbm>> -> memref<20000x64xf32, #tpu.memory_space<hbm>>
    %dma_start3A_17 = tpu.memref_slice %arg15[%dma_start3A_6] : memref<5x!tpu.dma_semaphore, #tpu.memory_space<semaphore_mem>> -> memref<1x!tpu.dma_semaphore, #tpu.memory_space<semaphore_mem>>
    %dma_start3A_18 = tpu.memref_squeeze %dma_start3A_17 : memref<1x!tpu.dma_semaphore, #tpu.memory_space<semaphore_mem>> -> memref<!tpu.dma_semaphore, #tpu.memory_space<semaphore_mem>>
    tpu.enqueue_indirect_dma source(%dma_start3A_16 : memref<20000x64xf32, #tpu.memory_space<hbm>>) target(%dma_start3A_10 : memref<80x64xf32, #tpu.memory_space<vmem>>) offsets(%dma_start3A_13 : memref<80xi32, #tpu.memory_space<vmem>>) semaphore(%dma_start3A_18 : memref<!tpu.dma_semaphore, #tpu.memory_space<semaphore_mem>>)
    %dma_start3A_19 = arith.constant 1 : i32
    %dma_start3A_20 = arith.constant 1 : i32
    %dma_start3A_21 = arith.constant 1 : i32
    %dma_start3A_22 = arith.constant 0 : i32
    %dma_start3A_23 = arith.constant 0 : i32
    %dma_start3A_24 = tpu.memref_slice %arg12[%dma_start3A_20, %dma_start3A_22, %dma_start3A_23] : memref<5x80x64xf32, #tpu.memory_space<vmem>> -> memref<1x80x64xf32, #tpu.memory_space<vmem>>
    %dma_start3A_25 = tpu.memref_squeeze %dma_start3A_24 : memref<1x80x64xf32, #tpu.memory_space<vmem>> -> memref<80x64xf32, #tpu.memory_space<vmem>>
    %dma_start3A_26 = arith.constant 0 : i32
    %dma_start3A_27 = tpu.memref_slice %arg10[%dma_start3A_19, %dma_start3A_26] : memref<250x80xi32, #tpu.memory_space<vmem>> -> memref<1x80xi32, #tpu.memory_space<vmem>>
    %dma_start3A_28 = tpu.memref_squeeze %dma_start3A_27 : memref<1x80xi32, #tpu.memory_space<vmem>> -> memref<80xi32, #tpu.memory_space<vmem>>
    %dma_start3A_29 = arith.constant 0 : i32
    %dma_start3A_30 = arith.constant 0 : i32
    %dma_start3A_31 = tpu.memref_slice %arg2[%dma_start3A_29, %dma_start3A_30] : memref<20000x64xf32, #tpu.memory_space<hbm>> -> memref<20000x64xf32, #tpu.memory_space<hbm>>
    %dma_start3A_32 = tpu.memref_slice %arg15[%dma_start3A_21] : memref<5x!tpu.dma_semaphore, #tpu.memory_space<semaphore_mem>> -> memref<1x!tpu.dma_semaphore, #tpu.memory_space<semaphore_mem>>
    %dma_start3A_33 = tpu.memref_squeeze %dma_start3A_32 : memref<1x!tpu.dma_semaphore, #tpu.memory_space<semaphore_mem>> -> memref<!tpu.dma_semaphore, #tpu.memory_space<semaphore_mem>>
    tpu.enqueue_indirect_dma source(%dma_start3A_31 : memref<20000x64xf32, #tpu.memory_space<hbm>>) target(%dma_start3A_25 : memref<80x64xf32, #tpu.memory_space<vmem>>) offsets(%dma_start3A_28 : memref<80xi32, #tpu.memory_space<vmem>>) semaphore(%dma_start3A_33 : memref<!tpu.dma_semaphore, #tpu.memory_space<semaphore_mem>>)
    %dma_start3A_34 = arith.constant 2 : i32
    %dma_start3A_35 = arith.constant 2 : i32
    %dma_start3A_36 = arith.constant 2 : i32
    %dma_start3A_37 = arith.constant 0 : i32
    %dma_start3A_38 = arith.constant 0 : i32
    %dma_start3A_39 = tpu.memref_slice %arg12[%dma_start3A_35, %dma_start3A_37, %dma_start3A_38] : memref<5x80x64xf32, #tpu.memory_space<vmem>> -> memref<1x80x64xf32, #tpu.memory_space<vmem>>
    %dma_start3A_40 = tpu.memref_squeeze %dma_start3A_39 : memref<1x80x64xf32, #tpu.memory_space<vmem>> -> memref<80x64xf32, #tpu.memory_space<vmem>>
    %dma_start3A_41 = arith.constant 0 : i32
    %dma_start3A_42 = tpu.memref_slice %arg10[%dma_start3A_34, %dma_start3A_41] : memref<250x80xi32, #tpu.memory_space<vmem>> -> memref<1x80xi32, #tpu.memory_space<vmem>>
    %dma_start3A_43 = tpu.memref_squeeze %dma_start3A_42 : memref<1x80xi32, #tpu.memory_space<vmem>> -> memref<80xi32, #tpu.memory_space<vmem>>
    %dma_start3A_44 = arith.constant 0 : i32
    %dma_start3A_45 = arith.constant 0 : i32
    %dma_start3A_46 = tpu.memref_slice %arg2[%dma_start3A_44, %dma_start3A_45] : memref<20000x64xf32, #tpu.memory_space<hbm>> -> memref<20000x64xf32, #tpu.memory_space<hbm>>
    %dma_start3A_47 = tpu.memref_slice %arg15[%dma_start3A_36] : memref<5x!tpu.dma_semaphore, #tpu.memory_space<semaphore_mem>> -> memref<1x!tpu.dma_semaphore, #tpu.memory_space<semaphore_mem>>
    %dma_start3A_48 = tpu.memref_squeeze %dma_start3A_47 : memref<1x!tpu.dma_semaphore, #tpu.memory_space<semaphore_mem>> -> memref<!tpu.dma_semaphore, #tpu.memory_space<semaphore_mem>>
    tpu.enqueue_indirect_dma source(%dma_start3A_46 : memref<20000x64xf32, #tpu.memory_space<hbm>>) target(%dma_start3A_40 : memref<80x64xf32, #tpu.memory_space<vmem>>) offsets(%dma_start3A_43 : memref<80xi32, #tpu.memory_space<vmem>>) semaphore(%dma_start3A_48 : memref<!tpu.dma_semaphore, #tpu.memory_space<semaphore_mem>>)
    %dma_start3A_49 = arith.constant 3 : i32
    %dma_start3A_50 = arith.constant 3 : i32
    %dma_start3A_51 = arith.constant 3 : i32
    %dma_start3A_52 = arith.constant 0 : i32
    %dma_start3A_53 = arith.constant 0 : i32
    %dma_start3A_54 = tpu.memref_slice %arg12[%dma_start3A_50, %dma_start3A_52, %dma_start3A_53] : memref<5x80x64xf32, #tpu.memory_space<vmem>> -> memref<1x80x64xf32, #tpu.memory_space<vmem>>
    %dma_start3A_55 = tpu.memref_squeeze %dma_start3A_54 : memref<1x80x64xf32, #tpu.memory_space<vmem>> -> memref<80x64xf32, #tpu.memory_space<vmem>>
    %dma_start3A_56 = arith.constant 0 : i32
    %dma_start3A_57 = tpu.memref_slice %arg10[%dma_start3A_49, %dma_start3A_56] : memref<250x80xi32, #tpu.memory_space<vmem>> -> memref<1x80xi32, #tpu.memory_space<vmem>>
    %dma_start3A_58 = tpu.memref_squeeze %dma_start3A_57 : memref<1x80xi32, #tpu.memory_space<vmem>> -> memref<80xi32, #tpu.memory_space<vmem>>
    %dma_start3A_59 = arith.constant 0 : i32
    %dma_start3A_60 = arith.constant 0 : i32
    %dma_start3A_61 = tpu.memref_slice %arg2[%dma_start3A_59, %dma_start3A_60] : memref<20000x64xf32, #tpu.memory_space<hbm>> -> memref<20000x64xf32, #tpu.memory_space<hbm>>
    %dma_start3A_62 = tpu.memref_slice %arg15[%dma_start3A_51] : memref<5x!tpu.dma_semaphore, #tpu.memory_space<semaphore_mem>> -> memref<1x!tpu.dma_semaphore, #tpu.memory_space<semaphore_mem>>
    %dma_start3A_63 = tpu.memref_squeeze %dma_start3A_62 : memref<1x!tpu.dma_semaphore, #tpu.memory_space<semaphore_mem>> -> memref<!tpu.dma_semaphore, #tpu.memory_space<semaphore_mem>>
    tpu.enqueue_indirect_dma source(%dma_start3A_61 : memref<20000x64xf32, #tpu.memory_space<hbm>>) target(%dma_start3A_55 : memref<80x64xf32, #tpu.memory_space<vmem>>) offsets(%dma_start3A_58 : memref<80xi32, #tpu.memory_space<vmem>>) semaphore(%dma_start3A_63 : memref<!tpu.dma_semaphore, #tpu.memory_space<semaphore_mem>>)
    %dma_start3A_64 = arith.constant 4 : i32
    %dma_start3A_65 = arith.constant 4 : i32
    %dma_start3A_66 = arith.constant 4 : i32
    %dma_start3A_67 = arith.constant 0 : i32
    %dma_start3A_68 = arith.constant 0 : i32
    %dma_start3A_69 = tpu.memref_slice %arg12[%dma_start3A_65, %dma_start3A_67, %dma_start3A_68] : memref<5x80x64xf32, #tpu.memory_space<vmem>> -> memref<1x80x64xf32, #tpu.memory_space<vmem>>
    %dma_start3A_70 = tpu.memref_squeeze %dma_start3A_69 : memref<1x80x64xf32, #tpu.memory_space<vmem>> -> memref<80x64xf32, #tpu.memory_space<vmem>>
    %dma_start3A_71 = arith.constant 0 : i32
    %dma_start3A_72 = tpu.memref_slice %arg10[%dma_start3A_64, %dma_start3A_71] : memref<250x80xi32, #tpu.memory_space<vmem>> -> memref<1x80xi32, #tpu.memory_space<vmem>>
    %dma_start3A_73 = tpu.memref_squeeze %dma_start3A_72 : memref<1x80xi32, #tpu.memory_space<vmem>> -> memref<80xi32, #tpu.memory_space<vmem>>
    %dma_start3A_74 = arith.constant 0 : i32
    %dma_start3A_75 = arith.constant 0 : i32
    %dma_start3A_76 = tpu.memref_slice %arg2[%dma_start3A_74, %dma_start3A_75] : memref<20000x64xf32, #tpu.memory_space<hbm>> -> memref<20000x64xf32, #tpu.memory_space<hbm>>
    %dma_start3A_77 = tpu.memref_slice %arg15[%dma_start3A_66] : memref<5x!tpu.dma_semaphore, #tpu.memory_space<semaphore_mem>> -> memref<1x!tpu.dma_semaphore, #tpu.memory_space<semaphore_mem>>
    %dma_start3A_78 = tpu.memref_squeeze %dma_start3A_77 : memref<1x!tpu.dma_semaphore, #tpu.memory_space<semaphore_mem>> -> memref<!tpu.dma_semaphore, #tpu.memory_space<semaphore_mem>>
    tpu.enqueue_indirect_dma source(%dma_start3A_76 : memref<20000x64xf32, #tpu.memory_space<hbm>>) target(%dma_start3A_70 : memref<80x64xf32, #tpu.memory_space<vmem>>) offsets(%dma_start3A_73 : memref<80xi32, #tpu.memory_space<vmem>>) semaphore(%dma_start3A_78 : memref<!tpu.dma_semaphore, #tpu.memory_space<semaphore_mem>>)
    "tpu.region"() ({
      %run_scoped3A = tpu.sem_alloc : memref<!tpu.dma_semaphore, #tpu.memory_space<semaphore_mem>>
      %dma_start3A_333 = arith.constant 0 : i32
      %dma_start3A_334 = arith.constant 0 : i32
      %dma_start3A_335 = tpu.memref_slice %arg4[%arg1, %dma_start3A_333, %dma_start3A_334] : memref<16x250x80xi32, #tpu.memory_space<hbm>> -> memref<1x250x80xi32, #tpu.memory_space<hbm>>
      %dma_start3A_336 = tpu.memref_squeeze %dma_start3A_335 : memref<1x250x80xi32, #tpu.memory_space<hbm>> -> memref<250x80xi32, #tpu.memory_space<hbm>>
      %dma_start3A_337 = arith.constant 0 : i32
      %dma_start3A_338 = arith.constant 0 : i32
      %dma_start3A_339 = tpu.memref_slice %arg4[%arg1, %dma_start3A_337, %dma_start3A_338] : memref<16x250x80xi32, #tpu.memory_space<hbm>> -> memref<1x250x80xi32, #tpu.memory_space<hbm>>
      %dma_start3A_340 = tpu.memref_squeeze %dma_start3A_339 : memref<1x250x80xi32, #tpu.memory_space<hbm>> -> memref<250x80xi32, #tpu.memory_space<hbm>>
      tpu.enqueue_dma source(%dma_start3A_340 : memref<250x80xi32, #tpu.memory_space<hbm>>) target(%arg11 : memref<250x80xi32, #tpu.memory_space<vmem>>) target_semaphore(%run_scoped3A : memref<!tpu.dma_semaphore, #tpu.memory_space<semaphore_mem>>)
      %dma_wait3A_341 = arith.constant 0 : i32
      %dma_wait3A_342 = arith.constant 0 : i32
      %dma_wait3A_343 = tpu.memref_slice %arg4[%arg1, %dma_wait3A_341, %dma_wait3A_342] : memref<16x250x80xi32, #tpu.memory_space<hbm>> -> memref<1x250x80xi32, #tpu.memory_space<hbm>>
      %dma_wait3A_344 = tpu.memref_squeeze %dma_wait3A_343 : memref<1x250x80xi32, #tpu.memory_space<hbm>> -> memref<250x80xi32, #tpu.memory_space<hbm>>
      %dma_wait3A_345 = arith.constant 0 : i32
      %dma_wait3A_346 = arith.constant 0 : i32
      %dma_wait3A_347 = tpu.memref_slice %arg4[%arg1, %dma_wait3A_345, %dma_wait3A_346] : memref<16x250x80xi32, #tpu.memory_space<hbm>> -> memref<1x250x80xi32, #tpu.memory_space<hbm>>
      %dma_wait3A_348 = tpu.memref_squeeze %dma_wait3A_347 : memref<1x250x80xi32, #tpu.memory_space<hbm>> -> memref<250x80xi32, #tpu.memory_space<hbm>>
      tpu.wait_dma2 semaphore(%run_scoped3A : memref<!tpu.dma_semaphore, #tpu.memory_space<semaphore_mem>>) src(%dma_wait3A_348 : memref<250x80xi32, #tpu.memory_space<hbm>>) dst(%arg11 : memref<250x80xi32, #tpu.memory_space<vmem>>)
      tpu.yield
    }) : () -> ()
    "tpu.region"() ({
      %run_scoped3A = tpu.sem_alloc : memref<!tpu.dma_semaphore, #tpu.memory_space<semaphore_mem>>
      tpu.enqueue_dma source(%arg5 : memref<80x64xf32, #tpu.memory_space<hbm>>) target(%arg13 : memref<80x64xf32, #tpu.memory_space<vmem>>) target_semaphore(%run_scoped3A : memref<!tpu.dma_semaphore, #tpu.memory_space<semaphore_mem>>)
      tpu.wait_dma2 semaphore(%run_scoped3A : memref<!tpu.dma_semaphore, #tpu.memory_space<semaphore_mem>>) src(%arg5 : memref<80x64xf32, #tpu.memory_space<hbm>>) dst(%arg13 : memref<80x64xf32, #tpu.memory_space<vmem>>)
      tpu.yield
    }) : () -> ()
    "tpu.region"() ({
      %run_scoped3A = tpu.sem_alloc : memref<!tpu.dma_semaphore, #tpu.memory_space<semaphore_mem>>
      tpu.enqueue_dma source(%arg7 : memref<80x16xf32, #tpu.memory_space<hbm>>) target(%arg17 : memref<80x16xf32, #tpu.memory_space<vmem>>) target_semaphore(%run_scoped3A : memref<!tpu.dma_semaphore, #tpu.memory_space<semaphore_mem>>)
      tpu.wait_dma2 semaphore(%run_scoped3A : memref<!tpu.dma_semaphore, #tpu.memory_space<semaphore_mem>>) src(%arg7 : memref<80x16xf32, #tpu.memory_space<hbm>>) dst(%arg17 : memref<80x16xf32, #tpu.memory_space<vmem>>)
      tpu.yield
    }) : () -> ()
    "tpu.region"() ({
      %run_scoped3A = tpu.sem_alloc : memref<!tpu.dma_semaphore, #tpu.memory_space<semaphore_mem>>
      tpu.enqueue_dma source(%arg6 : memref<80x16xf32, #tpu.memory_space<hbm>>) target(%arg18 : memref<80x16xf32, #tpu.memory_space<vmem>>) target_semaphore(%run_scoped3A : memref<!tpu.dma_semaphore, #tpu.memory_space<semaphore_mem>>)
      tpu.wait_dma2 semaphore(%run_scoped3A : memref<!tpu.dma_semaphore, #tpu.memory_space<semaphore_mem>>) src(%arg6 : memref<80x16xf32, #tpu.memory_space<hbm>>) dst(%arg18 : memref<80x16xf32, #tpu.memory_space<vmem>>)
      tpu.yield
    }) : () -> ()
    %add3A = arith.constant 0 : i32
    %add3A_79 = arith.addi %add3A, %arg1 : i32
    %mul3A = arith.constant 80 : i32
    %mul3A_80 = arith.muli %add3A_79, %mul3A : i32
    %multiple_of3A = tpu.assume_multiple %mul3A_80, 80 : i32
    %lt3A = arith.constant 125 : i32
    %lt3A_81 = arith.cmpi slt, %add3A_79, %lt3A : i32
    %convert_element_type3A = arith.extui %lt3A_81 : i1 to i32
    %cond3A = arith.constant 0 : i32
    %cond3A_82 = arith.cmpi ne, %convert_element_type3A, %cond3A : i32
    scf.if %cond3A_82 {
      "tpu.region"() ({
        %run_scoped3A = tpu.sem_alloc : memref<!tpu.dma_semaphore, #tpu.memory_space<semaphore_mem>>
        %dma_start3A_333 = arith.constant 0 : i32
        %dma_start3A_334 = tpu.memref_slice %arg14[%multiple_of3A, %dma_start3A_333] : memref<10000x64xf32, #tpu.memory_space<vmem_shared>> -> memref<80x64xf32, #tpu.memory_space<vmem_shared>>
        %dma_start3A_335 = arith.constant 0 : i32
        %dma_start3A_336 = tpu.memref_slice %arg14[%multiple_of3A, %dma_start3A_335] : memref<10000x64xf32, #tpu.memory_space<vmem_shared>> -> memref<80x64xf32, #tpu.memory_space<vmem_shared>>
        tpu.enqueue_dma source(%arg13 : memref<80x64xf32, #tpu.memory_space<vmem>>) target(%dma_start3A_336 : memref<80x64xf32, #tpu.memory_space<vmem_shared>>) target_semaphore(%run_scoped3A : memref<!tpu.dma_semaphore, #tpu.memory_space<semaphore_mem>>)
        %dma_wait3A_337 = arith.constant 0 : i32
        %dma_wait3A_338 = tpu.memref_slice %arg14[%multiple_of3A, %dma_wait3A_337] : memref<10000x64xf32, #tpu.memory_space<vmem_shared>> -> memref<80x64xf32, #tpu.memory_space<vmem_shared>>
        %dma_wait3A_339 = arith.constant 0 : i32
        %dma_wait3A_340 = tpu.memref_slice %arg14[%multiple_of3A, %dma_wait3A_339] : memref<10000x64xf32, #tpu.memory_space<vmem_shared>> -> memref<80x64xf32, #tpu.memory_space<vmem_shared>>
        tpu.wait_dma2 semaphore(%run_scoped3A : memref<!tpu.dma_semaphore, #tpu.memory_space<semaphore_mem>>) src(%arg13 : memref<80x64xf32, #tpu.memory_space<vmem>>) dst(%dma_wait3A_340 : memref<80x64xf32, #tpu.memory_space<vmem_shared>>)
        tpu.yield
      }) : () -> ()
      "tpu.region"() ({
        %run_scoped3A = tpu.sem_alloc : memref<!tpu.dma_semaphore, #tpu.memory_space<semaphore_mem>>
        %dma_start3A_333 = arith.constant 0 : i32
        %dma_start3A_334 = tpu.memref_slice %arg19[%multiple_of3A, %dma_start3A_333] : memref<10000x16xf32, #tpu.memory_space<vmem_shared>> -> memref<80x16xf32, #tpu.memory_space<vmem_shared>>
        %dma_start3A_335 = arith.constant 0 : i32
        %dma_start3A_336 = tpu.memref_slice %arg19[%multiple_of3A, %dma_start3A_335] : memref<10000x16xf32, #tpu.memory_space<vmem_shared>> -> memref<80x16xf32, #tpu.memory_space<vmem_shared>>
        tpu.enqueue_dma source(%arg18 : memref<80x16xf32, #tpu.memory_space<vmem>>) target(%dma_start3A_336 : memref<80x16xf32, #tpu.memory_space<vmem_shared>>) target_semaphore(%run_scoped3A : memref<!tpu.dma_semaphore, #tpu.memory_space<semaphore_mem>>)
        %dma_wait3A_337 = arith.constant 0 : i32
        %dma_wait3A_338 = tpu.memref_slice %arg19[%multiple_of3A, %dma_wait3A_337] : memref<10000x16xf32, #tpu.memory_space<vmem_shared>> -> memref<80x16xf32, #tpu.memory_space<vmem_shared>>
        %dma_wait3A_339 = arith.constant 0 : i32
        %dma_wait3A_340 = tpu.memref_slice %arg19[%multiple_of3A, %dma_wait3A_339] : memref<10000x16xf32, #tpu.memory_space<vmem_shared>> -> memref<80x16xf32, #tpu.memory_space<vmem_shared>>
        tpu.wait_dma2 semaphore(%run_scoped3A : memref<!tpu.dma_semaphore, #tpu.memory_space<semaphore_mem>>) src(%arg18 : memref<80x16xf32, #tpu.memory_space<vmem>>) dst(%dma_wait3A_340 : memref<80x16xf32, #tpu.memory_space<vmem_shared>>)
        tpu.yield
      }) : () -> ()
    } else {
    }
    %add3A_83 = arith.constant 16 : i32
    %add3A_84 = arith.addi %add3A_83, %arg1 : i32
    %mul3A_85 = arith.constant 80 : i32
    %mul3A_86 = arith.muli %add3A_84, %mul3A_85 : i32
    %multiple_of3A_87 = tpu.assume_multiple %mul3A_86, 80 : i32
    %lt3A_88 = arith.constant 125 : i32
    %lt3A_89 = arith.cmpi slt, %add3A_84, %lt3A_88 : i32
    %convert_element_type3A_90 = arith.extui %lt3A_89 : i1 to i32
    %cond3A_91 = arith.constant 0 : i32
    %cond3A_92 = arith.cmpi ne, %convert_element_type3A_90, %cond3A_91 : i32
    scf.if %cond3A_92 {
      "tpu.region"() ({
        %run_scoped3A = tpu.sem_alloc : memref<!tpu.dma_semaphore, #tpu.memory_space<semaphore_mem>>
        %dma_start3A_333 = arith.constant 0 : i32
        %dma_start3A_334 = tpu.memref_slice %arg14[%multiple_of3A_87, %dma_start3A_333] : memref<10000x64xf32, #tpu.memory_space<vmem_shared>> -> memref<80x64xf32, #tpu.memory_space<vmem_shared>>
        %dma_start3A_335 = arith.constant 0 : i32
        %dma_start3A_336 = tpu.memref_slice %arg14[%multiple_of3A_87, %dma_start3A_335] : memref<10000x64xf32, #tpu.memory_space<vmem_shared>> -> memref<80x64xf32, #tpu.memory_space<vmem_shared>>
        tpu.enqueue_dma source(%arg13 : memref<80x64xf32, #tpu.memory_space<vmem>>) target(%dma_start3A_336 : memref<80x64xf32, #tpu.memory_space<vmem_shared>>) target_semaphore(%run_scoped3A : memref<!tpu.dma_semaphore, #tpu.memory_space<semaphore_mem>>)
        %dma_wait3A_337 = arith.constant 0 : i32
        %dma_wait3A_338 = tpu.memref_slice %arg14[%multiple_of3A_87, %dma_wait3A_337] : memref<10000x64xf32, #tpu.memory_space<vmem_shared>> -> memref<80x64xf32, #tpu.memory_space<vmem_shared>>
        %dma_wait3A_339 = arith.constant 0 : i32
        %dma_wait3A_340 = tpu.memref_slice %arg14[%multiple_of3A_87, %dma_wait3A_339] : memref<10000x64xf32, #tpu.memory_space<vmem_shared>> -> memref<80x64xf32, #tpu.memory_space<vmem_shared>>
        tpu.wait_dma2 semaphore(%run_scoped3A : memref<!tpu.dma_semaphore, #tpu.memory_space<semaphore_mem>>) src(%arg13 : memref<80x64xf32, #tpu.memory_space<vmem>>) dst(%dma_wait3A_340 : memref<80x64xf32, #tpu.memory_space<vmem_shared>>)
        tpu.yield
      }) : () -> ()
      "tpu.region"() ({
        %run_scoped3A = tpu.sem_alloc : memref<!tpu.dma_semaphore, #tpu.memory_space<semaphore_mem>>
        %dma_start3A_333 = arith.constant 0 : i32
        %dma_start3A_334 = tpu.memref_slice %arg19[%multiple_of3A_87, %dma_start3A_333] : memref<10000x16xf32, #tpu.memory_space<vmem_shared>> -> memref<80x16xf32, #tpu.memory_space<vmem_shared>>
        %dma_start3A_335 = arith.constant 0 : i32
        %dma_start3A_336 = tpu.memref_slice %arg19[%multiple_of3A_87, %dma_start3A_335] : memref<10000x16xf32, #tpu.memory_space<vmem_shared>> -> memref<80x16xf32, #tpu.memory_space<vmem_shared>>
        tpu.enqueue_dma source(%arg18 : memref<80x16xf32, #tpu.memory_space<vmem>>) target(%dma_start3A_336 : memref<80x16xf32, #tpu.memory_space<vmem_shared>>) target_semaphore(%run_scoped3A : memref<!tpu.dma_semaphore, #tpu.memory_space<semaphore_mem>>)
        %dma_wait3A_337 = arith.constant 0 : i32
        %dma_wait3A_338 = tpu.memref_slice %arg19[%multiple_of3A_87, %dma_wait3A_337] : memref<10000x16xf32, #tpu.memory_space<vmem_shared>> -> memref<80x16xf32, #tpu.memory_space<vmem_shared>>
        %dma_wait3A_339 = arith.constant 0 : i32
        %dma_wait3A_340 = tpu.memref_slice %arg19[%multiple_of3A_87, %dma_wait3A_339] : memref<10000x16xf32, #tpu.memory_space<vmem_shared>> -> memref<80x16xf32, #tpu.memory_space<vmem_shared>>
        tpu.wait_dma2 semaphore(%run_scoped3A : memref<!tpu.dma_semaphore, #tpu.memory_space<semaphore_mem>>) src(%arg18 : memref<80x16xf32, #tpu.memory_space<vmem>>) dst(%dma_wait3A_340 : memref<80x16xf32, #tpu.memory_space<vmem_shared>>)
        tpu.yield
      }) : () -> ()
    } else {
    }
    %add3A_93 = arith.constant 32 : i32
    %add3A_94 = arith.addi %add3A_93, %arg1 : i32
    %mul3A_95 = arith.constant 80 : i32
    %mul3A_96 = arith.muli %add3A_94, %mul3A_95 : i32
    %multiple_of3A_97 = tpu.assume_multiple %mul3A_96, 80 : i32
    %lt3A_98 = arith.constant 125 : i32
    %lt3A_99 = arith.cmpi slt, %add3A_94, %lt3A_98 : i32
    %convert_element_type3A_100 = arith.extui %lt3A_99 : i1 to i32
    %cond3A_101 = arith.constant 0 : i32
    %cond3A_102 = arith.cmpi ne, %convert_element_type3A_100, %cond3A_101 : i32
    scf.if %cond3A_102 {
      "tpu.region"() ({
        %run_scoped3A = tpu.sem_alloc : memref<!tpu.dma_semaphore, #tpu.memory_space<semaphore_mem>>
        %dma_start3A_333 = arith.constant 0 : i32
        %dma_start3A_334 = tpu.memref_slice %arg14[%multiple_of3A_97, %dma_start3A_333] : memref<10000x64xf32, #tpu.memory_space<vmem_shared>> -> memref<80x64xf32, #tpu.memory_space<vmem_shared>>
        %dma_start3A_335 = arith.constant 0 : i32
        %dma_start3A_336 = tpu.memref_slice %arg14[%multiple_of3A_97, %dma_start3A_335] : memref<10000x64xf32, #tpu.memory_space<vmem_shared>> -> memref<80x64xf32, #tpu.memory_space<vmem_shared>>
        tpu.enqueue_dma source(%arg13 : memref<80x64xf32, #tpu.memory_space<vmem>>) target(%dma_start3A_336 : memref<80x64xf32, #tpu.memory_space<vmem_shared>>) target_semaphore(%run_scoped3A : memref<!tpu.dma_semaphore, #tpu.memory_space<semaphore_mem>>)
        %dma_wait3A_337 = arith.constant 0 : i32
        %dma_wait3A_338 = tpu.memref_slice %arg14[%multiple_of3A_97, %dma_wait3A_337] : memref<10000x64xf32, #tpu.memory_space<vmem_shared>> -> memref<80x64xf32, #tpu.memory_space<vmem_shared>>
        %dma_wait3A_339 = arith.constant 0 : i32
        %dma_wait3A_340 = tpu.memref_slice %arg14[%multiple_of3A_97, %dma_wait3A_339] : memref<10000x64xf32, #tpu.memory_space<vmem_shared>> -> memref<80x64xf32, #tpu.memory_space<vmem_shared>>
        tpu.wait_dma2 semaphore(%run_scoped3A : memref<!tpu.dma_semaphore, #tpu.memory_space<semaphore_mem>>) src(%arg13 : memref<80x64xf32, #tpu.memory_space<vmem>>) dst(%dma_wait3A_340 : memref<80x64xf32, #tpu.memory_space<vmem_shared>>)
        tpu.yield
      }) : () -> ()
      "tpu.region"() ({
        %run_scoped3A = tpu.sem_alloc : memref<!tpu.dma_semaphore, #tpu.memory_space<semaphore_mem>>
        %dma_start3A_333 = arith.constant 0 : i32
        %dma_start3A_334 = tpu.memref_slice %arg19[%multiple_of3A_97, %dma_start3A_333] : memref<10000x16xf32, #tpu.memory_space<vmem_shared>> -> memref<80x16xf32, #tpu.memory_space<vmem_shared>>
        %dma_start3A_335 = arith.constant 0 : i32
        %dma_start3A_336 = tpu.memref_slice %arg19[%multiple_of3A_97, %dma_start3A_335] : memref<10000x16xf32, #tpu.memory_space<vmem_shared>> -> memref<80x16xf32, #tpu.memory_space<vmem_shared>>
        tpu.enqueue_dma source(%arg18 : memref<80x16xf32, #tpu.memory_space<vmem>>) target(%dma_start3A_336 : memref<80x16xf32, #tpu.memory_space<vmem_shared>>) target_semaphore(%run_scoped3A : memref<!tpu.dma_semaphore, #tpu.memory_space<semaphore_mem>>)
        %dma_wait3A_337 = arith.constant 0 : i32
        %dma_wait3A_338 = tpu.memref_slice %arg19[%multiple_of3A_97, %dma_wait3A_337] : memref<10000x16xf32, #tpu.memory_space<vmem_shared>> -> memref<80x16xf32, #tpu.memory_space<vmem_shared>>
        %dma_wait3A_339 = arith.constant 0 : i32
        %dma_wait3A_340 = tpu.memref_slice %arg19[%multiple_of3A_97, %dma_wait3A_339] : memref<10000x16xf32, #tpu.memory_space<vmem_shared>> -> memref<80x16xf32, #tpu.memory_space<vmem_shared>>
        tpu.wait_dma2 semaphore(%run_scoped3A : memref<!tpu.dma_semaphore, #tpu.memory_space<semaphore_mem>>) src(%arg18 : memref<80x16xf32, #tpu.memory_space<vmem>>) dst(%dma_wait3A_340 : memref<80x16xf32, #tpu.memory_space<vmem_shared>>)
        tpu.yield
      }) : () -> ()
    } else {
    }
    %add3A_103 = arith.constant 48 : i32
    %add3A_104 = arith.addi %add3A_103, %arg1 : i32
    %mul3A_105 = arith.constant 80 : i32
    %mul3A_106 = arith.muli %add3A_104, %mul3A_105 : i32
    %multiple_of3A_107 = tpu.assume_multiple %mul3A_106, 80 : i32
    %lt3A_108 = arith.constant 125 : i32
    %lt3A_109 = arith.cmpi slt, %add3A_104, %lt3A_108 : i32
    %convert_element_type3A_110 = arith.extui %lt3A_109 : i1 to i32
    %cond3A_111 = arith.constant 0 : i32
    %cond3A_112 = arith.cmpi ne, %convert_element_type3A_110, %cond3A_111 : i32
    scf.if %cond3A_112 {
      "tpu.region"() ({
        %run_scoped3A = tpu.sem_alloc : memref<!tpu.dma_semaphore, #tpu.memory_space<semaphore_mem>>
        %dma_start3A_333 = arith.constant 0 : i32
        %dma_start3A_334 = tpu.memref_slice %arg14[%multiple_of3A_107, %dma_start3A_333] : memref<10000x64xf32, #tpu.memory_space<vmem_shared>> -> memref<80x64xf32, #tpu.memory_space<vmem_shared>>
        %dma_start3A_335 = arith.constant 0 : i32
        %dma_start3A_336 = tpu.memref_slice %arg14[%multiple_of3A_107, %dma_start3A_335] : memref<10000x64xf32, #tpu.memory_space<vmem_shared>> -> memref<80x64xf32, #tpu.memory_space<vmem_shared>>
        tpu.enqueue_dma source(%arg13 : memref<80x64xf32, #tpu.memory_space<vmem>>) target(%dma_start3A_336 : memref<80x64xf32, #tpu.memory_space<vmem_shared>>) target_semaphore(%run_scoped3A : memref<!tpu.dma_semaphore, #tpu.memory_space<semaphore_mem>>)
        %dma_wait3A_337 = arith.constant 0 : i32
        %dma_wait3A_338 = tpu.memref_slice %arg14[%multiple_of3A_107, %dma_wait3A_337] : memref<10000x64xf32, #tpu.memory_space<vmem_shared>> -> memref<80x64xf32, #tpu.memory_space<vmem_shared>>
        %dma_wait3A_339 = arith.constant 0 : i32
        %dma_wait3A_340 = tpu.memref_slice %arg14[%multiple_of3A_107, %dma_wait3A_339] : memref<10000x64xf32, #tpu.memory_space<vmem_shared>> -> memref<80x64xf32, #tpu.memory_space<vmem_shared>>
        tpu.wait_dma2 semaphore(%run_scoped3A : memref<!tpu.dma_semaphore, #tpu.memory_space<semaphore_mem>>) src(%arg13 : memref<80x64xf32, #tpu.memory_space<vmem>>) dst(%dma_wait3A_340 : memref<80x64xf32, #tpu.memory_space<vmem_shared>>)
        tpu.yield
      }) : () -> ()
      "tpu.region"() ({
        %run_scoped3A = tpu.sem_alloc : memref<!tpu.dma_semaphore, #tpu.memory_space<semaphore_mem>>
        %dma_start3A_333 = arith.constant 0 : i32
        %dma_start3A_334 = tpu.memref_slice %arg19[%multiple_of3A_107, %dma_start3A_333] : memref<10000x16xf32, #tpu.memory_space<vmem_shared>> -> memref<80x16xf32, #tpu.memory_space<vmem_shared>>
        %dma_start3A_335 = arith.constant 0 : i32
        %dma_start3A_336 = tpu.memref_slice %arg19[%multiple_of3A_107, %dma_start3A_335] : memref<10000x16xf32, #tpu.memory_space<vmem_shared>> -> memref<80x16xf32, #tpu.memory_space<vmem_shared>>
        tpu.enqueue_dma source(%arg18 : memref<80x16xf32, #tpu.memory_space<vmem>>) target(%dma_start3A_336 : memref<80x16xf32, #tpu.memory_space<vmem_shared>>) target_semaphore(%run_scoped3A : memref<!tpu.dma_semaphore, #tpu.memory_space<semaphore_mem>>)
        %dma_wait3A_337 = arith.constant 0 : i32
        %dma_wait3A_338 = tpu.memref_slice %arg19[%multiple_of3A_107, %dma_wait3A_337] : memref<10000x16xf32, #tpu.memory_space<vmem_shared>> -> memref<80x16xf32, #tpu.memory_space<vmem_shared>>
        %dma_wait3A_339 = arith.constant 0 : i32
        %dma_wait3A_340 = tpu.memref_slice %arg19[%multiple_of3A_107, %dma_wait3A_339] : memref<10000x16xf32, #tpu.memory_space<vmem_shared>> -> memref<80x16xf32, #tpu.memory_space<vmem_shared>>
        tpu.wait_dma2 semaphore(%run_scoped3A : memref<!tpu.dma_semaphore, #tpu.memory_space<semaphore_mem>>) src(%arg18 : memref<80x16xf32, #tpu.memory_space<vmem>>) dst(%dma_wait3A_340 : memref<80x16xf32, #tpu.memory_space<vmem_shared>>)
        tpu.yield
      }) : () -> ()
    } else {
    }
    %add3A_113 = arith.constant 64 : i32
    %add3A_114 = arith.addi %add3A_113, %arg1 : i32
    %mul3A_115 = arith.constant 80 : i32
    %mul3A_116 = arith.muli %add3A_114, %mul3A_115 : i32
    %multiple_of3A_117 = tpu.assume_multiple %mul3A_116, 80 : i32
    %lt3A_118 = arith.constant 125 : i32
    %lt3A_119 = arith.cmpi slt, %add3A_114, %lt3A_118 : i32
    %convert_element_type3A_120 = arith.extui %lt3A_119 : i1 to i32
    %cond3A_121 = arith.constant 0 : i32
    %cond3A_122 = arith.cmpi ne, %convert_element_type3A_120, %cond3A_121 : i32
    scf.if %cond3A_122 {
      "tpu.region"() ({
        %run_scoped3A = tpu.sem_alloc : memref<!tpu.dma_semaphore, #tpu.memory_space<semaphore_mem>>
        %dma_start3A_333 = arith.constant 0 : i32
        %dma_start3A_334 = tpu.memref_slice %arg14[%multiple_of3A_117, %dma_start3A_333] : memref<10000x64xf32, #tpu.memory_space<vmem_shared>> -> memref<80x64xf32, #tpu.memory_space<vmem_shared>>
        %dma_start3A_335 = arith.constant 0 : i32
        %dma_start3A_336 = tpu.memref_slice %arg14[%multiple_of3A_117, %dma_start3A_335] : memref<10000x64xf32, #tpu.memory_space<vmem_shared>> -> memref<80x64xf32, #tpu.memory_space<vmem_shared>>
        tpu.enqueue_dma source(%arg13 : memref<80x64xf32, #tpu.memory_space<vmem>>) target(%dma_start3A_336 : memref<80x64xf32, #tpu.memory_space<vmem_shared>>) target_semaphore(%run_scoped3A : memref<!tpu.dma_semaphore, #tpu.memory_space<semaphore_mem>>)
        %dma_wait3A_337 = arith.constant 0 : i32
        %dma_wait3A_338 = tpu.memref_slice %arg14[%multiple_of3A_117, %dma_wait3A_337] : memref<10000x64xf32, #tpu.memory_space<vmem_shared>> -> memref<80x64xf32, #tpu.memory_space<vmem_shared>>
        %dma_wait3A_339 = arith.constant 0 : i32
        %dma_wait3A_340 = tpu.memref_slice %arg14[%multiple_of3A_117, %dma_wait3A_339] : memref<10000x64xf32, #tpu.memory_space<vmem_shared>> -> memref<80x64xf32, #tpu.memory_space<vmem_shared>>
        tpu.wait_dma2 semaphore(%run_scoped3A : memref<!tpu.dma_semaphore, #tpu.memory_space<semaphore_mem>>) src(%arg13 : memref<80x64xf32, #tpu.memory_space<vmem>>) dst(%dma_wait3A_340 : memref<80x64xf32, #tpu.memory_space<vmem_shared>>)
        tpu.yield
      }) : () -> ()
      "tpu.region"() ({
        %run_scoped3A = tpu.sem_alloc : memref<!tpu.dma_semaphore, #tpu.memory_space<semaphore_mem>>
        %dma_start3A_333 = arith.constant 0 : i32
        %dma_start3A_334 = tpu.memref_slice %arg19[%multiple_of3A_117, %dma_start3A_333] : memref<10000x16xf32, #tpu.memory_space<vmem_shared>> -> memref<80x16xf32, #tpu.memory_space<vmem_shared>>
        %dma_start3A_335 = arith.constant 0 : i32
        %dma_start3A_336 = tpu.memref_slice %arg19[%multiple_of3A_117, %dma_start3A_335] : memref<10000x16xf32, #tpu.memory_space<vmem_shared>> -> memref<80x16xf32, #tpu.memory_space<vmem_shared>>
        tpu.enqueue_dma source(%arg18 : memref<80x16xf32, #tpu.memory_space<vmem>>) target(%dma_start3A_336 : memref<80x16xf32, #tpu.memory_space<vmem_shared>>) target_semaphore(%run_scoped3A : memref<!tpu.dma_semaphore, #tpu.memory_space<semaphore_mem>>)
        %dma_wait3A_337 = arith.constant 0 : i32
        %dma_wait3A_338 = tpu.memref_slice %arg19[%multiple_of3A_117, %dma_wait3A_337] : memref<10000x16xf32, #tpu.memory_space<vmem_shared>> -> memref<80x16xf32, #tpu.memory_space<vmem_shared>>
        %dma_wait3A_339 = arith.constant 0 : i32
        %dma_wait3A_340 = tpu.memref_slice %arg19[%multiple_of3A_117, %dma_wait3A_339] : memref<10000x16xf32, #tpu.memory_space<vmem_shared>> -> memref<80x16xf32, #tpu.memory_space<vmem_shared>>
        tpu.wait_dma2 semaphore(%run_scoped3A : memref<!tpu.dma_semaphore, #tpu.memory_space<semaphore_mem>>) src(%arg18 : memref<80x16xf32, #tpu.memory_space<vmem>>) dst(%dma_wait3A_340 : memref<80x16xf32, #tpu.memory_space<vmem_shared>>)
        tpu.yield
      }) : () -> ()
    } else {
    }
    %add3A_123 = arith.constant 80 : i32
    %add3A_124 = arith.addi %add3A_123, %arg1 : i32
    %mul3A_125 = arith.constant 80 : i32
    %mul3A_126 = arith.muli %add3A_124, %mul3A_125 : i32
    %multiple_of3A_127 = tpu.assume_multiple %mul3A_126, 80 : i32
    %lt3A_128 = arith.constant 125 : i32
    %lt3A_129 = arith.cmpi slt, %add3A_124, %lt3A_128 : i32
    %convert_element_type3A_130 = arith.extui %lt3A_129 : i1 to i32
    %cond3A_131 = arith.constant 0 : i32
    %cond3A_132 = arith.cmpi ne, %convert_element_type3A_130, %cond3A_131 : i32
    scf.if %cond3A_132 {
      "tpu.region"() ({
        %run_scoped3A = tpu.sem_alloc : memref<!tpu.dma_semaphore, #tpu.memory_space<semaphore_mem>>
        %dma_start3A_333 = arith.constant 0 : i32
        %dma_start3A_334 = tpu.memref_slice %arg14[%multiple_of3A_127, %dma_start3A_333] : memref<10000x64xf32, #tpu.memory_space<vmem_shared>> -> memref<80x64xf32, #tpu.memory_space<vmem_shared>>
        %dma_start3A_335 = arith.constant 0 : i32
        %dma_start3A_336 = tpu.memref_slice %arg14[%multiple_of3A_127, %dma_start3A_335] : memref<10000x64xf32, #tpu.memory_space<vmem_shared>> -> memref<80x64xf32, #tpu.memory_space<vmem_shared>>
        tpu.enqueue_dma source(%arg13 : memref<80x64xf32, #tpu.memory_space<vmem>>) target(%dma_start3A_336 : memref<80x64xf32, #tpu.memory_space<vmem_shared>>) target_semaphore(%run_scoped3A : memref<!tpu.dma_semaphore, #tpu.memory_space<semaphore_mem>>)
        %dma_wait3A_337 = arith.constant 0 : i32
        %dma_wait3A_338 = tpu.memref_slice %arg14[%multiple_of3A_127, %dma_wait3A_337] : memref<10000x64xf32, #tpu.memory_space<vmem_shared>> -> memref<80x64xf32, #tpu.memory_space<vmem_shared>>
        %dma_wait3A_339 = arith.constant 0 : i32
        %dma_wait3A_340 = tpu.memref_slice %arg14[%multiple_of3A_127, %dma_wait3A_339] : memref<10000x64xf32, #tpu.memory_space<vmem_shared>> -> memref<80x64xf32, #tpu.memory_space<vmem_shared>>
        tpu.wait_dma2 semaphore(%run_scoped3A : memref<!tpu.dma_semaphore, #tpu.memory_space<semaphore_mem>>) src(%arg13 : memref<80x64xf32, #tpu.memory_space<vmem>>) dst(%dma_wait3A_340 : memref<80x64xf32, #tpu.memory_space<vmem_shared>>)
        tpu.yield
      }) : () -> ()
      "tpu.region"() ({
        %run_scoped3A = tpu.sem_alloc : memref<!tpu.dma_semaphore, #tpu.memory_space<semaphore_mem>>
        %dma_start3A_333 = arith.constant 0 : i32
        %dma_start3A_334 = tpu.memref_slice %arg19[%multiple_of3A_127, %dma_start3A_333] : memref<10000x16xf32, #tpu.memory_space<vmem_shared>> -> memref<80x16xf32, #tpu.memory_space<vmem_shared>>
        %dma_start3A_335 = arith.constant 0 : i32
        %dma_start3A_336 = tpu.memref_slice %arg19[%multiple_of3A_127, %dma_start3A_335] : memref<10000x16xf32, #tpu.memory_space<vmem_shared>> -> memref<80x16xf32, #tpu.memory_space<vmem_shared>>
        tpu.enqueue_dma source(%arg18 : memref<80x16xf32, #tpu.memory_space<vmem>>) target(%dma_start3A_336 : memref<80x16xf32, #tpu.memory_space<vmem_shared>>) target_semaphore(%run_scoped3A : memref<!tpu.dma_semaphore, #tpu.memory_space<semaphore_mem>>)
        %dma_wait3A_337 = arith.constant 0 : i32
        %dma_wait3A_338 = tpu.memref_slice %arg19[%multiple_of3A_127, %dma_wait3A_337] : memref<10000x16xf32, #tpu.memory_space<vmem_shared>> -> memref<80x16xf32, #tpu.memory_space<vmem_shared>>
        %dma_wait3A_339 = arith.constant 0 : i32
        %dma_wait3A_340 = tpu.memref_slice %arg19[%multiple_of3A_127, %dma_wait3A_339] : memref<10000x16xf32, #tpu.memory_space<vmem_shared>> -> memref<80x16xf32, #tpu.memory_space<vmem_shared>>
        tpu.wait_dma2 semaphore(%run_scoped3A : memref<!tpu.dma_semaphore, #tpu.memory_space<semaphore_mem>>) src(%arg18 : memref<80x16xf32, #tpu.memory_space<vmem>>) dst(%dma_wait3A_340 : memref<80x16xf32, #tpu.memory_space<vmem_shared>>)
        tpu.yield
      }) : () -> ()
    } else {
    }
    %add3A_133 = arith.constant 96 : i32
    %add3A_134 = arith.addi %add3A_133, %arg1 : i32
    %mul3A_135 = arith.constant 80 : i32
    %mul3A_136 = arith.muli %add3A_134, %mul3A_135 : i32
    %multiple_of3A_137 = tpu.assume_multiple %mul3A_136, 80 : i32
    %lt3A_138 = arith.constant 125 : i32
    %lt3A_139 = arith.cmpi slt, %add3A_134, %lt3A_138 : i32
    %convert_element_type3A_140 = arith.extui %lt3A_139 : i1 to i32
    %cond3A_141 = arith.constant 0 : i32
    %cond3A_142 = arith.cmpi ne, %convert_element_type3A_140, %cond3A_141 : i32
    scf.if %cond3A_142 {
      "tpu.region"() ({
        %run_scoped3A = tpu.sem_alloc : memref<!tpu.dma_semaphore, #tpu.memory_space<semaphore_mem>>
        %dma_start3A_333 = arith.constant 0 : i32
        %dma_start3A_334 = tpu.memref_slice %arg14[%multiple_of3A_137, %dma_start3A_333] : memref<10000x64xf32, #tpu.memory_space<vmem_shared>> -> memref<80x64xf32, #tpu.memory_space<vmem_shared>>
        %dma_start3A_335 = arith.constant 0 : i32
        %dma_start3A_336 = tpu.memref_slice %arg14[%multiple_of3A_137, %dma_start3A_335] : memref<10000x64xf32, #tpu.memory_space<vmem_shared>> -> memref<80x64xf32, #tpu.memory_space<vmem_shared>>
        tpu.enqueue_dma source(%arg13 : memref<80x64xf32, #tpu.memory_space<vmem>>) target(%dma_start3A_336 : memref<80x64xf32, #tpu.memory_space<vmem_shared>>) target_semaphore(%run_scoped3A : memref<!tpu.dma_semaphore, #tpu.memory_space<semaphore_mem>>)
        %dma_wait3A_337 = arith.constant 0 : i32
        %dma_wait3A_338 = tpu.memref_slice %arg14[%multiple_of3A_137, %dma_wait3A_337] : memref<10000x64xf32, #tpu.memory_space<vmem_shared>> -> memref<80x64xf32, #tpu.memory_space<vmem_shared>>
        %dma_wait3A_339 = arith.constant 0 : i32
        %dma_wait3A_340 = tpu.memref_slice %arg14[%multiple_of3A_137, %dma_wait3A_339] : memref<10000x64xf32, #tpu.memory_space<vmem_shared>> -> memref<80x64xf32, #tpu.memory_space<vmem_shared>>
        tpu.wait_dma2 semaphore(%run_scoped3A : memref<!tpu.dma_semaphore, #tpu.memory_space<semaphore_mem>>) src(%arg13 : memref<80x64xf32, #tpu.memory_space<vmem>>) dst(%dma_wait3A_340 : memref<80x64xf32, #tpu.memory_space<vmem_shared>>)
        tpu.yield
      }) : () -> ()
      "tpu.region"() ({
        %run_scoped3A = tpu.sem_alloc : memref<!tpu.dma_semaphore, #tpu.memory_space<semaphore_mem>>
        %dma_start3A_333 = arith.constant 0 : i32
        %dma_start3A_334 = tpu.memref_slice %arg19[%multiple_of3A_137, %dma_start3A_333] : memref<10000x16xf32, #tpu.memory_space<vmem_shared>> -> memref<80x16xf32, #tpu.memory_space<vmem_shared>>
        %dma_start3A_335 = arith.constant 0 : i32
        %dma_start3A_336 = tpu.memref_slice %arg19[%multiple_of3A_137, %dma_start3A_335] : memref<10000x16xf32, #tpu.memory_space<vmem_shared>> -> memref<80x16xf32, #tpu.memory_space<vmem_shared>>
        tpu.enqueue_dma source(%arg18 : memref<80x16xf32, #tpu.memory_space<vmem>>) target(%dma_start3A_336 : memref<80x16xf32, #tpu.memory_space<vmem_shared>>) target_semaphore(%run_scoped3A : memref<!tpu.dma_semaphore, #tpu.memory_space<semaphore_mem>>)
        %dma_wait3A_337 = arith.constant 0 : i32
        %dma_wait3A_338 = tpu.memref_slice %arg19[%multiple_of3A_137, %dma_wait3A_337] : memref<10000x16xf32, #tpu.memory_space<vmem_shared>> -> memref<80x16xf32, #tpu.memory_space<vmem_shared>>
        %dma_wait3A_339 = arith.constant 0 : i32
        %dma_wait3A_340 = tpu.memref_slice %arg19[%multiple_of3A_137, %dma_wait3A_339] : memref<10000x16xf32, #tpu.memory_space<vmem_shared>> -> memref<80x16xf32, #tpu.memory_space<vmem_shared>>
        tpu.wait_dma2 semaphore(%run_scoped3A : memref<!tpu.dma_semaphore, #tpu.memory_space<semaphore_mem>>) src(%arg18 : memref<80x16xf32, #tpu.memory_space<vmem>>) dst(%dma_wait3A_340 : memref<80x16xf32, #tpu.memory_space<vmem_shared>>)
        tpu.yield
      }) : () -> ()
    } else {
    }
    %add3A_143 = arith.constant 112 : i32
    %add3A_144 = arith.addi %add3A_143, %arg1 : i32
    %mul3A_145 = arith.constant 80 : i32
    %mul3A_146 = arith.muli %add3A_144, %mul3A_145 : i32
    %multiple_of3A_147 = tpu.assume_multiple %mul3A_146, 80 : i32
    %lt3A_148 = arith.constant 125 : i32
    %lt3A_149 = arith.cmpi slt, %add3A_144, %lt3A_148 : i32
    %convert_element_type3A_150 = arith.extui %lt3A_149 : i1 to i32
    %cond3A_151 = arith.constant 0 : i32
    %cond3A_152 = arith.cmpi ne, %convert_element_type3A_150, %cond3A_151 : i32
    scf.if %cond3A_152 {
      "tpu.region"() ({
        %run_scoped3A = tpu.sem_alloc : memref<!tpu.dma_semaphore, #tpu.memory_space<semaphore_mem>>
        %dma_start3A_333 = arith.constant 0 : i32
        %dma_start3A_334 = tpu.memref_slice %arg14[%multiple_of3A_147, %dma_start3A_333] : memref<10000x64xf32, #tpu.memory_space<vmem_shared>> -> memref<80x64xf32, #tpu.memory_space<vmem_shared>>
        %dma_start3A_335 = arith.constant 0 : i32
        %dma_start3A_336 = tpu.memref_slice %arg14[%multiple_of3A_147, %dma_start3A_335] : memref<10000x64xf32, #tpu.memory_space<vmem_shared>> -> memref<80x64xf32, #tpu.memory_space<vmem_shared>>
        tpu.enqueue_dma source(%arg13 : memref<80x64xf32, #tpu.memory_space<vmem>>) target(%dma_start3A_336 : memref<80x64xf32, #tpu.memory_space<vmem_shared>>) target_semaphore(%run_scoped3A : memref<!tpu.dma_semaphore, #tpu.memory_space<semaphore_mem>>)
        %dma_wait3A_337 = arith.constant 0 : i32
        %dma_wait3A_338 = tpu.memref_slice %arg14[%multiple_of3A_147, %dma_wait3A_337] : memref<10000x64xf32, #tpu.memory_space<vmem_shared>> -> memref<80x64xf32, #tpu.memory_space<vmem_shared>>
        %dma_wait3A_339 = arith.constant 0 : i32
        %dma_wait3A_340 = tpu.memref_slice %arg14[%multiple_of3A_147, %dma_wait3A_339] : memref<10000x64xf32, #tpu.memory_space<vmem_shared>> -> memref<80x64xf32, #tpu.memory_space<vmem_shared>>
        tpu.wait_dma2 semaphore(%run_scoped3A : memref<!tpu.dma_semaphore, #tpu.memory_space<semaphore_mem>>) src(%arg13 : memref<80x64xf32, #tpu.memory_space<vmem>>) dst(%dma_wait3A_340 : memref<80x64xf32, #tpu.memory_space<vmem_shared>>)
        tpu.yield
      }) : () -> ()
      "tpu.region"() ({
        %run_scoped3A = tpu.sem_alloc : memref<!tpu.dma_semaphore, #tpu.memory_space<semaphore_mem>>
        %dma_start3A_333 = arith.constant 0 : i32
        %dma_start3A_334 = tpu.memref_slice %arg19[%multiple_of3A_147, %dma_start3A_333] : memref<10000x16xf32, #tpu.memory_space<vmem_shared>> -> memref<80x16xf32, #tpu.memory_space<vmem_shared>>
        %dma_start3A_335 = arith.constant 0 : i32
        %dma_start3A_336 = tpu.memref_slice %arg19[%multiple_of3A_147, %dma_start3A_335] : memref<10000x16xf32, #tpu.memory_space<vmem_shared>> -> memref<80x16xf32, #tpu.memory_space<vmem_shared>>
        tpu.enqueue_dma source(%arg18 : memref<80x16xf32, #tpu.memory_space<vmem>>) target(%dma_start3A_336 : memref<80x16xf32, #tpu.memory_space<vmem_shared>>) target_semaphore(%run_scoped3A : memref<!tpu.dma_semaphore, #tpu.memory_space<semaphore_mem>>)
        %dma_wait3A_337 = arith.constant 0 : i32
        %dma_wait3A_338 = tpu.memref_slice %arg19[%multiple_of3A_147, %dma_wait3A_337] : memref<10000x16xf32, #tpu.memory_space<vmem_shared>> -> memref<80x16xf32, #tpu.memory_space<vmem_shared>>
        %dma_wait3A_339 = arith.constant 0 : i32
        %dma_wait3A_340 = tpu.memref_slice %arg19[%multiple_of3A_147, %dma_wait3A_339] : memref<10000x16xf32, #tpu.memory_space<vmem_shared>> -> memref<80x16xf32, #tpu.memory_space<vmem_shared>>
        tpu.wait_dma2 semaphore(%run_scoped3A : memref<!tpu.dma_semaphore, #tpu.memory_space<semaphore_mem>>) src(%arg18 : memref<80x16xf32, #tpu.memory_space<vmem>>) dst(%dma_wait3A_340 : memref<80x16xf32, #tpu.memory_space<vmem_shared>>)
        tpu.yield
      }) : () -> ()
    } else {
    }
    %barrier3A = arith.constant 0 : index
    tpu.barrier barrier_id(%barrier3A)
    %mul3A_153 = arith.constant 125 : i32
    %mul3A_154 = arith.muli %arg0, %mul3A_153 : i32
    %add3A_155 = arith.constant 125 : i32
    %add3A_156 = arith.addi %mul3A_154, %add3A_155 : i32
    %scan3A_157 = arith.constant 0 : i32
    %scan3A_158 = arith.constant 0 : i32
    %scan3A_159 = arith.constant 50 : i32
    %scan3A_160 = arith.addi %scan3A_158, %scan3A_159 : i32
    %scan3A_161 = arith.constant 1 : i32
    scf.for %scan3A_333 = %scan3A_158 to %scan3A_160 step %scan3A_161  : i32 {
      %mul3A_334 = arith.constant 5 : i32
      %mul3A_335 = arith.muli %scan3A_333, %mul3A_334 : i32
      %add3A_336 = arith.constant 0 : i32
      %add3A_337 = arith.addi %mul3A_335, %add3A_336 : i32
      %dma_wait3A_338 = arith.constant 0 : i32
      %dma_wait3A_339 = arith.constant 0 : i32
      %dma_wait3A_340 = arith.constant 0 : i32
      %dma_wait3A_341 = arith.constant 0 : i32
      %dma_wait3A_342 = tpu.memref_slice %arg12[%dma_wait3A_338, %dma_wait3A_340, %dma_wait3A_341] : memref<5x80x64xf32, #tpu.memory_space<vmem>> -> memref<1x80x64xf32, #tpu.memory_space<vmem>>
      %dma_wait3A_343 = tpu.memref_squeeze %dma_wait3A_342 : memref<1x80x64xf32, #tpu.memory_space<vmem>> -> memref<80x64xf32, #tpu.memory_space<vmem>>
      %dma_wait3A_344 = arith.constant 0 : i32
      %dma_wait3A_345 = arith.constant 0 : i32
      %dma_wait3A_346 = tpu.memref_slice %arg2[%dma_wait3A_344, %dma_wait3A_345] : memref<20000x64xf32, #tpu.memory_space<hbm>> -> memref<80x64xf32, #tpu.memory_space<hbm>>
      %dma_wait3A_347 = tpu.memref_slice %arg15[%dma_wait3A_339] : memref<5x!tpu.dma_semaphore, #tpu.memory_space<semaphore_mem>> -> memref<1x!tpu.dma_semaphore, #tpu.memory_space<semaphore_mem>>
      %dma_wait3A_348 = tpu.memref_squeeze %dma_wait3A_347 : memref<1x!tpu.dma_semaphore, #tpu.memory_space<semaphore_mem>> -> memref<!tpu.dma_semaphore, #tpu.memory_space<semaphore_mem>>
      %dma_wait3A_349 = arith.constant 0 : i32
      %dma_wait3A_350 = arith.constant 0 : i32
      %dma_wait3A_351 = tpu.memref_slice %arg12[%dma_wait3A_338, %dma_wait3A_349, %dma_wait3A_350] : memref<5x80x64xf32, #tpu.memory_space<vmem>> -> memref<1x80x64xf32, #tpu.memory_space<vmem>>
      %dma_wait3A_352 = tpu.memref_squeeze %dma_wait3A_351 : memref<1x80x64xf32, #tpu.memory_space<vmem>> -> memref<80x64xf32, #tpu.memory_space<vmem>>
      %dma_wait3A_353 = arith.constant 0 : i32
      %dma_wait3A_354 = arith.constant 0 : i32
      %dma_wait3A_355 = tpu.memref_slice %arg2[%dma_wait3A_353, %dma_wait3A_354] : memref<20000x64xf32, #tpu.memory_space<hbm>> -> memref<80x64xf32, #tpu.memory_space<hbm>>
      tpu.wait_dma2 semaphore(%dma_wait3A_348 : memref<!tpu.dma_semaphore, #tpu.memory_space<semaphore_mem>>) src(%dma_wait3A_355 : memref<80x64xf32, #tpu.memory_space<hbm>>) dst(%dma_wait3A_352 : memref<80x64xf32, #tpu.memory_space<vmem>>)
      %dma_start3A_356 = arith.constant 0 : i32
      %dma_start3A_357 = arith.constant 0 : i32
      %dma_start3A_358 = arith.constant 0 : i32
      %dma_start3A_359 = arith.constant 0 : i32
      %dma_start3A_360 = tpu.memref_slice %arg12[%dma_start3A_356, %dma_start3A_358, %dma_start3A_359] : memref<5x80x64xf32, #tpu.memory_space<vmem>> -> memref<1x80x64xf32, #tpu.memory_space<vmem>>
      %dma_start3A_361 = tpu.memref_squeeze %dma_start3A_360 : memref<1x80x64xf32, #tpu.memory_space<vmem>> -> memref<80x64xf32, #tpu.memory_space<vmem>>
      %dma_start3A_362 = arith.constant 0 : i32
      %dma_start3A_363 = tpu.memref_slice %arg11[%add3A_337, %dma_start3A_362] : memref<250x80xi32, #tpu.memory_space<vmem>> -> memref<1x80xi32, #tpu.memory_space<vmem>>
      %dma_start3A_364 = tpu.memref_squeeze %dma_start3A_363 : memref<1x80xi32, #tpu.memory_space<vmem>> -> memref<80xi32, #tpu.memory_space<vmem>>
      %dma_start3A_365 = arith.constant 0 : i32
      %dma_start3A_366 = arith.constant 0 : i32
      %dma_start3A_367 = tpu.memref_slice %arg14[%dma_start3A_365, %dma_start3A_366] : memref<10000x64xf32, #tpu.memory_space<vmem_shared>> -> memref<10000x64xf32, #tpu.memory_space<vmem_shared>>
      %dma_start3A_368 = tpu.memref_slice %arg16[%dma_start3A_357] : memref<5x!tpu.dma_semaphore, #tpu.memory_space<semaphore_mem>> -> memref<1x!tpu.dma_semaphore, #tpu.memory_space<semaphore_mem>>
      %dma_start3A_369 = tpu.memref_squeeze %dma_start3A_368 : memref<1x!tpu.dma_semaphore, #tpu.memory_space<semaphore_mem>> -> memref<!tpu.dma_semaphore, #tpu.memory_space<semaphore_mem>>
      tpu.enqueue_indirect_dma source(%dma_start3A_361 : memref<80x64xf32, #tpu.memory_space<vmem>>) target(%dma_start3A_367 : memref<10000x64xf32, #tpu.memory_space<vmem_shared>>) offsets(%dma_start3A_364 : memref<80xi32, #tpu.memory_space<vmem>>) semaphore(%dma_start3A_369 : memref<!tpu.dma_semaphore, #tpu.memory_space<semaphore_mem>>) {add = true}
      %ge3A = arith.cmpi sge, %add3A_337, %mul3A_154 : i32
      %lt3A_370 = arith.cmpi slt, %add3A_337, %add3A_156 : i32
      %and3A = arith.andi %ge3A, %lt3A_370 : i1
      %convert_element_type3A_371 = arith.extui %and3A : i1 to i32
      %cond3A_372 = arith.constant 0 : i32
      %cond3A_373 = arith.cmpi ne, %convert_element_type3A_371, %cond3A_372 : i32
      scf.if %cond3A_373 {
        %gt3A = arith.cmpi sgt, %add3A_337, %mul3A_154 : i32
        %convert_element_type3A_547 = arith.extui %gt3A : i1 to i32
        %cond3A_548 = arith.constant 0 : i32
        %cond3A_549 = arith.cmpi ne, %convert_element_type3A_547, %cond3A_548 : i32
        scf.if %cond3A_549 {
          tpu.wait_dma2 semaphore(%arg20 : memref<!tpu.dma_semaphore, #tpu.memory_space<semaphore_mem>>) src(%arg7 : memref<80x16xf32, #tpu.memory_space<hbm>>) dst(%arg17 : memref<80x16xf32, #tpu.memory_space<vmem>>)
        } else {
        }
        %dma_start3A_550 = arith.constant 0 : i32
        %dma_start3A_551 = tpu.memref_slice %arg11[%add3A_337, %dma_start3A_550] : memref<250x80xi32, #tpu.memory_space<vmem>> -> memref<1x80xi32, #tpu.memory_space<vmem>>
        %dma_start3A_552 = tpu.memref_squeeze %dma_start3A_551 : memref<1x80xi32, #tpu.memory_space<vmem>> -> memref<80xi32, #tpu.memory_space<vmem>>
        %dma_start3A_553 = arith.constant 0 : i32
        %dma_start3A_554 = arith.constant 0 : i32
        %dma_start3A_555 = tpu.memref_slice %arg19[%dma_start3A_553, %dma_start3A_554] : memref<10000x16xf32, #tpu.memory_space<vmem_shared>> -> memref<10000x16xf32, #tpu.memory_space<vmem_shared>>
        tpu.enqueue_indirect_dma source(%arg17 : memref<80x16xf32, #tpu.memory_space<vmem>>) target(%dma_start3A_555 : memref<10000x16xf32, #tpu.memory_space<vmem_shared>>) offsets(%dma_start3A_552 : memref<80xi32, #tpu.memory_space<vmem>>) semaphore(%arg20 : memref<!tpu.dma_semaphore, #tpu.memory_space<semaphore_mem>>) {add = true}
      } else {
      }
      %mul3A_374 = arith.constant 5 : i32
      %mul3A_375 = arith.muli %scan3A_333, %mul3A_374 : i32
      %add3A_376 = arith.constant 1 : i32
      %add3A_377 = arith.addi %mul3A_375, %add3A_376 : i32
      %dma_wait3A_378 = arith.constant 1 : i32
      %dma_wait3A_379 = arith.constant 1 : i32
      %dma_wait3A_380 = arith.constant 0 : i32
      %dma_wait3A_381 = arith.constant 0 : i32
      %dma_wait3A_382 = tpu.memref_slice %arg12[%dma_wait3A_378, %dma_wait3A_380, %dma_wait3A_381] : memref<5x80x64xf32, #tpu.memory_space<vmem>> -> memref<1x80x64xf32, #tpu.memory_space<vmem>>
      %dma_wait3A_383 = tpu.memref_squeeze %dma_wait3A_382 : memref<1x80x64xf32, #tpu.memory_space<vmem>> -> memref<80x64xf32, #tpu.memory_space<vmem>>
      %dma_wait3A_384 = arith.constant 0 : i32
      %dma_wait3A_385 = arith.constant 0 : i32
      %dma_wait3A_386 = tpu.memref_slice %arg2[%dma_wait3A_384, %dma_wait3A_385] : memref<20000x64xf32, #tpu.memory_space<hbm>> -> memref<80x64xf32, #tpu.memory_space<hbm>>
      %dma_wait3A_387 = tpu.memref_slice %arg15[%dma_wait3A_379] : memref<5x!tpu.dma_semaphore, #tpu.memory_space<semaphore_mem>> -> memref<1x!tpu.dma_semaphore, #tpu.memory_space<semaphore_mem>>
      %dma_wait3A_388 = tpu.memref_squeeze %dma_wait3A_387 : memref<1x!tpu.dma_semaphore, #tpu.memory_space<semaphore_mem>> -> memref<!tpu.dma_semaphore, #tpu.memory_space<semaphore_mem>>
      %dma_wait3A_389 = arith.constant 0 : i32
      %dma_wait3A_390 = arith.constant 0 : i32
      %dma_wait3A_391 = tpu.memref_slice %arg12[%dma_wait3A_378, %dma_wait3A_389, %dma_wait3A_390] : memref<5x80x64xf32, #tpu.memory_space<vmem>> -> memref<1x80x64xf32, #tpu.memory_space<vmem>>
      %dma_wait3A_392 = tpu.memref_squeeze %dma_wait3A_391 : memref<1x80x64xf32, #tpu.memory_space<vmem>> -> memref<80x64xf32, #tpu.memory_space<vmem>>
      %dma_wait3A_393 = arith.constant 0 : i32
      %dma_wait3A_394 = arith.constant 0 : i32
      %dma_wait3A_395 = tpu.memref_slice %arg2[%dma_wait3A_393, %dma_wait3A_394] : memref<20000x64xf32, #tpu.memory_space<hbm>> -> memref<80x64xf32, #tpu.memory_space<hbm>>
      tpu.wait_dma2 semaphore(%dma_wait3A_388 : memref<!tpu.dma_semaphore, #tpu.memory_space<semaphore_mem>>) src(%dma_wait3A_395 : memref<80x64xf32, #tpu.memory_space<hbm>>) dst(%dma_wait3A_392 : memref<80x64xf32, #tpu.memory_space<vmem>>)
      %dma_start3A_396 = arith.constant 1 : i32
      %dma_start3A_397 = arith.constant 1 : i32
      %dma_start3A_398 = arith.constant 0 : i32
      %dma_start3A_399 = arith.constant 0 : i32
      %dma_start3A_400 = tpu.memref_slice %arg12[%dma_start3A_396, %dma_start3A_398, %dma_start3A_399] : memref<5x80x64xf32, #tpu.memory_space<vmem>> -> memref<1x80x64xf32, #tpu.memory_space<vmem>>
      %dma_start3A_401 = tpu.memref_squeeze %dma_start3A_400 : memref<1x80x64xf32, #tpu.memory_space<vmem>> -> memref<80x64xf32, #tpu.memory_space<vmem>>
      %dma_start3A_402 = arith.constant 0 : i32
      %dma_start3A_403 = tpu.memref_slice %arg11[%add3A_377, %dma_start3A_402] : memref<250x80xi32, #tpu.memory_space<vmem>> -> memref<1x80xi32, #tpu.memory_space<vmem>>
      %dma_start3A_404 = tpu.memref_squeeze %dma_start3A_403 : memref<1x80xi32, #tpu.memory_space<vmem>> -> memref<80xi32, #tpu.memory_space<vmem>>
      %dma_start3A_405 = arith.constant 0 : i32
      %dma_start3A_406 = arith.constant 0 : i32
      %dma_start3A_407 = tpu.memref_slice %arg14[%dma_start3A_405, %dma_start3A_406] : memref<10000x64xf32, #tpu.memory_space<vmem_shared>> -> memref<10000x64xf32, #tpu.memory_space<vmem_shared>>
      %dma_start3A_408 = tpu.memref_slice %arg16[%dma_start3A_397] : memref<5x!tpu.dma_semaphore, #tpu.memory_space<semaphore_mem>> -> memref<1x!tpu.dma_semaphore, #tpu.memory_space<semaphore_mem>>
      %dma_start3A_409 = tpu.memref_squeeze %dma_start3A_408 : memref<1x!tpu.dma_semaphore, #tpu.memory_space<semaphore_mem>> -> memref<!tpu.dma_semaphore, #tpu.memory_space<semaphore_mem>>
      tpu.enqueue_indirect_dma source(%dma_start3A_401 : memref<80x64xf32, #tpu.memory_space<vmem>>) target(%dma_start3A_407 : memref<10000x64xf32, #tpu.memory_space<vmem_shared>>) offsets(%dma_start3A_404 : memref<80xi32, #tpu.memory_space<vmem>>) semaphore(%dma_start3A_409 : memref<!tpu.dma_semaphore, #tpu.memory_space<semaphore_mem>>) {add = true}
      %ge3A_410 = arith.cmpi sge, %add3A_377, %mul3A_154 : i32
      %lt3A_411 = arith.cmpi slt, %add3A_377, %add3A_156 : i32
      %and3A_412 = arith.andi %ge3A_410, %lt3A_411 : i1
      %convert_element_type3A_413 = arith.extui %and3A_412 : i1 to i32
      %cond3A_414 = arith.constant 0 : i32
      %cond3A_415 = arith.cmpi ne, %convert_element_type3A_413, %cond3A_414 : i32
      scf.if %cond3A_415 {
        %gt3A = arith.cmpi sgt, %add3A_377, %mul3A_154 : i32
        %convert_element_type3A_547 = arith.extui %gt3A : i1 to i32
        %cond3A_548 = arith.constant 0 : i32
        %cond3A_549 = arith.cmpi ne, %convert_element_type3A_547, %cond3A_548 : i32
        scf.if %cond3A_549 {
          tpu.wait_dma2 semaphore(%arg20 : memref<!tpu.dma_semaphore, #tpu.memory_space<semaphore_mem>>) src(%arg7 : memref<80x16xf32, #tpu.memory_space<hbm>>) dst(%arg17 : memref<80x16xf32, #tpu.memory_space<vmem>>)
        } else {
        }
        %dma_start3A_550 = arith.constant 0 : i32
        %dma_start3A_551 = tpu.memref_slice %arg11[%add3A_377, %dma_start3A_550] : memref<250x80xi32, #tpu.memory_space<vmem>> -> memref<1x80xi32, #tpu.memory_space<vmem>>
        %dma_start3A_552 = tpu.memref_squeeze %dma_start3A_551 : memref<1x80xi32, #tpu.memory_space<vmem>> -> memref<80xi32, #tpu.memory_space<vmem>>
        %dma_start3A_553 = arith.constant 0 : i32
        %dma_start3A_554 = arith.constant 0 : i32
        %dma_start3A_555 = tpu.memref_slice %arg19[%dma_start3A_553, %dma_start3A_554] : memref<10000x16xf32, #tpu.memory_space<vmem_shared>> -> memref<10000x16xf32, #tpu.memory_space<vmem_shared>>
        tpu.enqueue_indirect_dma source(%arg17 : memref<80x16xf32, #tpu.memory_space<vmem>>) target(%dma_start3A_555 : memref<10000x16xf32, #tpu.memory_space<vmem_shared>>) offsets(%dma_start3A_552 : memref<80xi32, #tpu.memory_space<vmem>>) semaphore(%arg20 : memref<!tpu.dma_semaphore, #tpu.memory_space<semaphore_mem>>) {add = true}
      } else {
      }
      %mul3A_416 = arith.constant 5 : i32
      %mul3A_417 = arith.muli %scan3A_333, %mul3A_416 : i32
      %add3A_418 = arith.constant 2 : i32
      %add3A_419 = arith.addi %mul3A_417, %add3A_418 : i32
      %dma_wait3A_420 = arith.constant 2 : i32
      %dma_wait3A_421 = arith.constant 2 : i32
      %dma_wait3A_422 = arith.constant 0 : i32
      %dma_wait3A_423 = arith.constant 0 : i32
      %dma_wait3A_424 = tpu.memref_slice %arg12[%dma_wait3A_420, %dma_wait3A_422, %dma_wait3A_423] : memref<5x80x64xf32, #tpu.memory_space<vmem>> -> memref<1x80x64xf32, #tpu.memory_space<vmem>>
      %dma_wait3A_425 = tpu.memref_squeeze %dma_wait3A_424 : memref<1x80x64xf32, #tpu.memory_space<vmem>> -> memref<80x64xf32, #tpu.memory_space<vmem>>
      %dma_wait3A_426 = arith.constant 0 : i32
      %dma_wait3A_427 = arith.constant 0 : i32
      %dma_wait3A_428 = tpu.memref_slice %arg2[%dma_wait3A_426, %dma_wait3A_427] : memref<20000x64xf32, #tpu.memory_space<hbm>> -> memref<80x64xf32, #tpu.memory_space<hbm>>
      %dma_wait3A_429 = tpu.memref_slice %arg15[%dma_wait3A_421] : memref<5x!tpu.dma_semaphore, #tpu.memory_space<semaphore_mem>> -> memref<1x!tpu.dma_semaphore, #tpu.memory_space<semaphore_mem>>
      %dma_wait3A_430 = tpu.memref_squeeze %dma_wait3A_429 : memref<1x!tpu.dma_semaphore, #tpu.memory_space<semaphore_mem>> -> memref<!tpu.dma_semaphore, #tpu.memory_space<semaphore_mem>>
      %dma_wait3A_431 = arith.constant 0 : i32
      %dma_wait3A_432 = arith.constant 0 : i32
      %dma_wait3A_433 = tpu.memref_slice %arg12[%dma_wait3A_420, %dma_wait3A_431, %dma_wait3A_432] : memref<5x80x64xf32, #tpu.memory_space<vmem>> -> memref<1x80x64xf32, #tpu.memory_space<vmem>>
      %dma_wait3A_434 = tpu.memref_squeeze %dma_wait3A_433 : memref<1x80x64xf32, #tpu.memory_space<vmem>> -> memref<80x64xf32, #tpu.memory_space<vmem>>
      %dma_wait3A_435 = arith.constant 0 : i32
      %dma_wait3A_436 = arith.constant 0 : i32
      %dma_wait3A_437 = tpu.memref_slice %arg2[%dma_wait3A_435, %dma_wait3A_436] : memref<20000x64xf32, #tpu.memory_space<hbm>> -> memref<80x64xf32, #tpu.memory_space<hbm>>
      tpu.wait_dma2 semaphore(%dma_wait3A_430 : memref<!tpu.dma_semaphore, #tpu.memory_space<semaphore_mem>>) src(%dma_wait3A_437 : memref<80x64xf32, #tpu.memory_space<hbm>>) dst(%dma_wait3A_434 : memref<80x64xf32, #tpu.memory_space<vmem>>)
      %dma_start3A_438 = arith.constant 2 : i32
      %dma_start3A_439 = arith.constant 2 : i32
      %dma_start3A_440 = arith.constant 0 : i32
      %dma_start3A_441 = arith.constant 0 : i32
      %dma_start3A_442 = tpu.memref_slice %arg12[%dma_start3A_438, %dma_start3A_440, %dma_start3A_441] : memref<5x80x64xf32, #tpu.memory_space<vmem>> -> memref<1x80x64xf32, #tpu.memory_space<vmem>>
      %dma_start3A_443 = tpu.memref_squeeze %dma_start3A_442 : memref<1x80x64xf32, #tpu.memory_space<vmem>> -> memref<80x64xf32, #tpu.memory_space<vmem>>
      %dma_start3A_444 = arith.constant 0 : i32
      %dma_start3A_445 = tpu.memref_slice %arg11[%add3A_419, %dma_start3A_444] : memref<250x80xi32, #tpu.memory_space<vmem>> -> memref<1x80xi32, #tpu.memory_space<vmem>>
      %dma_start3A_446 = tpu.memref_squeeze %dma_start3A_445 : memref<1x80xi32, #tpu.memory_space<vmem>> -> memref<80xi32, #tpu.memory_space<vmem>>
      %dma_start3A_447 = arith.constant 0 : i32
      %dma_start3A_448 = arith.constant 0 : i32
      %dma_start3A_449 = tpu.memref_slice %arg14[%dma_start3A_447, %dma_start3A_448] : memref<10000x64xf32, #tpu.memory_space<vmem_shared>> -> memref<10000x64xf32, #tpu.memory_space<vmem_shared>>
      %dma_start3A_450 = tpu.memref_slice %arg16[%dma_start3A_439] : memref<5x!tpu.dma_semaphore, #tpu.memory_space<semaphore_mem>> -> memref<1x!tpu.dma_semaphore, #tpu.memory_space<semaphore_mem>>
      %dma_start3A_451 = tpu.memref_squeeze %dma_start3A_450 : memref<1x!tpu.dma_semaphore, #tpu.memory_space<semaphore_mem>> -> memref<!tpu.dma_semaphore, #tpu.memory_space<semaphore_mem>>
      tpu.enqueue_indirect_dma source(%dma_start3A_443 : memref<80x64xf32, #tpu.memory_space<vmem>>) target(%dma_start3A_449 : memref<10000x64xf32, #tpu.memory_space<vmem_shared>>) offsets(%dma_start3A_446 : memref<80xi32, #tpu.memory_space<vmem>>) semaphore(%dma_start3A_451 : memref<!tpu.dma_semaphore, #tpu.memory_space<semaphore_mem>>) {add = true}
      %ge3A_452 = arith.cmpi sge, %add3A_419, %mul3A_154 : i32
      %lt3A_453 = arith.cmpi slt, %add3A_419, %add3A_156 : i32
      %and3A_454 = arith.andi %ge3A_452, %lt3A_453 : i1
      %convert_element_type3A_455 = arith.extui %and3A_454 : i1 to i32
      %cond3A_456 = arith.constant 0 : i32
      %cond3A_457 = arith.cmpi ne, %convert_element_type3A_455, %cond3A_456 : i32
      scf.if %cond3A_457 {
        %gt3A = arith.cmpi sgt, %add3A_419, %mul3A_154 : i32
        %convert_element_type3A_547 = arith.extui %gt3A : i1 to i32
        %cond3A_548 = arith.constant 0 : i32
        %cond3A_549 = arith.cmpi ne, %convert_element_type3A_547, %cond3A_548 : i32
        scf.if %cond3A_549 {
          tpu.wait_dma2 semaphore(%arg20 : memref<!tpu.dma_semaphore, #tpu.memory_space<semaphore_mem>>) src(%arg7 : memref<80x16xf32, #tpu.memory_space<hbm>>) dst(%arg17 : memref<80x16xf32, #tpu.memory_space<vmem>>)
        } else {
        }
        %dma_start3A_550 = arith.constant 0 : i32
        %dma_start3A_551 = tpu.memref_slice %arg11[%add3A_419, %dma_start3A_550] : memref<250x80xi32, #tpu.memory_space<vmem>> -> memref<1x80xi32, #tpu.memory_space<vmem>>
        %dma_start3A_552 = tpu.memref_squeeze %dma_start3A_551 : memref<1x80xi32, #tpu.memory_space<vmem>> -> memref<80xi32, #tpu.memory_space<vmem>>
        %dma_start3A_553 = arith.constant 0 : i32
        %dma_start3A_554 = arith.constant 0 : i32
        %dma_start3A_555 = tpu.memref_slice %arg19[%dma_start3A_553, %dma_start3A_554] : memref<10000x16xf32, #tpu.memory_space<vmem_shared>> -> memref<10000x16xf32, #tpu.memory_space<vmem_shared>>
        tpu.enqueue_indirect_dma source(%arg17 : memref<80x16xf32, #tpu.memory_space<vmem>>) target(%dma_start3A_555 : memref<10000x16xf32, #tpu.memory_space<vmem_shared>>) offsets(%dma_start3A_552 : memref<80xi32, #tpu.memory_space<vmem>>) semaphore(%arg20 : memref<!tpu.dma_semaphore, #tpu.memory_space<semaphore_mem>>) {add = true}
      } else {
      }
      %mul3A_458 = arith.constant 5 : i32
      %mul3A_459 = arith.muli %scan3A_333, %mul3A_458 : i32
      %add3A_460 = arith.constant 3 : i32
      %add3A_461 = arith.addi %mul3A_459, %add3A_460 : i32
      %dma_wait3A_462 = arith.constant 3 : i32
      %dma_wait3A_463 = arith.constant 3 : i32
      %dma_wait3A_464 = arith.constant 0 : i32
      %dma_wait3A_465 = arith.constant 0 : i32
      %dma_wait3A_466 = tpu.memref_slice %arg12[%dma_wait3A_462, %dma_wait3A_464, %dma_wait3A_465] : memref<5x80x64xf32, #tpu.memory_space<vmem>> -> memref<1x80x64xf32, #tpu.memory_space<vmem>>
      %dma_wait3A_467 = tpu.memref_squeeze %dma_wait3A_466 : memref<1x80x64xf32, #tpu.memory_space<vmem>> -> memref<80x64xf32, #tpu.memory_space<vmem>>
      %dma_wait3A_468 = arith.constant 0 : i32
      %dma_wait3A_469 = arith.constant 0 : i32
      %dma_wait3A_470 = tpu.memref_slice %arg2[%dma_wait3A_468, %dma_wait3A_469] : memref<20000x64xf32, #tpu.memory_space<hbm>> -> memref<80x64xf32, #tpu.memory_space<hbm>>
      %dma_wait3A_471 = tpu.memref_slice %arg15[%dma_wait3A_463] : memref<5x!tpu.dma_semaphore, #tpu.memory_space<semaphore_mem>> -> memref<1x!tpu.dma_semaphore, #tpu.memory_space<semaphore_mem>>
      %dma_wait3A_472 = tpu.memref_squeeze %dma_wait3A_471 : memref<1x!tpu.dma_semaphore, #tpu.memory_space<semaphore_mem>> -> memref<!tpu.dma_semaphore, #tpu.memory_space<semaphore_mem>>
      %dma_wait3A_473 = arith.constant 0 : i32
      %dma_wait3A_474 = arith.constant 0 : i32
      %dma_wait3A_475 = tpu.memref_slice %arg12[%dma_wait3A_462, %dma_wait3A_473, %dma_wait3A_474] : memref<5x80x64xf32, #tpu.memory_space<vmem>> -> memref<1x80x64xf32, #tpu.memory_space<vmem>>
      %dma_wait3A_476 = tpu.memref_squeeze %dma_wait3A_475 : memref<1x80x64xf32, #tpu.memory_space<vmem>> -> memref<80x64xf32, #tpu.memory_space<vmem>>
      %dma_wait3A_477 = arith.constant 0 : i32
      %dma_wait3A_478 = arith.constant 0 : i32
      %dma_wait3A_479 = tpu.memref_slice %arg2[%dma_wait3A_477, %dma_wait3A_478] : memref<20000x64xf32, #tpu.memory_space<hbm>> -> memref<80x64xf32, #tpu.memory_space<hbm>>
      tpu.wait_dma2 semaphore(%dma_wait3A_472 : memref<!tpu.dma_semaphore, #tpu.memory_space<semaphore_mem>>) src(%dma_wait3A_479 : memref<80x64xf32, #tpu.memory_space<hbm>>) dst(%dma_wait3A_476 : memref<80x64xf32, #tpu.memory_space<vmem>>)
      %dma_start3A_480 = arith.constant 3 : i32
      %dma_start3A_481 = arith.constant 3 : i32
      %dma_start3A_482 = arith.constant 0 : i32
      %dma_start3A_483 = arith.constant 0 : i32
      %dma_start3A_484 = tpu.memref_slice %arg12[%dma_start3A_480, %dma_start3A_482, %dma_start3A_483] : memref<5x80x64xf32, #tpu.memory_space<vmem>> -> memref<1x80x64xf32, #tpu.memory_space<vmem>>
      %dma_start3A_485 = tpu.memref_squeeze %dma_start3A_484 : memref<1x80x64xf32, #tpu.memory_space<vmem>> -> memref<80x64xf32, #tpu.memory_space<vmem>>
      %dma_start3A_486 = arith.constant 0 : i32
      %dma_start3A_487 = tpu.memref_slice %arg11[%add3A_461, %dma_start3A_486] : memref<250x80xi32, #tpu.memory_space<vmem>> -> memref<1x80xi32, #tpu.memory_space<vmem>>
      %dma_start3A_488 = tpu.memref_squeeze %dma_start3A_487 : memref<1x80xi32, #tpu.memory_space<vmem>> -> memref<80xi32, #tpu.memory_space<vmem>>
      %dma_start3A_489 = arith.constant 0 : i32
      %dma_start3A_490 = arith.constant 0 : i32
      %dma_start3A_491 = tpu.memref_slice %arg14[%dma_start3A_489, %dma_start3A_490] : memref<10000x64xf32, #tpu.memory_space<vmem_shared>> -> memref<10000x64xf32, #tpu.memory_space<vmem_shared>>
      %dma_start3A_492 = tpu.memref_slice %arg16[%dma_start3A_481] : memref<5x!tpu.dma_semaphore, #tpu.memory_space<semaphore_mem>> -> memref<1x!tpu.dma_semaphore, #tpu.memory_space<semaphore_mem>>
      %dma_start3A_493 = tpu.memref_squeeze %dma_start3A_492 : memref<1x!tpu.dma_semaphore, #tpu.memory_space<semaphore_mem>> -> memref<!tpu.dma_semaphore, #tpu.memory_space<semaphore_mem>>
      tpu.enqueue_indirect_dma source(%dma_start3A_485 : memref<80x64xf32, #tpu.memory_space<vmem>>) target(%dma_start3A_491 : memref<10000x64xf32, #tpu.memory_space<vmem_shared>>) offsets(%dma_start3A_488 : memref<80xi32, #tpu.memory_space<vmem>>) semaphore(%dma_start3A_493 : memref<!tpu.dma_semaphore, #tpu.memory_space<semaphore_mem>>) {add = true}
      %ge3A_494 = arith.cmpi sge, %add3A_461, %mul3A_154 : i32
      %lt3A_495 = arith.cmpi slt, %add3A_461, %add3A_156 : i32
      %and3A_496 = arith.andi %ge3A_494, %lt3A_495 : i1
      %convert_element_type3A_497 = arith.extui %and3A_496 : i1 to i32
      %cond3A_498 = arith.constant 0 : i32
      %cond3A_499 = arith.cmpi ne, %convert_element_type3A_497, %cond3A_498 : i32
      scf.if %cond3A_499 {
        %gt3A = arith.cmpi sgt, %add3A_461, %mul3A_154 : i32
        %convert_element_type3A_547 = arith.extui %gt3A : i1 to i32
        %cond3A_548 = arith.constant 0 : i32
        %cond3A_549 = arith.cmpi ne, %convert_element_type3A_547, %cond3A_548 : i32
        scf.if %cond3A_549 {
          tpu.wait_dma2 semaphore(%arg20 : memref<!tpu.dma_semaphore, #tpu.memory_space<semaphore_mem>>) src(%arg7 : memref<80x16xf32, #tpu.memory_space<hbm>>) dst(%arg17 : memref<80x16xf32, #tpu.memory_space<vmem>>)
        } else {
        }
        %dma_start3A_550 = arith.constant 0 : i32
        %dma_start3A_551 = tpu.memref_slice %arg11[%add3A_461, %dma_start3A_550] : memref<250x80xi32, #tpu.memory_space<vmem>> -> memref<1x80xi32, #tpu.memory_space<vmem>>
        %dma_start3A_552 = tpu.memref_squeeze %dma_start3A_551 : memref<1x80xi32, #tpu.memory_space<vmem>> -> memref<80xi32, #tpu.memory_space<vmem>>
        %dma_start3A_553 = arith.constant 0 : i32
        %dma_start3A_554 = arith.constant 0 : i32
        %dma_start3A_555 = tpu.memref_slice %arg19[%dma_start3A_553, %dma_start3A_554] : memref<10000x16xf32, #tpu.memory_space<vmem_shared>> -> memref<10000x16xf32, #tpu.memory_space<vmem_shared>>
        tpu.enqueue_indirect_dma source(%arg17 : memref<80x16xf32, #tpu.memory_space<vmem>>) target(%dma_start3A_555 : memref<10000x16xf32, #tpu.memory_space<vmem_shared>>) offsets(%dma_start3A_552 : memref<80xi32, #tpu.memory_space<vmem>>) semaphore(%arg20 : memref<!tpu.dma_semaphore, #tpu.memory_space<semaphore_mem>>) {add = true}
      } else {
      }
      %mul3A_500 = arith.constant 5 : i32
      %mul3A_501 = arith.muli %scan3A_333, %mul3A_500 : i32
      %add3A_502 = arith.constant 4 : i32
      %add3A_503 = arith.addi %mul3A_501, %add3A_502 : i32
      %dma_wait3A_504 = arith.constant 4 : i32
      %dma_wait3A_505 = arith.constant 4 : i32
      %dma_wait3A_506 = arith.constant 0 : i32
      %dma_wait3A_507 = arith.constant 0 : i32
      %dma_wait3A_508 = tpu.memref_slice %arg12[%dma_wait3A_504, %dma_wait3A_506, %dma_wait3A_507] : memref<5x80x64xf32, #tpu.memory_space<vmem>> -> memref<1x80x64xf32, #tpu.memory_space<vmem>>
      %dma_wait3A_509 = tpu.memref_squeeze %dma_wait3A_508 : memref<1x80x64xf32, #tpu.memory_space<vmem>> -> memref<80x64xf32, #tpu.memory_space<vmem>>
      %dma_wait3A_510 = arith.constant 0 : i32
      %dma_wait3A_511 = arith.constant 0 : i32
      %dma_wait3A_512 = tpu.memref_slice %arg2[%dma_wait3A_510, %dma_wait3A_511] : memref<20000x64xf32, #tpu.memory_space<hbm>> -> memref<80x64xf32, #tpu.memory_space<hbm>>
      %dma_wait3A_513 = tpu.memref_slice %arg15[%dma_wait3A_505] : memref<5x!tpu.dma_semaphore, #tpu.memory_space<semaphore_mem>> -> memref<1x!tpu.dma_semaphore, #tpu.memory_space<semaphore_mem>>
      %dma_wait3A_514 = tpu.memref_squeeze %dma_wait3A_513 : memref<1x!tpu.dma_semaphore, #tpu.memory_space<semaphore_mem>> -> memref<!tpu.dma_semaphore, #tpu.memory_space<semaphore_mem>>
      %dma_wait3A_515 = arith.constant 0 : i32
      %dma_wait3A_516 = arith.constant 0 : i32
      %dma_wait3A_517 = tpu.memref_slice %arg12[%dma_wait3A_504, %dma_wait3A_515, %dma_wait3A_516] : memref<5x80x64xf32, #tpu.memory_space<vmem>> -> memref<1x80x64xf32, #tpu.memory_space<vmem>>
      %dma_wait3A_518 = tpu.memref_squeeze %dma_wait3A_517 : memref<1x80x64xf32, #tpu.memory_space<vmem>> -> memref<80x64xf32, #tpu.memory_space<vmem>>
      %dma_wait3A_519 = arith.constant 0 : i32
      %dma_wait3A_520 = arith.constant 0 : i32
      %dma_wait3A_521 = tpu.memref_slice %arg2[%dma_wait3A_519, %dma_wait3A_520] : memref<20000x64xf32, #tpu.memory_space<hbm>> -> memref<80x64xf32, #tpu.memory_space<hbm>>
      tpu.wait_dma2 semaphore(%dma_wait3A_514 : memref<!tpu.dma_semaphore, #tpu.memory_space<semaphore_mem>>) src(%dma_wait3A_521 : memref<80x64xf32, #tpu.memory_space<hbm>>) dst(%dma_wait3A_518 : memref<80x64xf32, #tpu.memory_space<vmem>>)
      %dma_start3A_522 = arith.constant 4 : i32
      %dma_start3A_523 = arith.constant 4 : i32
      %dma_start3A_524 = arith.constant 0 : i32
      %dma_start3A_525 = arith.constant 0 : i32
      %dma_start3A_526 = tpu.memref_slice %arg12[%dma_start3A_522, %dma_start3A_524, %dma_start3A_525] : memref<5x80x64xf32, #tpu.memory_space<vmem>> -> memref<1x80x64xf32, #tpu.memory_space<vmem>>
      %dma_start3A_527 = tpu.memref_squeeze %dma_start3A_526 : memref<1x80x64xf32, #tpu.memory_space<vmem>> -> memref<80x64xf32, #tpu.memory_space<vmem>>
      %dma_start3A_528 = arith.constant 0 : i32
      %dma_start3A_529 = tpu.memref_slice %arg11[%add3A_503, %dma_start3A_528] : memref<250x80xi32, #tpu.memory_space<vmem>> -> memref<1x80xi32, #tpu.memory_space<vmem>>
      %dma_start3A_530 = tpu.memref_squeeze %dma_start3A_529 : memref<1x80xi32, #tpu.memory_space<vmem>> -> memref<80xi32, #tpu.memory_space<vmem>>
      %dma_start3A_531 = arith.constant 0 : i32
      %dma_start3A_532 = arith.constant 0 : i32
      %dma_start3A_533 = tpu.memref_slice %arg14[%dma_start3A_531, %dma_start3A_532] : memref<10000x64xf32, #tpu.memory_space<vmem_shared>> -> memref<10000x64xf32, #tpu.memory_space<vmem_shared>>
      %dma_start3A_534 = tpu.memref_slice %arg16[%dma_start3A_523] : memref<5x!tpu.dma_semaphore, #tpu.memory_space<semaphore_mem>> -> memref<1x!tpu.dma_semaphore, #tpu.memory_space<semaphore_mem>>
      %dma_start3A_535 = tpu.memref_squeeze %dma_start3A_534 : memref<1x!tpu.dma_semaphore, #tpu.memory_space<semaphore_mem>> -> memref<!tpu.dma_semaphore, #tpu.memory_space<semaphore_mem>>
      tpu.enqueue_indirect_dma source(%dma_start3A_527 : memref<80x64xf32, #tpu.memory_space<vmem>>) target(%dma_start3A_533 : memref<10000x64xf32, #tpu.memory_space<vmem_shared>>) offsets(%dma_start3A_530 : memref<80xi32, #tpu.memory_space<vmem>>) semaphore(%dma_start3A_535 : memref<!tpu.dma_semaphore, #tpu.memory_space<semaphore_mem>>) {add = true}
      %ge3A_536 = arith.cmpi sge, %add3A_503, %mul3A_154 : i32
      %lt3A_537 = arith.cmpi slt, %add3A_503, %add3A_156 : i32
      %and3A_538 = arith.andi %ge3A_536, %lt3A_537 : i1
      %convert_element_type3A_539 = arith.extui %and3A_538 : i1 to i32
      %cond3A_540 = arith.constant 0 : i32
      %cond3A_541 = arith.cmpi ne, %convert_element_type3A_539, %cond3A_540 : i32
      scf.if %cond3A_541 {
        %gt3A = arith.cmpi sgt, %add3A_503, %mul3A_154 : i32
        %convert_element_type3A_547 = arith.extui %gt3A : i1 to i32
        %cond3A_548 = arith.constant 0 : i32
        %cond3A_549 = arith.cmpi ne, %convert_element_type3A_547, %cond3A_548 : i32
        scf.if %cond3A_549 {
          tpu.wait_dma2 semaphore(%arg20 : memref<!tpu.dma_semaphore, #tpu.memory_space<semaphore_mem>>) src(%arg7 : memref<80x16xf32, #tpu.memory_space<hbm>>) dst(%arg17 : memref<80x16xf32, #tpu.memory_space<vmem>>)
        } else {
        }
        %dma_start3A_550 = arith.constant 0 : i32
        %dma_start3A_551 = tpu.memref_slice %arg11[%add3A_503, %dma_start3A_550] : memref<250x80xi32, #tpu.memory_space<vmem>> -> memref<1x80xi32, #tpu.memory_space<vmem>>
        %dma_start3A_552 = tpu.memref_squeeze %dma_start3A_551 : memref<1x80xi32, #tpu.memory_space<vmem>> -> memref<80xi32, #tpu.memory_space<vmem>>
        %dma_start3A_553 = arith.constant 0 : i32
        %dma_start3A_554 = arith.constant 0 : i32
        %dma_start3A_555 = tpu.memref_slice %arg19[%dma_start3A_553, %dma_start3A_554] : memref<10000x16xf32, #tpu.memory_space<vmem_shared>> -> memref<10000x16xf32, #tpu.memory_space<vmem_shared>>
        tpu.enqueue_indirect_dma source(%arg17 : memref<80x16xf32, #tpu.memory_space<vmem>>) target(%dma_start3A_555 : memref<10000x16xf32, #tpu.memory_space<vmem_shared>>) offsets(%dma_start3A_552 : memref<80xi32, #tpu.memory_space<vmem>>) semaphore(%arg20 : memref<!tpu.dma_semaphore, #tpu.memory_space<semaphore_mem>>) {add = true}
      } else {
      }
      %lt3A_542 = arith.constant 49 : i32
      %lt3A_543 = arith.cmpi slt, %scan3A_333, %lt3A_542 : i32
      %convert_element_type3A_544 = arith.extui %lt3A_543 : i1 to i32
      %cond3A_545 = arith.constant 0 : i32
      %cond3A_546 = arith.cmpi ne, %convert_element_type3A_544, %cond3A_545 : i32
      scf.if %cond3A_546 {
        %mul3A_547 = arith.constant 5 : i32
        %mul3A_548 = arith.muli %scan3A_333, %mul3A_547 : i32
        %add3A_549 = arith.constant 0 : i32
        %add3A_550 = arith.addi %mul3A_548, %add3A_549 : i32
        %dma_wait3A_551 = arith.constant 0 : i32
        %dma_wait3A_552 = arith.constant 0 : i32
        %dma_wait3A_553 = arith.constant 0 : i32
        %dma_wait3A_554 = arith.constant 0 : i32
        %dma_wait3A_555 = tpu.memref_slice %arg12[%dma_wait3A_551, %dma_wait3A_553, %dma_wait3A_554] : memref<5x80x64xf32, #tpu.memory_space<vmem>> -> memref<1x80x64xf32, #tpu.memory_space<vmem>>
        %dma_wait3A_556 = tpu.memref_squeeze %dma_wait3A_555 : memref<1x80x64xf32, #tpu.memory_space<vmem>> -> memref<80x64xf32, #tpu.memory_space<vmem>>
        %dma_wait3A_557 = arith.constant 0 : i32
        %dma_wait3A_558 = arith.constant 0 : i32
        %dma_wait3A_559 = tpu.memref_slice %arg2[%dma_wait3A_557, %dma_wait3A_558] : memref<20000x64xf32, #tpu.memory_space<hbm>> -> memref<80x64xf32, #tpu.memory_space<hbm>>
        %dma_wait3A_560 = tpu.memref_slice %arg16[%dma_wait3A_552] : memref<5x!tpu.dma_semaphore, #tpu.memory_space<semaphore_mem>> -> memref<1x!tpu.dma_semaphore, #tpu.memory_space<semaphore_mem>>
        %dma_wait3A_561 = tpu.memref_squeeze %dma_wait3A_560 : memref<1x!tpu.dma_semaphore, #tpu.memory_space<semaphore_mem>> -> memref<!tpu.dma_semaphore, #tpu.memory_space<semaphore_mem>>
        %dma_wait3A_562 = arith.constant 0 : i32
        %dma_wait3A_563 = arith.constant 0 : i32
        %dma_wait3A_564 = tpu.memref_slice %arg12[%dma_wait3A_551, %dma_wait3A_562, %dma_wait3A_563] : memref<5x80x64xf32, #tpu.memory_space<vmem>> -> memref<1x80x64xf32, #tpu.memory_space<vmem>>
        %dma_wait3A_565 = tpu.memref_squeeze %dma_wait3A_564 : memref<1x80x64xf32, #tpu.memory_space<vmem>> -> memref<80x64xf32, #tpu.memory_space<vmem>>
        %dma_wait3A_566 = arith.constant 0 : i32
        %dma_wait3A_567 = arith.constant 0 : i32
        %dma_wait3A_568 = tpu.memref_slice %arg2[%dma_wait3A_566, %dma_wait3A_567] : memref<20000x64xf32, #tpu.memory_space<hbm>> -> memref<80x64xf32, #tpu.memory_space<hbm>>
        tpu.wait_dma2 semaphore(%dma_wait3A_561 : memref<!tpu.dma_semaphore, #tpu.memory_space<semaphore_mem>>) src(%dma_wait3A_568 : memref<80x64xf32, #tpu.memory_space<hbm>>) dst(%dma_wait3A_565 : memref<80x64xf32, #tpu.memory_space<vmem>>)
        %add3A_569 = arith.constant 5 : i32
        %add3A_570 = arith.addi %add3A_550, %add3A_569 : i32
        %dma_start3A_571 = arith.constant 0 : i32
        %dma_start3A_572 = arith.constant 0 : i32
        %dma_start3A_573 = arith.constant 0 : i32
        %dma_start3A_574 = arith.constant 0 : i32
        %dma_start3A_575 = tpu.memref_slice %arg12[%dma_start3A_571, %dma_start3A_573, %dma_start3A_574] : memref<5x80x64xf32, #tpu.memory_space<vmem>> -> memref<1x80x64xf32, #tpu.memory_space<vmem>>
        %dma_start3A_576 = tpu.memref_squeeze %dma_start3A_575 : memref<1x80x64xf32, #tpu.memory_space<vmem>> -> memref<80x64xf32, #tpu.memory_space<vmem>>
        %dma_start3A_577 = arith.constant 0 : i32
        %dma_start3A_578 = tpu.memref_slice %arg10[%add3A_570, %dma_start3A_577] : memref<250x80xi32, #tpu.memory_space<vmem>> -> memref<1x80xi32, #tpu.memory_space<vmem>>
        %dma_start3A_579 = tpu.memref_squeeze %dma_start3A_578 : memref<1x80xi32, #tpu.memory_space<vmem>> -> memref<80xi32, #tpu.memory_space<vmem>>
        %dma_start3A_580 = arith.constant 0 : i32
        %dma_start3A_581 = arith.constant 0 : i32
        %dma_start3A_582 = tpu.memref_slice %arg2[%dma_start3A_580, %dma_start3A_581] : memref<20000x64xf32, #tpu.memory_space<hbm>> -> memref<20000x64xf32, #tpu.memory_space<hbm>>
        %dma_start3A_583 = tpu.memref_slice %arg15[%dma_start3A_572] : memref<5x!tpu.dma_semaphore, #tpu.memory_space<semaphore_mem>> -> memref<1x!tpu.dma_semaphore, #tpu.memory_space<semaphore_mem>>
        %dma_start3A_584 = tpu.memref_squeeze %dma_start3A_583 : memref<1x!tpu.dma_semaphore, #tpu.memory_space<semaphore_mem>> -> memref<!tpu.dma_semaphore, #tpu.memory_space<semaphore_mem>>
        tpu.enqueue_indirect_dma source(%dma_start3A_582 : memref<20000x64xf32, #tpu.memory_space<hbm>>) target(%dma_start3A_576 : memref<80x64xf32, #tpu.memory_space<vmem>>) offsets(%dma_start3A_579 : memref<80xi32, #tpu.memory_space<vmem>>) semaphore(%dma_start3A_584 : memref<!tpu.dma_semaphore, #tpu.memory_space<semaphore_mem>>)
        %mul3A_585 = arith.constant 5 : i32
        %mul3A_586 = arith.muli %scan3A_333, %mul3A_585 : i32
        %add3A_587 = arith.constant 1 : i32
        %add3A_588 = arith.addi %mul3A_586, %add3A_587 : i32
        %dma_wait3A_589 = arith.constant 1 : i32
        %dma_wait3A_590 = arith.constant 1 : i32
        %dma_wait3A_591 = arith.constant 0 : i32
        %dma_wait3A_592 = arith.constant 0 : i32
        %dma_wait3A_593 = tpu.memref_slice %arg12[%dma_wait3A_589, %dma_wait3A_591, %dma_wait3A_592] : memref<5x80x64xf32, #tpu.memory_space<vmem>> -> memref<1x80x64xf32, #tpu.memory_space<vmem>>
        %dma_wait3A_594 = tpu.memref_squeeze %dma_wait3A_593 : memref<1x80x64xf32, #tpu.memory_space<vmem>> -> memref<80x64xf32, #tpu.memory_space<vmem>>
        %dma_wait3A_595 = arith.constant 0 : i32
        %dma_wait3A_596 = arith.constant 0 : i32
        %dma_wait3A_597 = tpu.memref_slice %arg2[%dma_wait3A_595, %dma_wait3A_596] : memref<20000x64xf32, #tpu.memory_space<hbm>> -> memref<80x64xf32, #tpu.memory_space<hbm>>
        %dma_wait3A_598 = tpu.memref_slice %arg16[%dma_wait3A_590] : memref<5x!tpu.dma_semaphore, #tpu.memory_space<semaphore_mem>> -> memref<1x!tpu.dma_semaphore, #tpu.memory_space<semaphore_mem>>
        %dma_wait3A_599 = tpu.memref_squeeze %dma_wait3A_598 : memref<1x!tpu.dma_semaphore, #tpu.memory_space<semaphore_mem>> -> memref<!tpu.dma_semaphore, #tpu.memory_space<semaphore_mem>>
        %dma_wait3A_600 = arith.constant 0 : i32
        %dma_wait3A_601 = arith.constant 0 : i32
        %dma_wait3A_602 = tpu.memref_slice %arg12[%dma_wait3A_589, %dma_wait3A_600, %dma_wait3A_601] : memref<5x80x64xf32, #tpu.memory_space<vmem>> -> memref<1x80x64xf32, #tpu.memory_space<vmem>>
        %dma_wait3A_603 = tpu.memref_squeeze %dma_wait3A_602 : memref<1x80x64xf32, #tpu.memory_space<vmem>> -> memref<80x64xf32, #tpu.memory_space<vmem>>
        %dma_wait3A_604 = arith.constant 0 : i32
        %dma_wait3A_605 = arith.constant 0 : i32
        %dma_wait3A_606 = tpu.memref_slice %arg2[%dma_wait3A_604, %dma_wait3A_605] : memref<20000x64xf32, #tpu.memory_space<hbm>> -> memref<80x64xf32, #tpu.memory_space<hbm>>
        tpu.wait_dma2 semaphore(%dma_wait3A_599 : memref<!tpu.dma_semaphore, #tpu.memory_space<semaphore_mem>>) src(%dma_wait3A_606 : memref<80x64xf32, #tpu.memory_space<hbm>>) dst(%dma_wait3A_603 : memref<80x64xf32, #tpu.memory_space<vmem>>)
        %add3A_607 = arith.constant 5 : i32
        %add3A_608 = arith.addi %add3A_588, %add3A_607 : i32
        %dma_start3A_609 = arith.constant 1 : i32
        %dma_start3A_610 = arith.constant 1 : i32
        %dma_start3A_611 = arith.constant 0 : i32
        %dma_start3A_612 = arith.constant 0 : i32
        %dma_start3A_613 = tpu.memref_slice %arg12[%dma_start3A_609, %dma_start3A_611, %dma_start3A_612] : memref<5x80x64xf32, #tpu.memory_space<vmem>> -> memref<1x80x64xf32, #tpu.memory_space<vmem>>
        %dma_start3A_614 = tpu.memref_squeeze %dma_start3A_613 : memref<1x80x64xf32, #tpu.memory_space<vmem>> -> memref<80x64xf32, #tpu.memory_space<vmem>>
        %dma_start3A_615 = arith.constant 0 : i32
        %dma_start3A_616 = tpu.memref_slice %arg10[%add3A_608, %dma_start3A_615] : memref<250x80xi32, #tpu.memory_space<vmem>> -> memref<1x80xi32, #tpu.memory_space<vmem>>
        %dma_start3A_617 = tpu.memref_squeeze %dma_start3A_616 : memref<1x80xi32, #tpu.memory_space<vmem>> -> memref<80xi32, #tpu.memory_space<vmem>>
        %dma_start3A_618 = arith.constant 0 : i32
        %dma_start3A_619 = arith.constant 0 : i32
        %dma_start3A_620 = tpu.memref_slice %arg2[%dma_start3A_618, %dma_start3A_619] : memref<20000x64xf32, #tpu.memory_space<hbm>> -> memref<20000x64xf32, #tpu.memory_space<hbm>>
        %dma_start3A_621 = tpu.memref_slice %arg15[%dma_start3A_610] : memref<5x!tpu.dma_semaphore, #tpu.memory_space<semaphore_mem>> -> memref<1x!tpu.dma_semaphore, #tpu.memory_space<semaphore_mem>>
        %dma_start3A_622 = tpu.memref_squeeze %dma_start3A_621 : memref<1x!tpu.dma_semaphore, #tpu.memory_space<semaphore_mem>> -> memref<!tpu.dma_semaphore, #tpu.memory_space<semaphore_mem>>
        tpu.enqueue_indirect_dma source(%dma_start3A_620 : memref<20000x64xf32, #tpu.memory_space<hbm>>) target(%dma_start3A_614 : memref<80x64xf32, #tpu.memory_space<vmem>>) offsets(%dma_start3A_617 : memref<80xi32, #tpu.memory_space<vmem>>) semaphore(%dma_start3A_622 : memref<!tpu.dma_semaphore, #tpu.memory_space<semaphore_mem>>)
        %mul3A_623 = arith.constant 5 : i32
        %mul3A_624 = arith.muli %scan3A_333, %mul3A_623 : i32
        %add3A_625 = arith.constant 2 : i32
        %add3A_626 = arith.addi %mul3A_624, %add3A_625 : i32
        %dma_wait3A_627 = arith.constant 2 : i32
        %dma_wait3A_628 = arith.constant 2 : i32
        %dma_wait3A_629 = arith.constant 0 : i32
        %dma_wait3A_630 = arith.constant 0 : i32
        %dma_wait3A_631 = tpu.memref_slice %arg12[%dma_wait3A_627, %dma_wait3A_629, %dma_wait3A_630] : memref<5x80x64xf32, #tpu.memory_space<vmem>> -> memref<1x80x64xf32, #tpu.memory_space<vmem>>
        %dma_wait3A_632 = tpu.memref_squeeze %dma_wait3A_631 : memref<1x80x64xf32, #tpu.memory_space<vmem>> -> memref<80x64xf32, #tpu.memory_space<vmem>>
        %dma_wait3A_633 = arith.constant 0 : i32
        %dma_wait3A_634 = arith.constant 0 : i32
        %dma_wait3A_635 = tpu.memref_slice %arg2[%dma_wait3A_633, %dma_wait3A_634] : memref<20000x64xf32, #tpu.memory_space<hbm>> -> memref<80x64xf32, #tpu.memory_space<hbm>>
        %dma_wait3A_636 = tpu.memref_slice %arg16[%dma_wait3A_628] : memref<5x!tpu.dma_semaphore, #tpu.memory_space<semaphore_mem>> -> memref<1x!tpu.dma_semaphore, #tpu.memory_space<semaphore_mem>>
        %dma_wait3A_637 = tpu.memref_squeeze %dma_wait3A_636 : memref<1x!tpu.dma_semaphore, #tpu.memory_space<semaphore_mem>> -> memref<!tpu.dma_semaphore, #tpu.memory_space<semaphore_mem>>
        %dma_wait3A_638 = arith.constant 0 : i32
        %dma_wait3A_639 = arith.constant 0 : i32
        %dma_wait3A_640 = tpu.memref_slice %arg12[%dma_wait3A_627, %dma_wait3A_638, %dma_wait3A_639] : memref<5x80x64xf32, #tpu.memory_space<vmem>> -> memref<1x80x64xf32, #tpu.memory_space<vmem>>
        %dma_wait3A_641 = tpu.memref_squeeze %dma_wait3A_640 : memref<1x80x64xf32, #tpu.memory_space<vmem>> -> memref<80x64xf32, #tpu.memory_space<vmem>>
        %dma_wait3A_642 = arith.constant 0 : i32
        %dma_wait3A_643 = arith.constant 0 : i32
        %dma_wait3A_644 = tpu.memref_slice %arg2[%dma_wait3A_642, %dma_wait3A_643] : memref<20000x64xf32, #tpu.memory_space<hbm>> -> memref<80x64xf32, #tpu.memory_space<hbm>>
        tpu.wait_dma2 semaphore(%dma_wait3A_637 : memref<!tpu.dma_semaphore, #tpu.memory_space<semaphore_mem>>) src(%dma_wait3A_644 : memref<80x64xf32, #tpu.memory_space<hbm>>) dst(%dma_wait3A_641 : memref<80x64xf32, #tpu.memory_space<vmem>>)
        %add3A_645 = arith.constant 5 : i32
        %add3A_646 = arith.addi %add3A_626, %add3A_645 : i32
        %dma_start3A_647 = arith.constant 2 : i32
        %dma_start3A_648 = arith.constant 2 : i32
        %dma_start3A_649 = arith.constant 0 : i32
        %dma_start3A_650 = arith.constant 0 : i32
        %dma_start3A_651 = tpu.memref_slice %arg12[%dma_start3A_647, %dma_start3A_649, %dma_start3A_650] : memref<5x80x64xf32, #tpu.memory_space<vmem>> -> memref<1x80x64xf32, #tpu.memory_space<vmem>>
        %dma_start3A_652 = tpu.memref_squeeze %dma_start3A_651 : memref<1x80x64xf32, #tpu.memory_space<vmem>> -> memref<80x64xf32, #tpu.memory_space<vmem>>
        %dma_start3A_653 = arith.constant 0 : i32
        %dma_start3A_654 = tpu.memref_slice %arg10[%add3A_646, %dma_start3A_653] : memref<250x80xi32, #tpu.memory_space<vmem>> -> memref<1x80xi32, #tpu.memory_space<vmem>>
        %dma_start3A_655 = tpu.memref_squeeze %dma_start3A_654 : memref<1x80xi32, #tpu.memory_space<vmem>> -> memref<80xi32, #tpu.memory_space<vmem>>
        %dma_start3A_656 = arith.constant 0 : i32
        %dma_start3A_657 = arith.constant 0 : i32
        %dma_start3A_658 = tpu.memref_slice %arg2[%dma_start3A_656, %dma_start3A_657] : memref<20000x64xf32, #tpu.memory_space<hbm>> -> memref<20000x64xf32, #tpu.memory_space<hbm>>
        %dma_start3A_659 = tpu.memref_slice %arg15[%dma_start3A_648] : memref<5x!tpu.dma_semaphore, #tpu.memory_space<semaphore_mem>> -> memref<1x!tpu.dma_semaphore, #tpu.memory_space<semaphore_mem>>
        %dma_start3A_660 = tpu.memref_squeeze %dma_start3A_659 : memref<1x!tpu.dma_semaphore, #tpu.memory_space<semaphore_mem>> -> memref<!tpu.dma_semaphore, #tpu.memory_space<semaphore_mem>>
        tpu.enqueue_indirect_dma source(%dma_start3A_658 : memref<20000x64xf32, #tpu.memory_space<hbm>>) target(%dma_start3A_652 : memref<80x64xf32, #tpu.memory_space<vmem>>) offsets(%dma_start3A_655 : memref<80xi32, #tpu.memory_space<vmem>>) semaphore(%dma_start3A_660 : memref<!tpu.dma_semaphore, #tpu.memory_space<semaphore_mem>>)
        %mul3A_661 = arith.constant 5 : i32
        %mul3A_662 = arith.muli %scan3A_333, %mul3A_661 : i32
        %add3A_663 = arith.constant 3 : i32
        %add3A_664 = arith.addi %mul3A_662, %add3A_663 : i32
        %dma_wait3A_665 = arith.constant 3 : i32
        %dma_wait3A_666 = arith.constant 3 : i32
        %dma_wait3A_667 = arith.constant 0 : i32
        %dma_wait3A_668 = arith.constant 0 : i32
        %dma_wait3A_669 = tpu.memref_slice %arg12[%dma_wait3A_665, %dma_wait3A_667, %dma_wait3A_668] : memref<5x80x64xf32, #tpu.memory_space<vmem>> -> memref<1x80x64xf32, #tpu.memory_space<vmem>>
        %dma_wait3A_670 = tpu.memref_squeeze %dma_wait3A_669 : memref<1x80x64xf32, #tpu.memory_space<vmem>> -> memref<80x64xf32, #tpu.memory_space<vmem>>
        %dma_wait3A_671 = arith.constant 0 : i32
        %dma_wait3A_672 = arith.constant 0 : i32
        %dma_wait3A_673 = tpu.memref_slice %arg2[%dma_wait3A_671, %dma_wait3A_672] : memref<20000x64xf32, #tpu.memory_space<hbm>> -> memref<80x64xf32, #tpu.memory_space<hbm>>
        %dma_wait3A_674 = tpu.memref_slice %arg16[%dma_wait3A_666] : memref<5x!tpu.dma_semaphore, #tpu.memory_space<semaphore_mem>> -> memref<1x!tpu.dma_semaphore, #tpu.memory_space<semaphore_mem>>
        %dma_wait3A_675 = tpu.memref_squeeze %dma_wait3A_674 : memref<1x!tpu.dma_semaphore, #tpu.memory_space<semaphore_mem>> -> memref<!tpu.dma_semaphore, #tpu.memory_space<semaphore_mem>>
        %dma_wait3A_676 = arith.constant 0 : i32
        %dma_wait3A_677 = arith.constant 0 : i32
        %dma_wait3A_678 = tpu.memref_slice %arg12[%dma_wait3A_665, %dma_wait3A_676, %dma_wait3A_677] : memref<5x80x64xf32, #tpu.memory_space<vmem>> -> memref<1x80x64xf32, #tpu.memory_space<vmem>>
        %dma_wait3A_679 = tpu.memref_squeeze %dma_wait3A_678 : memref<1x80x64xf32, #tpu.memory_space<vmem>> -> memref<80x64xf32, #tpu.memory_space<vmem>>
        %dma_wait3A_680 = arith.constant 0 : i32
        %dma_wait3A_681 = arith.constant 0 : i32
        %dma_wait3A_682 = tpu.memref_slice %arg2[%dma_wait3A_680, %dma_wait3A_681] : memref<20000x64xf32, #tpu.memory_space<hbm>> -> memref<80x64xf32, #tpu.memory_space<hbm>>
        tpu.wait_dma2 semaphore(%dma_wait3A_675 : memref<!tpu.dma_semaphore, #tpu.memory_space<semaphore_mem>>) src(%dma_wait3A_682 : memref<80x64xf32, #tpu.memory_space<hbm>>) dst(%dma_wait3A_679 : memref<80x64xf32, #tpu.memory_space<vmem>>)
        %add3A_683 = arith.constant 5 : i32
        %add3A_684 = arith.addi %add3A_664, %add3A_683 : i32
        %dma_start3A_685 = arith.constant 3 : i32
        %dma_start3A_686 = arith.constant 3 : i32
        %dma_start3A_687 = arith.constant 0 : i32
        %dma_start3A_688 = arith.constant 0 : i32
        %dma_start3A_689 = tpu.memref_slice %arg12[%dma_start3A_685, %dma_start3A_687, %dma_start3A_688] : memref<5x80x64xf32, #tpu.memory_space<vmem>> -> memref<1x80x64xf32, #tpu.memory_space<vmem>>
        %dma_start3A_690 = tpu.memref_squeeze %dma_start3A_689 : memref<1x80x64xf32, #tpu.memory_space<vmem>> -> memref<80x64xf32, #tpu.memory_space<vmem>>
        %dma_start3A_691 = arith.constant 0 : i32
        %dma_start3A_692 = tpu.memref_slice %arg10[%add3A_684, %dma_start3A_691] : memref<250x80xi32, #tpu.memory_space<vmem>> -> memref<1x80xi32, #tpu.memory_space<vmem>>
        %dma_start3A_693 = tpu.memref_squeeze %dma_start3A_692 : memref<1x80xi32, #tpu.memory_space<vmem>> -> memref<80xi32, #tpu.memory_space<vmem>>
        %dma_start3A_694 = arith.constant 0 : i32
        %dma_start3A_695 = arith.constant 0 : i32
        %dma_start3A_696 = tpu.memref_slice %arg2[%dma_start3A_694, %dma_start3A_695] : memref<20000x64xf32, #tpu.memory_space<hbm>> -> memref<20000x64xf32, #tpu.memory_space<hbm>>
        %dma_start3A_697 = tpu.memref_slice %arg15[%dma_start3A_686] : memref<5x!tpu.dma_semaphore, #tpu.memory_space<semaphore_mem>> -> memref<1x!tpu.dma_semaphore, #tpu.memory_space<semaphore_mem>>
        %dma_start3A_698 = tpu.memref_squeeze %dma_start3A_697 : memref<1x!tpu.dma_semaphore, #tpu.memory_space<semaphore_mem>> -> memref<!tpu.dma_semaphore, #tpu.memory_space<semaphore_mem>>
        tpu.enqueue_indirect_dma source(%dma_start3A_696 : memref<20000x64xf32, #tpu.memory_space<hbm>>) target(%dma_start3A_690 : memref<80x64xf32, #tpu.memory_space<vmem>>) offsets(%dma_start3A_693 : memref<80xi32, #tpu.memory_space<vmem>>) semaphore(%dma_start3A_698 : memref<!tpu.dma_semaphore, #tpu.memory_space<semaphore_mem>>)
        %mul3A_699 = arith.constant 5 : i32
        %mul3A_700 = arith.muli %scan3A_333, %mul3A_699 : i32
        %add3A_701 = arith.constant 4 : i32
        %add3A_702 = arith.addi %mul3A_700, %add3A_701 : i32
        %dma_wait3A_703 = arith.constant 4 : i32
        %dma_wait3A_704 = arith.constant 4 : i32
        %dma_wait3A_705 = arith.constant 0 : i32
        %dma_wait3A_706 = arith.constant 0 : i32
        %dma_wait3A_707 = tpu.memref_slice %arg12[%dma_wait3A_703, %dma_wait3A_705, %dma_wait3A_706] : memref<5x80x64xf32, #tpu.memory_space<vmem>> -> memref<1x80x64xf32, #tpu.memory_space<vmem>>
        %dma_wait3A_708 = tpu.memref_squeeze %dma_wait3A_707 : memref<1x80x64xf32, #tpu.memory_space<vmem>> -> memref<80x64xf32, #tpu.memory_space<vmem>>
        %dma_wait3A_709 = arith.constant 0 : i32
        %dma_wait3A_710 = arith.constant 0 : i32
        %dma_wait3A_711 = tpu.memref_slice %arg2[%dma_wait3A_709, %dma_wait3A_710] : memref<20000x64xf32, #tpu.memory_space<hbm>> -> memref<80x64xf32, #tpu.memory_space<hbm>>
        %dma_wait3A_712 = tpu.memref_slice %arg16[%dma_wait3A_704] : memref<5x!tpu.dma_semaphore, #tpu.memory_space<semaphore_mem>> -> memref<1x!tpu.dma_semaphore, #tpu.memory_space<semaphore_mem>>
        %dma_wait3A_713 = tpu.memref_squeeze %dma_wait3A_712 : memref<1x!tpu.dma_semaphore, #tpu.memory_space<semaphore_mem>> -> memref<!tpu.dma_semaphore, #tpu.memory_space<semaphore_mem>>
        %dma_wait3A_714 = arith.constant 0 : i32
        %dma_wait3A_715 = arith.constant 0 : i32
        %dma_wait3A_716 = tpu.memref_slice %arg12[%dma_wait3A_703, %dma_wait3A_714, %dma_wait3A_715] : memref<5x80x64xf32, #tpu.memory_space<vmem>> -> memref<1x80x64xf32, #tpu.memory_space<vmem>>
        %dma_wait3A_717 = tpu.memref_squeeze %dma_wait3A_716 : memref<1x80x64xf32, #tpu.memory_space<vmem>> -> memref<80x64xf32, #tpu.memory_space<vmem>>
        %dma_wait3A_718 = arith.constant 0 : i32
        %dma_wait3A_719 = arith.constant 0 : i32
        %dma_wait3A_720 = tpu.memref_slice %arg2[%dma_wait3A_718, %dma_wait3A_719] : memref<20000x64xf32, #tpu.memory_space<hbm>> -> memref<80x64xf32, #tpu.memory_space<hbm>>
        tpu.wait_dma2 semaphore(%dma_wait3A_713 : memref<!tpu.dma_semaphore, #tpu.memory_space<semaphore_mem>>) src(%dma_wait3A_720 : memref<80x64xf32, #tpu.memory_space<hbm>>) dst(%dma_wait3A_717 : memref<80x64xf32, #tpu.memory_space<vmem>>)
        %add3A_721 = arith.constant 5 : i32
        %add3A_722 = arith.addi %add3A_702, %add3A_721 : i32
        %dma_start3A_723 = arith.constant 4 : i32
        %dma_start3A_724 = arith.constant 4 : i32
        %dma_start3A_725 = arith.constant 0 : i32
        %dma_start3A_726 = arith.constant 0 : i32
        %dma_start3A_727 = tpu.memref_slice %arg12[%dma_start3A_723, %dma_start3A_725, %dma_start3A_726] : memref<5x80x64xf32, #tpu.memory_space<vmem>> -> memref<1x80x64xf32, #tpu.memory_space<vmem>>
        %dma_start3A_728 = tpu.memref_squeeze %dma_start3A_727 : memref<1x80x64xf32, #tpu.memory_space<vmem>> -> memref<80x64xf32, #tpu.memory_space<vmem>>
        %dma_start3A_729 = arith.constant 0 : i32
        %dma_start3A_730 = tpu.memref_slice %arg10[%add3A_722, %dma_start3A_729] : memref<250x80xi32, #tpu.memory_space<vmem>> -> memref<1x80xi32, #tpu.memory_space<vmem>>
        %dma_start3A_731 = tpu.memref_squeeze %dma_start3A_730 : memref<1x80xi32, #tpu.memory_space<vmem>> -> memref<80xi32, #tpu.memory_space<vmem>>
        %dma_start3A_732 = arith.constant 0 : i32
        %dma_start3A_733 = arith.constant 0 : i32
        %dma_start3A_734 = tpu.memref_slice %arg2[%dma_start3A_732, %dma_start3A_733] : memref<20000x64xf32, #tpu.memory_space<hbm>> -> memref<20000x64xf32, #tpu.memory_space<hbm>>
        %dma_start3A_735 = tpu.memref_slice %arg15[%dma_start3A_724] : memref<5x!tpu.dma_semaphore, #tpu.memory_space<semaphore_mem>> -> memref<1x!tpu.dma_semaphore, #tpu.memory_space<semaphore_mem>>
        %dma_start3A_736 = tpu.memref_squeeze %dma_start3A_735 : memref<1x!tpu.dma_semaphore, #tpu.memory_space<semaphore_mem>> -> memref<!tpu.dma_semaphore, #tpu.memory_space<semaphore_mem>>
        tpu.enqueue_indirect_dma source(%dma_start3A_734 : memref<20000x64xf32, #tpu.memory_space<hbm>>) target(%dma_start3A_728 : memref<80x64xf32, #tpu.memory_space<vmem>>) offsets(%dma_start3A_731 : memref<80xi32, #tpu.memory_space<vmem>>) semaphore(%dma_start3A_736 : memref<!tpu.dma_semaphore, #tpu.memory_space<semaphore_mem>>)
      } else {
      }
    }
    %scan3A_162 = arith.constant 50 : i32
    %dma_wait3A = arith.constant 0 : i32
    %dma_wait3A_163 = arith.constant 0 : i32
    %dma_wait3A_164 = arith.constant 0 : i32
    %dma_wait3A_165 = arith.constant 0 : i32
    %dma_wait3A_166 = tpu.memref_slice %arg12[%dma_wait3A, %dma_wait3A_164, %dma_wait3A_165] : memref<5x80x64xf32, #tpu.memory_space<vmem>> -> memref<1x80x64xf32, #tpu.memory_space<vmem>>
    %dma_wait3A_167 = tpu.memref_squeeze %dma_wait3A_166 : memref<1x80x64xf32, #tpu.memory_space<vmem>> -> memref<80x64xf32, #tpu.memory_space<vmem>>
    %dma_wait3A_168 = arith.constant 0 : i32
    %dma_wait3A_169 = arith.constant 0 : i32
    %dma_wait3A_170 = tpu.memref_slice %arg2[%dma_wait3A_168, %dma_wait3A_169] : memref<20000x64xf32, #tpu.memory_space<hbm>> -> memref<80x64xf32, #tpu.memory_space<hbm>>
    %dma_wait3A_171 = tpu.memref_slice %arg16[%dma_wait3A_163] : memref<5x!tpu.dma_semaphore, #tpu.memory_space<semaphore_mem>> -> memref<1x!tpu.dma_semaphore, #tpu.memory_space<semaphore_mem>>
    %dma_wait3A_172 = tpu.memref_squeeze %dma_wait3A_171 : memref<1x!tpu.dma_semaphore, #tpu.memory_space<semaphore_mem>> -> memref<!tpu.dma_semaphore, #tpu.memory_space<semaphore_mem>>
    %dma_wait3A_173 = arith.constant 0 : i32
    %dma_wait3A_174 = arith.constant 0 : i32
    %dma_wait3A_175 = tpu.memref_slice %arg12[%dma_wait3A, %dma_wait3A_173, %dma_wait3A_174] : memref<5x80x64xf32, #tpu.memory_space<vmem>> -> memref<1x80x64xf32, #tpu.memory_space<vmem>>
    %dma_wait3A_176 = tpu.memref_squeeze %dma_wait3A_175 : memref<1x80x64xf32, #tpu.memory_space<vmem>> -> memref<80x64xf32, #tpu.memory_space<vmem>>
    %dma_wait3A_177 = arith.constant 0 : i32
    %dma_wait3A_178 = arith.constant 0 : i32
    %dma_wait3A_179 = tpu.memref_slice %arg2[%dma_wait3A_177, %dma_wait3A_178] : memref<20000x64xf32, #tpu.memory_space<hbm>> -> memref<80x64xf32, #tpu.memory_space<hbm>>
    tpu.wait_dma2 semaphore(%dma_wait3A_172 : memref<!tpu.dma_semaphore, #tpu.memory_space<semaphore_mem>>) src(%dma_wait3A_179 : memref<80x64xf32, #tpu.memory_space<hbm>>) dst(%dma_wait3A_176 : memref<80x64xf32, #tpu.memory_space<vmem>>)
    %dma_wait3A_180 = arith.constant 1 : i32
    %dma_wait3A_181 = arith.constant 1 : i32
    %dma_wait3A_182 = arith.constant 0 : i32
    %dma_wait3A_183 = arith.constant 0 : i32
    %dma_wait3A_184 = tpu.memref_slice %arg12[%dma_wait3A_180, %dma_wait3A_182, %dma_wait3A_183] : memref<5x80x64xf32, #tpu.memory_space<vmem>> -> memref<1x80x64xf32, #tpu.memory_space<vmem>>
    %dma_wait3A_185 = tpu.memref_squeeze %dma_wait3A_184 : memref<1x80x64xf32, #tpu.memory_space<vmem>> -> memref<80x64xf32, #tpu.memory_space<vmem>>
    %dma_wait3A_186 = arith.constant 0 : i32
    %dma_wait3A_187 = arith.constant 0 : i32
    %dma_wait3A_188 = tpu.memref_slice %arg2[%dma_wait3A_186, %dma_wait3A_187] : memref<20000x64xf32, #tpu.memory_space<hbm>> -> memref<80x64xf32, #tpu.memory_space<hbm>>
    %dma_wait3A_189 = tpu.memref_slice %arg16[%dma_wait3A_181] : memref<5x!tpu.dma_semaphore, #tpu.memory_space<semaphore_mem>> -> memref<1x!tpu.dma_semaphore, #tpu.memory_space<semaphore_mem>>
    %dma_wait3A_190 = tpu.memref_squeeze %dma_wait3A_189 : memref<1x!tpu.dma_semaphore, #tpu.memory_space<semaphore_mem>> -> memref<!tpu.dma_semaphore, #tpu.memory_space<semaphore_mem>>
    %dma_wait3A_191 = arith.constant 0 : i32
    %dma_wait3A_192 = arith.constant 0 : i32
    %dma_wait3A_193 = tpu.memref_slice %arg12[%dma_wait3A_180, %dma_wait3A_191, %dma_wait3A_192] : memref<5x80x64xf32, #tpu.memory_space<vmem>> -> memref<1x80x64xf32, #tpu.memory_space<vmem>>
    %dma_wait3A_194 = tpu.memref_squeeze %dma_wait3A_193 : memref<1x80x64xf32, #tpu.memory_space<vmem>> -> memref<80x64xf32, #tpu.memory_space<vmem>>
    %dma_wait3A_195 = arith.constant 0 : i32
    %dma_wait3A_196 = arith.constant 0 : i32
    %dma_wait3A_197 = tpu.memref_slice %arg2[%dma_wait3A_195, %dma_wait3A_196] : memref<20000x64xf32, #tpu.memory_space<hbm>> -> memref<80x64xf32, #tpu.memory_space<hbm>>
    tpu.wait_dma2 semaphore(%dma_wait3A_190 : memref<!tpu.dma_semaphore, #tpu.memory_space<semaphore_mem>>) src(%dma_wait3A_197 : memref<80x64xf32, #tpu.memory_space<hbm>>) dst(%dma_wait3A_194 : memref<80x64xf32, #tpu.memory_space<vmem>>)
    %dma_wait3A_198 = arith.constant 2 : i32
    %dma_wait3A_199 = arith.constant 2 : i32
    %dma_wait3A_200 = arith.constant 0 : i32
    %dma_wait3A_201 = arith.constant 0 : i32
    %dma_wait3A_202 = tpu.memref_slice %arg12[%dma_wait3A_198, %dma_wait3A_200, %dma_wait3A_201] : memref<5x80x64xf32, #tpu.memory_space<vmem>> -> memref<1x80x64xf32, #tpu.memory_space<vmem>>
    %dma_wait3A_203 = tpu.memref_squeeze %dma_wait3A_202 : memref<1x80x64xf32, #tpu.memory_space<vmem>> -> memref<80x64xf32, #tpu.memory_space<vmem>>
    %dma_wait3A_204 = arith.constant 0 : i32
    %dma_wait3A_205 = arith.constant 0 : i32
    %dma_wait3A_206 = tpu.memref_slice %arg2[%dma_wait3A_204, %dma_wait3A_205] : memref<20000x64xf32, #tpu.memory_space<hbm>> -> memref<80x64xf32, #tpu.memory_space<hbm>>
    %dma_wait3A_207 = tpu.memref_slice %arg16[%dma_wait3A_199] : memref<5x!tpu.dma_semaphore, #tpu.memory_space<semaphore_mem>> -> memref<1x!tpu.dma_semaphore, #tpu.memory_space<semaphore_mem>>
    %dma_wait3A_208 = tpu.memref_squeeze %dma_wait3A_207 : memref<1x!tpu.dma_semaphore, #tpu.memory_space<semaphore_mem>> -> memref<!tpu.dma_semaphore, #tpu.memory_space<semaphore_mem>>
    %dma_wait3A_209 = arith.constant 0 : i32
    %dma_wait3A_210 = arith.constant 0 : i32
    %dma_wait3A_211 = tpu.memref_slice %arg12[%dma_wait3A_198, %dma_wait3A_209, %dma_wait3A_210] : memref<5x80x64xf32, #tpu.memory_space<vmem>> -> memref<1x80x64xf32, #tpu.memory_space<vmem>>
    %dma_wait3A_212 = tpu.memref_squeeze %dma_wait3A_211 : memref<1x80x64xf32, #tpu.memory_space<vmem>> -> memref<80x64xf32, #tpu.memory_space<vmem>>
    %dma_wait3A_213 = arith.constant 0 : i32
    %dma_wait3A_214 = arith.constant 0 : i32
    %dma_wait3A_215 = tpu.memref_slice %arg2[%dma_wait3A_213, %dma_wait3A_214] : memref<20000x64xf32, #tpu.memory_space<hbm>> -> memref<80x64xf32, #tpu.memory_space<hbm>>
    tpu.wait_dma2 semaphore(%dma_wait3A_208 : memref<!tpu.dma_semaphore, #tpu.memory_space<semaphore_mem>>) src(%dma_wait3A_215 : memref<80x64xf32, #tpu.memory_space<hbm>>) dst(%dma_wait3A_212 : memref<80x64xf32, #tpu.memory_space<vmem>>)
    %dma_wait3A_216 = arith.constant 3 : i32
    %dma_wait3A_217 = arith.constant 3 : i32
    %dma_wait3A_218 = arith.constant 0 : i32
    %dma_wait3A_219 = arith.constant 0 : i32
    %dma_wait3A_220 = tpu.memref_slice %arg12[%dma_wait3A_216, %dma_wait3A_218, %dma_wait3A_219] : memref<5x80x64xf32, #tpu.memory_space<vmem>> -> memref<1x80x64xf32, #tpu.memory_space<vmem>>
    %dma_wait3A_221 = tpu.memref_squeeze %dma_wait3A_220 : memref<1x80x64xf32, #tpu.memory_space<vmem>> -> memref<80x64xf32, #tpu.memory_space<vmem>>
    %dma_wait3A_222 = arith.constant 0 : i32
    %dma_wait3A_223 = arith.constant 0 : i32
    %dma_wait3A_224 = tpu.memref_slice %arg2[%dma_wait3A_222, %dma_wait3A_223] : memref<20000x64xf32, #tpu.memory_space<hbm>> -> memref<80x64xf32, #tpu.memory_space<hbm>>
    %dma_wait3A_225 = tpu.memref_slice %arg16[%dma_wait3A_217] : memref<5x!tpu.dma_semaphore, #tpu.memory_space<semaphore_mem>> -> memref<1x!tpu.dma_semaphore, #tpu.memory_space<semaphore_mem>>
    %dma_wait3A_226 = tpu.memref_squeeze %dma_wait3A_225 : memref<1x!tpu.dma_semaphore, #tpu.memory_space<semaphore_mem>> -> memref<!tpu.dma_semaphore, #tpu.memory_space<semaphore_mem>>
    %dma_wait3A_227 = arith.constant 0 : i32
    %dma_wait3A_228 = arith.constant 0 : i32
    %dma_wait3A_229 = tpu.memref_slice %arg12[%dma_wait3A_216, %dma_wait3A_227, %dma_wait3A_228] : memref<5x80x64xf32, #tpu.memory_space<vmem>> -> memref<1x80x64xf32, #tpu.memory_space<vmem>>
    %dma_wait3A_230 = tpu.memref_squeeze %dma_wait3A_229 : memref<1x80x64xf32, #tpu.memory_space<vmem>> -> memref<80x64xf32, #tpu.memory_space<vmem>>
    %dma_wait3A_231 = arith.constant 0 : i32
    %dma_wait3A_232 = arith.constant 0 : i32
    %dma_wait3A_233 = tpu.memref_slice %arg2[%dma_wait3A_231, %dma_wait3A_232] : memref<20000x64xf32, #tpu.memory_space<hbm>> -> memref<80x64xf32, #tpu.memory_space<hbm>>
    tpu.wait_dma2 semaphore(%dma_wait3A_226 : memref<!tpu.dma_semaphore, #tpu.memory_space<semaphore_mem>>) src(%dma_wait3A_233 : memref<80x64xf32, #tpu.memory_space<hbm>>) dst(%dma_wait3A_230 : memref<80x64xf32, #tpu.memory_space<vmem>>)
    %dma_wait3A_234 = arith.constant 4 : i32
    %dma_wait3A_235 = arith.constant 4 : i32
    %dma_wait3A_236 = arith.constant 0 : i32
    %dma_wait3A_237 = arith.constant 0 : i32
    %dma_wait3A_238 = tpu.memref_slice %arg12[%dma_wait3A_234, %dma_wait3A_236, %dma_wait3A_237] : memref<5x80x64xf32, #tpu.memory_space<vmem>> -> memref<1x80x64xf32, #tpu.memory_space<vmem>>
    %dma_wait3A_239 = tpu.memref_squeeze %dma_wait3A_238 : memref<1x80x64xf32, #tpu.memory_space<vmem>> -> memref<80x64xf32, #tpu.memory_space<vmem>>
    %dma_wait3A_240 = arith.constant 0 : i32
    %dma_wait3A_241 = arith.constant 0 : i32
    %dma_wait3A_242 = tpu.memref_slice %arg2[%dma_wait3A_240, %dma_wait3A_241] : memref<20000x64xf32, #tpu.memory_space<hbm>> -> memref<80x64xf32, #tpu.memory_space<hbm>>
    %dma_wait3A_243 = tpu.memref_slice %arg16[%dma_wait3A_235] : memref<5x!tpu.dma_semaphore, #tpu.memory_space<semaphore_mem>> -> memref<1x!tpu.dma_semaphore, #tpu.memory_space<semaphore_mem>>
    %dma_wait3A_244 = tpu.memref_squeeze %dma_wait3A_243 : memref<1x!tpu.dma_semaphore, #tpu.memory_space<semaphore_mem>> -> memref<!tpu.dma_semaphore, #tpu.memory_space<semaphore_mem>>
    %dma_wait3A_245 = arith.constant 0 : i32
    %dma_wait3A_246 = arith.constant 0 : i32
    %dma_wait3A_247 = tpu.memref_slice %arg12[%dma_wait3A_234, %dma_wait3A_245, %dma_wait3A_246] : memref<5x80x64xf32, #tpu.memory_space<vmem>> -> memref<1x80x64xf32, #tpu.memory_space<vmem>>
    %dma_wait3A_248 = tpu.memref_squeeze %dma_wait3A_247 : memref<1x80x64xf32, #tpu.memory_space<vmem>> -> memref<80x64xf32, #tpu.memory_space<vmem>>
    %dma_wait3A_249 = arith.constant 0 : i32
    %dma_wait3A_250 = arith.constant 0 : i32
    %dma_wait3A_251 = tpu.memref_slice %arg2[%dma_wait3A_249, %dma_wait3A_250] : memref<20000x64xf32, #tpu.memory_space<hbm>> -> memref<80x64xf32, #tpu.memory_space<hbm>>
    tpu.wait_dma2 semaphore(%dma_wait3A_244 : memref<!tpu.dma_semaphore, #tpu.memory_space<semaphore_mem>>) src(%dma_wait3A_251 : memref<80x64xf32, #tpu.memory_space<hbm>>) dst(%dma_wait3A_248 : memref<80x64xf32, #tpu.memory_space<vmem>>)
    tpu.wait_dma2 semaphore(%arg20 : memref<!tpu.dma_semaphore, #tpu.memory_space<semaphore_mem>>) src(%arg7 : memref<80x16xf32, #tpu.memory_space<hbm>>) dst(%arg17 : memref<80x16xf32, #tpu.memory_space<vmem>>)
    %barrier3A_252 = arith.constant 0 : index
    tpu.barrier barrier_id(%barrier3A_252)
    %add3A_253 = arith.constant 0 : i32
    %add3A_254 = arith.addi %add3A_253, %arg1 : i32
    %mul3A_255 = arith.constant 80 : i32
    %mul3A_256 = arith.muli %add3A_254, %mul3A_255 : i32
    %multiple_of3A_257 = tpu.assume_multiple %mul3A_256, 80 : i32
    %lt3A_258 = arith.constant 125 : i32
    %lt3A_259 = arith.cmpi slt, %add3A_254, %lt3A_258 : i32
    %convert_element_type3A_260 = arith.extui %lt3A_259 : i1 to i32
    %cond3A_261 = arith.constant 0 : i32
    %cond3A_262 = arith.cmpi ne, %convert_element_type3A_260, %cond3A_261 : i32
    scf.if %cond3A_262 {
      "tpu.region"() ({
        %run_scoped3A = tpu.sem_alloc : memref<!tpu.dma_semaphore, #tpu.memory_space<semaphore_mem>>
        %dma_start3A_333 = arith.constant 0 : i32
        %dma_start3A_334 = tpu.memref_slice %arg14[%multiple_of3A_257, %dma_start3A_333] : memref<10000x64xf32, #tpu.memory_space<vmem_shared>> -> memref<80x64xf32, #tpu.memory_space<vmem_shared>>
        %dma_start3A_335 = arith.constant 0 : i32
        %dma_start3A_336 = tpu.memref_slice %arg14[%multiple_of3A_257, %dma_start3A_335] : memref<10000x64xf32, #tpu.memory_space<vmem_shared>> -> memref<80x64xf32, #tpu.memory_space<vmem_shared>>
        tpu.enqueue_dma source(%dma_start3A_336 : memref<80x64xf32, #tpu.memory_space<vmem_shared>>) target(%arg13 : memref<80x64xf32, #tpu.memory_space<vmem>>) target_semaphore(%run_scoped3A : memref<!tpu.dma_semaphore, #tpu.memory_space<semaphore_mem>>)
        %dma_wait3A_337 = arith.constant 0 : i32
        %dma_wait3A_338 = tpu.memref_slice %arg14[%multiple_of3A_257, %dma_wait3A_337] : memref<10000x64xf32, #tpu.memory_space<vmem_shared>> -> memref<80x64xf32, #tpu.memory_space<vmem_shared>>
        %dma_wait3A_339 = arith.constant 0 : i32
        %dma_wait3A_340 = tpu.memref_slice %arg14[%multiple_of3A_257, %dma_wait3A_339] : memref<10000x64xf32, #tpu.memory_space<vmem_shared>> -> memref<80x64xf32, #tpu.memory_space<vmem_shared>>
        tpu.wait_dma2 semaphore(%run_scoped3A : memref<!tpu.dma_semaphore, #tpu.memory_space<semaphore_mem>>) src(%dma_wait3A_340 : memref<80x64xf32, #tpu.memory_space<vmem_shared>>) dst(%arg13 : memref<80x64xf32, #tpu.memory_space<vmem>>)
        tpu.yield
      }) : () -> ()
      "tpu.region"() ({
        %run_scoped3A = tpu.sem_alloc : memref<!tpu.dma_semaphore, #tpu.memory_space<semaphore_mem>>
        %dma_start3A_333 = arith.constant 0 : i32
        %dma_start3A_334 = tpu.memref_slice %arg8[%arg0, %multiple_of3A_257, %dma_start3A_333] : memref<2x10000x64xf32, #tpu.memory_space<hbm>> -> memref<1x80x64xf32, #tpu.memory_space<hbm>>
        %dma_start3A_335 = tpu.memref_squeeze %dma_start3A_334 : memref<1x80x64xf32, #tpu.memory_space<hbm>> -> memref<80x64xf32, #tpu.memory_space<hbm>>
        %dma_start3A_336 = arith.constant 0 : i32
        %dma_start3A_337 = tpu.memref_slice %arg8[%arg0, %multiple_of3A_257, %dma_start3A_336] : memref<2x10000x64xf32, #tpu.memory_space<hbm>> -> memref<1x80x64xf32, #tpu.memory_space<hbm>>
        %dma_start3A_338 = tpu.memref_squeeze %dma_start3A_337 : memref<1x80x64xf32, #tpu.memory_space<hbm>> -> memref<80x64xf32, #tpu.memory_space<hbm>>
        tpu.enqueue_dma source(%arg13 : memref<80x64xf32, #tpu.memory_space<vmem>>) target(%dma_start3A_338 : memref<80x64xf32, #tpu.memory_space<hbm>>) target_semaphore(%run_scoped3A : memref<!tpu.dma_semaphore, #tpu.memory_space<semaphore_mem>>)
        %dma_wait3A_339 = arith.constant 0 : i32
        %dma_wait3A_340 = tpu.memref_slice %arg8[%arg0, %multiple_of3A_257, %dma_wait3A_339] : memref<2x10000x64xf32, #tpu.memory_space<hbm>> -> memref<1x80x64xf32, #tpu.memory_space<hbm>>
        %dma_wait3A_341 = tpu.memref_squeeze %dma_wait3A_340 : memref<1x80x64xf32, #tpu.memory_space<hbm>> -> memref<80x64xf32, #tpu.memory_space<hbm>>
        %dma_wait3A_342 = arith.constant 0 : i32
        %dma_wait3A_343 = tpu.memref_slice %arg8[%arg0, %multiple_of3A_257, %dma_wait3A_342] : memref<2x10000x64xf32, #tpu.memory_space<hbm>> -> memref<1x80x64xf32, #tpu.memory_space<hbm>>
        %dma_wait3A_344 = tpu.memref_squeeze %dma_wait3A_343 : memref<1x80x64xf32, #tpu.memory_space<hbm>> -> memref<80x64xf32, #tpu.memory_space<hbm>>
        tpu.wait_dma2 semaphore(%run_scoped3A : memref<!tpu.dma_semaphore, #tpu.memory_space<semaphore_mem>>) src(%arg13 : memref<80x64xf32, #tpu.memory_space<vmem>>) dst(%dma_wait3A_344 : memref<80x64xf32, #tpu.memory_space<hbm>>)
        tpu.yield
      }) : () -> ()
      "tpu.region"() ({
        %run_scoped3A = tpu.sem_alloc : memref<!tpu.dma_semaphore, #tpu.memory_space<semaphore_mem>>
        %dma_start3A_333 = arith.constant 0 : i32
        %dma_start3A_334 = tpu.memref_slice %arg19[%multiple_of3A_257, %dma_start3A_333] : memref<10000x16xf32, #tpu.memory_space<vmem_shared>> -> memref<80x16xf32, #tpu.memory_space<vmem_shared>>
        %dma_start3A_335 = arith.constant 0 : i32
        %dma_start3A_336 = tpu.memref_slice %arg19[%multiple_of3A_257, %dma_start3A_335] : memref<10000x16xf32, #tpu.memory_space<vmem_shared>> -> memref<80x16xf32, #tpu.memory_space<vmem_shared>>
        tpu.enqueue_dma source(%dma_start3A_336 : memref<80x16xf32, #tpu.memory_space<vmem_shared>>) target(%arg18 : memref<80x16xf32, #tpu.memory_space<vmem>>) target_semaphore(%run_scoped3A : memref<!tpu.dma_semaphore, #tpu.memory_space<semaphore_mem>>)
        %dma_wait3A_337 = arith.constant 0 : i32
        %dma_wait3A_338 = tpu.memref_slice %arg19[%multiple_of3A_257, %dma_wait3A_337] : memref<10000x16xf32, #tpu.memory_space<vmem_shared>> -> memref<80x16xf32, #tpu.memory_space<vmem_shared>>
        %dma_wait3A_339 = arith.constant 0 : i32
        %dma_wait3A_340 = tpu.memref_slice %arg19[%multiple_of3A_257, %dma_wait3A_339] : memref<10000x16xf32, #tpu.memory_space<vmem_shared>> -> memref<80x16xf32, #tpu.memory_space<vmem_shared>>
        tpu.wait_dma2 semaphore(%run_scoped3A : memref<!tpu.dma_semaphore, #tpu.memory_space<semaphore_mem>>) src(%dma_wait3A_340 : memref<80x16xf32, #tpu.memory_space<vmem_shared>>) dst(%arg18 : memref<80x16xf32, #tpu.memory_space<vmem>>)
        tpu.yield
      }) : () -> ()
      "tpu.region"() ({
        %run_scoped3A = tpu.sem_alloc : memref<!tpu.dma_semaphore, #tpu.memory_space<semaphore_mem>>
        %dma_start3A_333 = arith.constant 0 : i32
        %dma_start3A_334 = tpu.memref_slice %arg9[%arg0, %multiple_of3A_257, %dma_start3A_333] : memref<2x10000x16xf32, #tpu.memory_space<hbm>> -> memref<1x80x16xf32, #tpu.memory_space<hbm>>
        %dma_start3A_335 = tpu.memref_squeeze %dma_start3A_334 : memref<1x80x16xf32, #tpu.memory_space<hbm>> -> memref<80x16xf32, #tpu.memory_space<hbm>>
        %dma_start3A_336 = arith.constant 0 : i32
        %dma_start3A_337 = tpu.memref_slice %arg9[%arg0, %multiple_of3A_257, %dma_start3A_336] : memref<2x10000x16xf32, #tpu.memory_space<hbm>> -> memref<1x80x16xf32, #tpu.memory_space<hbm>>
        %dma_start3A_338 = tpu.memref_squeeze %dma_start3A_337 : memref<1x80x16xf32, #tpu.memory_space<hbm>> -> memref<80x16xf32, #tpu.memory_space<hbm>>
        tpu.enqueue_dma source(%arg18 : memref<80x16xf32, #tpu.memory_space<vmem>>) target(%dma_start3A_338 : memref<80x16xf32, #tpu.memory_space<hbm>>) target_semaphore(%run_scoped3A : memref<!tpu.dma_semaphore, #tpu.memory_space<semaphore_mem>>)
        %dma_wait3A_339 = arith.constant 0 : i32
        %dma_wait3A_340 = tpu.memref_slice %arg9[%arg0, %multiple_of3A_257, %dma_wait3A_339] : memref<2x10000x16xf32, #tpu.memory_space<hbm>> -> memref<1x80x16xf32, #tpu.memory_space<hbm>>
        %dma_wait3A_341 = tpu.memref_squeeze %dma_wait3A_340 : memref<1x80x16xf32, #tpu.memory_space<hbm>> -> memref<80x16xf32, #tpu.memory_space<hbm>>
        %dma_wait3A_342 = arith.constant 0 : i32
        %dma_wait3A_343 = tpu.memref_slice %arg9[%arg0, %multiple_of3A_257, %dma_wait3A_342] : memref<2x10000x16xf32, #tpu.memory_space<hbm>> -> memref<1x80x16xf32, #tpu.memory_space<hbm>>
        %dma_wait3A_344 = tpu.memref_squeeze %dma_wait3A_343 : memref<1x80x16xf32, #tpu.memory_space<hbm>> -> memref<80x16xf32, #tpu.memory_space<hbm>>
        tpu.wait_dma2 semaphore(%run_scoped3A : memref<!tpu.dma_semaphore, #tpu.memory_space<semaphore_mem>>) src(%arg18 : memref<80x16xf32, #tpu.memory_space<vmem>>) dst(%dma_wait3A_344 : memref<80x16xf32, #tpu.memory_space<hbm>>)
        tpu.yield
      }) : () -> ()
    } else {
    }
    %add3A_263 = arith.constant 16 : i32
    %add3A_264 = arith.addi %add3A_263, %arg1 : i32
    %mul3A_265 = arith.constant 80 : i32
    %mul3A_266 = arith.muli %add3A_264, %mul3A_265 : i32
    %multiple_of3A_267 = tpu.assume_multiple %mul3A_266, 80 : i32
    %lt3A_268 = arith.constant 125 : i32
    %lt3A_269 = arith.cmpi slt, %add3A_264, %lt3A_268 : i32
    %convert_element_type3A_270 = arith.extui %lt3A_269 : i1 to i32
    %cond3A_271 = arith.constant 0 : i32
    %cond3A_272 = arith.cmpi ne, %convert_element_type3A_270, %cond3A_271 : i32
    scf.if %cond3A_272 {
      "tpu.region"() ({
        %run_scoped3A = tpu.sem_alloc : memref<!tpu.dma_semaphore, #tpu.memory_space<semaphore_mem>>
        %dma_start3A_333 = arith.constant 0 : i32
        %dma_start3A_334 = tpu.memref_slice %arg14[%multiple_of3A_267, %dma_start3A_333] : memref<10000x64xf32, #tpu.memory_space<vmem_shared>> -> memref<80x64xf32, #tpu.memory_space<vmem_shared>>
        %dma_start3A_335 = arith.constant 0 : i32
        %dma_start3A_336 = tpu.memref_slice %arg14[%multiple_of3A_267, %dma_start3A_335] : memref<10000x64xf32, #tpu.memory_space<vmem_shared>> -> memref<80x64xf32, #tpu.memory_space<vmem_shared>>
        tpu.enqueue_dma source(%dma_start3A_336 : memref<80x64xf32, #tpu.memory_space<vmem_shared>>) target(%arg13 : memref<80x64xf32, #tpu.memory_space<vmem>>) target_semaphore(%run_scoped3A : memref<!tpu.dma_semaphore, #tpu.memory_space<semaphore_mem>>)
        %dma_wait3A_337 = arith.constant 0 : i32
        %dma_wait3A_338 = tpu.memref_slice %arg14[%multiple_of3A_267, %dma_wait3A_337] : memref<10000x64xf32, #tpu.memory_space<vmem_shared>> -> memref<80x64xf32, #tpu.memory_space<vmem_shared>>
        %dma_wait3A_339 = arith.constant 0 : i32
        %dma_wait3A_340 = tpu.memref_slice %arg14[%multiple_of3A_267, %dma_wait3A_339] : memref<10000x64xf32, #tpu.memory_space<vmem_shared>> -> memref<80x64xf32, #tpu.memory_space<vmem_shared>>
        tpu.wait_dma2 semaphore(%run_scoped3A : memref<!tpu.dma_semaphore, #tpu.memory_space<semaphore_mem>>) src(%dma_wait3A_340 : memref<80x64xf32, #tpu.memory_space<vmem_shared>>) dst(%arg13 : memref<80x64xf32, #tpu.memory_space<vmem>>)
        tpu.yield
      }) : () -> ()
      "tpu.region"() ({
        %run_scoped3A = tpu.sem_alloc : memref<!tpu.dma_semaphore, #tpu.memory_space<semaphore_mem>>
        %dma_start3A_333 = arith.constant 0 : i32
        %dma_start3A_334 = tpu.memref_slice %arg8[%arg0, %multiple_of3A_267, %dma_start3A_333] : memref<2x10000x64xf32, #tpu.memory_space<hbm>> -> memref<1x80x64xf32, #tpu.memory_space<hbm>>
        %dma_start3A_335 = tpu.memref_squeeze %dma_start3A_334 : memref<1x80x64xf32, #tpu.memory_space<hbm>> -> memref<80x64xf32, #tpu.memory_space<hbm>>
        %dma_start3A_336 = arith.constant 0 : i32
        %dma_start3A_337 = tpu.memref_slice %arg8[%arg0, %multiple_of3A_267, %dma_start3A_336] : memref<2x10000x64xf32, #tpu.memory_space<hbm>> -> memref<1x80x64xf32, #tpu.memory_space<hbm>>
        %dma_start3A_338 = tpu.memref_squeeze %dma_start3A_337 : memref<1x80x64xf32, #tpu.memory_space<hbm>> -> memref<80x64xf32, #tpu.memory_space<hbm>>
        tpu.enqueue_dma source(%arg13 : memref<80x64xf32, #tpu.memory_space<vmem>>) target(%dma_start3A_338 : memref<80x64xf32, #tpu.memory_space<hbm>>) target_semaphore(%run_scoped3A : memref<!tpu.dma_semaphore, #tpu.memory_space<semaphore_mem>>)
        %dma_wait3A_339 = arith.constant 0 : i32
        %dma_wait3A_340 = tpu.memref_slice %arg8[%arg0, %multiple_of3A_267, %dma_wait3A_339] : memref<2x10000x64xf32, #tpu.memory_space<hbm>> -> memref<1x80x64xf32, #tpu.memory_space<hbm>>
        %dma_wait3A_341 = tpu.memref_squeeze %dma_wait3A_340 : memref<1x80x64xf32, #tpu.memory_space<hbm>> -> memref<80x64xf32, #tpu.memory_space<hbm>>
        %dma_wait3A_342 = arith.constant 0 : i32
        %dma_wait3A_343 = tpu.memref_slice %arg8[%arg0, %multiple_of3A_267, %dma_wait3A_342] : memref<2x10000x64xf32, #tpu.memory_space<hbm>> -> memref<1x80x64xf32, #tpu.memory_space<hbm>>
        %dma_wait3A_344 = tpu.memref_squeeze %dma_wait3A_343 : memref<1x80x64xf32, #tpu.memory_space<hbm>> -> memref<80x64xf32, #tpu.memory_space<hbm>>
        tpu.wait_dma2 semaphore(%run_scoped3A : memref<!tpu.dma_semaphore, #tpu.memory_space<semaphore_mem>>) src(%arg13 : memref<80x64xf32, #tpu.memory_space<vmem>>) dst(%dma_wait3A_344 : memref<80x64xf32, #tpu.memory_space<hbm>>)
        tpu.yield
      }) : () -> ()
      "tpu.region"() ({
        %run_scoped3A = tpu.sem_alloc : memref<!tpu.dma_semaphore, #tpu.memory_space<semaphore_mem>>
        %dma_start3A_333 = arith.constant 0 : i32
        %dma_start3A_334 = tpu.memref_slice %arg19[%multiple_of3A_267, %dma_start3A_333] : memref<10000x16xf32, #tpu.memory_space<vmem_shared>> -> memref<80x16xf32, #tpu.memory_space<vmem_shared>>
        %dma_start3A_335 = arith.constant 0 : i32
        %dma_start3A_336 = tpu.memref_slice %arg19[%multiple_of3A_267, %dma_start3A_335] : memref<10000x16xf32, #tpu.memory_space<vmem_shared>> -> memref<80x16xf32, #tpu.memory_space<vmem_shared>>
        tpu.enqueue_dma source(%dma_start3A_336 : memref<80x16xf32, #tpu.memory_space<vmem_shared>>) target(%arg18 : memref<80x16xf32, #tpu.memory_space<vmem>>) target_semaphore(%run_scoped3A : memref<!tpu.dma_semaphore, #tpu.memory_space<semaphore_mem>>)
        %dma_wait3A_337 = arith.constant 0 : i32
        %dma_wait3A_338 = tpu.memref_slice %arg19[%multiple_of3A_267, %dma_wait3A_337] : memref<10000x16xf32, #tpu.memory_space<vmem_shared>> -> memref<80x16xf32, #tpu.memory_space<vmem_shared>>
        %dma_wait3A_339 = arith.constant 0 : i32
        %dma_wait3A_340 = tpu.memref_slice %arg19[%multiple_of3A_267, %dma_wait3A_339] : memref<10000x16xf32, #tpu.memory_space<vmem_shared>> -> memref<80x16xf32, #tpu.memory_space<vmem_shared>>
        tpu.wait_dma2 semaphore(%run_scoped3A : memref<!tpu.dma_semaphore, #tpu.memory_space<semaphore_mem>>) src(%dma_wait3A_340 : memref<80x16xf32, #tpu.memory_space<vmem_shared>>) dst(%arg18 : memref<80x16xf32, #tpu.memory_space<vmem>>)
        tpu.yield
      }) : () -> ()
      "tpu.region"() ({
        %run_scoped3A = tpu.sem_alloc : memref<!tpu.dma_semaphore, #tpu.memory_space<semaphore_mem>>
        %dma_start3A_333 = arith.constant 0 : i32
        %dma_start3A_334 = tpu.memref_slice %arg9[%arg0, %multiple_of3A_267, %dma_start3A_333] : memref<2x10000x16xf32, #tpu.memory_space<hbm>> -> memref<1x80x16xf32, #tpu.memory_space<hbm>>
        %dma_start3A_335 = tpu.memref_squeeze %dma_start3A_334 : memref<1x80x16xf32, #tpu.memory_space<hbm>> -> memref<80x16xf32, #tpu.memory_space<hbm>>
        %dma_start3A_336 = arith.constant 0 : i32
        %dma_start3A_337 = tpu.memref_slice %arg9[%arg0, %multiple_of3A_267, %dma_start3A_336] : memref<2x10000x16xf32, #tpu.memory_space<hbm>> -> memref<1x80x16xf32, #tpu.memory_space<hbm>>
        %dma_start3A_338 = tpu.memref_squeeze %dma_start3A_337 : memref<1x80x16xf32, #tpu.memory_space<hbm>> -> memref<80x16xf32, #tpu.memory_space<hbm>>
        tpu.enqueue_dma source(%arg18 : memref<80x16xf32, #tpu.memory_space<vmem>>) target(%dma_start3A_338 : memref<80x16xf32, #tpu.memory_space<hbm>>) target_semaphore(%run_scoped3A : memref<!tpu.dma_semaphore, #tpu.memory_space<semaphore_mem>>)
        %dma_wait3A_339 = arith.constant 0 : i32
        %dma_wait3A_340 = tpu.memref_slice %arg9[%arg0, %multiple_of3A_267, %dma_wait3A_339] : memref<2x10000x16xf32, #tpu.memory_space<hbm>> -> memref<1x80x16xf32, #tpu.memory_space<hbm>>
        %dma_wait3A_341 = tpu.memref_squeeze %dma_wait3A_340 : memref<1x80x16xf32, #tpu.memory_space<hbm>> -> memref<80x16xf32, #tpu.memory_space<hbm>>
        %dma_wait3A_342 = arith.constant 0 : i32
        %dma_wait3A_343 = tpu.memref_slice %arg9[%arg0, %multiple_of3A_267, %dma_wait3A_342] : memref<2x10000x16xf32, #tpu.memory_space<hbm>> -> memref<1x80x16xf32, #tpu.memory_space<hbm>>
        %dma_wait3A_344 = tpu.memref_squeeze %dma_wait3A_343 : memref<1x80x16xf32, #tpu.memory_space<hbm>> -> memref<80x16xf32, #tpu.memory_space<hbm>>
        tpu.wait_dma2 semaphore(%run_scoped3A : memref<!tpu.dma_semaphore, #tpu.memory_space<semaphore_mem>>) src(%arg18 : memref<80x16xf32, #tpu.memory_space<vmem>>) dst(%dma_wait3A_344 : memref<80x16xf32, #tpu.memory_space<hbm>>)
        tpu.yield
      }) : () -> ()
    } else {
    }
    %add3A_273 = arith.constant 32 : i32
    %add3A_274 = arith.addi %add3A_273, %arg1 : i32
    %mul3A_275 = arith.constant 80 : i32
    %mul3A_276 = arith.muli %add3A_274, %mul3A_275 : i32
    %multiple_of3A_277 = tpu.assume_multiple %mul3A_276, 80 : i32
    %lt3A_278 = arith.constant 125 : i32
    %lt3A_279 = arith.cmpi slt, %add3A_274, %lt3A_278 : i32
    %convert_element_type3A_280 = arith.extui %lt3A_279 : i1 to i32
    %cond3A_281 = arith.constant 0 : i32
    %cond3A_282 = arith.cmpi ne, %convert_element_type3A_280, %cond3A_281 : i32
    scf.if %cond3A_282 {
      "tpu.region"() ({
        %run_scoped3A = tpu.sem_alloc : memref<!tpu.dma_semaphore, #tpu.memory_space<semaphore_mem>>
        %dma_start3A_333 = arith.constant 0 : i32
        %dma_start3A_334 = tpu.memref_slice %arg14[%multiple_of3A_277, %dma_start3A_333] : memref<10000x64xf32, #tpu.memory_space<vmem_shared>> -> memref<80x64xf32, #tpu.memory_space<vmem_shared>>
        %dma_start3A_335 = arith.constant 0 : i32
        %dma_start3A_336 = tpu.memref_slice %arg14[%multiple_of3A_277, %dma_start3A_335] : memref<10000x64xf32, #tpu.memory_space<vmem_shared>> -> memref<80x64xf32, #tpu.memory_space<vmem_shared>>
        tpu.enqueue_dma source(%dma_start3A_336 : memref<80x64xf32, #tpu.memory_space<vmem_shared>>) target(%arg13 : memref<80x64xf32, #tpu.memory_space<vmem>>) target_semaphore(%run_scoped3A : memref<!tpu.dma_semaphore, #tpu.memory_space<semaphore_mem>>)
        %dma_wait3A_337 = arith.constant 0 : i32
        %dma_wait3A_338 = tpu.memref_slice %arg14[%multiple_of3A_277, %dma_wait3A_337] : memref<10000x64xf32, #tpu.memory_space<vmem_shared>> -> memref<80x64xf32, #tpu.memory_space<vmem_shared>>
        %dma_wait3A_339 = arith.constant 0 : i32
        %dma_wait3A_340 = tpu.memref_slice %arg14[%multiple_of3A_277, %dma_wait3A_339] : memref<10000x64xf32, #tpu.memory_space<vmem_shared>> -> memref<80x64xf32, #tpu.memory_space<vmem_shared>>
        tpu.wait_dma2 semaphore(%run_scoped3A : memref<!tpu.dma_semaphore, #tpu.memory_space<semaphore_mem>>) src(%dma_wait3A_340 : memref<80x64xf32, #tpu.memory_space<vmem_shared>>) dst(%arg13 : memref<80x64xf32, #tpu.memory_space<vmem>>)
        tpu.yield
      }) : () -> ()
      "tpu.region"() ({
        %run_scoped3A = tpu.sem_alloc : memref<!tpu.dma_semaphore, #tpu.memory_space<semaphore_mem>>
        %dma_start3A_333 = arith.constant 0 : i32
        %dma_start3A_334 = tpu.memref_slice %arg8[%arg0, %multiple_of3A_277, %dma_start3A_333] : memref<2x10000x64xf32, #tpu.memory_space<hbm>> -> memref<1x80x64xf32, #tpu.memory_space<hbm>>
        %dma_start3A_335 = tpu.memref_squeeze %dma_start3A_334 : memref<1x80x64xf32, #tpu.memory_space<hbm>> -> memref<80x64xf32, #tpu.memory_space<hbm>>
        %dma_start3A_336 = arith.constant 0 : i32
        %dma_start3A_337 = tpu.memref_slice %arg8[%arg0, %multiple_of3A_277, %dma_start3A_336] : memref<2x10000x64xf32, #tpu.memory_space<hbm>> -> memref<1x80x64xf32, #tpu.memory_space<hbm>>
        %dma_start3A_338 = tpu.memref_squeeze %dma_start3A_337 : memref<1x80x64xf32, #tpu.memory_space<hbm>> -> memref<80x64xf32, #tpu.memory_space<hbm>>
        tpu.enqueue_dma source(%arg13 : memref<80x64xf32, #tpu.memory_space<vmem>>) target(%dma_start3A_338 : memref<80x64xf32, #tpu.memory_space<hbm>>) target_semaphore(%run_scoped3A : memref<!tpu.dma_semaphore, #tpu.memory_space<semaphore_mem>>)
        %dma_wait3A_339 = arith.constant 0 : i32
        %dma_wait3A_340 = tpu.memref_slice %arg8[%arg0, %multiple_of3A_277, %dma_wait3A_339] : memref<2x10000x64xf32, #tpu.memory_space<hbm>> -> memref<1x80x64xf32, #tpu.memory_space<hbm>>
        %dma_wait3A_341 = tpu.memref_squeeze %dma_wait3A_340 : memref<1x80x64xf32, #tpu.memory_space<hbm>> -> memref<80x64xf32, #tpu.memory_space<hbm>>
        %dma_wait3A_342 = arith.constant 0 : i32
        %dma_wait3A_343 = tpu.memref_slice %arg8[%arg0, %multiple_of3A_277, %dma_wait3A_342] : memref<2x10000x64xf32, #tpu.memory_space<hbm>> -> memref<1x80x64xf32, #tpu.memory_space<hbm>>
        %dma_wait3A_344 = tpu.memref_squeeze %dma_wait3A_343 : memref<1x80x64xf32, #tpu.memory_space<hbm>> -> memref<80x64xf32, #tpu.memory_space<hbm>>
        tpu.wait_dma2 semaphore(%run_scoped3A : memref<!tpu.dma_semaphore, #tpu.memory_space<semaphore_mem>>) src(%arg13 : memref<80x64xf32, #tpu.memory_space<vmem>>) dst(%dma_wait3A_344 : memref<80x64xf32, #tpu.memory_space<hbm>>)
        tpu.yield
      }) : () -> ()
      "tpu.region"() ({
        %run_scoped3A = tpu.sem_alloc : memref<!tpu.dma_semaphore, #tpu.memory_space<semaphore_mem>>
        %dma_start3A_333 = arith.constant 0 : i32
        %dma_start3A_334 = tpu.memref_slice %arg19[%multiple_of3A_277, %dma_start3A_333] : memref<10000x16xf32, #tpu.memory_space<vmem_shared>> -> memref<80x16xf32, #tpu.memory_space<vmem_shared>>
        %dma_start3A_335 = arith.constant 0 : i32
        %dma_start3A_336 = tpu.memref_slice %arg19[%multiple_of3A_277, %dma_start3A_335] : memref<10000x16xf32, #tpu.memory_space<vmem_shared>> -> memref<80x16xf32, #tpu.memory_space<vmem_shared>>
        tpu.enqueue_dma source(%dma_start3A_336 : memref<80x16xf32, #tpu.memory_space<vmem_shared>>) target(%arg18 : memref<80x16xf32, #tpu.memory_space<vmem>>) target_semaphore(%run_scoped3A : memref<!tpu.dma_semaphore, #tpu.memory_space<semaphore_mem>>)
        %dma_wait3A_337 = arith.constant 0 : i32
        %dma_wait3A_338 = tpu.memref_slice %arg19[%multiple_of3A_277, %dma_wait3A_337] : memref<10000x16xf32, #tpu.memory_space<vmem_shared>> -> memref<80x16xf32, #tpu.memory_space<vmem_shared>>
        %dma_wait3A_339 = arith.constant 0 : i32
        %dma_wait3A_340 = tpu.memref_slice %arg19[%multiple_of3A_277, %dma_wait3A_339] : memref<10000x16xf32, #tpu.memory_space<vmem_shared>> -> memref<80x16xf32, #tpu.memory_space<vmem_shared>>
        tpu.wait_dma2 semaphore(%run_scoped3A : memref<!tpu.dma_semaphore, #tpu.memory_space<semaphore_mem>>) src(%dma_wait3A_340 : memref<80x16xf32, #tpu.memory_space<vmem_shared>>) dst(%arg18 : memref<80x16xf32, #tpu.memory_space<vmem>>)
        tpu.yield
      }) : () -> ()
      "tpu.region"() ({
        %run_scoped3A = tpu.sem_alloc : memref<!tpu.dma_semaphore, #tpu.memory_space<semaphore_mem>>
        %dma_start3A_333 = arith.constant 0 : i32
        %dma_start3A_334 = tpu.memref_slice %arg9[%arg0, %multiple_of3A_277, %dma_start3A_333] : memref<2x10000x16xf32, #tpu.memory_space<hbm>> -> memref<1x80x16xf32, #tpu.memory_space<hbm>>
        %dma_start3A_335 = tpu.memref_squeeze %dma_start3A_334 : memref<1x80x16xf32, #tpu.memory_space<hbm>> -> memref<80x16xf32, #tpu.memory_space<hbm>>
        %dma_start3A_336 = arith.constant 0 : i32
        %dma_start3A_337 = tpu.memref_slice %arg9[%arg0, %multiple_of3A_277, %dma_start3A_336] : memref<2x10000x16xf32, #tpu.memory_space<hbm>> -> memref<1x80x16xf32, #tpu.memory_space<hbm>>
        %dma_start3A_338 = tpu.memref_squeeze %dma_start3A_337 : memref<1x80x16xf32, #tpu.memory_space<hbm>> -> memref<80x16xf32, #tpu.memory_space<hbm>>
        tpu.enqueue_dma source(%arg18 : memref<80x16xf32, #tpu.memory_space<vmem>>) target(%dma_start3A_338 : memref<80x16xf32, #tpu.memory_space<hbm>>) target_semaphore(%run_scoped3A : memref<!tpu.dma_semaphore, #tpu.memory_space<semaphore_mem>>)
        %dma_wait3A_339 = arith.constant 0 : i32
        %dma_wait3A_340 = tpu.memref_slice %arg9[%arg0, %multiple_of3A_277, %dma_wait3A_339] : memref<2x10000x16xf32, #tpu.memory_space<hbm>> -> memref<1x80x16xf32, #tpu.memory_space<hbm>>
        %dma_wait3A_341 = tpu.memref_squeeze %dma_wait3A_340 : memref<1x80x16xf32, #tpu.memory_space<hbm>> -> memref<80x16xf32, #tpu.memory_space<hbm>>
        %dma_wait3A_342 = arith.constant 0 : i32
        %dma_wait3A_343 = tpu.memref_slice %arg9[%arg0, %multiple_of3A_277, %dma_wait3A_342] : memref<2x10000x16xf32, #tpu.memory_space<hbm>> -> memref<1x80x16xf32, #tpu.memory_space<hbm>>
        %dma_wait3A_344 = tpu.memref_squeeze %dma_wait3A_343 : memref<1x80x16xf32, #tpu.memory_space<hbm>> -> memref<80x16xf32, #tpu.memory_space<hbm>>
        tpu.wait_dma2 semaphore(%run_scoped3A : memref<!tpu.dma_semaphore, #tpu.memory_space<semaphore_mem>>) src(%arg18 : memref<80x16xf32, #tpu.memory_space<vmem>>) dst(%dma_wait3A_344 : memref<80x16xf32, #tpu.memory_space<hbm>>)
        tpu.yield
      }) : () -> ()
    } else {
    }
    %add3A_283 = arith.constant 48 : i32
    %add3A_284 = arith.addi %add3A_283, %arg1 : i32
    %mul3A_285 = arith.constant 80 : i32
    %mul3A_286 = arith.muli %add3A_284, %mul3A_285 : i32
    %multiple_of3A_287 = tpu.assume_multiple %mul3A_286, 80 : i32
    %lt3A_288 = arith.constant 125 : i32
    %lt3A_289 = arith.cmpi slt, %add3A_284, %lt3A_288 : i32
    %convert_element_type3A_290 = arith.extui %lt3A_289 : i1 to i32
    %cond3A_291 = arith.constant 0 : i32
    %cond3A_292 = arith.cmpi ne, %convert_element_type3A_290, %cond3A_291 : i32
    scf.if %cond3A_292 {
      "tpu.region"() ({
        %run_scoped3A = tpu.sem_alloc : memref<!tpu.dma_semaphore, #tpu.memory_space<semaphore_mem>>
        %dma_start3A_333 = arith.constant 0 : i32
        %dma_start3A_334 = tpu.memref_slice %arg14[%multiple_of3A_287, %dma_start3A_333] : memref<10000x64xf32, #tpu.memory_space<vmem_shared>> -> memref<80x64xf32, #tpu.memory_space<vmem_shared>>
        %dma_start3A_335 = arith.constant 0 : i32
        %dma_start3A_336 = tpu.memref_slice %arg14[%multiple_of3A_287, %dma_start3A_335] : memref<10000x64xf32, #tpu.memory_space<vmem_shared>> -> memref<80x64xf32, #tpu.memory_space<vmem_shared>>
        tpu.enqueue_dma source(%dma_start3A_336 : memref<80x64xf32, #tpu.memory_space<vmem_shared>>) target(%arg13 : memref<80x64xf32, #tpu.memory_space<vmem>>) target_semaphore(%run_scoped3A : memref<!tpu.dma_semaphore, #tpu.memory_space<semaphore_mem>>)
        %dma_wait3A_337 = arith.constant 0 : i32
        %dma_wait3A_338 = tpu.memref_slice %arg14[%multiple_of3A_287, %dma_wait3A_337] : memref<10000x64xf32, #tpu.memory_space<vmem_shared>> -> memref<80x64xf32, #tpu.memory_space<vmem_shared>>
        %dma_wait3A_339 = arith.constant 0 : i32
        %dma_wait3A_340 = tpu.memref_slice %arg14[%multiple_of3A_287, %dma_wait3A_339] : memref<10000x64xf32, #tpu.memory_space<vmem_shared>> -> memref<80x64xf32, #tpu.memory_space<vmem_shared>>
        tpu.wait_dma2 semaphore(%run_scoped3A : memref<!tpu.dma_semaphore, #tpu.memory_space<semaphore_mem>>) src(%dma_wait3A_340 : memref<80x64xf32, #tpu.memory_space<vmem_shared>>) dst(%arg13 : memref<80x64xf32, #tpu.memory_space<vmem>>)
        tpu.yield
      }) : () -> ()
      "tpu.region"() ({
        %run_scoped3A = tpu.sem_alloc : memref<!tpu.dma_semaphore, #tpu.memory_space<semaphore_mem>>
        %dma_start3A_333 = arith.constant 0 : i32
        %dma_start3A_334 = tpu.memref_slice %arg8[%arg0, %multiple_of3A_287, %dma_start3A_333] : memref<2x10000x64xf32, #tpu.memory_space<hbm>> -> memref<1x80x64xf32, #tpu.memory_space<hbm>>
        %dma_start3A_335 = tpu.memref_squeeze %dma_start3A_334 : memref<1x80x64xf32, #tpu.memory_space<hbm>> -> memref<80x64xf32, #tpu.memory_space<hbm>>
        %dma_start3A_336 = arith.constant 0 : i32
        %dma_start3A_337 = tpu.memref_slice %arg8[%arg0, %multiple_of3A_287, %dma_start3A_336] : memref<2x10000x64xf32, #tpu.memory_space<hbm>> -> memref<1x80x64xf32, #tpu.memory_space<hbm>>
        %dma_start3A_338 = tpu.memref_squeeze %dma_start3A_337 : memref<1x80x64xf32, #tpu.memory_space<hbm>> -> memref<80x64xf32, #tpu.memory_space<hbm>>
        tpu.enqueue_dma source(%arg13 : memref<80x64xf32, #tpu.memory_space<vmem>>) target(%dma_start3A_338 : memref<80x64xf32, #tpu.memory_space<hbm>>) target_semaphore(%run_scoped3A : memref<!tpu.dma_semaphore, #tpu.memory_space<semaphore_mem>>)
        %dma_wait3A_339 = arith.constant 0 : i32
        %dma_wait3A_340 = tpu.memref_slice %arg8[%arg0, %multiple_of3A_287, %dma_wait3A_339] : memref<2x10000x64xf32, #tpu.memory_space<hbm>> -> memref<1x80x64xf32, #tpu.memory_space<hbm>>
        %dma_wait3A_341 = tpu.memref_squeeze %dma_wait3A_340 : memref<1x80x64xf32, #tpu.memory_space<hbm>> -> memref<80x64xf32, #tpu.memory_space<hbm>>
        %dma_wait3A_342 = arith.constant 0 : i32
        %dma_wait3A_343 = tpu.memref_slice %arg8[%arg0, %multiple_of3A_287, %dma_wait3A_342] : memref<2x10000x64xf32, #tpu.memory_space<hbm>> -> memref<1x80x64xf32, #tpu.memory_space<hbm>>
        %dma_wait3A_344 = tpu.memref_squeeze %dma_wait3A_343 : memref<1x80x64xf32, #tpu.memory_space<hbm>> -> memref<80x64xf32, #tpu.memory_space<hbm>>
        tpu.wait_dma2 semaphore(%run_scoped3A : memref<!tpu.dma_semaphore, #tpu.memory_space<semaphore_mem>>) src(%arg13 : memref<80x64xf32, #tpu.memory_space<vmem>>) dst(%dma_wait3A_344 : memref<80x64xf32, #tpu.memory_space<hbm>>)
        tpu.yield
      }) : () -> ()
      "tpu.region"() ({
        %run_scoped3A = tpu.sem_alloc : memref<!tpu.dma_semaphore, #tpu.memory_space<semaphore_mem>>
        %dma_start3A_333 = arith.constant 0 : i32
        %dma_start3A_334 = tpu.memref_slice %arg19[%multiple_of3A_287, %dma_start3A_333] : memref<10000x16xf32, #tpu.memory_space<vmem_shared>> -> memref<80x16xf32, #tpu.memory_space<vmem_shared>>
        %dma_start3A_335 = arith.constant 0 : i32
        %dma_start3A_336 = tpu.memref_slice %arg19[%multiple_of3A_287, %dma_start3A_335] : memref<10000x16xf32, #tpu.memory_space<vmem_shared>> -> memref<80x16xf32, #tpu.memory_space<vmem_shared>>
        tpu.enqueue_dma source(%dma_start3A_336 : memref<80x16xf32, #tpu.memory_space<vmem_shared>>) target(%arg18 : memref<80x16xf32, #tpu.memory_space<vmem>>) target_semaphore(%run_scoped3A : memref<!tpu.dma_semaphore, #tpu.memory_space<semaphore_mem>>)
        %dma_wait3A_337 = arith.constant 0 : i32
        %dma_wait3A_338 = tpu.memref_slice %arg19[%multiple_of3A_287, %dma_wait3A_337] : memref<10000x16xf32, #tpu.memory_space<vmem_shared>> -> memref<80x16xf32, #tpu.memory_space<vmem_shared>>
        %dma_wait3A_339 = arith.constant 0 : i32
        %dma_wait3A_340 = tpu.memref_slice %arg19[%multiple_of3A_287, %dma_wait3A_339] : memref<10000x16xf32, #tpu.memory_space<vmem_shared>> -> memref<80x16xf32, #tpu.memory_space<vmem_shared>>
        tpu.wait_dma2 semaphore(%run_scoped3A : memref<!tpu.dma_semaphore, #tpu.memory_space<semaphore_mem>>) src(%dma_wait3A_340 : memref<80x16xf32, #tpu.memory_space<vmem_shared>>) dst(%arg18 : memref<80x16xf32, #tpu.memory_space<vmem>>)
        tpu.yield
      }) : () -> ()
      "tpu.region"() ({
        %run_scoped3A = tpu.sem_alloc : memref<!tpu.dma_semaphore, #tpu.memory_space<semaphore_mem>>
        %dma_start3A_333 = arith.constant 0 : i32
        %dma_start3A_334 = tpu.memref_slice %arg9[%arg0, %multiple_of3A_287, %dma_start3A_333] : memref<2x10000x16xf32, #tpu.memory_space<hbm>> -> memref<1x80x16xf32, #tpu.memory_space<hbm>>
        %dma_start3A_335 = tpu.memref_squeeze %dma_start3A_334 : memref<1x80x16xf32, #tpu.memory_space<hbm>> -> memref<80x16xf32, #tpu.memory_space<hbm>>
        %dma_start3A_336 = arith.constant 0 : i32
        %dma_start3A_337 = tpu.memref_slice %arg9[%arg0, %multiple_of3A_287, %dma_start3A_336] : memref<2x10000x16xf32, #tpu.memory_space<hbm>> -> memref<1x80x16xf32, #tpu.memory_space<hbm>>
        %dma_start3A_338 = tpu.memref_squeeze %dma_start3A_337 : memref<1x80x16xf32, #tpu.memory_space<hbm>> -> memref<80x16xf32, #tpu.memory_space<hbm>>
        tpu.enqueue_dma source(%arg18 : memref<80x16xf32, #tpu.memory_space<vmem>>) target(%dma_start3A_338 : memref<80x16xf32, #tpu.memory_space<hbm>>) target_semaphore(%run_scoped3A : memref<!tpu.dma_semaphore, #tpu.memory_space<semaphore_mem>>)
        %dma_wait3A_339 = arith.constant 0 : i32
        %dma_wait3A_340 = tpu.memref_slice %arg9[%arg0, %multiple_of3A_287, %dma_wait3A_339] : memref<2x10000x16xf32, #tpu.memory_space<hbm>> -> memref<1x80x16xf32, #tpu.memory_space<hbm>>
        %dma_wait3A_341 = tpu.memref_squeeze %dma_wait3A_340 : memref<1x80x16xf32, #tpu.memory_space<hbm>> -> memref<80x16xf32, #tpu.memory_space<hbm>>
        %dma_wait3A_342 = arith.constant 0 : i32
        %dma_wait3A_343 = tpu.memref_slice %arg9[%arg0, %multiple_of3A_287, %dma_wait3A_342] : memref<2x10000x16xf32, #tpu.memory_space<hbm>> -> memref<1x80x16xf32, #tpu.memory_space<hbm>>
        %dma_wait3A_344 = tpu.memref_squeeze %dma_wait3A_343 : memref<1x80x16xf32, #tpu.memory_space<hbm>> -> memref<80x16xf32, #tpu.memory_space<hbm>>
        tpu.wait_dma2 semaphore(%run_scoped3A : memref<!tpu.dma_semaphore, #tpu.memory_space<semaphore_mem>>) src(%arg18 : memref<80x16xf32, #tpu.memory_space<vmem>>) dst(%dma_wait3A_344 : memref<80x16xf32, #tpu.memory_space<hbm>>)
        tpu.yield
      }) : () -> ()
    } else {
    }
    %add3A_293 = arith.constant 64 : i32
    %add3A_294 = arith.addi %add3A_293, %arg1 : i32
    %mul3A_295 = arith.constant 80 : i32
    %mul3A_296 = arith.muli %add3A_294, %mul3A_295 : i32
    %multiple_of3A_297 = tpu.assume_multiple %mul3A_296, 80 : i32
    %lt3A_298 = arith.constant 125 : i32
    %lt3A_299 = arith.cmpi slt, %add3A_294, %lt3A_298 : i32
    %convert_element_type3A_300 = arith.extui %lt3A_299 : i1 to i32
    %cond3A_301 = arith.constant 0 : i32
    %cond3A_302 = arith.cmpi ne, %convert_element_type3A_300, %cond3A_301 : i32
    scf.if %cond3A_302 {
      "tpu.region"() ({
        %run_scoped3A = tpu.sem_alloc : memref<!tpu.dma_semaphore, #tpu.memory_space<semaphore_mem>>
        %dma_start3A_333 = arith.constant 0 : i32
        %dma_start3A_334 = tpu.memref_slice %arg14[%multiple_of3A_297, %dma_start3A_333] : memref<10000x64xf32, #tpu.memory_space<vmem_shared>> -> memref<80x64xf32, #tpu.memory_space<vmem_shared>>
        %dma_start3A_335 = arith.constant 0 : i32
        %dma_start3A_336 = tpu.memref_slice %arg14[%multiple_of3A_297, %dma_start3A_335] : memref<10000x64xf32, #tpu.memory_space<vmem_shared>> -> memref<80x64xf32, #tpu.memory_space<vmem_shared>>
        tpu.enqueue_dma source(%dma_start3A_336 : memref<80x64xf32, #tpu.memory_space<vmem_shared>>) target(%arg13 : memref<80x64xf32, #tpu.memory_space<vmem>>) target_semaphore(%run_scoped3A : memref<!tpu.dma_semaphore, #tpu.memory_space<semaphore_mem>>)
        %dma_wait3A_337 = arith.constant 0 : i32
        %dma_wait3A_338 = tpu.memref_slice %arg14[%multiple_of3A_297, %dma_wait3A_337] : memref<10000x64xf32, #tpu.memory_space<vmem_shared>> -> memref<80x64xf32, #tpu.memory_space<vmem_shared>>
        %dma_wait3A_339 = arith.constant 0 : i32
        %dma_wait3A_340 = tpu.memref_slice %arg14[%multiple_of3A_297, %dma_wait3A_339] : memref<10000x64xf32, #tpu.memory_space<vmem_shared>> -> memref<80x64xf32, #tpu.memory_space<vmem_shared>>
        tpu.wait_dma2 semaphore(%run_scoped3A : memref<!tpu.dma_semaphore, #tpu.memory_space<semaphore_mem>>) src(%dma_wait3A_340 : memref<80x64xf32, #tpu.memory_space<vmem_shared>>) dst(%arg13 : memref<80x64xf32, #tpu.memory_space<vmem>>)
        tpu.yield
      }) : () -> ()
      "tpu.region"() ({
        %run_scoped3A = tpu.sem_alloc : memref<!tpu.dma_semaphore, #tpu.memory_space<semaphore_mem>>
        %dma_start3A_333 = arith.constant 0 : i32
        %dma_start3A_334 = tpu.memref_slice %arg8[%arg0, %multiple_of3A_297, %dma_start3A_333] : memref<2x10000x64xf32, #tpu.memory_space<hbm>> -> memref<1x80x64xf32, #tpu.memory_space<hbm>>
        %dma_start3A_335 = tpu.memref_squeeze %dma_start3A_334 : memref<1x80x64xf32, #tpu.memory_space<hbm>> -> memref<80x64xf32, #tpu.memory_space<hbm>>
        %dma_start3A_336 = arith.constant 0 : i32
        %dma_start3A_337 = tpu.memref_slice %arg8[%arg0, %multiple_of3A_297, %dma_start3A_336] : memref<2x10000x64xf32, #tpu.memory_space<hbm>> -> memref<1x80x64xf32, #tpu.memory_space<hbm>>
        %dma_start3A_338 = tpu.memref_squeeze %dma_start3A_337 : memref<1x80x64xf32, #tpu.memory_space<hbm>> -> memref<80x64xf32, #tpu.memory_space<hbm>>
        tpu.enqueue_dma source(%arg13 : memref<80x64xf32, #tpu.memory_space<vmem>>) target(%dma_start3A_338 : memref<80x64xf32, #tpu.memory_space<hbm>>) target_semaphore(%run_scoped3A : memref<!tpu.dma_semaphore, #tpu.memory_space<semaphore_mem>>)
        %dma_wait3A_339 = arith.constant 0 : i32
        %dma_wait3A_340 = tpu.memref_slice %arg8[%arg0, %multiple_of3A_297, %dma_wait3A_339] : memref<2x10000x64xf32, #tpu.memory_space<hbm>> -> memref<1x80x64xf32, #tpu.memory_space<hbm>>
        %dma_wait3A_341 = tpu.memref_squeeze %dma_wait3A_340 : memref<1x80x64xf32, #tpu.memory_space<hbm>> -> memref<80x64xf32, #tpu.memory_space<hbm>>
        %dma_wait3A_342 = arith.constant 0 : i32
        %dma_wait3A_343 = tpu.memref_slice %arg8[%arg0, %multiple_of3A_297, %dma_wait3A_342] : memref<2x10000x64xf32, #tpu.memory_space<hbm>> -> memref<1x80x64xf32, #tpu.memory_space<hbm>>
        %dma_wait3A_344 = tpu.memref_squeeze %dma_wait3A_343 : memref<1x80x64xf32, #tpu.memory_space<hbm>> -> memref<80x64xf32, #tpu.memory_space<hbm>>
        tpu.wait_dma2 semaphore(%run_scoped3A : memref<!tpu.dma_semaphore, #tpu.memory_space<semaphore_mem>>) src(%arg13 : memref<80x64xf32, #tpu.memory_space<vmem>>) dst(%dma_wait3A_344 : memref<80x64xf32, #tpu.memory_space<hbm>>)
        tpu.yield
      }) : () -> ()
      "tpu.region"() ({
        %run_scoped3A = tpu.sem_alloc : memref<!tpu.dma_semaphore, #tpu.memory_space<semaphore_mem>>
        %dma_start3A_333 = arith.constant 0 : i32
        %dma_start3A_334 = tpu.memref_slice %arg19[%multiple_of3A_297, %dma_start3A_333] : memref<10000x16xf32, #tpu.memory_space<vmem_shared>> -> memref<80x16xf32, #tpu.memory_space<vmem_shared>>
        %dma_start3A_335 = arith.constant 0 : i32
        %dma_start3A_336 = tpu.memref_slice %arg19[%multiple_of3A_297, %dma_start3A_335] : memref<10000x16xf32, #tpu.memory_space<vmem_shared>> -> memref<80x16xf32, #tpu.memory_space<vmem_shared>>
        tpu.enqueue_dma source(%dma_start3A_336 : memref<80x16xf32, #tpu.memory_space<vmem_shared>>) target(%arg18 : memref<80x16xf32, #tpu.memory_space<vmem>>) target_semaphore(%run_scoped3A : memref<!tpu.dma_semaphore, #tpu.memory_space<semaphore_mem>>)
        %dma_wait3A_337 = arith.constant 0 : i32
        %dma_wait3A_338 = tpu.memref_slice %arg19[%multiple_of3A_297, %dma_wait3A_337] : memref<10000x16xf32, #tpu.memory_space<vmem_shared>> -> memref<80x16xf32, #tpu.memory_space<vmem_shared>>
        %dma_wait3A_339 = arith.constant 0 : i32
        %dma_wait3A_340 = tpu.memref_slice %arg19[%multiple_of3A_297, %dma_wait3A_339] : memref<10000x16xf32, #tpu.memory_space<vmem_shared>> -> memref<80x16xf32, #tpu.memory_space<vmem_shared>>
        tpu.wait_dma2 semaphore(%run_scoped3A : memref<!tpu.dma_semaphore, #tpu.memory_space<semaphore_mem>>) src(%dma_wait3A_340 : memref<80x16xf32, #tpu.memory_space<vmem_shared>>) dst(%arg18 : memref<80x16xf32, #tpu.memory_space<vmem>>)
        tpu.yield
      }) : () -> ()
      "tpu.region"() ({
        %run_scoped3A = tpu.sem_alloc : memref<!tpu.dma_semaphore, #tpu.memory_space<semaphore_mem>>
        %dma_start3A_333 = arith.constant 0 : i32
        %dma_start3A_334 = tpu.memref_slice %arg9[%arg0, %multiple_of3A_297, %dma_start3A_333] : memref<2x10000x16xf32, #tpu.memory_space<hbm>> -> memref<1x80x16xf32, #tpu.memory_space<hbm>>
        %dma_start3A_335 = tpu.memref_squeeze %dma_start3A_334 : memref<1x80x16xf32, #tpu.memory_space<hbm>> -> memref<80x16xf32, #tpu.memory_space<hbm>>
        %dma_start3A_336 = arith.constant 0 : i32
        %dma_start3A_337 = tpu.memref_slice %arg9[%arg0, %multiple_of3A_297, %dma_start3A_336] : memref<2x10000x16xf32, #tpu.memory_space<hbm>> -> memref<1x80x16xf32, #tpu.memory_space<hbm>>
        %dma_start3A_338 = tpu.memref_squeeze %dma_start3A_337 : memref<1x80x16xf32, #tpu.memory_space<hbm>> -> memref<80x16xf32, #tpu.memory_space<hbm>>
        tpu.enqueue_dma source(%arg18 : memref<80x16xf32, #tpu.memory_space<vmem>>) target(%dma_start3A_338 : memref<80x16xf32, #tpu.memory_space<hbm>>) target_semaphore(%run_scoped3A : memref<!tpu.dma_semaphore, #tpu.memory_space<semaphore_mem>>)
        %dma_wait3A_339 = arith.constant 0 : i32
        %dma_wait3A_340 = tpu.memref_slice %arg9[%arg0, %multiple_of3A_297, %dma_wait3A_339] : memref<2x10000x16xf32, #tpu.memory_space<hbm>> -> memref<1x80x16xf32, #tpu.memory_space<hbm>>
        %dma_wait3A_341 = tpu.memref_squeeze %dma_wait3A_340 : memref<1x80x16xf32, #tpu.memory_space<hbm>> -> memref<80x16xf32, #tpu.memory_space<hbm>>
        %dma_wait3A_342 = arith.constant 0 : i32
        %dma_wait3A_343 = tpu.memref_slice %arg9[%arg0, %multiple_of3A_297, %dma_wait3A_342] : memref<2x10000x16xf32, #tpu.memory_space<hbm>> -> memref<1x80x16xf32, #tpu.memory_space<hbm>>
        %dma_wait3A_344 = tpu.memref_squeeze %dma_wait3A_343 : memref<1x80x16xf32, #tpu.memory_space<hbm>> -> memref<80x16xf32, #tpu.memory_space<hbm>>
        tpu.wait_dma2 semaphore(%run_scoped3A : memref<!tpu.dma_semaphore, #tpu.memory_space<semaphore_mem>>) src(%arg18 : memref<80x16xf32, #tpu.memory_space<vmem>>) dst(%dma_wait3A_344 : memref<80x16xf32, #tpu.memory_space<hbm>>)
        tpu.yield
      }) : () -> ()
    } else {
    }
    %add3A_303 = arith.constant 80 : i32
    %add3A_304 = arith.addi %add3A_303, %arg1 : i32
    %mul3A_305 = arith.constant 80 : i32
    %mul3A_306 = arith.muli %add3A_304, %mul3A_305 : i32
    %multiple_of3A_307 = tpu.assume_multiple %mul3A_306, 80 : i32
    %lt3A_308 = arith.constant 125 : i32
    %lt3A_309 = arith.cmpi slt, %add3A_304, %lt3A_308 : i32
    %convert_element_type3A_310 = arith.extui %lt3A_309 : i1 to i32
    %cond3A_311 = arith.constant 0 : i32
    %cond3A_312 = arith.cmpi ne, %convert_element_type3A_310, %cond3A_311 : i32
    scf.if %cond3A_312 {
      "tpu.region"() ({
        %run_scoped3A = tpu.sem_alloc : memref<!tpu.dma_semaphore, #tpu.memory_space<semaphore_mem>>
        %dma_start3A_333 = arith.constant 0 : i32
        %dma_start3A_334 = tpu.memref_slice %arg14[%multiple_of3A_307, %dma_start3A_333] : memref<10000x64xf32, #tpu.memory_space<vmem_shared>> -> memref<80x64xf32, #tpu.memory_space<vmem_shared>>
        %dma_start3A_335 = arith.constant 0 : i32
        %dma_start3A_336 = tpu.memref_slice %arg14[%multiple_of3A_307, %dma_start3A_335] : memref<10000x64xf32, #tpu.memory_space<vmem_shared>> -> memref<80x64xf32, #tpu.memory_space<vmem_shared>>
        tpu.enqueue_dma source(%dma_start3A_336 : memref<80x64xf32, #tpu.memory_space<vmem_shared>>) target(%arg13 : memref<80x64xf32, #tpu.memory_space<vmem>>) target_semaphore(%run_scoped3A : memref<!tpu.dma_semaphore, #tpu.memory_space<semaphore_mem>>)
        %dma_wait3A_337 = arith.constant 0 : i32
        %dma_wait3A_338 = tpu.memref_slice %arg14[%multiple_of3A_307, %dma_wait3A_337] : memref<10000x64xf32, #tpu.memory_space<vmem_shared>> -> memref<80x64xf32, #tpu.memory_space<vmem_shared>>
        %dma_wait3A_339 = arith.constant 0 : i32
        %dma_wait3A_340 = tpu.memref_slice %arg14[%multiple_of3A_307, %dma_wait3A_339] : memref<10000x64xf32, #tpu.memory_space<vmem_shared>> -> memref<80x64xf32, #tpu.memory_space<vmem_shared>>
        tpu.wait_dma2 semaphore(%run_scoped3A : memref<!tpu.dma_semaphore, #tpu.memory_space<semaphore_mem>>) src(%dma_wait3A_340 : memref<80x64xf32, #tpu.memory_space<vmem_shared>>) dst(%arg13 : memref<80x64xf32, #tpu.memory_space<vmem>>)
        tpu.yield
      }) : () -> ()
      "tpu.region"() ({
        %run_scoped3A = tpu.sem_alloc : memref<!tpu.dma_semaphore, #tpu.memory_space<semaphore_mem>>
        %dma_start3A_333 = arith.constant 0 : i32
        %dma_start3A_334 = tpu.memref_slice %arg8[%arg0, %multiple_of3A_307, %dma_start3A_333] : memref<2x10000x64xf32, #tpu.memory_space<hbm>> -> memref<1x80x64xf32, #tpu.memory_space<hbm>>
        %dma_start3A_335 = tpu.memref_squeeze %dma_start3A_334 : memref<1x80x64xf32, #tpu.memory_space<hbm>> -> memref<80x64xf32, #tpu.memory_space<hbm>>
        %dma_start3A_336 = arith.constant 0 : i32
        %dma_start3A_337 = tpu.memref_slice %arg8[%arg0, %multiple_of3A_307, %dma_start3A_336] : memref<2x10000x64xf32, #tpu.memory_space<hbm>> -> memref<1x80x64xf32, #tpu.memory_space<hbm>>
        %dma_start3A_338 = tpu.memref_squeeze %dma_start3A_337 : memref<1x80x64xf32, #tpu.memory_space<hbm>> -> memref<80x64xf32, #tpu.memory_space<hbm>>
        tpu.enqueue_dma source(%arg13 : memref<80x64xf32, #tpu.memory_space<vmem>>) target(%dma_start3A_338 : memref<80x64xf32, #tpu.memory_space<hbm>>) target_semaphore(%run_scoped3A : memref<!tpu.dma_semaphore, #tpu.memory_space<semaphore_mem>>)
        %dma_wait3A_339 = arith.constant 0 : i32
        %dma_wait3A_340 = tpu.memref_slice %arg8[%arg0, %multiple_of3A_307, %dma_wait3A_339] : memref<2x10000x64xf32, #tpu.memory_space<hbm>> -> memref<1x80x64xf32, #tpu.memory_space<hbm>>
        %dma_wait3A_341 = tpu.memref_squeeze %dma_wait3A_340 : memref<1x80x64xf32, #tpu.memory_space<hbm>> -> memref<80x64xf32, #tpu.memory_space<hbm>>
        %dma_wait3A_342 = arith.constant 0 : i32
        %dma_wait3A_343 = tpu.memref_slice %arg8[%arg0, %multiple_of3A_307, %dma_wait3A_342] : memref<2x10000x64xf32, #tpu.memory_space<hbm>> -> memref<1x80x64xf32, #tpu.memory_space<hbm>>
        %dma_wait3A_344 = tpu.memref_squeeze %dma_wait3A_343 : memref<1x80x64xf32, #tpu.memory_space<hbm>> -> memref<80x64xf32, #tpu.memory_space<hbm>>
        tpu.wait_dma2 semaphore(%run_scoped3A : memref<!tpu.dma_semaphore, #tpu.memory_space<semaphore_mem>>) src(%arg13 : memref<80x64xf32, #tpu.memory_space<vmem>>) dst(%dma_wait3A_344 : memref<80x64xf32, #tpu.memory_space<hbm>>)
        tpu.yield
      }) : () -> ()
      "tpu.region"() ({
        %run_scoped3A = tpu.sem_alloc : memref<!tpu.dma_semaphore, #tpu.memory_space<semaphore_mem>>
        %dma_start3A_333 = arith.constant 0 : i32
        %dma_start3A_334 = tpu.memref_slice %arg19[%multiple_of3A_307, %dma_start3A_333] : memref<10000x16xf32, #tpu.memory_space<vmem_shared>> -> memref<80x16xf32, #tpu.memory_space<vmem_shared>>
        %dma_start3A_335 = arith.constant 0 : i32
        %dma_start3A_336 = tpu.memref_slice %arg19[%multiple_of3A_307, %dma_start3A_335] : memref<10000x16xf32, #tpu.memory_space<vmem_shared>> -> memref<80x16xf32, #tpu.memory_space<vmem_shared>>
        tpu.enqueue_dma source(%dma_start3A_336 : memref<80x16xf32, #tpu.memory_space<vmem_shared>>) target(%arg18 : memref<80x16xf32, #tpu.memory_space<vmem>>) target_semaphore(%run_scoped3A : memref<!tpu.dma_semaphore, #tpu.memory_space<semaphore_mem>>)
        %dma_wait3A_337 = arith.constant 0 : i32
        %dma_wait3A_338 = tpu.memref_slice %arg19[%multiple_of3A_307, %dma_wait3A_337] : memref<10000x16xf32, #tpu.memory_space<vmem_shared>> -> memref<80x16xf32, #tpu.memory_space<vmem_shared>>
        %dma_wait3A_339 = arith.constant 0 : i32
        %dma_wait3A_340 = tpu.memref_slice %arg19[%multiple_of3A_307, %dma_wait3A_339] : memref<10000x16xf32, #tpu.memory_space<vmem_shared>> -> memref<80x16xf32, #tpu.memory_space<vmem_shared>>
        tpu.wait_dma2 semaphore(%run_scoped3A : memref<!tpu.dma_semaphore, #tpu.memory_space<semaphore_mem>>) src(%dma_wait3A_340 : memref<80x16xf32, #tpu.memory_space<vmem_shared>>) dst(%arg18 : memref<80x16xf32, #tpu.memory_space<vmem>>)
        tpu.yield
      }) : () -> ()
      "tpu.region"() ({
        %run_scoped3A = tpu.sem_alloc : memref<!tpu.dma_semaphore, #tpu.memory_space<semaphore_mem>>
        %dma_start3A_333 = arith.constant 0 : i32
        %dma_start3A_334 = tpu.memref_slice %arg9[%arg0, %multiple_of3A_307, %dma_start3A_333] : memref<2x10000x16xf32, #tpu.memory_space<hbm>> -> memref<1x80x16xf32, #tpu.memory_space<hbm>>
        %dma_start3A_335 = tpu.memref_squeeze %dma_start3A_334 : memref<1x80x16xf32, #tpu.memory_space<hbm>> -> memref<80x16xf32, #tpu.memory_space<hbm>>
        %dma_start3A_336 = arith.constant 0 : i32
        %dma_start3A_337 = tpu.memref_slice %arg9[%arg0, %multiple_of3A_307, %dma_start3A_336] : memref<2x10000x16xf32, #tpu.memory_space<hbm>> -> memref<1x80x16xf32, #tpu.memory_space<hbm>>
        %dma_start3A_338 = tpu.memref_squeeze %dma_start3A_337 : memref<1x80x16xf32, #tpu.memory_space<hbm>> -> memref<80x16xf32, #tpu.memory_space<hbm>>
        tpu.enqueue_dma source(%arg18 : memref<80x16xf32, #tpu.memory_space<vmem>>) target(%dma_start3A_338 : memref<80x16xf32, #tpu.memory_space<hbm>>) target_semaphore(%run_scoped3A : memref<!tpu.dma_semaphore, #tpu.memory_space<semaphore_mem>>)
        %dma_wait3A_339 = arith.constant 0 : i32
        %dma_wait3A_340 = tpu.memref_slice %arg9[%arg0, %multiple_of3A_307, %dma_wait3A_339] : memref<2x10000x16xf32, #tpu.memory_space<hbm>> -> memref<1x80x16xf32, #tpu.memory_space<hbm>>
        %dma_wait3A_341 = tpu.memref_squeeze %dma_wait3A_340 : memref<1x80x16xf32, #tpu.memory_space<hbm>> -> memref<80x16xf32, #tpu.memory_space<hbm>>
        %dma_wait3A_342 = arith.constant 0 : i32
        %dma_wait3A_343 = tpu.memref_slice %arg9[%arg0, %multiple_of3A_307, %dma_wait3A_342] : memref<2x10000x16xf32, #tpu.memory_space<hbm>> -> memref<1x80x16xf32, #tpu.memory_space<hbm>>
        %dma_wait3A_344 = tpu.memref_squeeze %dma_wait3A_343 : memref<1x80x16xf32, #tpu.memory_space<hbm>> -> memref<80x16xf32, #tpu.memory_space<hbm>>
        tpu.wait_dma2 semaphore(%run_scoped3A : memref<!tpu.dma_semaphore, #tpu.memory_space<semaphore_mem>>) src(%arg18 : memref<80x16xf32, #tpu.memory_space<vmem>>) dst(%dma_wait3A_344 : memref<80x16xf32, #tpu.memory_space<hbm>>)
        tpu.yield
      }) : () -> ()
    } else {
    }
    %add3A_313 = arith.constant 96 : i32
    %add3A_314 = arith.addi %add3A_313, %arg1 : i32
    %mul3A_315 = arith.constant 80 : i32
    %mul3A_316 = arith.muli %add3A_314, %mul3A_315 : i32
    %multiple_of3A_317 = tpu.assume_multiple %mul3A_316, 80 : i32
    %lt3A_318 = arith.constant 125 : i32
    %lt3A_319 = arith.cmpi slt, %add3A_314, %lt3A_318 : i32
    %convert_element_type3A_320 = arith.extui %lt3A_319 : i1 to i32
    %cond3A_321 = arith.constant 0 : i32
    %cond3A_322 = arith.cmpi ne, %convert_element_type3A_320, %cond3A_321 : i32
    scf.if %cond3A_322 {
      "tpu.region"() ({
        %run_scoped3A = tpu.sem_alloc : memref<!tpu.dma_semaphore, #tpu.memory_space<semaphore_mem>>
        %dma_start3A_333 = arith.constant 0 : i32
        %dma_start3A_334 = tpu.memref_slice %arg14[%multiple_of3A_317, %dma_start3A_333] : memref<10000x64xf32, #tpu.memory_space<vmem_shared>> -> memref<80x64xf32, #tpu.memory_space<vmem_shared>>
        %dma_start3A_335 = arith.constant 0 : i32
        %dma_start3A_336 = tpu.memref_slice %arg14[%multiple_of3A_317, %dma_start3A_335] : memref<10000x64xf32, #tpu.memory_space<vmem_shared>> -> memref<80x64xf32, #tpu.memory_space<vmem_shared>>
        tpu.enqueue_dma source(%dma_start3A_336 : memref<80x64xf32, #tpu.memory_space<vmem_shared>>) target(%arg13 : memref<80x64xf32, #tpu.memory_space<vmem>>) target_semaphore(%run_scoped3A : memref<!tpu.dma_semaphore, #tpu.memory_space<semaphore_mem>>)
        %dma_wait3A_337 = arith.constant 0 : i32
        %dma_wait3A_338 = tpu.memref_slice %arg14[%multiple_of3A_317, %dma_wait3A_337] : memref<10000x64xf32, #tpu.memory_space<vmem_shared>> -> memref<80x64xf32, #tpu.memory_space<vmem_shared>>
        %dma_wait3A_339 = arith.constant 0 : i32
        %dma_wait3A_340 = tpu.memref_slice %arg14[%multiple_of3A_317, %dma_wait3A_339] : memref<10000x64xf32, #tpu.memory_space<vmem_shared>> -> memref<80x64xf32, #tpu.memory_space<vmem_shared>>
        tpu.wait_dma2 semaphore(%run_scoped3A : memref<!tpu.dma_semaphore, #tpu.memory_space<semaphore_mem>>) src(%dma_wait3A_340 : memref<80x64xf32, #tpu.memory_space<vmem_shared>>) dst(%arg13 : memref<80x64xf32, #tpu.memory_space<vmem>>)
        tpu.yield
      }) : () -> ()
      "tpu.region"() ({
        %run_scoped3A = tpu.sem_alloc : memref<!tpu.dma_semaphore, #tpu.memory_space<semaphore_mem>>
        %dma_start3A_333 = arith.constant 0 : i32
        %dma_start3A_334 = tpu.memref_slice %arg8[%arg0, %multiple_of3A_317, %dma_start3A_333] : memref<2x10000x64xf32, #tpu.memory_space<hbm>> -> memref<1x80x64xf32, #tpu.memory_space<hbm>>
        %dma_start3A_335 = tpu.memref_squeeze %dma_start3A_334 : memref<1x80x64xf32, #tpu.memory_space<hbm>> -> memref<80x64xf32, #tpu.memory_space<hbm>>
        %dma_start3A_336 = arith.constant 0 : i32
        %dma_start3A_337 = tpu.memref_slice %arg8[%arg0, %multiple_of3A_317, %dma_start3A_336] : memref<2x10000x64xf32, #tpu.memory_space<hbm>> -> memref<1x80x64xf32, #tpu.memory_space<hbm>>
        %dma_start3A_338 = tpu.memref_squeeze %dma_start3A_337 : memref<1x80x64xf32, #tpu.memory_space<hbm>> -> memref<80x64xf32, #tpu.memory_space<hbm>>
        tpu.enqueue_dma source(%arg13 : memref<80x64xf32, #tpu.memory_space<vmem>>) target(%dma_start3A_338 : memref<80x64xf32, #tpu.memory_space<hbm>>) target_semaphore(%run_scoped3A : memref<!tpu.dma_semaphore, #tpu.memory_space<semaphore_mem>>)
        %dma_wait3A_339 = arith.constant 0 : i32
        %dma_wait3A_340 = tpu.memref_slice %arg8[%arg0, %multiple_of3A_317, %dma_wait3A_339] : memref<2x10000x64xf32, #tpu.memory_space<hbm>> -> memref<1x80x64xf32, #tpu.memory_space<hbm>>
        %dma_wait3A_341 = tpu.memref_squeeze %dma_wait3A_340 : memref<1x80x64xf32, #tpu.memory_space<hbm>> -> memref<80x64xf32, #tpu.memory_space<hbm>>
        %dma_wait3A_342 = arith.constant 0 : i32
        %dma_wait3A_343 = tpu.memref_slice %arg8[%arg0, %multiple_of3A_317, %dma_wait3A_342] : memref<2x10000x64xf32, #tpu.memory_space<hbm>> -> memref<1x80x64xf32, #tpu.memory_space<hbm>>
        %dma_wait3A_344 = tpu.memref_squeeze %dma_wait3A_343 : memref<1x80x64xf32, #tpu.memory_space<hbm>> -> memref<80x64xf32, #tpu.memory_space<hbm>>
        tpu.wait_dma2 semaphore(%run_scoped3A : memref<!tpu.dma_semaphore, #tpu.memory_space<semaphore_mem>>) src(%arg13 : memref<80x64xf32, #tpu.memory_space<vmem>>) dst(%dma_wait3A_344 : memref<80x64xf32, #tpu.memory_space<hbm>>)
        tpu.yield
      }) : () -> ()
      "tpu.region"() ({
        %run_scoped3A = tpu.sem_alloc : memref<!tpu.dma_semaphore, #tpu.memory_space<semaphore_mem>>
        %dma_start3A_333 = arith.constant 0 : i32
        %dma_start3A_334 = tpu.memref_slice %arg19[%multiple_of3A_317, %dma_start3A_333] : memref<10000x16xf32, #tpu.memory_space<vmem_shared>> -> memref<80x16xf32, #tpu.memory_space<vmem_shared>>
        %dma_start3A_335 = arith.constant 0 : i32
        %dma_start3A_336 = tpu.memref_slice %arg19[%multiple_of3A_317, %dma_start3A_335] : memref<10000x16xf32, #tpu.memory_space<vmem_shared>> -> memref<80x16xf32, #tpu.memory_space<vmem_shared>>
        tpu.enqueue_dma source(%dma_start3A_336 : memref<80x16xf32, #tpu.memory_space<vmem_shared>>) target(%arg18 : memref<80x16xf32, #tpu.memory_space<vmem>>) target_semaphore(%run_scoped3A : memref<!tpu.dma_semaphore, #tpu.memory_space<semaphore_mem>>)
        %dma_wait3A_337 = arith.constant 0 : i32
        %dma_wait3A_338 = tpu.memref_slice %arg19[%multiple_of3A_317, %dma_wait3A_337] : memref<10000x16xf32, #tpu.memory_space<vmem_shared>> -> memref<80x16xf32, #tpu.memory_space<vmem_shared>>
        %dma_wait3A_339 = arith.constant 0 : i32
        %dma_wait3A_340 = tpu.memref_slice %arg19[%multiple_of3A_317, %dma_wait3A_339] : memref<10000x16xf32, #tpu.memory_space<vmem_shared>> -> memref<80x16xf32, #tpu.memory_space<vmem_shared>>
        tpu.wait_dma2 semaphore(%run_scoped3A : memref<!tpu.dma_semaphore, #tpu.memory_space<semaphore_mem>>) src(%dma_wait3A_340 : memref<80x16xf32, #tpu.memory_space<vmem_shared>>) dst(%arg18 : memref<80x16xf32, #tpu.memory_space<vmem>>)
        tpu.yield
      }) : () -> ()
      "tpu.region"() ({
        %run_scoped3A = tpu.sem_alloc : memref<!tpu.dma_semaphore, #tpu.memory_space<semaphore_mem>>
        %dma_start3A_333 = arith.constant 0 : i32
        %dma_start3A_334 = tpu.memref_slice %arg9[%arg0, %multiple_of3A_317, %dma_start3A_333] : memref<2x10000x16xf32, #tpu.memory_space<hbm>> -> memref<1x80x16xf32, #tpu.memory_space<hbm>>
        %dma_start3A_335 = tpu.memref_squeeze %dma_start3A_334 : memref<1x80x16xf32, #tpu.memory_space<hbm>> -> memref<80x16xf32, #tpu.memory_space<hbm>>
        %dma_start3A_336 = arith.constant 0 : i32
        %dma_start3A_337 = tpu.memref_slice %arg9[%arg0, %multiple_of3A_317, %dma_start3A_336] : memref<2x10000x16xf32, #tpu.memory_space<hbm>> -> memref<1x80x16xf32, #tpu.memory_space<hbm>>
        %dma_start3A_338 = tpu.memref_squeeze %dma_start3A_337 : memref<1x80x16xf32, #tpu.memory_space<hbm>> -> memref<80x16xf32, #tpu.memory_space<hbm>>
        tpu.enqueue_dma source(%arg18 : memref<80x16xf32, #tpu.memory_space<vmem>>) target(%dma_start3A_338 : memref<80x16xf32, #tpu.memory_space<hbm>>) target_semaphore(%run_scoped3A : memref<!tpu.dma_semaphore, #tpu.memory_space<semaphore_mem>>)
        %dma_wait3A_339 = arith.constant 0 : i32
        %dma_wait3A_340 = tpu.memref_slice %arg9[%arg0, %multiple_of3A_317, %dma_wait3A_339] : memref<2x10000x16xf32, #tpu.memory_space<hbm>> -> memref<1x80x16xf32, #tpu.memory_space<hbm>>
        %dma_wait3A_341 = tpu.memref_squeeze %dma_wait3A_340 : memref<1x80x16xf32, #tpu.memory_space<hbm>> -> memref<80x16xf32, #tpu.memory_space<hbm>>
        %dma_wait3A_342 = arith.constant 0 : i32
        %dma_wait3A_343 = tpu.memref_slice %arg9[%arg0, %multiple_of3A_317, %dma_wait3A_342] : memref<2x10000x16xf32, #tpu.memory_space<hbm>> -> memref<1x80x16xf32, #tpu.memory_space<hbm>>
        %dma_wait3A_344 = tpu.memref_squeeze %dma_wait3A_343 : memref<1x80x16xf32, #tpu.memory_space<hbm>> -> memref<80x16xf32, #tpu.memory_space<hbm>>
        tpu.wait_dma2 semaphore(%run_scoped3A : memref<!tpu.dma_semaphore, #tpu.memory_space<semaphore_mem>>) src(%arg18 : memref<80x16xf32, #tpu.memory_space<vmem>>) dst(%dma_wait3A_344 : memref<80x16xf32, #tpu.memory_space<hbm>>)
        tpu.yield
      }) : () -> ()
    } else {
    }
    %add3A_323 = arith.constant 112 : i32
    %add3A_324 = arith.addi %add3A_323, %arg1 : i32
    %mul3A_325 = arith.constant 80 : i32
    %mul3A_326 = arith.muli %add3A_324, %mul3A_325 : i32
    %multiple_of3A_327 = tpu.assume_multiple %mul3A_326, 80 : i32
    %lt3A_328 = arith.constant 125 : i32
    %lt3A_329 = arith.cmpi slt, %add3A_324, %lt3A_328 : i32
    %convert_element_type3A_330 = arith.extui %lt3A_329 : i1 to i32
    %cond3A_331 = arith.constant 0 : i32
    %cond3A_332 = arith.cmpi ne, %convert_element_type3A_330, %cond3A_331 : i32
    scf.if %cond3A_332 {
      "tpu.region"() ({
        %run_scoped3A = tpu.sem_alloc : memref<!tpu.dma_semaphore, #tpu.memory_space<semaphore_mem>>
        %dma_start3A_333 = arith.constant 0 : i32
        %dma_start3A_334 = tpu.memref_slice %arg14[%multiple_of3A_327, %dma_start3A_333] : memref<10000x64xf32, #tpu.memory_space<vmem_shared>> -> memref<80x64xf32, #tpu.memory_space<vmem_shared>>
        %dma_start3A_335 = arith.constant 0 : i32
        %dma_start3A_336 = tpu.memref_slice %arg14[%multiple_of3A_327, %dma_start3A_335] : memref<10000x64xf32, #tpu.memory_space<vmem_shared>> -> memref<80x64xf32, #tpu.memory_space<vmem_shared>>
        tpu.enqueue_dma source(%dma_start3A_336 : memref<80x64xf32, #tpu.memory_space<vmem_shared>>) target(%arg13 : memref<80x64xf32, #tpu.memory_space<vmem>>) target_semaphore(%run_scoped3A : memref<!tpu.dma_semaphore, #tpu.memory_space<semaphore_mem>>)
        %dma_wait3A_337 = arith.constant 0 : i32
        %dma_wait3A_338 = tpu.memref_slice %arg14[%multiple_of3A_327, %dma_wait3A_337] : memref<10000x64xf32, #tpu.memory_space<vmem_shared>> -> memref<80x64xf32, #tpu.memory_space<vmem_shared>>
        %dma_wait3A_339 = arith.constant 0 : i32
        %dma_wait3A_340 = tpu.memref_slice %arg14[%multiple_of3A_327, %dma_wait3A_339] : memref<10000x64xf32, #tpu.memory_space<vmem_shared>> -> memref<80x64xf32, #tpu.memory_space<vmem_shared>>
        tpu.wait_dma2 semaphore(%run_scoped3A : memref<!tpu.dma_semaphore, #tpu.memory_space<semaphore_mem>>) src(%dma_wait3A_340 : memref<80x64xf32, #tpu.memory_space<vmem_shared>>) dst(%arg13 : memref<80x64xf32, #tpu.memory_space<vmem>>)
        tpu.yield
      }) : () -> ()
      "tpu.region"() ({
        %run_scoped3A = tpu.sem_alloc : memref<!tpu.dma_semaphore, #tpu.memory_space<semaphore_mem>>
        %dma_start3A_333 = arith.constant 0 : i32
        %dma_start3A_334 = tpu.memref_slice %arg8[%arg0, %multiple_of3A_327, %dma_start3A_333] : memref<2x10000x64xf32, #tpu.memory_space<hbm>> -> memref<1x80x64xf32, #tpu.memory_space<hbm>>
        %dma_start3A_335 = tpu.memref_squeeze %dma_start3A_334 : memref<1x80x64xf32, #tpu.memory_space<hbm>> -> memref<80x64xf32, #tpu.memory_space<hbm>>
        %dma_start3A_336 = arith.constant 0 : i32
        %dma_start3A_337 = tpu.memref_slice %arg8[%arg0, %multiple_of3A_327, %dma_start3A_336] : memref<2x10000x64xf32, #tpu.memory_space<hbm>> -> memref<1x80x64xf32, #tpu.memory_space<hbm>>
        %dma_start3A_338 = tpu.memref_squeeze %dma_start3A_337 : memref<1x80x64xf32, #tpu.memory_space<hbm>> -> memref<80x64xf32, #tpu.memory_space<hbm>>
        tpu.enqueue_dma source(%arg13 : memref<80x64xf32, #tpu.memory_space<vmem>>) target(%dma_start3A_338 : memref<80x64xf32, #tpu.memory_space<hbm>>) target_semaphore(%run_scoped3A : memref<!tpu.dma_semaphore, #tpu.memory_space<semaphore_mem>>)
        %dma_wait3A_339 = arith.constant 0 : i32
        %dma_wait3A_340 = tpu.memref_slice %arg8[%arg0, %multiple_of3A_327, %dma_wait3A_339] : memref<2x10000x64xf32, #tpu.memory_space<hbm>> -> memref<1x80x64xf32, #tpu.memory_space<hbm>>
        %dma_wait3A_341 = tpu.memref_squeeze %dma_wait3A_340 : memref<1x80x64xf32, #tpu.memory_space<hbm>> -> memref<80x64xf32, #tpu.memory_space<hbm>>
        %dma_wait3A_342 = arith.constant 0 : i32
        %dma_wait3A_343 = tpu.memref_slice %arg8[%arg0, %multiple_of3A_327, %dma_wait3A_342] : memref<2x10000x64xf32, #tpu.memory_space<hbm>> -> memref<1x80x64xf32, #tpu.memory_space<hbm>>
        %dma_wait3A_344 = tpu.memref_squeeze %dma_wait3A_343 : memref<1x80x64xf32, #tpu.memory_space<hbm>> -> memref<80x64xf32, #tpu.memory_space<hbm>>
        tpu.wait_dma2 semaphore(%run_scoped3A : memref<!tpu.dma_semaphore, #tpu.memory_space<semaphore_mem>>) src(%arg13 : memref<80x64xf32, #tpu.memory_space<vmem>>) dst(%dma_wait3A_344 : memref<80x64xf32, #tpu.memory_space<hbm>>)
        tpu.yield
      }) : () -> ()
      "tpu.region"() ({
        %run_scoped3A = tpu.sem_alloc : memref<!tpu.dma_semaphore, #tpu.memory_space<semaphore_mem>>
        %dma_start3A_333 = arith.constant 0 : i32
        %dma_start3A_334 = tpu.memref_slice %arg19[%multiple_of3A_327, %dma_start3A_333] : memref<10000x16xf32, #tpu.memory_space<vmem_shared>> -> memref<80x16xf32, #tpu.memory_space<vmem_shared>>
        %dma_start3A_335 = arith.constant 0 : i32
        %dma_start3A_336 = tpu.memref_slice %arg19[%multiple_of3A_327, %dma_start3A_335] : memref<10000x16xf32, #tpu.memory_space<vmem_shared>> -> memref<80x16xf32, #tpu.memory_space<vmem_shared>>
        tpu.enqueue_dma source(%dma_start3A_336 : memref<80x16xf32, #tpu.memory_space<vmem_shared>>) target(%arg18 : memref<80x16xf32, #tpu.memory_space<vmem>>) target_semaphore(%run_scoped3A : memref<!tpu.dma_semaphore, #tpu.memory_space<semaphore_mem>>)
        %dma_wait3A_337 = arith.constant 0 : i32
        %dma_wait3A_338 = tpu.memref_slice %arg19[%multiple_of3A_327, %dma_wait3A_337] : memref<10000x16xf32, #tpu.memory_space<vmem_shared>> -> memref<80x16xf32, #tpu.memory_space<vmem_shared>>
        %dma_wait3A_339 = arith.constant 0 : i32
        %dma_wait3A_340 = tpu.memref_slice %arg19[%multiple_of3A_327, %dma_wait3A_339] : memref<10000x16xf32, #tpu.memory_space<vmem_shared>> -> memref<80x16xf32, #tpu.memory_space<vmem_shared>>
        tpu.wait_dma2 semaphore(%run_scoped3A : memref<!tpu.dma_semaphore, #tpu.memory_space<semaphore_mem>>) src(%dma_wait3A_340 : memref<80x16xf32, #tpu.memory_space<vmem_shared>>) dst(%arg18 : memref<80x16xf32, #tpu.memory_space<vmem>>)
        tpu.yield
      }) : () -> ()
      "tpu.region"() ({
        %run_scoped3A = tpu.sem_alloc : memref<!tpu.dma_semaphore, #tpu.memory_space<semaphore_mem>>
        %dma_start3A_333 = arith.constant 0 : i32
        %dma_start3A_334 = tpu.memref_slice %arg9[%arg0, %multiple_of3A_327, %dma_start3A_333] : memref<2x10000x16xf32, #tpu.memory_space<hbm>> -> memref<1x80x16xf32, #tpu.memory_space<hbm>>
        %dma_start3A_335 = tpu.memref_squeeze %dma_start3A_334 : memref<1x80x16xf32, #tpu.memory_space<hbm>> -> memref<80x16xf32, #tpu.memory_space<hbm>>
        %dma_start3A_336 = arith.constant 0 : i32
        %dma_start3A_337 = tpu.memref_slice %arg9[%arg0, %multiple_of3A_327, %dma_start3A_336] : memref<2x10000x16xf32, #tpu.memory_space<hbm>> -> memref<1x80x16xf32, #tpu.memory_space<hbm>>
        %dma_start3A_338 = tpu.memref_squeeze %dma_start3A_337 : memref<1x80x16xf32, #tpu.memory_space<hbm>> -> memref<80x16xf32, #tpu.memory_space<hbm>>
        tpu.enqueue_dma source(%arg18 : memref<80x16xf32, #tpu.memory_space<vmem>>) target(%dma_start3A_338 : memref<80x16xf32, #tpu.memory_space<hbm>>) target_semaphore(%run_scoped3A : memref<!tpu.dma_semaphore, #tpu.memory_space<semaphore_mem>>)
        %dma_wait3A_339 = arith.constant 0 : i32
        %dma_wait3A_340 = tpu.memref_slice %arg9[%arg0, %multiple_of3A_327, %dma_wait3A_339] : memref<2x10000x16xf32, #tpu.memory_space<hbm>> -> memref<1x80x16xf32, #tpu.memory_space<hbm>>
        %dma_wait3A_341 = tpu.memref_squeeze %dma_wait3A_340 : memref<1x80x16xf32, #tpu.memory_space<hbm>> -> memref<80x16xf32, #tpu.memory_space<hbm>>
        %dma_wait3A_342 = arith.constant 0 : i32
        %dma_wait3A_343 = tpu.memref_slice %arg9[%arg0, %multiple_of3A_327, %dma_wait3A_342] : memref<2x10000x16xf32, #tpu.memory_space<hbm>> -> memref<1x80x16xf32, #tpu.memory_space<hbm>>
        %dma_wait3A_344 = tpu.memref_squeeze %dma_wait3A_343 : memref<1x80x16xf32, #tpu.memory_space<hbm>> -> memref<80x16xf32, #tpu.memory_space<hbm>>
        tpu.wait_dma2 semaphore(%run_scoped3A : memref<!tpu.dma_semaphore, #tpu.memory_space<semaphore_mem>>) src(%arg18 : memref<80x16xf32, #tpu.memory_space<vmem>>) dst(%dma_wait3A_344 : memref<80x16xf32, #tpu.memory_space<hbm>>)
        tpu.yield
      }) : () -> ()
    } else {
    }
    return
  }
}

module attributes {stable_mosaic.version = 14 : i64} {
  func.func @body(%arg0: memref<2x10000x64xf32, #tpu.memory_space<vmem>>, %arg1: memref<2x10000x16xf32, #tpu.memory_space<vmem>>, %arg2: memref<10000x128xf32, #tpu.memory_space<vmem>>, %arg3: memref<128x128xf32, #tpu.memory_space<vmem>>, %arg4: memref<128x128xf32, #tpu.memory_space<vmem>>, %arg5: memref<128xf32, #tpu.memory_space<vmem>>, %arg6: memref<128x64xf32, #tpu.memory_space<vmem>>, %arg7: memref<128x64xf32, #tpu.memory_space<vmem>>, %arg8: memref<64xf32, #tpu.memory_space<vmem>>, %arg9: memref<10000x64xf32, #tpu.memory_space<vmem>>, %arg10: memref<10000x64xf32, #tpu.memory_space<vmem>>) attributes {dimension_semantics = [], scalar_prefetch = 0 : i64, scratch_operands = 0 : i64, tpu.core_type = #tpu.core_type<tc>} {
    %get3A = arith.constant 0 : index
    %get3A_0 = arith.constant 0 : index
    %get3A_1 = arith.constant 0 : index
    %get3A_2 = vector.load %arg0[%get3A, %get3A_0, %get3A_1] : memref<2x10000x64xf32, #tpu.memory_space<vmem>>, vector<1x10000x64xf32>
    %get3A_3 = vector.shape_cast %get3A_2 : vector<1x10000x64xf32> to vector<10000x64xf32>
    %get3A_4 = arith.constant 1 : index
    %get3A_5 = arith.constant 0 : index
    %get3A_6 = arith.constant 0 : index
    %get3A_7 = vector.load %arg0[%get3A_4, %get3A_5, %get3A_6] : memref<2x10000x64xf32, #tpu.memory_space<vmem>>, vector<1x10000x64xf32>
    %get3A_8 = vector.shape_cast %get3A_7 : vector<1x10000x64xf32> to vector<10000x64xf32>
    %concatenate3A = tpu.concatenate %get3A_3, %get3A_8 in 1 : vector<10000x64xf32>, vector<10000x64xf32> -> vector<10000x128xf32>
    %get3A_9 = arith.constant 0 : index
    %get3A_10 = arith.constant 0 : index
    %get3A_11 = arith.constant 0 : index
    %get3A_12 = vector.load %arg1[%get3A_9, %get3A_10, %get3A_11] : memref<2x10000x16xf32, #tpu.memory_space<vmem>>, vector<1x10000x1xf32>
    %get3A_13 = vector.shape_cast %get3A_12 : vector<1x10000x1xf32> to vector<10000x1xf32>
    %get3A_14 = arith.constant 1 : index
    %get3A_15 = arith.constant 0 : index
    %get3A_16 = arith.constant 0 : index
    %get3A_17 = vector.load %arg1[%get3A_14, %get3A_15, %get3A_16] : memref<2x10000x16xf32, #tpu.memory_space<vmem>>, vector<1x10000x1xf32>
    %get3A_18 = vector.shape_cast %get3A_17 : vector<1x10000x1xf32> to vector<10000x1xf32>
    %add3A = arith.addf %get3A_13, %get3A_18 : vector<10000x1xf32>
    %max3A = arith.constant 1.000000e+00 : f32
    %max3A_19 = vector.broadcast %max3A : f32 to vector<10000x1xf32>
    %max3A_20 = arith.maximumf %add3A, %max3A_19 : vector<10000x1xf32>
    %div3A = vector.broadcast %max3A_20 : vector<10000x1xf32> to vector<10000x128xf32>
    %div3A_21 = arith.divf %concatenate3A, %div3A : vector<10000x128xf32>
    %get3A_22 = arith.constant 0 : index
    %get3A_23 = arith.constant 0 : index
    %get3A_24 = vector.load %arg3[%get3A_22, %get3A_23] : memref<128x128xf32, #tpu.memory_space<vmem>>, vector<128x128xf32>
    %dot_general3A = arith.constant dense<0.000000e+00> : vector<10000x128xf32>
    %dot_general3A_25 = tpu.matmul %div3A_21, %get3A_24, %dot_general3A {dimension_numbers = #tpu.dot_dimension_numbers<[1], [0], [0], [1], [0, 0, 1, 1], [], []>, transpose_lhs_hint = false} : vector<10000x128xf32>, vector<128x128xf32>, vector<10000x128xf32> -> vector<10000x128xf32>
    %get3A_26 = arith.constant 0 : index
    %get3A_27 = arith.constant 0 : index
    %get3A_28 = vector.load %arg2[%get3A_26, %get3A_27] : memref<10000x128xf32, #tpu.memory_space<vmem>>, vector<10000x128xf32>
    %get3A_29 = arith.constant 0 : index
    %get3A_30 = arith.constant 0 : index
    %get3A_31 = vector.load %arg4[%get3A_29, %get3A_30] : memref<128x128xf32, #tpu.memory_space<vmem>>, vector<128x128xf32>
    %dot_general3A_32 = arith.constant dense<0.000000e+00> : vector<10000x128xf32>
    %dot_general3A_33 = tpu.matmul %get3A_28, %get3A_31, %dot_general3A_32 {dimension_numbers = #tpu.dot_dimension_numbers<[1], [0], [0], [1], [0, 0, 1, 1], [], []>, transpose_lhs_hint = false} : vector<10000x128xf32>, vector<128x128xf32>, vector<10000x128xf32> -> vector<10000x128xf32>
    %add3A_34 = arith.addf %dot_general3A_25, %dot_general3A_33 : vector<10000x128xf32>
    %get3A_35 = arith.constant 0 : index
    %get3A_36 = vector.load %arg5[%get3A_35] : memref<128xf32, #tpu.memory_space<vmem>>, vector<128xf32>
    %broadcast_in_dim3A = vector.shape_cast %get3A_36 : vector<128xf32> to vector<1x128xf32>
    %add3A_37 = vector.broadcast %broadcast_in_dim3A : vector<1x128xf32> to vector<10000x128xf32>
    %add3A_38 = arith.addf %add3A_34, %add3A_37 : vector<10000x128xf32>
    %max3A_39 = arith.constant 0.000000e+00 : f32
    %max3A_40 = vector.broadcast %max3A_39 : f32 to vector<10000x128xf32>
    %max3A_41 = arith.maximumf %add3A_38, %max3A_40 : vector<10000x128xf32>
    %get3A_42 = arith.constant 0 : index
    %get3A_43 = arith.constant 0 : index
    %get3A_44 = vector.load %arg6[%get3A_42, %get3A_43] : memref<128x64xf32, #tpu.memory_space<vmem>>, vector<128x64xf32>
    %dot_general3A_45 = arith.constant dense<0.000000e+00> : vector<10000x64xf32>
    %dot_general3A_46 = tpu.matmul %max3A_41, %get3A_44, %dot_general3A_45 {dimension_numbers = #tpu.dot_dimension_numbers<[1], [0], [0], [1], [0, 0, 1, 1], [], []>, transpose_lhs_hint = false} : vector<10000x128xf32>, vector<128x64xf32>, vector<10000x64xf32> -> vector<10000x64xf32>
    %swap3A = arith.constant 0 : index
    %swap3A_47 = arith.constant 0 : index
    %swap3A_48 = vector.load %arg9[%swap3A, %swap3A_47] : memref<10000x64xf32, #tpu.memory_space<vmem>>, vector<10000x64xf32>
    tpu.vector_store %arg9[%swap3A, %swap3A_47], %dot_general3A_46 {strides = array<i32>} : memref<10000x64xf32, #tpu.memory_space<vmem>>, vector<10000x64xf32>,
    %get3A_49 = arith.constant 0 : index
    %get3A_50 = arith.constant 0 : index
    %get3A_51 = vector.load %arg7[%get3A_49, %get3A_50] : memref<128x64xf32, #tpu.memory_space<vmem>>, vector<128x64xf32>
    %dot_general3A_52 = arith.constant dense<0.000000e+00> : vector<10000x64xf32>
    %dot_general3A_53 = tpu.matmul %max3A_41, %get3A_51, %dot_general3A_52 {dimension_numbers = #tpu.dot_dimension_numbers<[1], [0], [0], [1], [0, 0, 1, 1], [], []>, transpose_lhs_hint = false} : vector<10000x128xf32>, vector<128x64xf32>, vector<10000x64xf32> -> vector<10000x64xf32>
    %get3A_54 = arith.constant 0 : index
    %get3A_55 = vector.load %arg8[%get3A_54] : memref<64xf32, #tpu.memory_space<vmem>>, vector<64xf32>
    %broadcast_in_dim3A_56 = vector.shape_cast %get3A_55 : vector<64xf32> to vector<1x64xf32>
    %add3A_57 = vector.broadcast %broadcast_in_dim3A_56 : vector<1x64xf32> to vector<10000x64xf32>
    %add3A_58 = arith.addf %dot_general3A_53, %add3A_57 : vector<10000x64xf32>
    %swap3A_59 = arith.constant 0 : index
    %swap3A_60 = arith.constant 0 : index
    %swap3A_61 = vector.load %arg10[%swap3A_59, %swap3A_60] : memref<10000x64xf32, #tpu.memory_space<vmem>>, vector<10000x64xf32>
    tpu.vector_store %arg10[%swap3A_59, %swap3A_60], %add3A_58 {strides = array<i32>} : memref<10000x64xf32, #tpu.memory_space<vmem>>, vector<10000x64xf32>,
    return
  }
}

module attributes {stable_mosaic.version = 14 : i64} {
  func.func @body(%arg0: memref<2x10000x32xf32, #tpu.memory_space<vmem>>, %arg1: memref<2x10000x16xf32, #tpu.memory_space<vmem>>, %arg2: memref<10000x64xf32, #tpu.memory_space<vmem>>, %arg3: memref<10000x64xf32, #tpu.memory_space<vmem>>) attributes {dimension_semantics = [], scalar_prefetch = 0 : i64, scratch_operands = 0 : i64, tpu.core_type = #tpu.core_type<tc>} {
    %get3A = arith.constant 0 : index
    %get3A_0 = arith.constant 0 : index
    %get3A_1 = arith.constant 0 : index
    %get3A_2 = vector.load %arg0[%get3A, %get3A_0, %get3A_1] : memref<2x10000x32xf32, #tpu.memory_space<vmem>>, vector<1x10000x32xf32>
    %get3A_3 = vector.shape_cast %get3A_2 : vector<1x10000x32xf32> to vector<10000x32xf32>
    %get3A_4 = arith.constant 1 : index
    %get3A_5 = arith.constant 0 : index
    %get3A_6 = arith.constant 0 : index
    %get3A_7 = vector.load %arg0[%get3A_4, %get3A_5, %get3A_6] : memref<2x10000x32xf32, #tpu.memory_space<vmem>>, vector<1x10000x32xf32>
    %get3A_8 = vector.shape_cast %get3A_7 : vector<1x10000x32xf32> to vector<10000x32xf32>
    %concatenate3A = tpu.concatenate %get3A_3, %get3A_8 in 1 : vector<10000x32xf32>, vector<10000x32xf32> -> vector<10000x64xf32>
    %get3A_9 = arith.constant 0 : index
    %get3A_10 = arith.constant 0 : index
    %get3A_11 = arith.constant 0 : index
    %get3A_12 = vector.load %arg1[%get3A_9, %get3A_10, %get3A_11] : memref<2x10000x16xf32, #tpu.memory_space<vmem>>, vector<1x10000x1xf32>
    %get3A_13 = vector.shape_cast %get3A_12 : vector<1x10000x1xf32> to vector<10000x1xf32>
    %get3A_14 = arith.constant 1 : index
    %get3A_15 = arith.constant 0 : index
    %get3A_16 = arith.constant 0 : index
    %get3A_17 = vector.load %arg1[%get3A_14, %get3A_15, %get3A_16] : memref<2x10000x16xf32, #tpu.memory_space<vmem>>, vector<1x10000x1xf32>
    %get3A_18 = vector.shape_cast %get3A_17 : vector<1x10000x1xf32> to vector<10000x1xf32>
    %add3A = arith.addf %get3A_13, %get3A_18 : vector<10000x1xf32>
    %max3A = arith.constant 1.000000e+00 : f32
    %max3A_19 = vector.broadcast %max3A : f32 to vector<10000x1xf32>
    %max3A_20 = arith.maximumf %add3A, %max3A_19 : vector<10000x1xf32>
    %div3A = vector.broadcast %max3A_20 : vector<10000x1xf32> to vector<10000x64xf32>
    %div3A_21 = arith.divf %concatenate3A, %div3A : vector<10000x64xf32>
    %get3A_22 = arith.constant 0 : index
    %get3A_23 = arith.constant 0 : index
    %get3A_24 = vector.load %arg2[%get3A_22, %get3A_23] : memref<10000x64xf32, #tpu.memory_space<vmem>>, vector<10000x64xf32>
    %add3A_25 = arith.addf %div3A_21, %get3A_24 : vector<10000x64xf32>
    %swap3A = arith.constant 0 : index
    %swap3A_26 = arith.constant 0 : index
    %swap3A_27 = vector.load %arg3[%swap3A, %swap3A_26] : memref<10000x64xf32, #tpu.memory_space<vmem>>, vector<10000x64xf32>
    tpu.vector_store %arg3[%swap3A, %swap3A_26], %add3A_25 {strides = array<i32>} : memref<10000x64xf32, #tpu.memory_space<vmem>>, vector<10000x64xf32>,
    return
  }
}

</mosaic_0001>

<sc_bundles>
// kernel: kernel.6.cloned.1.call-start
scs
__scs_entry_jumppad:
0x0: {  	(pc) =	sbr.rel $0x88, $3  }
0x1: {  	(tag) =	ssettag $0x0;
	lr =	simm.s32 $0x1  }
0x2: {  	[smem:$0x3F99] =	sst lr;
	_ =	strace $0xD0000000  }
0x3: {  	_ = 	snop  }
0x4: {  	_ = 	snop  }
0x5: {  	_ = 	snop  }
0x6: {  	_ = 	snop  }
0x7: {  	_ = 	snop  }
__scs_overlays_trampoline_lowered:
0x8: {  	[smem:$0x3FA8] =	sst s0  }
0x9: {  	[smem:$0x3FA9] =	sst s1  }
0xa: {  	[smem:$0x3FAA] =	sst s2  }
0xb: {  	[smem:$0x3FAB] =	sst s3  }
0xc: {  	[smem:$0x3FAC] =	sst s4  }
0xd: {  	[smem:$0x3FAD] =	sst s5  }
0xe: {  	[smem:$0x3FAE] =	sst s6  }
0xf: {  	[smem:$0x3FAF] =	sst s7  }
0x10: {  	[smem:$0x3FB0] =	sst s8  }
0x11: {  	[smem:$0x3FB1] =	sst s9;
	s0 =	simm.s32 @!p0 $0x0  }
0x12: {  	s1 =	sld [smem:$0x3F97];
	s0 =	simm.s32 @p0 $0x1  }
0x13: {  	[smem:$0x3FB2] =	sst s0;
	s0 =	simm.s32 @!p1 $0x0  }
0x14: {  	s2 =	sld [smem:$0x3F96];
	s0 =	simm.s32 @p1 $0x1  }
0x15: {  	[smem:$0x3FB3] =	sst s0;
	s0 =	simm.s32 @!p2 $0x0  }
0x16: {  	s3 =	sld [smem:$0x3FDB];
	s0 =	simm.s32 @p2 $0x1  }
0x17: {  	s4 =	simm.s32 $0x1BF5;
	[smem:$0x3FB5] =	sst s0  }
0x18: {  	s0 =	sld [smem:$0x3F98];
	_ =	swait.ge [sflag:s4], $0x0  }
0x19: {  	s7 =	sld [smem:$0x3F99]  }
0x1a: {  	s8 =	sadd.s32 $0xFFFFE003, lr  }
0x1b: {  	s9 =	sadd.s32 $0xFFFFFEF7, lr;
	s5 =	simm.s32 $0xFFFFFFFF;
	p2 =	slt.u32 s8, $0xFFFFF086  }
0x1c: {  	p1 =	slt.u32 s9, $0xF7A;
	s5 =	simm.s32 @!p2 $0x0  }
0x1d: {  	s5 =	simm.s32 @p1 $0x1;
	p0 =	seq.s32 s7, s2  }
0x1e: {  	s7 =	smul.u32 @!p0 $0xF7A, s2;
	p2 =	seq.s32 @!p0 s5, $0x0  }
0x1f: {  	s9 =	smul.u32 $0xF7A, s1;
	s8 =	simm.s32 @!p0 $0x1BF5;
	p2 =	por !p2, p0  }
0x20: {  	[sflag:s8] =	ssyncset.s32 @!p0 $0xFFFFF086;
	s6 =	sadd.s32 @!p0 s3, s7;
	s7 =	simm.s32 @!p0 $0x108  }
0x21: {  	s3 =	sadd.s32 s3, s9;
	s6 =	sadd.s32 @!p0 $0x88, s6;
	s7 =	simm.s32 @p2 $0x1082  }
0x22: {  	[simem:s7], [sflag:s8] =	dma.local @!p0 [hbm:s6], $0xF7A  }
0x23: {  	s9 =	sor.u32 $0xD0000000, s2;
	s6 =	simm.s32 $0x108;
	_ =	swait.ge @!p0 [sflag:s8], $0x0  }
0x24: {  	s3 =	sadd.s32 $0x88, s3;
	s6 =	simm.s32 @!p1 $0x1082;
	[sflag:s4] =	ssyncset.s32 $0xFFFFF086  }
0x25: {  	[simem:s6], [sflag:s4] =	dma.local [hbm:s3], $0xF7A  }
0x26: {  	[smem:$0x3F99] =	sst s1;
	(tag) =	ssettag s2;
	_ =	strace s9  }
0x27: {  	s1 =	sld [smem:$0x3FA9]  }
0x28: {  	s2 =	sld [smem:$0x3FAA]  }
0x29: {  	s4 =	sld [smem:$0x3FAC]  }
0x2a: {  	p0 =	seq.s32 s5, $0x0;
	s5 =	sld [smem:$0x3FAD]  }
0x2b: {  	s6 =	sld [smem:$0x3FAE]  }
0x2c: {  	s7 =	sld [smem:$0x3FAF]  }
0x2d: {  	s3 =	simm.s32 $0x108;
	s8 =	sld [smem:$0x3FB0]  }
0x2e: {  	s3 =	simm.s32 @!p0 $0x1082;
	s9 =	sld [smem:$0x3FB1]  }
0x2f: {  	lr =	sadd.s32 s0, s3;
	s0 =	sld [smem:$0x3FA8]  }
0x30: {  	s3 =	sld [smem:$0x3FAB]  }
0x31: {  	[smem:$0x3FB4] =	sst s10  }
0x32: {  	s10 =	sld [smem:$0x3FB2];
	_ =	sdelay $0x3  }
0x33: {  	p0 =	seq.s32 s10, $0x1;
	s10 =	sld [smem:$0x3FB4];
	_ =	sdelay $0x3  }
0x34: {  	[smem:$0x3FB4] =	sst s10  }
0x35: {  	s10 =	sld [smem:$0x3FB3];
	_ =	sdelay $0x3  }
0x36: {  	p1 =	seq.s32 s10, $0x1;
	s10 =	sld [smem:$0x3FB4];
	_ =	sdelay $0x3  }
0x37: {  	[smem:$0x3FB4] =	sst s10  }
0x38: {  	s10 =	sld [smem:$0x3FB5]  }
0x39: {  	_ = 	snop;
	(pc) =	sbr.ind lr, $3  }
0x3a: {  	_ = 	snop  }
0x3b: {  	_ = 	snop  }
0x3c: {  	p2 =	seq.s32 s10, $0x1;
	s10 =	sld [smem:$0x3FB4]  }
0x3d: {  	_ =	shalt  }
0x3e: {  	_ =	shalt  }
0x3f: {  	_ =	shalt  }
0x40: {  	_ =	shalt  }
0x41: {  	_ =	shalt  }
0x42: {  	_ =	shalt  }
0x43: {  	_ =	shalt  }
0x44: {  	_ =	shalt  }
0x45: {  	_ =	shalt  }
0x46: {  	_ =	shalt  }
0x47: {  	_ =	shalt  }
0x48: {  	_ =	shalt  }
0x49: {  	_ =	shalt  }
0x4a: {  	_ =	shalt  }
0x4b: {  	_ =	shalt  }
0x4c: {  	_ =	shalt  }
0x4d: {  	_ =	shalt  }
0x4e: {  	_ =	shalt  }
0x4f: {  	_ =	shalt  }
0x50: {  	_ =	shalt  }
0x51: {  	_ =	shalt  }
0x52: {  	_ =	shalt  }
0x53: {  	_ =	shalt  }
0x54: {  	_ =	shalt  }
0x55: {  	_ =	shalt  }
0x56: {  	_ =	shalt  }
0x57: {  	_ =	shalt  }
0x58: {  	_ =	shalt  }
0x59: {  	_ =	shalt  }
0x5a: {  	_ =	shalt  }
0x5b: {  	_ =	shalt  }
0x5c: {  	_ =	shalt  }
0x5d: {  	_ =	shalt  }
0x5e: {  	_ =	shalt  }
0x5f: {  	_ =	shalt  }
0x60: {  	_ =	shalt  }
0x61: {  	_ =	shalt  }
0x62: {  	_ =	shalt  }
0x63: {  	_ =	shalt  }
0x64: {  	_ =	shalt  }
0x65: {  	_ =	shalt  }
0x66: {  	_ =	shalt  }
0x67: {  	_ =	shalt  }
0x68: {  	_ =	shalt  }
0x69: {  	_ =	shalt  }
0x6a: {  	_ =	shalt  }
0x6b: {  	_ =	shalt  }
0x6c: {  	_ =	shalt  }
0x6d: {  	_ =	shalt  }
0x6e: {  	_ =	shalt  }
0x6f: {  	_ =	shalt  }
0x70: {  	_ =	shalt  }
0x71: {  	_ =	shalt  }
0x72: {  	_ =	shalt  }
0x73: {  	_ =	shalt  }
0x74: {  	_ =	shalt  }
0x75: {  	_ =	shalt  }
0x76: {  	_ =	shalt  }
0x77: {  	_ =	shalt  }
0x78: {  	_ =	shalt  }
0x79: {  	_ =	shalt  }
0x7a: {  	_ =	shalt  }
0x7b: {  	_ =	shalt  }
0x7c: {  	_ =	shalt  }
0x7d: {  	_ =	shalt  }
0x7e: {  	_ =	shalt  }
0x7f: {  	_ =	shalt  }
0x80: {  	_ =	shalt  }
0x81: {  	_ =	shalt  }
0x82: {  	_ =	shalt  }
0x83: {  	_ =	shalt  }
0x84: {  	_ =	shalt  }
0x85: {  	_ =	shalt  }
0x86: {  	_ =	shalt  }
0x87: {  	_ =	shalt  }
.Lfunc_end0:
.L_simem_size_0:
called_computation_lowered:
.L_overlay_start_0:
0x88: {  	s2 =	sld [smem:$0x3FD9]  }
0x89: {  	s3 =	sld [smem:$0x3FFE];
	_ =	sdelay $0x1  }
0x8a: {  	s1 =	srdreg.scid  }
0x8b: {  	s0 =	sand.u32 $0x1, s1  }
0x8c: {  	s17 =	sshll.u32 s0, $0xA;
	s2 =	sadd.s32 s3, s2  }
0x8d: {  	s2 =	sadd.s32 s2, s17  }
0x8e: {  	[smem:$0x3FC0] =	sst s2  }
0x8f: {  	_ = 	snop  }
0x90: {  	s2 =	sld [smem:$0x3FC9]  }
0x91: {  	s18 =	sld [smem:$0x3FD0];
	(tm) =	ssettm $0x1  }
0x92: {  	s4 =	sld [smem:$0x3FFB];
	_ =	sdelay $0x3  }
0x93: {  	_ =	strace s4  }
0x94: {  	s4 =	sld [smem:$0x3FFC];
	_ =	sdelay $0x3  }
0x95: {  	_ =	strace s4  }
0x96: {  	s4 =	sld [smem:$0x3FFD];
	_ =	sdelay $0x3  }
0x97: {  	_ =	strace s4  }
0x98: {  	_ =	strace $0x8FFFFFFF  }
0x99: {  	s19 =	sld [smem:$0x3FDB];
	_ =	sdelay $0x1  }
0x9a: {  	s5 =	simm.s32 $_scs_section_size  }
0x9b: {  	s6 =	simm.s32 $_size__tile_overlayer_lowered;
	s7 =	simm.s32 $_tile_overlayer_lowered  }
0x9c: {  	s22 =	simm.s32 $0x1BFF;
	s21 =	sshll.u32 s7, $0x1;
	s4 =	sadd.s32 s5, s19  }
0x9d: {  	s8 =	simm.s32 $0x0;
	s20 =	sshll.u32 s6, $0x1;
	s6 =	sadd.s32 s21, s4  }
0x9e: {  	[timem:s8], [sflag:s22] =	dma.local [hbm:s6], s20  }
0x9f: {  	_ =	swait.ge [sflag:s22], s20  }
0xa0: {  	s5 =	ssub.s32 $0x0, s20;
	[sflag:s22] =	ssyncset.done $0x0  }
0xa1: {  	[sflag:s22] =	ssyncadd.s32 s5;
	_ =	sdelay $0x1  }
0xa2: {  	s23 =	simm.s32 $0x1B8B  }
0xa3: {  	_ =	swait.ge [sflag:s23], $0x1  }
0xa4: {  	[sflag:s23] =	ssyncset.done $0x0  }
0xa5: {  	s25 =	simm.s32 $0x1B8E;
	s24 =	sld [smem:$0x3FFE];
	[sflag:s23] =	ssyncadd.s32 $0xFFFFFFFF  }
0xa6: {  	s26 =	simm.s32 $execute0_lowered;
	[smem:$0x3FD2] =	sst s25  }
0xa7: {  	s6 =	sshll.u32 s26, $0x1;
	_ =	strace $0x80000046;
	[dreg:$0x1] =	wrdreg $0xFFFFFFFF  }
0xa8: {  	s28 =	simm.s32 $_size_execute0_lowered;
	s4 =	sadd.s32 s4, s6;
	[dreg:$0x0] =	wrdreg $0x0  }
0xa9: {  	s6 =	sshll.u32 s28, $0x1;
	[dreg:$0x2] =	wrdreg s4  }
0xaa: {  	[dreg:$0x3] =	wrdreg s6  }
0xab: {  	[dreg:$0x4] =	wrdreg $0xC0  }
0xac: {  	_ =	task [dreg:s8], $0x5FFFF  }
0xad: {  	[dreg:$0x1] =	wrdreg $0xFFFFFFFF  }
0xae: {  	[dreg:$0x0] =	wrdreg $0x60  }
0xaf: {  	[dreg:$0x2] =	wrdreg s2  }
0xb0: {  	[dreg:$0x3] =	wrdreg s24  }
0xb1: {  	[dreg:$0x4] =	wrdreg s18  }
0xb2: {  	[dreg:$0x5] =	wrdreg $0x114400  }
0xb3: {  	[dreg:$0x6] =	wrdreg $0x1BA800  }
0xb4: {  	[dreg:$0x7] =	wrdreg $0x9  }
0xb5: {  	_ =	task.clear_ibuf [dreg:s8], $0x8FFFF;
	_ =	strace $0x90000046  }
0xb6: {  	s29 =	simm.s32 $0x9;
	_ =	strace $0x80000048  }
0xb7: {  	_ =	swait.ge [sflag:s29], $0x1  }
0xb8: {  	[sflag:s29] =	ssyncadd.s32 $0xFFFFFFFF  }
0xb9: {  	_ =	strace $0x90000048  }
0xba: {  	_ =	sfence  }
0xbb: {  	s30 =	sld [smem:$0x0];
	_ =	sdelay $0x2  }
0xbc: {  	s31 =	sshll.u32 s1, $0xD;
	s1 =	sshrl.u32 s1, $0x2  }
0xbd: {  	s3 =	sand.u32 $0x4000, s31;
	s1 =	sadd.s32 s1, s30  }
0xbe: {  	s0 =	sor.u32 s3, s0;
	s1 =	sshll.u32 s1, $0x11  }
0xbf: {  	s0 =	sor.u32 s1, s0  }
0xc0: {  	s0 =	sadd.s32 $0x8F2B, s0  }
0xc1: {  	[sflag:s0] =	ssyncadd.remote.s32 $0x1  }
0xc2: {  	_ =	sfence.sel $0xFFFF  }
0xc3: {  	[dreg:$0x0] =	wrdreg $0xFFFFFFFF;
	(pc) =	sbr.abs _section_cstart, $3  }
0xc4: {  	[dreg:$0x1] =	wrdreg $0xFFFFFFFF  }
0xc5: {  	_ =	task.clear_ibuf [dreg:s8], $0x2FFFF;
	_ =	strace $0x9FFFFFFF  }
0xc6: {  	(tm) =	ssettm $0x7FFFFFFF  }
0xc7: {  	_ =	shalt  }
tec
execute0_lowered:
.L_overlay_start_1:
0x0: {  	(tag) =	ssettag $0x1  }
0x1: {  	s4 =	stileid.u32  }
0x2: {  	s0 =	smul.u32 $0x1400, s4;
	s22 =	sor.u32 $0x10, s4  }
0x3: {  	s21 =	rddreg [dreg:$0x1];
	s17 =	sor.u32 $0x20, s4;
	s1 =	smul.u32 $0x1400, s22  }
0x4: {  	s3 =	srdreg.scid;
	s12 =	sor.u32 $0x30, s4;
	s2 =	smul.u32 $0x1400, s17  }
0x5: {  	s11 =	sor.u32 $0x40, s4;
	s9 =	sadd.s32 $0x16000, s21;
	s19 =	smul.u32 $0x1400, s12  }
0x6: {  	s26 =	sand.u32 $0x1, s3;
	s14 =	sor.u32 $0x50, s4;
	s5 =	smul.u32 $0x1400, s11  }
0x7: {  	s13 =	sor.u32 $0x60, s4;
	s10 =	sor.u32 $0x70, s4;
	s16 =	smul.u32 $0x9C400, s26  }
0x8: {  	s3 =	ssub.s32 $0x2, s26;
	s6 =	smul.u32 $0x1400, s14;
	[smem:$0x7DE] =	sst s0  }
0x9: {  	s28 =	smul.u32 $0x500, s14;
	s7 =	sshrl.u32 s3, $0x1;
	[smem:$0x7DF] =	sst s1  }
0xa: {  	[smem:$0x7E1] =	sst s19;
	s3 =	ssub.s32 s3, s7;
	s7 =	smul.u32 $0x1400, s13  }
0xb: {  	s8 =	sadd.s32 s0, s16;
	s18 =	sadd.s32 s16, s1;
	s20 =	sadd.s32 s16, s2  }
0xc: {  	s23 =	sadd.s32 s16, s19;
	s24 =	sadd.s32 s16, s5;
	s0 =	sadd.s32 s16, s6  }
0xd: {  	s19 =	smul.u32 $0x27100, s26;
	[smem:$0x7FC] =	sst s3;
	s15 =	sshrl.u32 s8, $0x3  }
0xe: {  	s8 =	smul.u32 $0x1400, s10;
	s3 =	sshrl.u32 s18, $0x3;
	s30 =	sshrl.u32 s24, $0x3  }
0xf: {  	s1 =	sadd.s32 s9, s15;
	s18 =	sadd.s32 s9, s3;
	s3 =	smov.u32 s2  }
0x10: {  	s15 =	sshrl.u32 s20, $0x3;
	s31 =	sadd.s32 s9, s30;
	[dreg:$0x6] =	wrdreg s1  }
0x11: {  	s20 =	sadd.s32 s16, s7;
	[dreg:$0x7] =	wrdreg s18;
	s18 =	sshrl.u32 s23, $0x3  }
0x12: {  	s25 =	sadd.s32 s9, s15;
	[dreg:$0xa] =	wrdreg s31;
	s15 =	smul.u32 $0x500, s4  }
0x13: {  	s23 =	sshrl.u32 s20, $0x3;
	s16 =	sadd.s32 s16, s8;
	s31 =	rddreg [dreg:$0x2]  }
0x14: {  	s20 =	smul.u32 $0x500, s22;
	[dreg:$0x8] =	wrdreg s25;
	s29 =	sadd.s32 s9, s18  }
0x15: {  	s18 =	sshrl.u32 s0, $0x3;
	s2 =	sadd.s32 s9, s23;
	[dreg:$0x9] =	wrdreg s29  }
0x16: {  	s16 =	sshrl.u32 s16, $0x3;
	s1 =	sadd.s32 s9, s18;
	[dreg:$0xc] =	wrdreg s2  }
0x17: {  	s18 =	sadd.s32 s9, s16;
	s23 =	sadd.s32 s15, s19;
	[dreg:$0xb] =	wrdreg s1  }
0x18: {  	s24 =	sadd.s32 s19, s20;
	s9 =	simm.s32 $0x0;
	[dreg:$0xd] =	wrdreg s18  }
0x19: {  	s25 =	sshrl.u32 s23, $0x3;
	s16 =	sshrl.u32 s24, $0x3;
	s23 =	smul.u32 $0x500, s17  }
0x1a: {  	s24 =	smul.u32 $0x500, s12;
	[smem:$0x7FF] =	sst s9;
	s29 =	sadd.s32 s31, s25  }
0x1b: {  	s30 =	sadd.s32 s31, s16;
	s25 =	smul.u32 $0x500, s11;
	[dreg:$0xe] =	wrdreg s29  }
0x1c: {  	[dreg:$0xf] =	wrdreg s30;
	s1 =	sadd.s32 s19, s23;
	s2 =	sadd.s32 s19, s24  }
0x1d: {  	s16 =	sshrl.u32 s1, $0x3;
	s18 =	sshrl.u32 s2, $0x3;
	s1 =	sadd.s32 s19, s25  }
0x1e: {  	s29 =	sadd.s32 s31, s16;
	s30 =	sadd.s32 s31, s18;
	s18 =	rddreg [dreg:$0x3]  }
0x1f: {  	s2 =	sadd.s32 s19, s28;
	s16 =	sshrl.u32 s1, $0x3;
	[dreg:$0x10] =	wrdreg s29  }
0x20: {  	[dreg:$0x11] =	wrdreg s30;
	s29 =	smul.u32 $0x500, s13;
	s30 =	sadd.s32 s31, s16  }
0x21: {  	s0 =	sshrl.u32 s2, $0x3;
	[dreg:$0x12] =	wrdreg s30;
	s30 =	smul.u32 $0x500, s10  }
0x22: {  	s1 =	sadd.s32 s31, s0;
	s16 =	rddreg [dreg:$0x0];
	s2 =	sadd.s32 s19, s29  }
0x23: {  	[dreg:$0x13] =	wrdreg s1;
	s2 =	sshrl.u32 s2, $0x3;
	s19 =	sadd.s32 s19, s30  }
0x24: {  	s0 =	sshrl.u32 s19, $0x3;
	s19 =	rddreg [dreg:$0x4];
	s2 =	sadd.s32 s31, s2  }
0x25: {  	[dreg:$0x14] =	wrdreg s2;
	s0 =	sadd.s32 s31, s0  }
0x26: {  	s1 =	smul.u32 $0x9C4, s4;
	s31 =	sadd.s32 $0x15800, s21;
	[dreg:$0x15] =	wrdreg s0  }
0x27: {  	s30 =	sadd.s32 s30, s19;
	_ =	strace $0x80000047;
	[dreg:$0x16] =	wrdreg s31  }
0x28: {  	s31 =	sadd.s32 $0x15E00, s21;
	[smem:$0x7FB] =	sst s30  }
0x29: {  	s0 =	sadd.s32 s1, s21;
	s21 =	sadd.s32 $0x15C00, s21;
	[dreg:$0x17] =	wrdreg s31  }
0x2a: {  	[dreg:$0x18] =	wrdreg s21  }
0x2b: {  	p0 =	sgt.u32 s4, $0xC;
	s1 =	smul.u32 $0x5000, s4;
	s21 =	sld [smem:$0x7DE]  }
0x2c: {  	s2 =	smul.u32 $0x5000, s22;
	s31 =	sadd.s32 $0xBA00, s0;
	s22 =	sld [smem:$0x7DF]  }
0x2d: {  	s1 =	sshrl.u32 s1, $0x2;
	s0 =	sadd.s32 $0x1C00, s0;
	[dreg:$0x19] =	wrdreg s31  }
0x2e: {  	s14 =	smul.u32 $0x5000, s14;
	[dreg:$0x1a] =	wrdreg s0;
	s1 =	sadd.s32 s1, s18  }
0x2f: {  	s12 =	smul.u32 $0x5000, s12;
	s0 =	sshrl.u32 s2, $0x2;
	[dreg:$0x1b] =	wrdreg s1  }
0x30: {  	s1 =	smul.u32 $0x5000, s17;
	s0 =	sadd.s32 s0, s18;
	s17 =	sshrl.u32 s21, $0x2  }
0x31: {  	s31 =	sshrl.u32 s22, $0x2;
	[dreg:$0x1d] =	wrdreg s0;
	s2 =	sadd.s32 s17, s19  }
0x32: {  	s13 =	smul.u32 $0x5000, s13;
	s31 =	sadd.s32 s31, s19;
	[dreg:$0x1c] =	wrdreg s2  }
0x33: {  	s17 =	sshrl.u32 s3, $0x2;
	[dreg:$0x1e] =	wrdreg s31;
	s2 =	sshrl.u32 s1, $0x2  }
0x34: {  	s31 =	sadd.s32 s17, s19;
	s1 =	sshrl.u32 s12, $0x2;
	s12 =	sld [smem:$0x7E1]  }
0x35: {  	s10 =	smul.u32 $0x5000, s10;
	s0 =	sadd.s32 s2, s18;
	[smem:$0x7E0] =	sst s31  }
0x36: {  	s2 =	smul.u32 $0x5000, s11;
	s1 =	sadd.s32 s1, s18;
	[dreg:$0x1f] =	wrdreg s0  }
0x37: {  	s4 =	simm.s32 $0x50;
	[smem:$0x7E2] =	sst s1;
	s17 =	sshrl.u32 s12, $0x2  }
0x38: {  	s0 =	sshrl.u32 s2, $0x2;
	s2 =	sshrl.u32 s14, $0x2;
	s31 =	sadd.s32 s17, s19  }
0x39: {  	s14 =	sshrl.u32 s5, $0x2;
	s0 =	sadd.s32 s0, s18;
	[smem:$0x7E3] =	sst s31  }
0x3a: {  	s11 =	sshrl.u32 s6, $0x2;
	s17 =	sadd.s32 s14, s19;
	[smem:$0x7E4] =	sst s0  }
0x3b: {  	s14 =	sshrl.u32 s10, $0x2;
	s10 =	sadd.s32 s22, s18;
	[smem:$0x7E5] =	sst s17  }
0x3c: {  	s1 =	sshrl.u32 s13, $0x2;
	s22 =	sadd.s32 s6, s18;
	[smem:$0x7EE] =	sst s10  }
0x3d: {  	s13 =	sshrl.u32 s7, $0x2;
	s31 =	sadd.s32 s2, s18;
	[smem:$0x7F6] =	sst s22  }
0x3e: {  	s6 =	simm.s32 $0xB040;
	s2 =	sadd.s32 s11, s19;
	[smem:$0x7E6] =	sst s31  }
0x3f: {  	s0 =	sadd.s32 s1, s18;
	s17 =	sshrl.u32 s8, $0x2;
	[smem:$0x7E7] =	sst s2  }
0x40: {  	s1 =	sadd.s32 s21, s18;
	s11 =	sadd.s32 s20, s19;
	[smem:$0x7E8] =	sst s0  }
0x41: {  	s20 =	sadd.s32 s5, s18;
	s21 =	sadd.s32 s25, s19;
	[smem:$0x7EC] =	sst s1  }
0x42: {  	s25 =	sadd.s32 s29, s19;
	s29 =	sadd.s32 s8, s18;
	[smem:$0x7EF] =	sst s11  }
0x43: {  	s5 =	simm.s32 $0x9C40;
	s8 =	simm.s32 $0xD840;
	[smem:$0x7F4] =	sst s20  }
0x44: {  	s10 =	simm.s32 $0xEC40;
	s22 =	simm.s32 $0x6;
	[smem:$0x7F5] =	sst s21  }
0x45: {  	s0 =	sadd.s32 s13, s19;
	s31 =	sadd.s32 s17, s19;
	[smem:$0x7F9] =	sst s25  }
0x46: {  	s2 =	sadd.s32 s15, s19;
	s13 =	sadd.s32 s3, s18;
	[smem:$0x7FA] =	sst s29  }
0x47: {  	s15 =	sadd.s32 s12, s18;
	s17 =	sadd.s32 s24, s19;
	[smem:$0x7E9] =	sst s0  }
0x48: {  	s24 =	sadd.s32 s7, s18;
	s3 =	simm.s32 $0xC;
	[smem:$0x7EB] =	sst s31  }
0x49: {  	s7 =	simm.s32 $0xC440;
	s11 =	simm.s32 $0x10040;
	[smem:$0x7ED] =	sst s2  }
0x4a: {  	s12 =	simm.s32 $0x1B580;
	s20 =	simm.s32 $0x4;
	[smem:$0x7F0] =	sst s13  }
0x4b: {  	s21 =	simm.s32 $0x5;
	s25 =	simm.s32 $0x9;
	[smem:$0x7F2] =	sst s15  }
0x4c: {  	s0 =	sadd.s32 s14, s18;
	s14 =	sadd.s32 s23, s19;
	[smem:$0x7F3] =	sst s17  }
0x4d: {  	s23 =	sadd.s32 s28, s19;
	[smem:$0x7F8] =	sst s24;
	s17 =	smul.u32 $0x7D, s26  }
.Ltmp0:
0x4e: {  	s31 =	sld [smem:$0x7FC];
	s13 =	simm.s32 $0x1;
	(pc) =	sbr.rel .LBB2_1-.Ltmp0, $4  }
0x4f: {  	s15 =	simm.s32 $0x3;
	s24 =	simm.s32 $0x8;
	[smem:$0x7EA] =	sst s0  }
0x50: {  	v0 =	vmov s26;
	s26 =	simm.s32 $0xA;
	s28 =	simm.s32 $0x0;
	[smem:$0x7F1] =	sst s14  }
0x51: {  	[smem:$0x7F7] =	sst s23;
	s14 =	simm.s32 $0x2;
	s0 =	smax.u32 s31, $0x1  }
0x52: {  	s23 =	simm.s32 $0x7;
	s2 =	sadd.s32 $0x7D, s17;
	[smem:$0x7FD] =	sst s0  }
.LBB2_6:
0x53: {  	_ =	swait.ge [sflag:s23], $0x1400  }
0x54: {  	[sflag:s23] =	ssyncset.done $0x0  }
0x55: {  	[sflag:s23] =	ssyncadd.s32 $0xFFFFEC00  }
0x56: {  	_ =	swait.ge [sflag:s24], $0x1400  }
0x57: {  	[sflag:s24] =	ssyncset.done $0x0  }
0x58: {  	[sflag:s24] =	ssyncadd.s32 $0xFFFFEC00  }
0x59: {  	_ =	swait.ge [sflag:s25], $0x1400  }
0x5a: {  	[sflag:s25] =	ssyncset.done $0x0  }
0x5b: {  	[sflag:s25] =	ssyncadd.s32 $0xFFFFEC00  }
0x5c: {  	_ =	swait.ge [sflag:s26], $0x1400  }
0x5d: {  	[sflag:s26] =	ssyncset.done $0x0  }
0x5e: {  	s0 =	simm.s32 $0xB;
	[sflag:s26] =	ssyncadd.s32 $0xFFFFEC00  }
0x5f: {  	_ =	swait.ge [sflag:s0], $0x500  }
0x60: {  	[sflag:s0] =	ssyncset.done $0x0  }
0x61: {  	[sflag:s0] =	ssyncadd.s32 $0xFFFFFB00  }
0x62: {  	[bflag:$0x0] =	sbarrier.arrive $0xFFFF  }
0x63: {  	s31 =	sld [smem:$0x7EC];
	_ =	sdelay $0x2  }
0x64: {  	[tilespmem:s11], [sflag:$0xC] =	stream.linear.gather [spmem:s31], $0x1400, $0x38;
	[tilespmem:$0x1E190] =	vst v63  }
0x65: {  	_ =	swait.ge [sflag:s3], $0x1400  }
0x66: {  	[sflag:s3] =	ssyncset.done $0x0  }
0x67: {  	s1 =	rddreg [dreg:$0x6];
	[sflag:s3] =	ssyncadd.s32 $0xFFFFEC00  }
0x68: {  	[hbm4b:s1+s9] =	stream.linear.scatter [tilespmem:s11], [sflag:$0xC], $0x1400, $0x38;
	[tilespmem:$0x1E190] =	vst v63  }
0x69: {  	_ =	swait.ge [sflag:s3], $0x1400  }
0x6a: {  	s29 =	sld [smem:$0x7ED]  }
0x6b: {  	[sflag:s3] =	ssyncset.done $0x0  }
0x6c: {  	[sflag:s3] =	ssyncadd.s32 $0xFFFFEC00  }
0x6d: {  	[tilespmem:s12], [sflag:$0xC] =	stream.linear.gather [spmem:s29], $0x500, $0x38;
	[tilespmem:$0x1E190] =	vst v63  }
0x6e: {  	_ =	swait.ge [sflag:s3], $0x500  }
0x6f: {  	[sflag:s3] =	ssyncset.done $0x0  }
0x70: {  	s30 =	rddreg [dreg:$0xe];
	[sflag:s3] =	ssyncadd.s32 $0xFFFFFB00  }
0x71: {  	[hbm4b:s30+s9] =	stream.linear.scatter [tilespmem:s12], [sflag:$0xC], $0x500, $0x38;
	[tilespmem:$0x1E190] =	vst v63  }
0x72: {  	_ =	swait.ge [sflag:s3], $0x500  }
0x73: {  	s31 =	sld [smem:$0x7EE]  }
0x74: {  	[sflag:s3] =	ssyncset.done $0x0  }
0x75: {  	[sflag:s3] =	ssyncadd.s32 $0xFFFFFB00  }
0x76: {  	[tilespmem:s11], [sflag:$0xC] =	stream.linear.gather [spmem:s31], $0x1400, $0x38;
	[tilespmem:$0x1E190] =	vst v63  }
0x77: {  	_ =	swait.ge [sflag:s3], $0x1400  }
0x78: {  	[sflag:s3] =	ssyncset.done $0x0  }
0x79: {  	s1 =	rddreg [dreg:$0x7];
	[sflag:s3] =	ssyncadd.s32 $0xFFFFEC00  }
0x7a: {  	[hbm4b:s1+s9] =	stream.linear.scatter [tilespmem:s11], [sflag:$0xC], $0x1400, $0x38;
	[tilespmem:$0x1E190] =	vst v63  }
0x7b: {  	_ =	swait.ge [sflag:s3], $0x1400  }
0x7c: {  	s29 =	sld [smem:$0x7EF]  }
0x7d: {  	[sflag:s3] =	ssyncset.done $0x0  }
0x7e: {  	[sflag:s3] =	ssyncadd.s32 $0xFFFFEC00  }
0x7f: {  	[tilespmem:s12], [sflag:$0xC] =	stream.linear.gather [spmem:s29], $0x500, $0x38;
	[tilespmem:$0x1E190] =	vst v63  }
0x80: {  	_ =	swait.ge [sflag:s3], $0x500  }
0x81: {  	[sflag:s3] =	ssyncset.done $0x0  }
0x82: {  	s30 =	rddreg [dreg:$0xf];
	[sflag:s3] =	ssyncadd.s32 $0xFFFFFB00  }
0x83: {  	[hbm4b:s30+s9] =	stream.linear.scatter [tilespmem:s12], [sflag:$0xC], $0x500, $0x38;
	[tilespmem:$0x1E190] =	vst v63  }
0x84: {  	_ =	swait.ge [sflag:s3], $0x500  }
0x85: {  	s31 =	sld [smem:$0x7F0]  }
0x86: {  	[sflag:s3] =	ssyncset.done $0x0  }
0x87: {  	[sflag:s3] =	ssyncadd.s32 $0xFFFFFB00  }
0x88: {  	[tilespmem:s11], [sflag:$0xC] =	stream.linear.gather [spmem:s31], $0x1400, $0x38;
	[tilespmem:$0x1E190] =	vst v63  }
0x89: {  	_ =	swait.ge [sflag:s3], $0x1400  }
0x8a: {  	[sflag:s3] =	ssyncset.done $0x0  }
0x8b: {  	s1 =	rddreg [dreg:$0x8];
	[sflag:s3] =	ssyncadd.s32 $0xFFFFEC00  }
0x8c: {  	[hbm4b:s1+s9] =	stream.linear.scatter [tilespmem:s11], [sflag:$0xC], $0x1400, $0x38;
	[tilespmem:$0x1E190] =	vst v63  }
0x8d: {  	_ =	swait.ge [sflag:s3], $0x1400  }
0x8e: {  	s29 =	sld [smem:$0x7F1]  }
0x8f: {  	[sflag:s3] =	ssyncset.done $0x0  }
0x90: {  	[sflag:s3] =	ssyncadd.s32 $0xFFFFEC00  }
0x91: {  	[tilespmem:s12], [sflag:$0xC] =	stream.linear.gather [spmem:s29], $0x500, $0x38;
	[tilespmem:$0x1E190] =	vst v63  }
0x92: {  	_ =	swait.ge [sflag:s3], $0x500  }
0x93: {  	[sflag:s3] =	ssyncset.done $0x0  }
0x94: {  	s30 =	rddreg [dreg:$0x10];
	[sflag:s3] =	ssyncadd.s32 $0xFFFFFB00  }
0x95: {  	[hbm4b:s30+s9] =	stream.linear.scatter [tilespmem:s12], [sflag:$0xC], $0x500, $0x38;
	[tilespmem:$0x1E190] =	vst v63  }
0x96: {  	_ =	swait.ge [sflag:s3], $0x500  }
0x97: {  	s31 =	sld [smem:$0x7F2]  }
0x98: {  	[sflag:s3] =	ssyncset.done $0x0  }
0x99: {  	[sflag:s3] =	ssyncadd.s32 $0xFFFFFB00  }
0x9a: {  	[tilespmem:s11], [sflag:$0xC] =	stream.linear.gather [spmem:s31], $0x1400, $0x38;
	[tilespmem:$0x1E190] =	vst v63  }
0x9b: {  	_ =	swait.ge [sflag:s3], $0x1400  }
0x9c: {  	[sflag:s3] =	ssyncset.done $0x0  }
0x9d: {  	s1 =	rddreg [dreg:$0x9];
	[sflag:s3] =	ssyncadd.s32 $0xFFFFEC00  }
0x9e: {  	[hbm4b:s1+s9] =	stream.linear.scatter [tilespmem:s11], [sflag:$0xC], $0x1400, $0x38;
	[tilespmem:$0x1E190] =	vst v63  }
0x9f: {  	_ =	swait.ge [sflag:s3], $0x1400  }
0xa0: {  	s29 =	sld [smem:$0x7F3]  }
0xa1: {  	[sflag:s3] =	ssyncset.done $0x0  }
0xa2: {  	[sflag:s3] =	ssyncadd.s32 $0xFFFFEC00  }
0xa3: {  	[tilespmem:s12], [sflag:$0xC] =	stream.linear.gather [spmem:s29], $0x500, $0x38;
	[tilespmem:$0x1E190] =	vst v63  }
0xa4: {  	_ =	swait.ge [sflag:s3], $0x500  }
0xa5: {  	[sflag:s3] =	ssyncset.done $0x0  }
0xa6: {  	s30 =	rddreg [dreg:$0x11];
	[sflag:s3] =	ssyncadd.s32 $0xFFFFFB00  }
0xa7: {  	[hbm4b:s30+s9] =	stream.linear.scatter [tilespmem:s12], [sflag:$0xC], $0x500, $0x38;
	[tilespmem:$0x1E190] =	vst v63  }
0xa8: {  	_ =	swait.ge [sflag:s3], $0x500  }
0xa9: {  	s31 =	sld [smem:$0x7F4]  }
0xaa: {  	[sflag:s3] =	ssyncset.done $0x0  }
0xab: {  	[sflag:s3] =	ssyncadd.s32 $0xFFFFFB00  }
0xac: {  	[tilespmem:s11], [sflag:$0xC] =	stream.linear.gather [spmem:s31], $0x1400, $0x38;
	[tilespmem:$0x1E190] =	vst v63  }
0xad: {  	_ =	swait.ge [sflag:s3], $0x1400  }
0xae: {  	[sflag:s3] =	ssyncset.done $0x0  }
0xaf: {  	s1 =	rddreg [dreg:$0xa];
	[sflag:s3] =	ssyncadd.s32 $0xFFFFEC00  }
0xb0: {  	[hbm4b:s1+s9] =	stream.linear.scatter [tilespmem:s11], [sflag:$0xC], $0x1400, $0x38;
	[tilespmem:$0x1E190] =	vst v63  }
0xb1: {  	_ =	swait.ge [sflag:s3], $0x1400  }
0xb2: {  	s29 =	sld [smem:$0x7F5]  }
0xb3: {  	[sflag:s3] =	ssyncset.done $0x0  }
0xb4: {  	[sflag:s3] =	ssyncadd.s32 $0xFFFFEC00  }
0xb5: {  	[tilespmem:s12], [sflag:$0xC] =	stream.linear.gather [spmem:s29], $0x500, $0x38;
	[tilespmem:$0x1E190] =	vst v63  }
0xb6: {  	_ =	swait.ge [sflag:s3], $0x500  }
0xb7: {  	[sflag:s3] =	ssyncset.done $0x0  }
0xb8: {  	s30 =	rddreg [dreg:$0x12];
	[sflag:s3] =	ssyncadd.s32 $0xFFFFFB00  }
0xb9: {  	[hbm4b:s30+s9] =	stream.linear.scatter [tilespmem:s12], [sflag:$0xC], $0x500, $0x38;
	[tilespmem:$0x1E190] =	vst v63  }
0xba: {  	_ =	swait.ge [sflag:s3], $0x500  }
0xbb: {  	s31 =	sld [smem:$0x7F6]  }
0xbc: {  	[sflag:s3] =	ssyncset.done $0x0  }
0xbd: {  	[sflag:s3] =	ssyncadd.s32 $0xFFFFFB00  }
0xbe: {  	[tilespmem:s11], [sflag:$0xC] =	stream.linear.gather [spmem:s31], $0x1400, $0x38;
	[tilespmem:$0x1E190] =	vst v63  }
0xbf: {  	_ =	swait.ge [sflag:s3], $0x1400  }
0xc0: {  	[sflag:s3] =	ssyncset.done $0x0  }
0xc1: {  	s1 =	rddreg [dreg:$0xb];
	[sflag:s3] =	ssyncadd.s32 $0xFFFFEC00  }
0xc2: {  	[hbm4b:s1+s9] =	stream.linear.scatter [tilespmem:s11], [sflag:$0xC], $0x1400, $0x38;
	[tilespmem:$0x1E190] =	vst v63  }
0xc3: {  	_ =	swait.ge [sflag:s3], $0x1400  }
0xc4: {  	s29 =	sld [smem:$0x7F7]  }
0xc5: {  	[sflag:s3] =	ssyncset.done $0x0  }
0xc6: {  	[sflag:s3] =	ssyncadd.s32 $0xFFFFEC00  }
0xc7: {  	[tilespmem:s12], [sflag:$0xC] =	stream.linear.gather [spmem:s29], $0x500, $0x38;
	[tilespmem:$0x1E190] =	vst v63  }
0xc8: {  	_ =	swait.ge [sflag:s3], $0x500  }
0xc9: {  	[sflag:s3] =	ssyncset.done $0x0  }
0xca: {  	s30 =	rddreg [dreg:$0x13];
	[sflag:s3] =	ssyncadd.s32 $0xFFFFFB00  }
0xcb: {  	[hbm4b:s30+s9] =	stream.linear.scatter [tilespmem:s12], [sflag:$0xC], $0x500, $0x38;
	[tilespmem:$0x1E190] =	vst v63  }
0xcc: {  	_ =	swait.ge [sflag:s3], $0x500  }
0xcd: {  	s31 =	sld [smem:$0x7F8]  }
0xce: {  	[sflag:s3] =	ssyncset.done $0x0  }
0xcf: {  	[sflag:s3] =	ssyncadd.s32 $0xFFFFFB00  }
0xd0: {  	[tilespmem:s11], [sflag:$0xC] =	stream.linear.gather [spmem:s31], $0x1400, $0x38;
	[tilespmem:$0x1E190] =	vst v63  }
0xd1: {  	_ =	swait.ge [sflag:s3], $0x1400  }
0xd2: {  	[sflag:s3] =	ssyncset.done $0x0  }
0xd3: {  	s1 =	rddreg [dreg:$0xc];
	[sflag:s3] =	ssyncadd.s32 $0xFFFFEC00  }
0xd4: {  	[hbm4b:s1+s9] =	stream.linear.scatter [tilespmem:s11], [sflag:$0xC], $0x1400, $0x38;
	[tilespmem:$0x1E190] =	vst v63  }
0xd5: {  	_ =	swait.ge [sflag:s3], $0x1400  }
0xd6: {  	s29 =	sld [smem:$0x7F9]  }
0xd7: {  	[sflag:s3] =	ssyncset.done $0x0  }
0xd8: {  	[sflag:s3] =	ssyncadd.s32 $0xFFFFEC00  }
0xd9: {  	[tilespmem:s12], [sflag:$0xC] =	stream.linear.gather [spmem:s29], $0x500, $0x38;
	[tilespmem:$0x1E190] =	vst v63  }
0xda: {  	_ =	swait.ge [sflag:s3], $0x500  }
0xdb: {  	[sflag:s3] =	ssyncset.done $0x0  }
0xdc: {  	s30 =	rddreg [dreg:$0x14];
	[sflag:s3] =	ssyncadd.s32 $0xFFFFFB00  }
0xdd: {  	[hbm4b:s30+s9] =	stream.linear.scatter [tilespmem:s12], [sflag:$0xC], $0x500, $0x38;
	[tilespmem:$0x1E190] =	vst v63  }
0xde: {  	_ =	swait.ge [sflag:s3], $0x500  }
0xdf: {  	s1 =	sld [smem:$0x7FA]  }
0xe0: {  	[sflag:s3] =	ssyncset.done $0x0  }
0xe1: {  	s0 =	simm.s32 @!p0 $0x10040;
	[sflag:s3] =	ssyncadd.s32 $0xFFFFFB00  }
0xe2: {  	[tilespmem:s0], [sflag:$0xC] =	stream.linear.gather @!p0 [spmem:s1], $0x1400, $0x38;
	[tilespmem:$0x1E190] =	vst v63  }
0xe3: {  	s1 =	simm.s32 @!p0 $0xC  }
0xe4: {  	_ =	swait.ge @!p0 [sflag:s1], $0x1400  }
0xe5: {  	[sflag:s1] =	ssyncset.done @!p0 $0x0  }
0xe6: {  	s28 =	simm.s32 @!p0 $0x0;
	s29 =	rddreg [dreg:$0xd];
	[sflag:s1] =	ssyncadd.s32 @!p0 $0xFFFFEC00  }
0xe7: {  	[hbm4b:s29+s28] =	stream.linear.scatter @!p0 [tilespmem:s0], [sflag:$0xC], $0x1400, $0x38;
	[tilespmem:$0x1E190] =	vst v63  }
0xe8: {  	_ =	swait.ge @!p0 [sflag:s1], $0x1400  }
0xe9: {  	s29 =	sld [smem:$0x7FB]  }
0xea: {  	[sflag:s1] =	ssyncset.done @!p0 $0x0  }
0xeb: {  	s0 =	simm.s32 @!p0 $0x1B580;
	[sflag:s1] =	ssyncadd.s32 @!p0 $0xFFFFEC00  }
0xec: {  	[tilespmem:s0], [sflag:$0xC] =	stream.linear.gather @!p0 [spmem:s29], $0x500, $0x38;
	[tilespmem:$0x1E190] =	vst v63  }
0xed: {  	_ =	swait.ge @!p0 [sflag:s1], $0x500  }
0xee: {  	[sflag:s1] =	ssyncset.done @!p0 $0x0  }
0xef: {  	s29 =	rddreg [dreg:$0x15];
	[sflag:s1] =	ssyncadd.s32 @!p0 $0xFFFFFB00  }
0xf0: {  	[hbm4b:s29+s28] =	stream.linear.scatter @!p0 [tilespmem:s0], [sflag:$0xC], $0x500, $0x38;
	[tilespmem:$0x1E190] =	vst v63  }
0xf1: {  	_ =	swait.ge @!p0 [sflag:s1], $0x500  }
0xf2: {  	s28 =	sld [smem:$0x7DD]  }
0xf3: {  	s31 =	sld [smem:$0x7FD];
	_ =	sdelay $0x1  }
0xf4: {  	s28 =	sadd.s32 $0x1, s28  }
0xf5: {  	p1 =	sne.s32 s28, s31  }
.Ltmp1:
0xf6: {  	_ = 	snop;
	(pc) =	sbr.rel @!p1 .LBB2_7-.Ltmp1, $3  }
0xf7: {  	_ =	sdelay $0x1  }
0xf8: {  	[sflag:s1] =	ssyncset.done @!p0 $0x0  }
0xf9: {  	[sflag:s1] =	ssyncadd.s32 @!p0 $0xFFFFFB00  }
.LBB2_1:
0xfa: {  	[smem:$0x7DD] =	sst s28  }
0xfb: {  	s0 =	rddreg [dreg:$0x19]  }
0xfc: {  	[tilespmem:s9], [sflag:$0xC] =	stream.linear.gather [hbm4b:s0+s9], $0x4E20, $0x38;
	[tilespmem:$0x1E190] =	vst v63  }
0xfd: {  	_ =	swait.ge [sflag:s3], $0x4E20  }
0xfe: {  	[sflag:s3] =	ssyncset.done $0x0  }
0xff: {  	s0 =	simm.s32 $0x0;
	[sflag:s3] =	ssyncadd.s32 $0xFFFFB1E0  }
0x100: {  	v3 =	vld [tilespmem:s0+$0x0]  }
0x101: {  	v4 =	vld [tilespmem:s0+$0x10]  }
0x102: {  	v2 =	vld [tilespmem:s0+$0x20]  }
0x103: {  	s30 =	simm.s32 $0x140;
	v1 =	vld [tilespmem:s0+$0x30]  }
.LBB2_2:
0x104: {  	p1 =	sne.s32 s30, $0x13740;
	v5 =	vld [tilespmem:s0+$0x40]  }
0x105: {  	v3 =	vshll.u32 v3, $0x1  }
0x106: {  	v3 =	vor.u32 v0, v3;
	v4 =	vshll.u32 v4, $0x1  }
.Ltmp2:
0x107: {  	s31 =	sshra.s32 s30, $0x2;
	[tilespmem:s0+$0x0] =	vst v3;
	v4 =	vor.u32 v0, v4;
	v2 =	vshll.u32 v2, $0x1;
	(pc) =	sbr.rel @p1 .LBB2_2-.Ltmp2, $4  }
0x108: {  	v3 =	vld [tilespmem:s31+$0x0];
	[tilespmem:s0+$0x10] =	vst v4;
	v2 =	vor.u32 v0, v2;
	v1 =	vshll.u32 v1, $0x1  }
0x109: {  	v4 =	vld [tilespmem:s31+$0x10];
	[tilespmem:s0+$0x20] =	vst v2;
	v1 =	vor.u32 v0, v1;
	v5 =	vshll.u32 v5, $0x1  }
0x10a: {  	v2 =	vld [tilespmem:s31+$0x20];
	[tilespmem:s0+$0x30] =	vst v1;
	v5 =	vor.u32 v0, v5  }
0x10b: {  	s30 =	sadd.s32 $0x140, s30;
	v1 =	vld [tilespmem:s31+$0x30];
	[tilespmem:s0+$0x40] =	vst v5;
	s0 =	smov.u32 s31  }
0x10c: {  	v5 =	vld [tilespmem:s0+$0x40]  }
0x10d: {  	v3 =	vshll.u32 v3, $0x1  }
0x10e: {  	v3 =	vor.u32 v0, v3;
	v4 =	vshll.u32 v4, $0x1  }
0x10f: {  	[tilespmem:s0+$0x0] =	vst v3;
	v3 =	vor.u32 v0, v4;
	v2 =	vshll.u32 v2, $0x1  }
0x110: {  	[tilespmem:s0+$0x10] =	vst v3;
	v2 =	vor.u32 v0, v2;
	v1 =	vshll.u32 v1, $0x1  }
0x111: {  	[tilespmem:s0+$0x20] =	vst v2;
	v1 =	vor.u32 v0, v1;
	v2 =	vshll.u32 v5, $0x1  }
0x112: {  	[tilespmem:s0+$0x30] =	vst v1;
	v1 =	vor.u32 v0, v2  }
0x113: {  	[tilespmem:s0+$0x40] =	vst v1  }
0x114: {  	[tilespmem:s5], [sflag:$0x1] =	stream.indirect.gather [hbm4b:s16+s4], $0x40, s9, s4, $0xb8;
	[tilespmem:$0x1E190] =	vst v63  }
0x115: {  	_ = 	snop  }
0x116: {  	[tilespmem:s6], [sflag:$0x2] =	stream.indirect.gather [hbm4b:s16+s4], $0x40, s4, s4, $0xb8;
	[tilespmem:$0x1E190] =	vst v63  }
0x117: {  	s29 =	simm.s32 $0xA0  }
0x118: {  	[tilespmem:s7], [sflag:$0x3] =	stream.indirect.gather [hbm4b:s16+s4], $0x40, s29, s4, $0xb8;
	[tilespmem:$0x1E190] =	vst v63  }
0x119: {  	s1 =	simm.s32 $0xF0  }
0x11a: {  	[tilespmem:s8], [sflag:$0x4] =	stream.indirect.gather [hbm4b:s16+s4], $0x40, s1, s4, $0xb8;
	[tilespmem:$0x1E190] =	vst v63  }
0x11b: {  	s28 =	simm.s32 $0x140  }
0x11c: {  	[tilespmem:s10], [sflag:$0x5] =	stream.indirect.gather [hbm4b:s16+s4], $0x40, s28, s4, $0xb8;
	[tilespmem:$0x1E190] =	vst v63  }
0x11d: {  	s29 =	rddreg [dreg:$0x1a];
	s1 =	simm.s32 $0x4E20  }
0x11e: {  	[tilespmem:s1], [sflag:$0xC] =	stream.linear.gather [hbm4b:s29+s9], $0x4E20, $0x38;
	[tilespmem:$0x1E190] =	vst v63  }
0x11f: {  	_ =	swait.ge [sflag:s3], $0x4E20  }
0x120: {  	[sflag:s3] =	ssyncset.done $0x0  }
0x121: {  	s1 =	rddreg [dreg:$0x16];
	[sflag:s3] =	ssyncadd.s32 $0xFFFFB1E0  }
0x122: {  	[tilespmem:s11], [sflag:$0xC] =	stream.linear.gather [hbm4b:s1+s9], $0x1400, $0x38;
	[tilespmem:$0x1E190] =	vst v63  }
0x123: {  	_ =	swait.ge [sflag:s3], $0x1400  }
0x124: {  	[sflag:s3] =	ssyncset.done $0x0  }
0x125: {  	s29 =	simm.s32 $0x1B080;
	s28 =	rddreg [dreg:$0x18];
	[sflag:s3] =	ssyncadd.s32 $0xFFFFEC00  }
0x126: {  	[tilespmem:s29], [sflag:$0xC] =	stream.linear.gather [hbm4b:s28+s9], $0x500, $0x38;
	[tilespmem:$0x1E190] =	vst v63  }
0x127: {  	_ =	swait.ge [sflag:s3], $0x500  }
0x128: {  	[sflag:s3] =	ssyncset.done $0x0  }
0x129: {  	s1 =	rddreg [dreg:$0x17];
	[sflag:s3] =	ssyncadd.s32 $0xFFFFFB00  }
0x12a: {  	[tilespmem:s12], [sflag:$0xC] =	stream.linear.gather [hbm4b:s1+s9], $0x500, $0x38;
	[tilespmem:$0x1E190] =	vst v63  }
0x12b: {  	_ =	swait.ge [sflag:s3], $0x500  }
0x12c: {  	[sflag:s3] =	ssyncset.done $0x0  }
0x12d: {  	s28 =	rddreg [dreg:$0x1b];
	[sflag:s3] =	ssyncadd.s32 $0xFFFFFB00  }
0x12e: {  	[spmem:s28] =	stream.linear.scatter [tilespmem:s11], [sflag:$0xC], $0x1400, $0x38;
	[tilespmem:$0x1E190] =	vst v63  }
0x12f: {  	_ =	swait.ge [sflag:s3], $0x1400  }
0x130: {  	[sflag:s3] =	ssyncset.done $0x0  }
0x131: {  	s29 =	rddreg [dreg:$0x1c];
	[sflag:s3] =	ssyncadd.s32 $0xFFFFEC00  }
0x132: {  	[spmem:s29] =	stream.linear.scatter [tilespmem:s12], [sflag:$0xC], $0x500, $0x38;
	[tilespmem:$0x1E190] =	vst v63  }
0x133: {  	_ =	swait.ge [sflag:s3], $0x500  }
0x134: {  	[sflag:s3] =	ssyncset.done $0x0  }
0x135: {  	s1 =	rddreg [dreg:$0x1d];
	[sflag:s3] =	ssyncadd.s32 $0xFFFFFB00  }
0x136: {  	[spmem:s1] =	stream.linear.scatter [tilespmem:s11], [sflag:$0xC], $0x1400, $0x38;
	[tilespmem:$0x1E190] =	vst v63  }
0x137: {  	_ =	swait.ge [sflag:s3], $0x1400  }
0x138: {  	[sflag:s3] =	ssyncset.done $0x0  }
0x139: {  	s28 =	rddreg [dreg:$0x1e];
	[sflag:s3] =	ssyncadd.s32 $0xFFFFEC00  }
0x13a: {  	[spmem:s28] =	stream.linear.scatter [tilespmem:s12], [sflag:$0xC], $0x500, $0x38;
	[tilespmem:$0x1E190] =	vst v63  }
0x13b: {  	_ =	swait.ge [sflag:s3], $0x500  }
0x13c: {  	[sflag:s3] =	ssyncset.done $0x0  }
0x13d: {  	s29 =	rddreg [dreg:$0x1f];
	[sflag:s3] =	ssyncadd.s32 $0xFFFFFB00  }
0x13e: {  	[spmem:s29] =	stream.linear.scatter [tilespmem:s11], [sflag:$0xC], $0x1400, $0x38;
	[tilespmem:$0x1E190] =	vst v63  }
0x13f: {  	_ =	swait.ge [sflag:s3], $0x1400  }
0x140: {  	s1 =	sld [smem:$0x7E0]  }
0x141: {  	[sflag:s3] =	ssyncset.done $0x0  }
0x142: {  	[sflag:s3] =	ssyncadd.s32 $0xFFFFEC00  }
0x143: {  	[spmem:s1] =	stream.linear.scatter [tilespmem:s12], [sflag:$0xC], $0x500, $0x38;
	[tilespmem:$0x1E190] =	vst v63  }
0x144: {  	_ =	swait.ge [sflag:s3], $0x500  }
0x145: {  	s28 =	sld [smem:$0x7E2]  }
0x146: {  	[sflag:s3] =	ssyncset.done $0x0  }
0x147: {  	[sflag:s3] =	ssyncadd.s32 $0xFFFFFB00  }
0x148: {  	[spmem:s28] =	stream.linear.scatter [tilespmem:s11], [sflag:$0xC], $0x1400, $0x38;
	[tilespmem:$0x1E190] =	vst v63  }
0x149: {  	_ =	swait.ge [sflag:s3], $0x1400  }
0x14a: {  	s29 =	sld [smem:$0x7E3]  }
0x14b: {  	[sflag:s3] =	ssyncset.done $0x0  }
0x14c: {  	[sflag:s3] =	ssyncadd.s32 $0xFFFFEC00  }
0x14d: {  	[spmem:s29] =	stream.linear.scatter [tilespmem:s12], [sflag:$0xC], $0x500, $0x38;
	[tilespmem:$0x1E190] =	vst v63  }
0x14e: {  	_ =	swait.ge [sflag:s3], $0x500  }
0x14f: {  	s1 =	sld [smem:$0x7E4]  }
0x150: {  	[sflag:s3] =	ssyncset.done $0x0  }
0x151: {  	[sflag:s3] =	ssyncadd.s32 $0xFFFFFB00  }
0x152: {  	[spmem:s1] =	stream.linear.scatter [tilespmem:s11], [sflag:$0xC], $0x1400, $0x38;
	[tilespmem:$0x1E190] =	vst v63  }
0x153: {  	_ =	swait.ge [sflag:s3], $0x1400  }
0x154: {  	s28 =	sld [smem:$0x7E5]  }
0x155: {  	[sflag:s3] =	ssyncset.done $0x0  }
0x156: {  	[sflag:s3] =	ssyncadd.s32 $0xFFFFEC00  }
0x157: {  	[spmem:s28] =	stream.linear.scatter [tilespmem:s12], [sflag:$0xC], $0x500, $0x38;
	[tilespmem:$0x1E190] =	vst v63  }
0x158: {  	_ =	swait.ge [sflag:s3], $0x500  }
0x159: {  	s29 =	sld [smem:$0x7E6]  }
0x15a: {  	[sflag:s3] =	ssyncset.done $0x0  }
0x15b: {  	[sflag:s3] =	ssyncadd.s32 $0xFFFFFB00  }
0x15c: {  	[spmem:s29] =	stream.linear.scatter [tilespmem:s11], [sflag:$0xC], $0x1400, $0x38;
	[tilespmem:$0x1E190] =	vst v63  }
0x15d: {  	_ =	swait.ge [sflag:s3], $0x1400  }
0x15e: {  	s1 =	sld [smem:$0x7E7]  }
0x15f: {  	[sflag:s3] =	ssyncset.done $0x0  }
0x160: {  	[sflag:s3] =	ssyncadd.s32 $0xFFFFEC00  }
0x161: {  	[spmem:s1] =	stream.linear.scatter [tilespmem:s12], [sflag:$0xC], $0x500, $0x38;
	[tilespmem:$0x1E190] =	vst v63  }
0x162: {  	_ =	swait.ge [sflag:s3], $0x500  }
0x163: {  	s28 =	sld [smem:$0x7E8]  }
0x164: {  	[sflag:s3] =	ssyncset.done $0x0  }
0x165: {  	[sflag:s3] =	ssyncadd.s32 $0xFFFFFB00  }
0x166: {  	[spmem:s28] =	stream.linear.scatter [tilespmem:s11], [sflag:$0xC], $0x1400, $0x38;
	[tilespmem:$0x1E190] =	vst v63  }
0x167: {  	_ =	swait.ge [sflag:s3], $0x1400  }
0x168: {  	s29 =	sld [smem:$0x7E9]  }
0x169: {  	[sflag:s3] =	ssyncset.done $0x0  }
0x16a: {  	[sflag:s3] =	ssyncadd.s32 $0xFFFFEC00  }
0x16b: {  	[spmem:s29] =	stream.linear.scatter [tilespmem:s12], [sflag:$0xC], $0x500, $0x38;
	[tilespmem:$0x1E190] =	vst v63  }
0x16c: {  	_ =	swait.ge [sflag:s3], $0x500  }
0x16d: {  	s1 =	sld [smem:$0x7EA]  }
0x16e: {  	[sflag:s3] =	ssyncset.done $0x0  }
0x16f: {  	s0 =	simm.s32 @!p0 $0x10040;
	[sflag:s3] =	ssyncadd.s32 $0xFFFFFB00  }
0x170: {  	[spmem:s1] =	stream.linear.scatter @!p0 [tilespmem:s0], [sflag:$0xC], $0x1400, $0x38;
	[tilespmem:$0x1E190] =	vst v63  }
0x171: {  	s0 =	simm.s32 @!p0 $0xC  }
0x172: {  	_ =	swait.ge @!p0 [sflag:s0], $0x1400  }
0x173: {  	s1 =	sld [smem:$0x7EB]  }
0x174: {  	[sflag:s0] =	ssyncset.done @!p0 $0x0  }
0x175: {  	s30 =	simm.s32 @!p0 $0x1B580;
	[sflag:s0] =	ssyncadd.s32 @!p0 $0xFFFFEC00  }
0x176: {  	[spmem:s1] =	stream.linear.scatter @!p0 [tilespmem:s30], [sflag:$0xC], $0x500, $0x38;
	[tilespmem:$0x1E190] =	vst v63  }
0x177: {  	_ =	swait.ge @!p0 [sflag:s0], $0x500  }
0x178: {  	[sflag:s0] =	ssyncset.done @!p0 $0x0  }
0x179: {  	[sflag:s0] =	ssyncadd.s32 @!p0 $0xFFFFFB00  }
0x17a: {  	s31 =	simm.s32 $0x0;
	s30 =	simm.s32 $0x0;
	[bflag:$0x0] =	sbarrier.arrive $0xFFFF  }
.LBB2_4:
0x17b: {  	_ =	swait.ge [sflag:s13], $0x1400;
	p1 =	slt.u32 s30, s17  }
0x17c: {  	s0 =	sshra.s32 s31, $0x2;
	[sflag:s13] =	ssyncset.done $0x0;
	p2 =	sge.u32 @!p1 s30, s2  }
0x17d: {  	s1 =	sadd.s32 $0x4E20, s0;
	[sflag:s13] =	ssyncadd.s32 $0xFFFFEC00;
	p3 =	por p2, p1  }
0x17e: {  	[spmem:s18] =	stream.indirect.scatter.add.f32 [tilespmem:s5], [sflag:$0x6], $0x40, s1, s4, $0xb8;
	[tilespmem:$0x1E190] =	vst v63  }
0x17f: {  	p4 =	sle.u32 @!p3 s30, s17  }
0x180: {  	p2 =	por @!p1 p4, p2  }
0x181: {  	p1 =	por p2, p1  }
0x182: {  	s28 =	simm.s32 @!p1 $0xB  }
0x183: {  	_ =	swait.ge @!p1 [sflag:s28], $0x500  }
0x184: {  	[sflag:s28] =	ssyncset.done @!p1 $0x0  }
0x185: {  	s29 =	simm.s32 @!p3 $0x1B080;
	[sflag:s28] =	ssyncadd.s32 @!p1 $0xFFFFFB00;
	s28 =	simm.s32 @!p3 $0x50  }
0x186: {  	[spmem:s19] =	stream.indirect.scatter.add.f32 @!p3 [tilespmem:s29], [sflag:$0xB], $0x10, s1, s28, $0xb8;
	[tilespmem:$0x1E190] =	vst v63  }
0x187: {  	s1 =	sadd.s32 $0x1, s30  }
0x188: {  	_ =	swait.ge [sflag:s14], $0x1400;
	p1 =	slt.u32 s1, s17  }
0x189: {  	[sflag:s14] =	ssyncset.done $0x0;
	p2 =	sge.u32 @!p1 s1, s2  }
0x18a: {  	s28 =	sadd.s32 $0x4E70, s0;
	[sflag:s14] =	ssyncadd.s32 $0xFFFFEC00;
	p3 =	por p2, p1  }
0x18b: {  	[spmem:s18] =	stream.indirect.scatter.add.f32 [tilespmem:s6], [sflag:$0x7], $0x40, s28, s4, $0xb8;
	[tilespmem:$0x1E190] =	vst v63  }
0x18c: {  	p4 =	slt.u32 @!p3 s30, s17  }
0x18d: {  	p2 =	por @!p1 p4, p2  }
0x18e: {  	p1 =	por p2, p1  }
0x18f: {  	s1 =	simm.s32 @!p1 $0xB  }
0x190: {  	_ =	swait.ge @!p1 [sflag:s1], $0x500  }
0x191: {  	[sflag:s1] =	ssyncset.done @!p1 $0x0  }
0x192: {  	s29 =	simm.s32 @!p3 $0x1B080;
	[sflag:s1] =	ssyncadd.s32 @!p1 $0xFFFFFB00;
	s1 =	simm.s32 @!p3 $0x50  }
0x193: {  	[spmem:s19] =	stream.indirect.scatter.add.f32 @!p3 [tilespmem:s29], [sflag:$0xB], $0x10, s28, s1, $0xb8;
	[tilespmem:$0x1E190] =	vst v63  }
0x194: {  	s1 =	sadd.s32 $0x2, s30  }
0x195: {  	_ =	swait.ge [sflag:s15], $0x1400;
	p1 =	slt.u32 s1, s17  }
0x196: {  	[sflag:s15] =	ssyncset.done $0x0;
	p2 =	sge.u32 @!p1 s1, s2  }
0x197: {  	s28 =	sadd.s32 $0x4EC0, s0;
	[sflag:s15] =	ssyncadd.s32 $0xFFFFEC00;
	p3 =	por p2, p1  }
0x198: {  	[spmem:s18] =	stream.indirect.scatter.add.f32 [tilespmem:s7], [sflag:$0x8], $0x40, s28, s4, $0xb8;
	[tilespmem:$0x1E190] =	vst v63  }
0x199: {  	p4 =	sle.u32 @!p3 s1, s17  }
0x19a: {  	p2 =	por @!p1 p4, p2  }
0x19b: {  	p1 =	por p2, p1  }
0x19c: {  	s1 =	simm.s32 @!p1 $0xB  }
0x19d: {  	_ =	swait.ge @!p1 [sflag:s1], $0x500  }
0x19e: {  	[sflag:s1] =	ssyncset.done @!p1 $0x0  }
0x19f: {  	s29 =	simm.s32 @!p3 $0x1B080;
	[sflag:s1] =	ssyncadd.s32 @!p1 $0xFFFFFB00;
	s1 =	simm.s32 @!p3 $0x50  }
0x1a0: {  	[spmem:s19] =	stream.indirect.scatter.add.f32 @!p3 [tilespmem:s29], [sflag:$0xB], $0x10, s28, s1, $0xb8;
	[tilespmem:$0x1E190] =	vst v63  }
0x1a1: {  	s1 =	sadd.s32 $0x3, s30  }
0x1a2: {  	_ =	swait.ge [sflag:s20], $0x1400;
	p1 =	slt.u32 s1, s17  }
0x1a3: {  	[sflag:s20] =	ssyncset.done $0x0;
	p2 =	sge.u32 @!p1 s1, s2  }
0x1a4: {  	s28 =	sadd.s32 $0x4F10, s0;
	[sflag:s20] =	ssyncadd.s32 $0xFFFFEC00;
	p3 =	por p2, p1  }
0x1a5: {  	[spmem:s18] =	stream.indirect.scatter.add.f32 [tilespmem:s8], [sflag:$0x9], $0x40, s28, s4, $0xb8;
	[tilespmem:$0x1E190] =	vst v63  }
0x1a6: {  	p4 =	sle.u32 @!p3 s1, s17  }
0x1a7: {  	p2 =	por @!p1 p4, p2  }
0x1a8: {  	p1 =	por p2, p1  }
0x1a9: {  	s1 =	simm.s32 @!p1 $0xB  }
0x1aa: {  	_ =	swait.ge @!p1 [sflag:s1], $0x500  }
0x1ab: {  	[sflag:s1] =	ssyncset.done @!p1 $0x0  }
0x1ac: {  	s29 =	simm.s32 @!p3 $0x1B080;
	[sflag:s1] =	ssyncadd.s32 @!p1 $0xFFFFFB00;
	s1 =	simm.s32 @!p3 $0x50  }
0x1ad: {  	[spmem:s19] =	stream.indirect.scatter.add.f32 @!p3 [tilespmem:s29], [sflag:$0xB], $0x10, s28, s1, $0xb8;
	[tilespmem:$0x1E190] =	vst v63  }
0x1ae: {  	s1 =	sadd.s32 $0x4, s30  }
0x1af: {  	_ =	swait.ge [sflag:s21], $0x1400;
	p1 =	slt.u32 s1, s17  }
0x1b0: {  	[sflag:s21] =	ssyncset.done $0x0;
	p2 =	sge.u32 @!p1 s1, s2  }
0x1b1: {  	s28 =	sadd.s32 $0x4F60, s0;
	[sflag:s21] =	ssyncadd.s32 $0xFFFFEC00;
	p3 =	por p2, p1  }
0x1b2: {  	[spmem:s18] =	stream.indirect.scatter.add.f32 [tilespmem:s10], [sflag:$0xA], $0x40, s28, s4, $0xb8;
	[tilespmem:$0x1E190] =	vst v63  }
0x1b3: {  	p4 =	sle.u32 @!p3 s1, s17  }
0x1b4: {  	p2 =	por @!p1 p4, p2  }
0x1b5: {  	p1 =	por p2, p1  }
0x1b6: {  	s1 =	simm.s32 @!p1 $0xB  }
0x1b7: {  	_ =	swait.ge @!p1 [sflag:s1], $0x500  }
0x1b8: {  	[sflag:s1] =	ssyncset.done @!p1 $0x0  }
0x1b9: {  	[sflag:s1] =	ssyncadd.s32 @!p1 $0xFFFFFB00;
	p1 =	seq.s32 s31, $0x13240  }
.Ltmp3:
0x1ba: {  	s29 =	simm.s32 @!p3 $0x1B080;
	s1 =	simm.s32 @!p3 $0x50;
	(pc) =	sbr.rel @p1 .LBB2_6-.Ltmp3, $4  }
0x1bb: {  	[spmem:s19] =	stream.indirect.scatter.add.f32 @!p3 [tilespmem:s29], [sflag:$0xB], $0x10, s28, s1, $0xb8;
	[tilespmem:$0x1E190] =	vst v63  }
0x1bc: {  	_ =	swait.ge [sflag:s22], $0x1400  }
0x1bd: {  	[sflag:s22] =	ssyncset.done $0x0  }
0x1be: {  	[sflag:s22] =	ssyncadd.s32 $0xFFFFEC00  }
0x1bf: {  	s1 =	sadd.s32 $0x190, s0  }
0x1c0: {  	[tilespmem:s5], [sflag:$0x1] =	stream.indirect.gather [hbm4b:s16+s4], $0x40, s1, s4, $0xb8;
	[tilespmem:$0x1E190] =	vst v63  }
0x1c1: {  	_ =	swait.ge [sflag:s23], $0x1400  }
0x1c2: {  	[sflag:s23] =	ssyncset.done $0x0  }
0x1c3: {  	s28 =	sadd.s32 $0x1E0, s0;
	[sflag:s23] =	ssyncadd.s32 $0xFFFFEC00  }
0x1c4: {  	[tilespmem:s6], [sflag:$0x2] =	stream.indirect.gather [hbm4b:s16+s4], $0x40, s28, s4, $0xb8;
	[tilespmem:$0x1E190] =	vst v63  }
0x1c5: {  	_ =	swait.ge [sflag:s24], $0x1400  }
0x1c6: {  	[sflag:s24] =	ssyncset.done $0x0  }
0x1c7: {  	s29 =	sadd.s32 $0x230, s0;
	[sflag:s24] =	ssyncadd.s32 $0xFFFFEC00  }
0x1c8: {  	[tilespmem:s7], [sflag:$0x3] =	stream.indirect.gather [hbm4b:s16+s4], $0x40, s29, s4, $0xb8;
	[tilespmem:$0x1E190] =	vst v63  }
0x1c9: {  	_ =	swait.ge [sflag:s25], $0x1400  }
0x1ca: {  	[sflag:s25] =	ssyncset.done $0x0  }
0x1cb: {  	s28 =	sadd.s32 $0x280, s0;
	[sflag:s25] =	ssyncadd.s32 $0xFFFFEC00  }
0x1cc: {  	[tilespmem:s8], [sflag:$0x4] =	stream.indirect.gather [hbm4b:s16+s4], $0x40, s28, s4, $0xb8;
	[tilespmem:$0x1E190] =	vst v63  }
.Ltmp4:
0x1cd: {  	_ = 	snop;
	(pc) =	sbr.rel .LBB2_4-.Ltmp4, $4  }
0x1ce: {  	_ =	swait.ge [sflag:s26], $0x1400  }
0x1cf: {  	s31 =	sadd.s32 $0x640, s31;
	[sflag:s26] =	ssyncset.done $0x0  }
0x1d0: {  	s30 =	sadd.s32 $0x5, s30;
	s29 =	sadd.s32 $0x2D0, s0;
	[sflag:s26] =	ssyncadd.s32 $0xFFFFEC00  }
0x1d1: {  	[tilespmem:s10], [sflag:$0x5] =	stream.indirect.gather [hbm4b:s16+s4], $0x40, s29, s4, $0xb8;
	[tilespmem:$0x1E190] =	vst v63  }
.LBB2_7:
0x1d2: {  	_ =	sfence.sel $0x180000  }
0x1d3: {  	[bflag:$0x0] =	sbarrier.arrive $0xFFFF  }
0x1d4: {  	_ =	strace $0x90000047  }
0x1d5: {  	s0 =	stileid.u32;
	[bflag:$0x2] =	sbarrier.arrive $0xFFFF  }
0x1d6: {  	p0 =	sne.s32 s0, $0x0;
	s0 =	rddreg [dreg:$0x5]  }
0x1d7: {  	s0 =	sadd.s32 @!p0 $0x100000, s0  }
0x1d8: {  	[sflag:s0] =	ssyncadd.tile.s32 @!p0 $0x1;
	_ =	shalt  }
.Lfunc_end2:
_tile_overlayer_lowered:
.L_overlay_start_2:
0x1d9: {  	(tag) =	ssettag $0x2  }
0x1da: {  	s0 =	rddreg [dreg:$0x0];
	s2 =	stileid.u32  }
0x1db: {  	s1 =	rddreg [dreg:$0x1];
	p0 =	sne.s32 s2, $0x0  }
0x1dc: {  	s3 =	rddreg [dreg:$0x2];
	[bflag:$0x3] =	sbarrier.arrive $0xFFFF;
	s2 =	simm.s32 @!p0 $0x1C0C  }
0x1dd: {  	[timem:s3], [sflag:s2] =	dma.local @!p0 [hbm:s0], s1  }
0x1de: {  	s0 =	simm.s32 @!p0 $0xC  }
0x1df: {  	_ =	swait.ge @!p0 [sflag:s0], s1  }
0x1e0: {  	s1 =	ssub.s32 @!p0 $0x0, s1;
	[sflag:s0] =	ssyncset.done @!p0 $0x0  }
0x1e1: {  	[sflag:s0] =	ssyncadd.s32 @!p0 s1  }
0x1e2: {  	[bflag:$0x3] =	sbarrier.arrive $0xFFFF  }
0x1e3: {  	_ =	shalt  }

// kernel: kernel.9.cloned.1.call-start
scs
__scs_entry_jumppad:
0x0: {  	(pc) =	sbr.rel $0x88, $3  }
0x1: {  	(tag) =	ssettag $0x0;
	lr =	simm.s32 $0x1  }
0x2: {  	[smem:$0x3F99] =	sst lr;
	_ =	strace $0xD0000000  }
0x3: {  	_ = 	snop  }
0x4: {  	_ = 	snop  }
0x5: {  	_ = 	snop  }
0x6: {  	_ = 	snop  }
0x7: {  	_ = 	snop  }
__scs_overlays_trampoline_lowered:
0x8: {  	[smem:$0x3FA8] =	sst s0  }
0x9: {  	[smem:$0x3FA9] =	sst s1  }
0xa: {  	[smem:$0x3FAA] =	sst s2  }
0xb: {  	[smem:$0x3FAB] =	sst s3  }
0xc: {  	[smem:$0x3FAC] =	sst s4  }
0xd: {  	[smem:$0x3FAD] =	sst s5  }
0xe: {  	[smem:$0x3FAE] =	sst s6  }
0xf: {  	[smem:$0x3FAF] =	sst s7  }
0x10: {  	[smem:$0x3FB0] =	sst s8  }
0x11: {  	[smem:$0x3FB1] =	sst s9;
	s0 =	simm.s32 @!p0 $0x0  }
0x12: {  	s1 =	sld [smem:$0x3F97];
	s0 =	simm.s32 @p0 $0x1  }
0x13: {  	[smem:$0x3FB2] =	sst s0;
	s0 =	simm.s32 @!p1 $0x0  }
0x14: {  	s2 =	sld [smem:$0x3F96];
	s0 =	simm.s32 @p1 $0x1  }
0x15: {  	[smem:$0x3FB3] =	sst s0;
	s0 =	simm.s32 @!p2 $0x0  }
0x16: {  	s3 =	sld [smem:$0x3FDB];
	s0 =	simm.s32 @p2 $0x1  }
0x17: {  	s4 =	simm.s32 $0x1BF5;
	[smem:$0x3FB5] =	sst s0  }
0x18: {  	s0 =	sld [smem:$0x3F98];
	_ =	swait.ge [sflag:s4], $0x0  }
0x19: {  	s7 =	sld [smem:$0x3F99]  }
0x1a: {  	s8 =	sadd.s32 $0xFFFFE003, lr  }
0x1b: {  	s9 =	sadd.s32 $0xFFFFFEF7, lr;
	s5 =	simm.s32 $0xFFFFFFFF;
	p2 =	slt.u32 s8, $0xFFFFF086  }
0x1c: {  	p1 =	slt.u32 s9, $0xF7A;
	s5 =	simm.s32 @!p2 $0x0  }
0x1d: {  	s5 =	simm.s32 @p1 $0x1;
	p0 =	seq.s32 s7, s2  }
0x1e: {  	s7 =	smul.u32 @!p0 $0xF7A, s2;
	p2 =	seq.s32 @!p0 s5, $0x0  }
0x1f: {  	s9 =	smul.u32 $0xF7A, s1;
	s8 =	simm.s32 @!p0 $0x1BF5;
	p2 =	por !p2, p0  }
0x20: {  	[sflag:s8] =	ssyncset.s32 @!p0 $0xFFFFF086;
	s6 =	sadd.s32 @!p0 s3, s7;
	s7 =	simm.s32 @!p0 $0x108  }
0x21: {  	s3 =	sadd.s32 s3, s9;
	s6 =	sadd.s32 @!p0 $0x88, s6;
	s7 =	simm.s32 @p2 $0x1082  }
0x22: {  	[simem:s7], [sflag:s8] =	dma.local @!p0 [hbm:s6], $0xF7A  }
0x23: {  	s9 =	sor.u32 $0xD0000000, s2;
	s6 =	simm.s32 $0x108;
	_ =	swait.ge @!p0 [sflag:s8], $0x0  }
0x24: {  	s3 =	sadd.s32 $0x88, s3;
	s6 =	simm.s32 @!p1 $0x1082;
	[sflag:s4] =	ssyncset.s32 $0xFFFFF086  }
0x25: {  	[simem:s6], [sflag:s4] =	dma.local [hbm:s3], $0xF7A  }
0x26: {  	[smem:$0x3F99] =	sst s1;
	(tag) =	ssettag s2;
	_ =	strace s9  }
0x27: {  	s1 =	sld [smem:$0x3FA9]  }
0x28: {  	s2 =	sld [smem:$0x3FAA]  }
0x29: {  	s4 =	sld [smem:$0x3FAC]  }
0x2a: {  	p0 =	seq.s32 s5, $0x0;
	s5 =	sld [smem:$0x3FAD]  }
0x2b: {  	s6 =	sld [smem:$0x3FAE]  }
0x2c: {  	s7 =	sld [smem:$0x3FAF]  }
0x2d: {  	s3 =	simm.s32 $0x108;
	s8 =	sld [smem:$0x3FB0]  }
0x2e: {  	s3 =	simm.s32 @!p0 $0x1082;
	s9 =	sld [smem:$0x3FB1]  }
0x2f: {  	lr =	sadd.s32 s0, s3;
	s0 =	sld [smem:$0x3FA8]  }
0x30: {  	s3 =	sld [smem:$0x3FAB]  }
0x31: {  	[smem:$0x3FB4] =	sst s10  }
0x32: {  	s10 =	sld [smem:$0x3FB2];
	_ =	sdelay $0x3  }
0x33: {  	p0 =	seq.s32 s10, $0x1;
	s10 =	sld [smem:$0x3FB4];
	_ =	sdelay $0x3  }
0x34: {  	[smem:$0x3FB4] =	sst s10  }
0x35: {  	s10 =	sld [smem:$0x3FB3];
	_ =	sdelay $0x3  }
0x36: {  	p1 =	seq.s32 s10, $0x1;
	s10 =	sld [smem:$0x3FB4];
	_ =	sdelay $0x3  }
0x37: {  	[smem:$0x3FB4] =	sst s10  }
0x38: {  	s10 =	sld [smem:$0x3FB5]  }
0x39: {  	_ = 	snop;
	(pc) =	sbr.ind lr, $3  }
0x3a: {  	_ = 	snop  }
0x3b: {  	_ = 	snop  }
0x3c: {  	p2 =	seq.s32 s10, $0x1;
	s10 =	sld [smem:$0x3FB4]  }
0x3d: {  	_ =	shalt  }
0x3e: {  	_ =	shalt  }
0x3f: {  	_ =	shalt  }
0x40: {  	_ =	shalt  }
0x41: {  	_ =	shalt  }
0x42: {  	_ =	shalt  }
0x43: {  	_ =	shalt  }
0x44: {  	_ =	shalt  }
0x45: {  	_ =	shalt  }
0x46: {  	_ =	shalt  }
0x47: {  	_ =	shalt  }
0x48: {  	_ =	shalt  }
0x49: {  	_ =	shalt  }
0x4a: {  	_ =	shalt  }
0x4b: {  	_ =	shalt  }
0x4c: {  	_ =	shalt  }
0x4d: {  	_ =	shalt  }
0x4e: {  	_ =	shalt  }
0x4f: {  	_ =	shalt  }
0x50: {  	_ =	shalt  }
0x51: {  	_ =	shalt  }
0x52: {  	_ =	shalt  }
0x53: {  	_ =	shalt  }
0x54: {  	_ =	shalt  }
0x55: {  	_ =	shalt  }
0x56: {  	_ =	shalt  }
0x57: {  	_ =	shalt  }
0x58: {  	_ =	shalt  }
0x59: {  	_ =	shalt  }
0x5a: {  	_ =	shalt  }
0x5b: {  	_ =	shalt  }
0x5c: {  	_ =	shalt  }
0x5d: {  	_ =	shalt  }
0x5e: {  	_ =	shalt  }
0x5f: {  	_ =	shalt  }
0x60: {  	_ =	shalt  }
0x61: {  	_ =	shalt  }
0x62: {  	_ =	shalt  }
0x63: {  	_ =	shalt  }
0x64: {  	_ =	shalt  }
0x65: {  	_ =	shalt  }
0x66: {  	_ =	shalt  }
0x67: {  	_ =	shalt  }
0x68: {  	_ =	shalt  }
0x69: {  	_ =	shalt  }
0x6a: {  	_ =	shalt  }
0x6b: {  	_ =	shalt  }
0x6c: {  	_ =	shalt  }
0x6d: {  	_ =	shalt  }
0x6e: {  	_ =	shalt  }
0x6f: {  	_ =	shalt  }
0x70: {  	_ =	shalt  }
0x71: {  	_ =	shalt  }
0x72: {  	_ =	shalt  }
0x73: {  	_ =	shalt  }
0x74: {  	_ =	shalt  }
0x75: {  	_ =	shalt  }
0x76: {  	_ =	shalt  }
0x77: {  	_ =	shalt  }
0x78: {  	_ =	shalt  }
0x79: {  	_ =	shalt  }
0x7a: {  	_ =	shalt  }
0x7b: {  	_ =	shalt  }
0x7c: {  	_ =	shalt  }
0x7d: {  	_ =	shalt  }
0x7e: {  	_ =	shalt  }
0x7f: {  	_ =	shalt  }
0x80: {  	_ =	shalt  }
0x81: {  	_ =	shalt  }
0x82: {  	_ =	shalt  }
0x83: {  	_ =	shalt  }
0x84: {  	_ =	shalt  }
0x85: {  	_ =	shalt  }
0x86: {  	_ =	shalt  }
0x87: {  	_ =	shalt  }
.Lfunc_end0:
.L_simem_size_0:
called_computation.1_lowered:
.L_overlay_start_0:
0x88: {  	s2 =	sld [smem:$0x3FD9]  }
0x89: {  	s3 =	sld [smem:$0x3FFE];
	_ =	sdelay $0x1  }
0x8a: {  	s1 =	srdreg.scid  }
0x8b: {  	s0 =	sand.u32 $0x1, s1  }
0x8c: {  	s17 =	sshll.u32 s0, $0xA;
	s2 =	sadd.s32 s3, s2  }
0x8d: {  	s2 =	sadd.s32 s2, s17  }
0x8e: {  	[smem:$0x3FC0] =	sst s2  }
0x8f: {  	_ = 	snop  }
0x90: {  	s2 =	sld [smem:$0x3FD0];
	(tm) =	ssettm $0x1  }
0x91: {  	s18 =	sld [smem:$0x3FFB];
	_ =	sdelay $0x3  }
0x92: {  	_ =	strace s18  }
0x93: {  	s3 =	sld [smem:$0x3FFC];
	_ =	sdelay $0x3  }
0x94: {  	_ =	strace s3  }
0x95: {  	s3 =	sld [smem:$0x3FFD];
	_ =	sdelay $0x3  }
0x96: {  	_ =	strace s3  }
0x97: {  	_ =	strace $0x8FFFFFFF  }
0x98: {  	s19 =	sld [smem:$0x3FDB];
	_ =	sdelay $0x1  }
0x99: {  	s4 =	simm.s32 $_scs_section_size  }
0x9a: {  	s5 =	simm.s32 $_size__tile_overlayer_lowered;
	s6 =	simm.s32 $_tile_overlayer_lowered  }
0x9b: {  	s22 =	simm.s32 $0x1BFF;
	s21 =	sshll.u32 s6, $0x1;
	s3 =	sadd.s32 s4, s19  }
0x9c: {  	s7 =	simm.s32 $0x0;
	s20 =	sshll.u32 s5, $0x1;
	s5 =	sadd.s32 s21, s3  }
0x9d: {  	[timem:s7], [sflag:s22] =	dma.local [hbm:s5], s20  }
0x9e: {  	_ =	swait.ge [sflag:s22], s20  }
0x9f: {  	s4 =	ssub.s32 $0x0, s20;
	[sflag:s22] =	ssyncset.done $0x0  }
0xa0: {  	[sflag:s22] =	ssyncadd.s32 s4;
	_ =	sdelay $0x1  }
0xa1: {  	s23 =	simm.s32 $0x1B8B  }
0xa2: {  	_ =	swait.ge [sflag:s23], $0x1  }
0xa3: {  	[sflag:s23] =	ssyncset.done $0x0  }
0xa4: {  	s25 =	simm.s32 $0x1B8E;
	s24 =	sld [smem:$0x3FFE];
	[sflag:s23] =	ssyncadd.s32 $0xFFFFFFFF  }
0xa5: {  	s26 =	simm.s32 $execute0_lowered;
	[smem:$0x3FD2] =	sst s25  }
0xa6: {  	s5 =	sshll.u32 s26, $0x1;
	_ =	strace $0x80000049;
	[dreg:$0x1] =	wrdreg $0xFFFFFFFF  }
0xa7: {  	s28 =	simm.s32 $_size_execute0_lowered;
	s3 =	sadd.s32 s3, s5;
	[dreg:$0x0] =	wrdreg $0x0  }
0xa8: {  	s5 =	sshll.u32 s28, $0x1;
	[dreg:$0x2] =	wrdreg s3  }
0xa9: {  	[dreg:$0x3] =	wrdreg s5  }
0xaa: {  	[dreg:$0x4] =	wrdreg $0xC0  }
0xab: {  	_ =	task [dreg:s7], $0x5FFFF  }
0xac: {  	[dreg:$0x1] =	wrdreg $0xFFFFFFFF  }
0xad: {  	[dreg:$0x0] =	wrdreg $0x60  }
0xae: {  	[dreg:$0x2] =	wrdreg s2  }
0xaf: {  	[dreg:$0x3] =	wrdreg s24  }
0xb0: {  	[dreg:$0x4] =	wrdreg $0xD8400  }
0xb1: {  	[dreg:$0x5] =	wrdreg $0x9  }
0xb2: {  	_ =	task.clear_ibuf [dreg:s7], $0x6FFFF;
	_ =	strace $0x90000049  }
0xb3: {  	s29 =	simm.s32 $0x9;
	_ =	strace $0x8000004B  }
0xb4: {  	_ =	swait.ge [sflag:s29], $0x1  }
0xb5: {  	[sflag:s29] =	ssyncadd.s32 $0xFFFFFFFF  }
0xb6: {  	_ =	strace $0x9000004B  }
0xb7: {  	_ =	sfence  }
0xb8: {  	s30 =	sld [smem:$0x0];
	_ =	sdelay $0x2  }
0xb9: {  	s31 =	sshll.u32 s1, $0xD;
	s1 =	sshrl.u32 s1, $0x2  }
0xba: {  	s3 =	sand.u32 $0x4000, s31;
	s1 =	sadd.s32 s1, s30  }
0xbb: {  	s0 =	sor.u32 s3, s0;
	s1 =	sshll.u32 s1, $0x11  }
0xbc: {  	s0 =	sor.u32 s1, s0  }
0xbd: {  	s0 =	sadd.s32 $0x8F2B, s0  }
0xbe: {  	[sflag:s0] =	ssyncadd.remote.s32 $0x1  }
0xbf: {  	_ =	sfence.sel $0xFFFF  }
0xc0: {  	[dreg:$0x0] =	wrdreg $0xFFFFFFFF;
	(pc) =	sbr.abs _section_cstart, $3  }
0xc1: {  	[dreg:$0x1] =	wrdreg $0xFFFFFFFF  }
0xc2: {  	_ =	task.clear_ibuf [dreg:s7], $0x2FFFF;
	_ =	strace $0x9FFFFFFF  }
0xc3: {  	(tm) =	ssettm $0x7FFFFFFF  }
tec
execute0_lowered:
.L_overlay_start_1:
0x0: {  	(tag) =	ssettag $0x1  }
0x1: {  	s0 =	srdreg.scid;
	s5 =	rddreg [dreg:$0x1]  }
0x2: {  	s1 =	simm.s32 $0x0;
	s24 =	stileid.u32;
	s23 =	sand.u32 $0x1, s0  }
0x3: {  	[smem:$0x7FF] =	sst s1;
	s6 =	sadd.s32 $0x15A00, s5;
	s2 =	smul.u32 $0xA00, s24  }
0x4: {  	s7 =	sor.u32 $0x10, s24;
	s12 =	sor.u32 $0x30, s24;
	s8 =	smul.u32 $0x4E200, s23  }
0x5: {  	s9 =	sor.u32 $0x20, s24;
	s13 =	sor.u32 $0x40, s24;
	s17 =	smul.u32 $0xA00, s12  }
0x6: {  	s14 =	sor.u32 $0x50, s24;
	s15 =	sor.u32 $0x60, s24;
	s18 =	smul.u32 $0xA00, s13  }
0x7: {  	s16 =	sor.u32 $0x70, s24;
	s0 =	ssub.s32 $0x2, s23;
	s19 =	smul.u32 $0xA00, s14  }
0x8: {  	p0 =	sgt.u32 s24, $0xC;
	s20 =	smul.u32 $0xA00, s15;
	s3 =	sshrl.u32 s0, $0x1  }
0x9: {  	s0 =	ssub.s32 s0, s3;
	s4 =	sadd.s32 s2, s8;
	s3 =	smul.u32 $0xA00, s7  }
0xa: {  	v0 =	vmov s23;
	s23 =	simm.s32 $0x0;
	s10 =	sshrl.u32 s4, $0x3;
	s4 =	smul.u32 $0xA00, s9  }
0xb: {  	s25 =	sadd.s32 s8, s17;
	s10 =	sadd.s32 s6, s10;
	s21 =	sadd.s32 s8, s3  }
0xc: {  	[dreg:$0x4] =	wrdreg s10;
	s10 =	sshrl.u32 s21, $0x3;
	s11 =	sadd.s32 s8, s4  }
0xd: {  	s26 =	sadd.s32 s8, s18;
	s10 =	sadd.s32 s6, s10;
	s22 =	sshrl.u32 s11, $0x3  }
0xe: {  	s28 =	sshrl.u32 s26, $0x3;
	[dreg:$0x5] =	wrdreg s10;
	s10 =	sadd.s32 s6, s22  }
0xf: {  	s21 =	sadd.s32 s8, s20;
	s22 =	sadd.s32 s8, s19;
	[dreg:$0x6] =	wrdreg s10  }
0x10: {  	s10 =	sshrl.u32 s25, $0x3;
	s11 =	sshrl.u32 s22, $0x3;
	s22 =	smul.u32 $0xA00, s16  }
0x11: {  	s10 =	sadd.s32 s6, s10;
	s25 =	sadd.s32 s6, s11;
	s11 =	rddreg [dreg:$0x2]  }
0x12: {  	s0 =	smax.u32 s0, $0x1;
	s26 =	sshrl.u32 s21, $0x3;
	[dreg:$0x7] =	wrdreg s10  }
0x13: {  	s10 =	sadd.s32 s6, s28;
	[dreg:$0x9] =	wrdreg s25;
	s8 =	sadd.s32 s8, s22  }
0x14: {  	s28 =	smul.u32 $0x9C4, s24;
	s2 =	sadd.s32 s2, s11;
	s29 =	sadd.s32 s18, s11  }
0x15: {  	s30 =	sadd.s32 s19, s11;
	[dreg:$0x8] =	wrdreg s10;
	s10 =	sadd.s32 s6, s26  }
0x16: {  	s31 =	sadd.s32 s20, s11;
	s18 =	simm.s32 $0x6;
	[dreg:$0xa] =	wrdreg s10  }
0x17: {  	s8 =	sshrl.u32 s8, $0x3;
	s26 =	smul.u32 $0x2800, s24;
	s10 =	rddreg [dreg:$0x0]  }
0x18: {  	s6 =	sadd.s32 s6, s8;
	s25 =	sadd.s32 s28, s5;
	s5 =	sadd.s32 $0x15800, s5  }
0x19: {  	[dreg:$0xb] =	wrdreg s6;
	s6 =	smul.u32 $0x2800, s7;
	s28 =	sadd.s32 $0xBA00, s25  }
0x1a: {  	s7 =	sadd.s32 $0x1C00, s25;
	s21 =	sshrl.u32 s26, $0x2;
	s25 =	smul.u32 $0x2800, s12  }
0x1b: {  	s26 =	smul.u32 $0x2800, s13;
	_ =	strace $0x8000004A;
	[dreg:$0xc] =	wrdreg s5  }
0x1c: {  	s19 =	simm.s32 $0x7;
	s13 =	smul.u32 $0x2800, s16;
	[dreg:$0xd] =	wrdreg s28  }
0x1d: {  	s20 =	simm.s32 $0x8;
	s5 =	smul.u32 $0x2800, s9;
	[dreg:$0xe] =	wrdreg s7  }
0x1e: {  	s7 =	sadd.s32 s21, s11;
	s28 =	smul.u32 $0x2800, s14;
	[dreg:$0x17] =	wrdreg s2  }
0x1f: {  	s9 =	smul.u32 $0x2800, s15;
	s2 =	simm.s32 $0xB;
	[dreg:$0xf] =	wrdreg s7  }
0x20: {  	s6 =	sshrl.u32 s6, $0x2;
	s8 =	sshrl.u32 s25, $0x2;
	s12 =	sshrl.u32 s26, $0x2  }
0x21: {  	s21 =	sshrl.u32 s13, $0x2;
	s25 =	sadd.s32 s3, s11;
	s26 =	sadd.s32 s4, s11  }
0x22: {  	s3 =	simm.s32 $0x50;
	s4 =	simm.s32 $0x9C40;
	s7 =	simm.s32 $0xBA40  }
0x23: {  	s13 =	simm.s32 $0x1;
	s6 =	sadd.s32 s6, s11;
	s5 =	sshrl.u32 s5, $0x2  }
0x24: {  	s14 =	sshrl.u32 s28, $0x2;
	s15 =	sshrl.u32 s9, $0x2;
	[dreg:$0x18] =	wrdreg s25  }
0x25: {  	[dreg:$0x19] =	wrdreg s26;
	s28 =	sadd.s32 s17, s11;
	s9 =	sadd.s32 s22, s11  }
0x26: {  	s17 =	simm.s32 $0x5;
	s22 =	simm.s32 $0xA;
	[dreg:$0x10] =	wrdreg s6  }
0x27: {  	s5 =	sadd.s32 s5, s11;
	s16 =	sadd.s32 s15, s11;
	[dreg:$0x1a] =	wrdreg s28  }
0x28: {  	s6 =	simm.s32 $0xB040;
	s15 =	simm.s32 $0x3;
	[dreg:$0x11] =	wrdreg s5  }
0x29: {  	s5 =	sadd.s32 s8, s11;
	[dreg:$0x15] =	wrdreg s16;
	s8 =	simm.s32 $0xC440  }
0x2a: {  	s16 =	simm.s32 $0x4;
	[dreg:$0x12] =	wrdreg s5;
	s5 =	sadd.s32 s12, s11  }
0x2b: {  	s12 =	simm.s32 $0xCE40;
	[dreg:$0x13] =	wrdreg s5;
	s5 =	sadd.s32 s14, s11  }
0x2c: {  	s14 =	simm.s32 $0x2;
	[dreg:$0x14] =	wrdreg s5;
	s5 =	sadd.s32 s21, s11  }
0x2d: {  	s21 =	simm.s32 $0x9;
	[dreg:$0x16] =	wrdreg s5;
	s5 =	simm.s32 $0xA640  }
.LBB2_1:
0x2e: {  	s24 =	rddreg [dreg:$0xd]  }
0x2f: {  	[tilespmem:s1], [sflag:$0xB] =	stream.linear.gather [hbm4b:s24+s1], $0x4E20, $0x38;
	[tilespmem:$0x12660] =	vst v63  }
0x30: {  	_ =	swait.ge [sflag:s2], $0x4E20  }
0x31: {  	[sflag:s2] =	ssyncset.done $0x0  }
0x32: {  	s24 =	simm.s32 $0x0;
	[sflag:s2] =	ssyncadd.s32 $0xFFFFB1E0  }
0x33: {  	v3 =	vld [tilespmem:s24+$0x0]  }
0x34: {  	v4 =	vld [tilespmem:s24+$0x10]  }
0x35: {  	v2 =	vld [tilespmem:s24+$0x20]  }
0x36: {  	s25 =	simm.s32 $0x140;
	v1 =	vld [tilespmem:s24+$0x30]  }
.LBB2_2:
0x37: {  	p1 =	sne.s32 s25, $0x13740;
	v5 =	vld [tilespmem:s24+$0x40]  }
0x38: {  	v3 =	vshll.u32 v3, $0x1  }
0x39: {  	v3 =	vor.u32 v0, v3;
	v4 =	vshll.u32 v4, $0x1  }
.Ltmp0:
0x3a: {  	s26 =	sshra.s32 s25, $0x2;
	[tilespmem:s24+$0x0] =	vst v3;
	v4 =	vor.u32 v0, v4;
	v2 =	vshll.u32 v2, $0x1;
	(pc) =	sbr.rel @p1 .LBB2_2-.Ltmp0, $4  }
0x3b: {  	v3 =	vld [tilespmem:s26+$0x0];
	[tilespmem:s24+$0x10] =	vst v4;
	v2 =	vor.u32 v0, v2;
	v1 =	vshll.u32 v1, $0x1  }
0x3c: {  	v4 =	vld [tilespmem:s26+$0x10];
	[tilespmem:s24+$0x20] =	vst v2;
	v1 =	vor.u32 v0, v1;
	v5 =	vshll.u32 v5, $0x1  }
0x3d: {  	v2 =	vld [tilespmem:s26+$0x20];
	[tilespmem:s24+$0x30] =	vst v1;
	v5 =	vor.u32 v0, v5  }
0x3e: {  	s25 =	sadd.s32 $0x140, s25;
	v1 =	vld [tilespmem:s26+$0x30];
	[tilespmem:s24+$0x40] =	vst v5;
	s24 =	smov.u32 s26  }
0x3f: {  	v5 =	vld [tilespmem:s24+$0x40]  }
0x40: {  	v3 =	vshll.u32 v3, $0x1  }
0x41: {  	v3 =	vor.u32 v0, v3;
	v4 =	vshll.u32 v4, $0x1  }
0x42: {  	[tilespmem:s24+$0x0] =	vst v3;
	v3 =	vor.u32 v0, v4;
	v2 =	vshll.u32 v2, $0x1  }
0x43: {  	[tilespmem:s24+$0x10] =	vst v3;
	v2 =	vor.u32 v0, v2;
	v1 =	vshll.u32 v1, $0x1  }
0x44: {  	[tilespmem:s24+$0x20] =	vst v2;
	v1 =	vor.u32 v0, v1;
	v2 =	vshll.u32 v5, $0x1  }
0x45: {  	[tilespmem:s24+$0x30] =	vst v1;
	v1 =	vor.u32 v0, v2  }
0x46: {  	[tilespmem:s24+$0x40] =	vst v1  }
0x47: {  	[tilespmem:s4], [sflag:$0x1] =	stream.indirect.gather [hbm4b:s10+s3], $0x20, s1, s3, $0xb8;
	[tilespmem:$0x12660] =	vst v63  }
0x48: {  	_ = 	snop  }
0x49: {  	[tilespmem:s5], [sflag:$0x2] =	stream.indirect.gather [hbm4b:s10+s3], $0x20, s3, s3, $0xb8;
	[tilespmem:$0x12660] =	vst v63  }
0x4a: {  	s28 =	simm.s32 $0xA0  }
0x4b: {  	[tilespmem:s6], [sflag:$0x3] =	stream.indirect.gather [hbm4b:s10+s3], $0x20, s28, s3, $0xb8;
	[tilespmem:$0x12660] =	vst v63  }
0x4c: {  	s25 =	simm.s32 $0xF0  }
0x4d: {  	[tilespmem:s7], [sflag:$0x4] =	stream.indirect.gather [hbm4b:s10+s3], $0x20, s25, s3, $0xb8;
	[tilespmem:$0x12660] =	vst v63  }
0x4e: {  	s26 =	simm.s32 $0x140  }
0x4f: {  	[tilespmem:s8], [sflag:$0x5] =	stream.indirect.gather [hbm4b:s10+s3], $0x20, s26, s3, $0xb8;
	[tilespmem:$0x12660] =	vst v63  }
0x50: {  	s28 =	rddreg [dreg:$0xe];
	s25 =	simm.s32 $0x4E20  }
0x51: {  	[tilespmem:s25], [sflag:$0xB] =	stream.linear.gather [hbm4b:s28+s1], $0x4E20, $0x38;
	[tilespmem:$0x12660] =	vst v63  }
0x52: {  	_ =	swait.ge [sflag:s2], $0x4E20  }
0x53: {  	[sflag:s2] =	ssyncset.done $0x0  }
0x54: {  	s26 =	rddreg [dreg:$0xc];
	[sflag:s2] =	ssyncadd.s32 $0xFFFFB1E0  }
0x55: {  	[tilespmem:s12], [sflag:$0xB] =	stream.linear.gather [hbm4b:s26+s1], $0xA00, $0x38;
	[tilespmem:$0x12660] =	vst v63  }
0x56: {  	_ =	swait.ge [sflag:s2], $0xA00  }
0x57: {  	[sflag:s2] =	ssyncset.done $0x0  }
0x58: {  	s28 =	rddreg [dreg:$0xf];
	[sflag:s2] =	ssyncadd.s32 $0xFFFFF600  }
0x59: {  	[spmem:s28] =	stream.linear.scatter [tilespmem:s12], [sflag:$0xB], $0xA00, $0x38;
	[tilespmem:$0x12660] =	vst v63  }
0x5a: {  	_ =	swait.ge [sflag:s2], $0xA00  }
0x5b: {  	[sflag:s2] =	ssyncset.done $0x0  }
0x5c: {  	s25 =	rddreg [dreg:$0x10];
	[sflag:s2] =	ssyncadd.s32 $0xFFFFF600  }
0x5d: {  	[spmem:s25] =	stream.linear.scatter [tilespmem:s12], [sflag:$0xB], $0xA00, $0x38;
	[tilespmem:$0x12660] =	vst v63  }
0x5e: {  	_ =	swait.ge [sflag:s2], $0xA00  }
0x5f: {  	[sflag:s2] =	ssyncset.done $0x0  }
0x60: {  	s26 =	rddreg [dreg:$0x11];
	[sflag:s2] =	ssyncadd.s32 $0xFFFFF600  }
0x61: {  	[spmem:s26] =	stream.linear.scatter [tilespmem:s12], [sflag:$0xB], $0xA00, $0x38;
	[tilespmem:$0x12660] =	vst v63  }
0x62: {  	_ =	swait.ge [sflag:s2], $0xA00  }
0x63: {  	[sflag:s2] =	ssyncset.done $0x0  }
0x64: {  	s28 =	rddreg [dreg:$0x12];
	[sflag:s2] =	ssyncadd.s32 $0xFFFFF600  }
0x65: {  	[spmem:s28] =	stream.linear.scatter [tilespmem:s12], [sflag:$0xB], $0xA00, $0x38;
	[tilespmem:$0x12660] =	vst v63  }
0x66: {  	_ =	swait.ge [sflag:s2], $0xA00  }
0x67: {  	[sflag:s2] =	ssyncset.done $0x0  }
0x68: {  	s25 =	rddreg [dreg:$0x13];
	[sflag:s2] =	ssyncadd.s32 $0xFFFFF600  }
0x69: {  	[spmem:s25] =	stream.linear.scatter [tilespmem:s12], [sflag:$0xB], $0xA00, $0x38;
	[tilespmem:$0x12660] =	vst v63  }
0x6a: {  	_ =	swait.ge [sflag:s2], $0xA00  }
0x6b: {  	[sflag:s2] =	ssyncset.done $0x0  }
0x6c: {  	s26 =	rddreg [dreg:$0x14];
	[sflag:s2] =	ssyncadd.s32 $0xFFFFF600  }
0x6d: {  	[spmem:s26] =	stream.linear.scatter [tilespmem:s12], [sflag:$0xB], $0xA00, $0x38;
	[tilespmem:$0x12660] =	vst v63  }
0x6e: {  	_ =	swait.ge [sflag:s2], $0xA00  }
0x6f: {  	[sflag:s2] =	ssyncset.done $0x0  }
0x70: {  	s28 =	rddreg [dreg:$0x15];
	[sflag:s2] =	ssyncadd.s32 $0xFFFFF600  }
0x71: {  	[spmem:s28] =	stream.linear.scatter [tilespmem:s12], [sflag:$0xB], $0xA00, $0x38;
	[tilespmem:$0x12660] =	vst v63  }
0x72: {  	_ =	swait.ge [sflag:s2], $0xA00  }
0x73: {  	[sflag:s2] =	ssyncset.done $0x0  }
0x74: {  	s24 =	simm.s32 @!p0 $0xCE40;
	s25 =	rddreg [dreg:$0x16];
	[sflag:s2] =	ssyncadd.s32 $0xFFFFF600  }
0x75: {  	[spmem:s25] =	stream.linear.scatter @!p0 [tilespmem:s24], [sflag:$0xB], $0xA00, $0x38;
	[tilespmem:$0x12660] =	vst v63  }
0x76: {  	s24 =	simm.s32 @!p0 $0xB  }
0x77: {  	_ =	swait.ge @!p0 [sflag:s24], $0xA00  }
0x78: {  	[sflag:s24] =	ssyncset.done @!p0 $0x0  }
0x79: {  	[sflag:s24] =	ssyncadd.s32 @!p0 $0xFFFFF600  }
0x7a: {  	[bflag:$0x0] =	sbarrier.arrive $0xFFFF  }
0x7b: {  	_ =	swait.ge [sflag:s13], $0xA00  }
0x7c: {  	[sflag:s13] =	ssyncset.done $0x0  }
0x7d: {  	s25 =	simm.s32 $0x4E20;
	[sflag:s13] =	ssyncadd.s32 $0xFFFFF600  }
0x7e: {  	[spmem:s11] =	stream.indirect.scatter.add.f32 [tilespmem:s4], [sflag:$0x6], $0x20, s25, s3, $0xb8;
	[tilespmem:$0x12660] =	vst v63  }
0x7f: {  	_ =	swait.ge [sflag:s14], $0xA00  }
0x80: {  	[sflag:s14] =	ssyncset.done $0x0  }
0x81: {  	s26 =	simm.s32 $0x4E70;
	[sflag:s14] =	ssyncadd.s32 $0xFFFFF600  }
0x82: {  	[spmem:s11] =	stream.indirect.scatter.add.f32 [tilespmem:s5], [sflag:$0x7], $0x20, s26, s3, $0xb8;
	[tilespmem:$0x12660] =	vst v63  }
0x83: {  	_ =	swait.ge [sflag:s15], $0xA00  }
0x84: {  	[sflag:s15] =	ssyncset.done $0x0  }
0x85: {  	s28 =	simm.s32 $0x4EC0;
	[sflag:s15] =	ssyncadd.s32 $0xFFFFF600  }
0x86: {  	[spmem:s11] =	stream.indirect.scatter.add.f32 [tilespmem:s6], [sflag:$0x8], $0x20, s28, s3, $0xb8;
	[tilespmem:$0x12660] =	vst v63  }
0x87: {  	_ =	swait.ge [sflag:s16], $0xA00  }
0x88: {  	[sflag:s16] =	ssyncset.done $0x0  }
0x89: {  	s25 =	simm.s32 $0x4F10;
	[sflag:s16] =	ssyncadd.s32 $0xFFFFF600  }
0x8a: {  	[spmem:s11] =	stream.indirect.scatter.add.f32 [tilespmem:s7], [sflag:$0x9], $0x20, s25, s3, $0xb8;
	[tilespmem:$0x12660] =	vst v63  }
0x8b: {  	_ =	swait.ge [sflag:s17], $0xA00  }
0x8c: {  	[sflag:s17] =	ssyncset.done $0x0  }
0x8d: {  	s26 =	simm.s32 $0x4F60;
	[sflag:s17] =	ssyncadd.s32 $0xFFFFF600  }
0x8e: {  	[spmem:s11] =	stream.indirect.scatter.add.f32 [tilespmem:s8], [sflag:$0xA], $0x20, s26, s3, $0xb8;
	[tilespmem:$0x12660] =	vst v63  }
0x8f: {  	_ =	swait.ge [sflag:s18], $0xA00  }
0x90: {  	[sflag:s18] =	ssyncset.done $0x0  }
0x91: {  	s28 =	simm.s32 $0x190;
	[sflag:s18] =	ssyncadd.s32 $0xFFFFF600  }
0x92: {  	[tilespmem:s4], [sflag:$0x1] =	stream.indirect.gather [hbm4b:s10+s3], $0x20, s28, s3, $0xb8;
	[tilespmem:$0x12660] =	vst v63  }
0x93: {  	_ =	swait.ge [sflag:s19], $0xA00  }
0x94: {  	[sflag:s19] =	ssyncset.done $0x0  }
0x95: {  	s25 =	simm.s32 $0x1E0;
	[sflag:s19] =	ssyncadd.s32 $0xFFFFF600  }
0x96: {  	[tilespmem:s5], [sflag:$0x2] =	stream.indirect.gather [hbm4b:s10+s3], $0x20, s25, s3, $0xb8;
	[tilespmem:$0x12660] =	vst v63  }
0x97: {  	_ =	swait.ge [sflag:s20], $0xA00  }
0x98: {  	[sflag:s20] =	ssyncset.done $0x0  }
0x99: {  	s26 =	simm.s32 $0x230;
	[sflag:s20] =	ssyncadd.s32 $0xFFFFF600  }
0x9a: {  	[tilespmem:s6], [sflag:$0x3] =	stream.indirect.gather [hbm4b:s10+s3], $0x20, s26, s3, $0xb8;
	[tilespmem:$0x12660] =	vst v63  }
0x9b: {  	_ =	swait.ge [sflag:s21], $0xA00  }
0x9c: {  	[sflag:s21] =	ssyncset.done $0x0  }
0x9d: {  	s28 =	simm.s32 $0x280;
	[sflag:s21] =	ssyncadd.s32 $0xFFFFF600  }
0x9e: {  	[tilespmem:s7], [sflag:$0x4] =	stream.indirect.gather [hbm4b:s10+s3], $0x20, s28, s3, $0xb8;
	[tilespmem:$0x12660] =	vst v63  }
0x9f: {  	_ =	swait.ge [sflag:s22], $0xA00  }
0xa0: {  	[sflag:s22] =	ssyncset.done $0x0  }
0xa1: {  	s24 =	simm.s32 $0x640;
	s25 =	simm.s32 $0x2D0;
	[sflag:s22] =	ssyncadd.s32 $0xFFFFF600  }
.LBB2_4:
0xa2: {  	[tilespmem:s8], [sflag:$0x5] =	stream.indirect.gather [hbm4b:s10+s3], $0x20, s25, s3, $0xb8;
	[tilespmem:$0x12660] =	vst v63  }
0xa3: {  	s25 =	smov.u32 s24  }
0xa4: {  	p1 =	sne.s32 s24, $0x12C00;
	s24 =	sadd.s32 $0x640, s24;
	_ =	swait.ge [sflag:s13], $0xA00  }
0xa5: {  	s25 =	sshra.s32 s25, $0x2;
	[sflag:s13] =	ssyncset.done $0x0  }
0xa6: {  	s26 =	sadd.s32 $0x4E20, s25;
	[sflag:s13] =	ssyncadd.s32 $0xFFFFF600  }
0xa7: {  	[spmem:s11] =	stream.indirect.scatter.add.f32 [tilespmem:s4], [sflag:$0x6], $0x20, s26, s3, $0xb8;
	[tilespmem:$0x12660] =	vst v63  }
0xa8: {  	_ =	swait.ge [sflag:s14], $0xA00  }
0xa9: {  	[sflag:s14] =	ssyncset.done $0x0  }
0xaa: {  	s26 =	sadd.s32 $0x4E70, s25;
	[sflag:s14] =	ssyncadd.s32 $0xFFFFF600  }
0xab: {  	[spmem:s11] =	stream.indirect.scatter.add.f32 [tilespmem:s5], [sflag:$0x7], $0x20, s26, s3, $0xb8;
	[tilespmem:$0x12660] =	vst v63  }
0xac: {  	_ =	swait.ge [sflag:s15], $0xA00  }
0xad: {  	[sflag:s15] =	ssyncset.done $0x0  }
0xae: {  	s26 =	sadd.s32 $0x4EC0, s25;
	[sflag:s15] =	ssyncadd.s32 $0xFFFFF600  }
0xaf: {  	[spmem:s11] =	stream.indirect.scatter.add.f32 [tilespmem:s6], [sflag:$0x8], $0x20, s26, s3, $0xb8;
	[tilespmem:$0x12660] =	vst v63  }
0xb0: {  	_ =	swait.ge [sflag:s16], $0xA00  }
0xb1: {  	[sflag:s16] =	ssyncset.done $0x0  }
0xb2: {  	s26 =	sadd.s32 $0x4F10, s25;
	[sflag:s16] =	ssyncadd.s32 $0xFFFFF600  }
0xb3: {  	[spmem:s11] =	stream.indirect.scatter.add.f32 [tilespmem:s7], [sflag:$0x9], $0x20, s26, s3, $0xb8;
	[tilespmem:$0x12660] =	vst v63  }
0xb4: {  	_ =	swait.ge [sflag:s17], $0xA00  }
0xb5: {  	[sflag:s17] =	ssyncset.done $0x0  }
0xb6: {  	s26 =	sadd.s32 $0x4F60, s25;
	[sflag:s17] =	ssyncadd.s32 $0xFFFFF600  }
0xb7: {  	[spmem:s11] =	stream.indirect.scatter.add.f32 [tilespmem:s8], [sflag:$0xA], $0x20, s26, s3, $0xb8;
	[tilespmem:$0x12660] =	vst v63  }
0xb8: {  	_ =	swait.ge [sflag:s18], $0xA00  }
0xb9: {  	[sflag:s18] =	ssyncset.done $0x0  }
0xba: {  	s26 =	sadd.s32 $0x190, s25;
	[sflag:s18] =	ssyncadd.s32 $0xFFFFF600  }
0xbb: {  	[tilespmem:s4], [sflag:$0x1] =	stream.indirect.gather [hbm4b:s10+s3], $0x20, s26, s3, $0xb8;
	[tilespmem:$0x12660] =	vst v63  }
0xbc: {  	_ =	swait.ge [sflag:s19], $0xA00  }
0xbd: {  	[sflag:s19] =	ssyncset.done $0x0  }
0xbe: {  	s26 =	sadd.s32 $0x1E0, s25;
	[sflag:s19] =	ssyncadd.s32 $0xFFFFF600  }
0xbf: {  	[tilespmem:s5], [sflag:$0x2] =	stream.indirect.gather [hbm4b:s10+s3], $0x20, s26, s3, $0xb8;
	[tilespmem:$0x12660] =	vst v63  }
0xc0: {  	_ =	swait.ge [sflag:s20], $0xA00  }
0xc1: {  	[sflag:s20] =	ssyncset.done $0x0  }
0xc2: {  	s26 =	sadd.s32 $0x230, s25;
	[sflag:s20] =	ssyncadd.s32 $0xFFFFF600  }
0xc3: {  	[tilespmem:s6], [sflag:$0x3] =	stream.indirect.gather [hbm4b:s10+s3], $0x20, s26, s3, $0xb8;
	[tilespmem:$0x12660] =	vst v63  }
0xc4: {  	_ =	swait.ge [sflag:s21], $0xA00  }
0xc5: {  	[sflag:s21] =	ssyncset.done $0x0  }
.Ltmp1:
0xc6: {  	s26 =	sadd.s32 $0x280, s25;
	[sflag:s21] =	ssyncadd.s32 $0xFFFFF600;
	(pc) =	sbr.rel @p1 .LBB2_4-.Ltmp1, $4  }
0xc7: {  	[tilespmem:s7], [sflag:$0x4] =	stream.indirect.gather [hbm4b:s10+s3], $0x20, s26, s3, $0xb8;
	[tilespmem:$0x12660] =	vst v63  }
0xc8: {  	_ =	swait.ge [sflag:s22], $0xA00  }
0xc9: {  	[sflag:s22] =	ssyncset.done $0x0  }
0xca: {  	s25 =	sadd.s32 $0x2D0, s25;
	[sflag:s22] =	ssyncadd.s32 $0xFFFFF600  }
0xcb: {  	[tilespmem:s8], [sflag:$0x5] =	stream.indirect.gather [hbm4b:s10+s3], $0x20, s25, s3, $0xb8;
	[tilespmem:$0x12660] =	vst v63  }
0xcc: {  	_ =	swait.ge [sflag:s13], $0xA00  }
0xcd: {  	[sflag:s13] =	ssyncset.done $0x0  }
0xce: {  	s24 =	simm.s32 $0x9AB0;
	[sflag:s13] =	ssyncadd.s32 $0xFFFFF600  }
0xcf: {  	[spmem:s11] =	stream.indirect.scatter.add.f32 [tilespmem:s4], [sflag:$0x6], $0x20, s24, s3, $0xb8;
	[tilespmem:$0x12660] =	vst v63  }
0xd0: {  	_ =	swait.ge [sflag:s14], $0xA00  }
0xd1: {  	[sflag:s14] =	ssyncset.done $0x0  }
0xd2: {  	s25 =	simm.s32 $0x9B00;
	[sflag:s14] =	ssyncadd.s32 $0xFFFFF600  }
0xd3: {  	[spmem:s11] =	stream.indirect.scatter.add.f32 [tilespmem:s5], [sflag:$0x7], $0x20, s25, s3, $0xb8;
	[tilespmem:$0x12660] =	vst v63  }
0xd4: {  	_ =	swait.ge [sflag:s15], $0xA00  }
0xd5: {  	[sflag:s15] =	ssyncset.done $0x0  }
0xd6: {  	s26 =	simm.s32 $0x9B50;
	[sflag:s15] =	ssyncadd.s32 $0xFFFFF600  }
0xd7: {  	[spmem:s11] =	stream.indirect.scatter.add.f32 [tilespmem:s6], [sflag:$0x8], $0x20, s26, s3, $0xb8;
	[tilespmem:$0x12660] =	vst v63  }
0xd8: {  	_ =	swait.ge [sflag:s16], $0xA00  }
0xd9: {  	[sflag:s16] =	ssyncset.done $0x0  }
0xda: {  	s28 =	simm.s32 $0x9BA0;
	[sflag:s16] =	ssyncadd.s32 $0xFFFFF600  }
0xdb: {  	[spmem:s11] =	stream.indirect.scatter.add.f32 [tilespmem:s7], [sflag:$0x9], $0x20, s28, s3, $0xb8;
	[tilespmem:$0x12660] =	vst v63  }
0xdc: {  	_ =	swait.ge [sflag:s17], $0xA00  }
0xdd: {  	[sflag:s17] =	ssyncset.done $0x0  }
0xde: {  	s25 =	simm.s32 $0x9BF0;
	[sflag:s17] =	ssyncadd.s32 $0xFFFFF600  }
0xdf: {  	[spmem:s11] =	stream.indirect.scatter.add.f32 [tilespmem:s8], [sflag:$0xA], $0x20, s25, s3, $0xb8;
	[tilespmem:$0x12660] =	vst v63  }
0xe0: {  	_ =	swait.ge [sflag:s18], $0xA00  }
0xe1: {  	[sflag:s18] =	ssyncset.done $0x0  }
0xe2: {  	[sflag:s18] =	ssyncadd.s32 $0xFFFFF600  }
0xe3: {  	_ =	swait.ge [sflag:s19], $0xA00  }
0xe4: {  	[sflag:s19] =	ssyncset.done $0x0  }
0xe5: {  	[sflag:s19] =	ssyncadd.s32 $0xFFFFF600  }
0xe6: {  	_ =	swait.ge [sflag:s20], $0xA00  }
0xe7: {  	[sflag:s20] =	ssyncset.done $0x0  }
0xe8: {  	[sflag:s20] =	ssyncadd.s32 $0xFFFFF600  }
0xe9: {  	_ =	swait.ge [sflag:s21], $0xA00  }
0xea: {  	[sflag:s21] =	ssyncset.done $0x0  }
0xeb: {  	[sflag:s21] =	ssyncadd.s32 $0xFFFFF600  }
0xec: {  	_ =	swait.ge [sflag:s22], $0xA00  }
0xed: {  	[sflag:s22] =	ssyncset.done $0x0  }
0xee: {  	[sflag:s22] =	ssyncadd.s32 $0xFFFFF600  }
0xef: {  	[bflag:$0x0] =	sbarrier.arrive $0xFFFF  }
0xf0: {  	s26 =	rddreg [dreg:$0x17]  }
0xf1: {  	[tilespmem:s12], [sflag:$0xB] =	stream.linear.gather [spmem:s26], $0xA00, $0x38;
	[tilespmem:$0x12660] =	vst v63  }
0xf2: {  	_ =	swait.ge [sflag:s2], $0xA00  }
0xf3: {  	[sflag:s2] =	ssyncset.done $0x0  }
0xf4: {  	s28 =	rddreg [dreg:$0x4];
	[sflag:s2] =	ssyncadd.s32 $0xFFFFF600  }
0xf5: {  	[hbm4b:s28+s1] =	stream.linear.scatter [tilespmem:s12], [sflag:$0xB], $0xA00, $0x38;
	[tilespmem:$0x12660] =	vst v63  }
0xf6: {  	_ =	swait.ge [sflag:s2], $0xA00  }
0xf7: {  	[sflag:s2] =	ssyncset.done $0x0  }
0xf8: {  	s25 =	rddreg [dreg:$0x18];
	[sflag:s2] =	ssyncadd.s32 $0xFFFFF600  }
0xf9: {  	[tilespmem:s12], [sflag:$0xB] =	stream.linear.gather [spmem:s25], $0xA00, $0x38;
	[tilespmem:$0x12660] =	vst v63  }
0xfa: {  	_ =	swait.ge [sflag:s2], $0xA00  }
0xfb: {  	[sflag:s2] =	ssyncset.done $0x0  }
0xfc: {  	s26 =	rddreg [dreg:$0x5];
	[sflag:s2] =	ssyncadd.s32 $0xFFFFF600  }
0xfd: {  	[hbm4b:s26+s1] =	stream.linear.scatter [tilespmem:s12], [sflag:$0xB], $0xA00, $0x38;
	[tilespmem:$0x12660] =	vst v63  }
0xfe: {  	_ =	swait.ge [sflag:s2], $0xA00  }
0xff: {  	[sflag:s2] =	ssyncset.done $0x0  }
0x100: {  	s28 =	rddreg [dreg:$0x19];
	[sflag:s2] =	ssyncadd.s32 $0xFFFFF600  }
0x101: {  	[tilespmem:s12], [sflag:$0xB] =	stream.linear.gather [spmem:s28], $0xA00, $0x38;
	[tilespmem:$0x12660] =	vst v63  }
0x102: {  	_ =	swait.ge [sflag:s2], $0xA00  }
0x103: {  	[sflag:s2] =	ssyncset.done $0x0  }
0x104: {  	s25 =	rddreg [dreg:$0x6];
	[sflag:s2] =	ssyncadd.s32 $0xFFFFF600  }
0x105: {  	[hbm4b:s25+s1] =	stream.linear.scatter [tilespmem:s12], [sflag:$0xB], $0xA00, $0x38;
	[tilespmem:$0x12660] =	vst v63  }
0x106: {  	_ =	swait.ge [sflag:s2], $0xA00  }
0x107: {  	[sflag:s2] =	ssyncset.done $0x0  }
0x108: {  	s26 =	rddreg [dreg:$0x1a];
	[sflag:s2] =	ssyncadd.s32 $0xFFFFF600  }
0x109: {  	[tilespmem:s12], [sflag:$0xB] =	stream.linear.gather [spmem:s26], $0xA00, $0x38;
	[tilespmem:$0x12660] =	vst v63  }
0x10a: {  	_ =	swait.ge [sflag:s2], $0xA00  }
0x10b: {  	[sflag:s2] =	ssyncset.done $0x0  }
0x10c: {  	s28 =	rddreg [dreg:$0x7];
	[sflag:s2] =	ssyncadd.s32 $0xFFFFF600  }
0x10d: {  	[hbm4b:s28+s1] =	stream.linear.scatter [tilespmem:s12], [sflag:$0xB], $0xA00, $0x38;
	[tilespmem:$0x12660] =	vst v63  }
0x10e: {  	_ =	swait.ge [sflag:s2], $0xA00  }
0x10f: {  	[sflag:s2] =	ssyncset.done $0x0  }
0x110: {  	[sflag:s2] =	ssyncadd.s32 $0xFFFFF600  }
0x111: {  	[tilespmem:s12], [sflag:$0xB] =	stream.linear.gather [spmem:s29], $0xA00, $0x38;
	[tilespmem:$0x12660] =	vst v63  }
0x112: {  	_ =	swait.ge [sflag:s2], $0xA00  }
0x113: {  	[sflag:s2] =	ssyncset.done $0x0  }
0x114: {  	s25 =	rddreg [dreg:$0x8];
	[sflag:s2] =	ssyncadd.s32 $0xFFFFF600  }
0x115: {  	[hbm4b:s25+s1] =	stream.linear.scatter [tilespmem:s12], [sflag:$0xB], $0xA00, $0x38;
	[tilespmem:$0x12660] =	vst v63  }
0x116: {  	_ =	swait.ge [sflag:s2], $0xA00  }
0x117: {  	[sflag:s2] =	ssyncset.done $0x0  }
0x118: {  	[sflag:s2] =	ssyncadd.s32 $0xFFFFF600  }
0x119: {  	[tilespmem:s12], [sflag:$0xB] =	stream.linear.gather [spmem:s30], $0xA00, $0x38;
	[tilespmem:$0x12660] =	vst v63  }
0x11a: {  	_ =	swait.ge [sflag:s2], $0xA00  }
0x11b: {  	[sflag:s2] =	ssyncset.done $0x0  }
0x11c: {  	s26 =	rddreg [dreg:$0x9];
	[sflag:s2] =	ssyncadd.s32 $0xFFFFF600  }
0x11d: {  	[hbm4b:s26+s1] =	stream.linear.scatter [tilespmem:s12], [sflag:$0xB], $0xA00, $0x38;
	[tilespmem:$0x12660] =	vst v63  }
0x11e: {  	_ =	swait.ge [sflag:s2], $0xA00  }
0x11f: {  	[sflag:s2] =	ssyncset.done $0x0  }
0x120: {  	[sflag:s2] =	ssyncadd.s32 $0xFFFFF600  }
0x121: {  	[tilespmem:s12], [sflag:$0xB] =	stream.linear.gather [spmem:s31], $0xA00, $0x38;
	[tilespmem:$0x12660] =	vst v63  }
0x122: {  	_ =	swait.ge [sflag:s2], $0xA00  }
0x123: {  	[sflag:s2] =	ssyncset.done $0x0  }
0x124: {  	s28 =	rddreg [dreg:$0xa];
	[sflag:s2] =	ssyncadd.s32 $0xFFFFF600  }
0x125: {  	[hbm4b:s28+s1] =	stream.linear.scatter [tilespmem:s12], [sflag:$0xB], $0xA00, $0x38;
	[tilespmem:$0x12660] =	vst v63  }
0x126: {  	_ =	swait.ge [sflag:s2], $0xA00  }
0x127: {  	[sflag:s2] =	ssyncset.done $0x0  }
0x128: {  	s24 =	simm.s32 @!p0 $0xCE40;
	s25 =	simm.s32 @!p0 $0xB;
	[sflag:s2] =	ssyncadd.s32 $0xFFFFF600  }
0x129: {  	[tilespmem:s24], [sflag:$0xB] =	stream.linear.gather @!p0 [spmem:s9], $0xA00, $0x38;
	[tilespmem:$0x12660] =	vst v63  }
0x12a: {  	s23 =	sadd.s32 $0x1, s23;
	_ =	swait.ge @!p0 [sflag:s25], $0xA00  }
0x12b: {  	p1 =	sne.s32 s23, s0;
	s26 =	simm.s32 @!p0 $0x0;
	[sflag:s25] =	ssyncset.done @!p0 $0x0  }
.Ltmp2:
0x12c: {  	s28 =	rddreg [dreg:$0xb];
	[sflag:s25] =	ssyncadd.s32 @!p0 $0xFFFFF600;
	(pc) =	sbr.rel @p1 .LBB2_1-.Ltmp2, $4  }
0x12d: {  	[hbm4b:s28+s26] =	stream.linear.scatter @!p0 [tilespmem:s24], [sflag:$0xB], $0xA00, $0x38;
	[tilespmem:$0x12660] =	vst v63  }
0x12e: {  	_ =	swait.ge @!p0 [sflag:s25], $0xA00  }
0x12f: {  	[sflag:s25] =	ssyncset.done @!p0 $0x0  }
0x130: {  	[sflag:s25] =	ssyncadd.s32 @!p0 $0xFFFFF600  }
0x131: {  	_ =	sfence.sel $0x180000  }
0x132: {  	[bflag:$0x0] =	sbarrier.arrive $0xFFFF  }
0x133: {  	_ =	strace $0x9000004A  }
0x134: {  	s0 =	stileid.u32;
	[bflag:$0x2] =	sbarrier.arrive $0xFFFF  }
0x135: {  	p0 =	sne.s32 s0, $0x0;
	s0 =	rddreg [dreg:$0x3]  }
0x136: {  	s0 =	sadd.s32 @!p0 $0x100000, s0  }
0x137: {  	[sflag:s0] =	ssyncadd.tile.s32 @!p0 $0x1;
	_ =	shalt  }
.Lfunc_end2:
_tile_overlayer_lowered:
.L_overlay_start_2:
0x138: {  	(tag) =	ssettag $0x2  }
0x139: {  	s0 =	rddreg [dreg:$0x0];
	s2 =	stileid.u32  }
0x13a: {  	s1 =	rddreg [dreg:$0x1];
	p0 =	sne.s32 s2, $0x0  }
0x13b: {  	s3 =	rddreg [dreg:$0x2];
	[bflag:$0x3] =	sbarrier.arrive $0xFFFF;
	s2 =	simm.s32 @!p0 $0x1C0B  }
0x13c: {  	[timem:s3], [sflag:s2] =	dma.local @!p0 [hbm:s0], s1  }
0x13d: {  	s0 =	simm.s32 @!p0 $0xB  }
0x13e: {  	_ =	swait.ge @!p0 [sflag:s0], s1  }
0x13f: {  	s1 =	ssub.s32 @!p0 $0x0, s1;
	[sflag:s0] =	ssyncset.done @!p0 $0x0  }
0x140: {  	[sflag:s0] =	ssyncadd.s32 @!p0 s1  }
0x141: {  	[bflag:$0x3] =	sbarrier.arrive $0xFFFF  }
0x142: {  	_ =	shalt  }

</sc_bundles>
